<compile_context>
chip_gen: v7x
topology: tpu7x:2x2x1
jax: 0.10.2.dev20260603
libtpu: 0.0.44.dev20260713+nightly
codegen_flags: <defaults>
</compile_context>

<pallas_src>
import dataclasses
import functools

import jax
import jax.numpy as jnp
from jax import lax
from jax.experimental import pallas as pl
from jax.experimental.pallas import tpu as pltpu
from jax.experimental.pallas import tpu_sc as plsc

B, L, V, D = 1024, 50, 100000, 1024
D_TOPIC, D_F = 128, 128
NC, NS, LANES = 2, 16, 16
NW = NC * NS
ROWS_PW = B // NW
IDS_PW = ROWS_PW * L
WPAD = 64
CHUNKS = ((0, 32), (32, 16))
TAIL0 = 48
NSEG = 8
SEG = 12800
VPAD = NSEG * SEG

_sc_mesh = plsc.VectorSubcoreMesh(core_axis_name="c", subcore_axis_name="s")

_sc_params = pltpu.CompilerParams()
if "needs_layout_passes" in pltpu.CompilerParams.__dataclass_fields__:
    _sc_params = dataclasses.replace(_sc_params, needs_layout_passes=False)


@functools.partial(
    pl.kernel,
    out_type=(
        jax.ShapeDtypeStruct((B, D), jnp.float32),
        jax.ShapeDtypeStruct((B, LANES), jnp.float32),
    ),
    mesh=_sc_mesh,
    compiler_params=_sc_params,
    scratch_types=[
        pltpu.VMEM((ROWS_PW, WPAD), jnp.int32),
        pltpu.VMEM((ROWS_PW * WPAD + LANES,), jnp.float32),
        pltpu.VMEM((SEG,), jnp.float32),
        pltpu.VMEM((SEG,), jnp.float32),
        pltpu.VMEM((32, D), jnp.float32),
        pltpu.VMEM((16, D), jnp.float32),
        pltpu.VMEM((2, D), jnp.float32),
        pltpu.VMEM((ROWS_PW, D), jnp.float32),
        pltpu.VMEM((ROWS_PW, LANES), jnp.float32),
        pltpu.SemaphoreType.DMA,
        pltpu.SemaphoreType.DMA,
        pltpu.SemaphoreType.DMA,
        pltpu.SemaphoreType.DMA,
        pltpu.SemaphoreType.DMA,
    ],
)
def _centroid_sc(ids_hbm, idf_hbm, wte_hbm, raw_hbm, wpart_hbm,
                 ids_v, w_v, segA_v, segB_v, buf0_v, buf1_v,
                 buft_v, rows_v, wpart_v, sem0, sem1, semt,
                 ssemA, ssemB):
    wid = lax.axis_index("s") * NC + lax.axis_index("c")
    row0 = wid * ROWS_PW

    pltpu.sync_copy(ids_hbm.at[pl.ds(row0, ROWS_PW)], ids_v)

    gbufs = (buf0_v, buf1_v)
    gsems = (sem0, sem1)
    segbufs = (segA_v, segB_v)
    ssems = (ssemA, ssemB)

    def _chunk_copy(r, i):
        start, ln = CHUNKS[i]
        return (wte_hbm.at[ids_v.at[r, pl.ds(start, ln)]],
                gbufs[i], gsems[i])

    def _tail_copy(r):
        return (wte_hbm.at[ids_v.at[r, pl.ds(TAIL0, 2)]],
                buft_v, semt)

    def gather_chunk(r, i):
        pltpu.async_copy(*_chunk_copy(r, i))

    def wait_chunk(r, i):
        pltpu.make_async_copy(*_chunk_copy(r, i)).wait()

    def gather_tail(r):
        pltpu.async_copy(*_tail_copy(r))

    def wait_tail(r):
        pltpu.make_async_copy(*_tail_copy(r)).wait()

    for i in range(len(CHUNKS)):
        gather_chunk(0, i)
    gather_tail(0)

    def _seg_copy(s):
        return (idf_hbm.at[pl.ds(s * SEG, SEG)], segbufs[s % 2], ssems[s % 2])

    pltpu.async_copy(*_seg_copy(0))
    for s in range(NSEG):
        if s + 1 < NSEG:
            pltpu.async_copy(*_seg_copy(s + 1))
        pltpu.make_async_copy(*_seg_copy(s)).wait()
        seg_v = segbufs[s % 2]

        @pl.loop(0, ROWS_PW)
        def _(r):
            for k in range(4):
                off = r * WPAD + k * LANES
                rel = ids_v[r, pl.ds(k * LANES, LANES)] - (s * SEG)
                valid = (rel >= 0) & (rel < SEG)
                relc = jnp.clip(rel, 0, SEG - 1)
                vals = plsc.load_gather(seg_v, [relc])
                prev = (jnp.zeros((LANES,), jnp.float32) if s == 0
                        else w_v[pl.ds(off, LANES)])
                w_v[pl.ds(off, LANES)] = jnp.where(valid, vals, prev)

    lane_lt2 = lax.iota(jnp.int32, LANES) < 2

    @pl.loop(0, ROWS_PW)
    def _(r):
        ssum = jnp.zeros((LANES,), jnp.float32)
        for k in range(4):
            off = r * WPAD + k * LANES
            w = jnp.maximum(w_v[pl.ds(off, LANES)], 0.1)
            if k == 3:
                w = jnp.where(lane_lt2, w, 0.0)
            w_v[pl.ds(off, LANES)] = w
            ssum = ssum + w
        wpart_v[r, :] = ssum

    def accum(r, tbase, nl, src, srcoff, first):
        wls = [lax.broadcast_in_dim(
                   w_v[pl.ds(r * WPAD + tbase + l, LANES)][0], (LANES,), ())
               for l in range(nl)]

        @plsc.parallel_loop(0, D, step=LANES, unroll=2)
        def _(c):
            terms = [src[srcoff + l, pl.ds(c, LANES)] * wls[l]
                     for l in range(nl)]
            while len(terms) > 1:
                terms = [terms[i] + terms[i + 1] if i + 1 < len(terms)
                         else terms[i] for i in range(0, len(terms), 2)]
            if first:
                rows_v[r, pl.ds(c, LANES)] = terms[0]
            else:
                plsc.addupdate(rows_v.at[r, pl.ds(c, LANES)], terms[0])

    def do_row(r, last):
        for i, (start, ln) in enumerate(CHUNKS):
            wait_chunk(r, i)
            for sub in range(0, ln, 16):
                accum(r, start + sub, min(16, ln - sub), gbufs[i], sub,
                      first=(start + sub == 0))
            if not last:
                gather_chunk(r + 1, i)
        wait_tail(r)
        accum(r, TAIL0, 2, buft_v, 0, first=False)
        if not last:
            gather_tail(r + 1)

    @pl.loop(0, ROWS_PW - 1)
    def _(r):
        do_row(r, last=False)

    do_row(ROWS_PW - 1, last=True)

    pltpu.sync_copy(rows_v, raw_hbm.at[pl.ds(row0, ROWS_PW)])
    pltpu.sync_copy(wpart_v, wpart_hbm.at[pl.ds(row0, ROWS_PW)])


def _silu(x):
    return x / (1.0 + jnp.exp(-x))


def _pre_body(h_ref, Wh_ref, bh_ref, Wf1h_ref, bf1_ref, hWh_ref, hWf1_ref):
    h = h_ref[...]
    hWh_ref[...] = (jnp.dot(h, Wh_ref[...], preferred_element_type=jnp.float32)
                    + bh_ref[...])
    hWf1_ref[...] = (jnp.dot(h, Wf1h_ref[...], preferred_element_type=jnp.float32)
                     + bf1_ref[...])


_pre = pl.pallas_call(
    _pre_body,
    out_shape=(
        jax.ShapeDtypeStruct((B, D_TOPIC), jnp.float32),
        jax.ShapeDtypeStruct((B, 4 * D_F), jnp.float32),
    ),
)


def _mlp_body(raw_ref, wpart_ref, hWh_ref, hWf1_ref, W1_ref, b1_ref, W2_ref,
              b2_ref, Wf1b_ref, Wf2_ref, bf2_ref, base_ref, fiber_ref):
    wsum = jnp.sum(wpart_ref[...], axis=1, keepdims=True)
    cent = raw_ref[...] / jnp.maximum(wsum, 1e-8)
    t1 = _silu(jnp.dot(cent, W1_ref[...], preferred_element_type=jnp.float32)
               + b1_ref[...])
    down = jnp.dot(t1, W2_ref[...], preferred_element_type=jnp.float32) + b2_ref[...]
    mixed = down + hWh_ref[...]
    norm = jnp.sqrt(jnp.sum(mixed * mixed, axis=1, keepdims=True))
    base = mixed / jnp.maximum(norm, 1e-8)
    base_ref[...] = base
    f1 = _silu(jnp.dot(base, Wf1b_ref[...], preferred_element_type=jnp.float32)
               + hWf1_ref[...])
    fiber_ref[...] = (jnp.dot(f1, Wf2_ref[...], preferred_element_type=jnp.float32)
                      + bf2_ref[...])


_mlp = pl.pallas_call(
    _mlp_body,
    out_shape=(
        jax.ShapeDtypeStruct((B, D_TOPIC), jnp.float32),
        jax.ShapeDtypeStruct((B, D_F), jnp.float32),
    ),
)


def kernel(hidden_state, content_token_ids, wte_normed, idf,
           W1, b1, W2, b2, Wh, bh, Wf1, bf1, Wf2, bf2):
    ids = jnp.pad(content_token_ids.astype(jnp.int32), ((0, 0), (0, WPAD - L)))
    idf_pad = jnp.pad(idf, (0, VPAD - V))
    raw, wpart = _centroid_sc(ids, idf_pad, wte_normed)
    hWh, hWf1 = _pre(hidden_state, Wh, bh.reshape(1, -1),
                     Wf1[:D], bf1.reshape(1, -1))
    base, fiber = _mlp(raw, wpart, hWh, hWf1,
                       W1, b1.reshape(1, -1), W2, b2.reshape(1, -1),
                       Wf1[D:], Wf2, bf2.reshape(1, -1))
    return (base, fiber, base)

# --- scband reference (transcript-rebuilt; emitter-appended) ---
"""Pipeline reference for scband-topic-encoder-45320494907982 (READ-ONLY COPY).

The authoritative reference and input builder live on the scoring server;
editing this copy changes nothing except your own understanding.
"""

import jax, jax.numpy as jnp
import numpy as np

B, L, V, D_LLM, D_TOPIC, D_F = 1024, 50, 100000, 1024, 128, 128
HIDDEN = max(4 * D_TOPIC, 64)          # 512
FIBER_HIDDEN = max(4 * D_F, 128)        # 512
IDF_FLOOR = 0.1


def _linear_params(key, fan_in, fan_out):
    bound = 1.0 / np.sqrt(fan_in)
    kw, kb = jax.random.split(key)
    W = jax.random.uniform(kw, (fan_in, fan_out), minval=-bound, maxval=bound, dtype=jnp.float32)
    b = jax.random.uniform(kb, (fan_out,), minval=-bound, maxval=bound, dtype=jnp.float32)
    return W, b


def setup_inputs(seed: int = 0) -> dict:
    key = jax.random.key(seed)
    ks = jax.random.split(key, 10)
    hidden_state = jax.random.normal(ks[0], (B, D_LLM), dtype=jnp.float32)
    content_token_ids = jax.random.randint(ks[1], (B, L), 0, V, dtype=jnp.int64)
    wte = jax.random.normal(ks[2], (V, D_LLM), dtype=jnp.float32)
    wte_normed = wte / jnp.clip(jnp.linalg.norm(wte, axis=-1, keepdims=True), 1e-8, None)
    idf = jax.random.uniform(ks[3], (V,), dtype=jnp.float32) * 5.0
    W1, b1 = _linear_params(ks[4], D_LLM, HIDDEN)
    W2, b2 = _linear_params(ks[5], HIDDEN, D_TOPIC)
    Wh, bh = _linear_params(ks[6], D_LLM, D_TOPIC)
    Wf1, bf1 = _linear_params(ks[7], D_LLM + D_TOPIC, FIBER_HIDDEN)
    Wf2, bf2 = _linear_params(ks[8], FIBER_HIDDEN, D_F)
    return {
        'hidden_state': hidden_state,
        'content_token_ids': content_token_ids,
        'wte_normed': wte_normed,
        'idf': idf,
        'W1': W1, 'b1': b1, 'W2': W2, 'b2': b2,
        'Wh': Wh, 'bh': bh,
        'Wf1': Wf1, 'bf1': bf1, 'Wf2': Wf2, 'bf2': bf2,
    }


def reference(hidden_state, content_token_ids, wte_normed, idf,
              W1, b1, W2, b2, Wh, bh, Wf1, bf1, Wf2, bf2):
    # IDF-weighted centroid per batch row (vectorized over the ragged lists;
    # all token ids are in-range, matching the valid-token path).
    vecs = jnp.take(wte_normed, content_token_ids, axis=0)        # (B, L, d_LLM) gather
    w = jnp.clip(jnp.take(idf, content_token_ids, axis=0), IDF_FLOOR, None)  # (B, L)
    w = w[..., None]
    centroids = (vecs * w).sum(axis=1) / jnp.clip(w.sum(axis=1), 1e-8, None)  # (B, d_LLM)
    # down_project: Linear -> SiLU -> Linear
    down = jax.nn.silu(centroids @ W1 + b1) @ W2 + b2             # (B, d_topic)
    mixed = down + hidden_state @ Wh + bh                          # (B, d_topic)
    # F.normalize(mixed, dim=-1, eps=1e-8)
    norm = jnp.linalg.norm(mixed, axis=-1, keepdims=True)
    base = mixed / jnp.clip(norm, 1e-8, None)
    cat = jnp.concatenate([hidden_state, base], axis=-1)           # (B, d_LLM + d_topic)
    fiber = jax.nn.silu(cat @ Wf1 + bf1) @ Wf2 + bf2               # (B, d_F_topic)
    dirn = base
    return (base, fiber, dirn)

if __name__ == "__main__":
    import jax
    _d = setup_inputs()
    print(jax.jit(kernel)(*tuple(_d.values())))

</pallas_src>

<mosaic_0001>
#map = affine_map<(d0, d1) -> (0, 0)>
#map1 = affine_map<(d0, d1) -> (0)>
module attributes {stable_mosaic.version = 14 : i64} {
  func.func @_centroid_sc(%arg0: i32, %arg1: i32, %arg2: memref<1024x64xi32, #tpu.memory_space<hbm>>, %arg3: memref<102400xf32, #tpu.memory_space<hbm>>, %arg4: memref<100000x1024xf32, #tpu.memory_space<hbm>>, %arg5: memref<1024x1024xf32, #tpu.memory_space<hbm>>, %arg6: memref<1024x16xf32, #tpu.memory_space<hbm>>, %arg7: memref<32x64xi32, #tpu.memory_space<vmem>>, %arg8: memref<2064xf32, #tpu.memory_space<vmem>>, %arg9: memref<12800xf32, #tpu.memory_space<vmem>>, %arg10: memref<12800xf32, #tpu.memory_space<vmem>>, %arg11: memref<32x1024xf32, #tpu.memory_space<vmem>>, %arg12: memref<16x1024xf32, #tpu.memory_space<vmem>>, %arg13: memref<2x1024xf32, #tpu.memory_space<vmem>>, %arg14: memref<32x1024xf32, #tpu.memory_space<vmem>>, %arg15: memref<32x16xf32, #tpu.memory_space<vmem>>, %arg16: memref<!tpu.dma_semaphore, #tpu.memory_space<semaphore_mem>>, %arg17: memref<!tpu.dma_semaphore, #tpu.memory_space<semaphore_mem>>, %arg18: memref<!tpu.dma_semaphore, #tpu.memory_space<semaphore_mem>>, %arg19: memref<!tpu.dma_semaphore, #tpu.memory_space<semaphore_mem>>, %arg20: memref<!tpu.dma_semaphore, #tpu.memory_space<semaphore_mem>>) attributes {dimension_semantics = [#tpu.dimension_semantics<core_parallel>, #tpu.dimension_semantics<subcore_parallel>], iteration_bounds = array<i64: 2, 16>, scalar_prefetch = 0 : i64, scratch_operands = 14 : i64, tpu.core_type = #tpu.core_type<sc_vector_subcore>, window_params = [{transform_indices = #map}, {transform_indices = #map1}, {transform_indices = #map}, {transform_indices = #map}, {transform_indices = #map}]} {
    %mul3A = arith.constant 2 : i32
    %mul3A_0 = arith.muli %arg1, %mul3A : i32
    %add3A = arith.addi %mul3A_0, %arg0 : i32
    %mul3A_1 = arith.constant 32 : i32
    %mul3A_2 = arith.muli %add3A, %mul3A_1 : i32
    "tpu.region"() ({
      %run_scoped3A = tpu.sem_alloc : memref<!tpu.dma_semaphore, #tpu.memory_space<semaphore_mem>>
      %dma_start3A_415 = arith.constant 0 : i32
      %dma_start3A_416 = tpu.memref_slice %arg2[%mul3A_2, %dma_start3A_415] : memref<1024x64xi32, #tpu.memory_space<hbm>> -> memref<32x64xi32, #tpu.memory_space<hbm>>
      %dma_start3A_417 = arith.constant 0 : i32
      %dma_start3A_418 = tpu.memref_slice %arg2[%mul3A_2, %dma_start3A_417] : memref<1024x64xi32, #tpu.memory_space<hbm>> -> memref<32x64xi32, #tpu.memory_space<hbm>>
      tpu.enqueue_dma source(%dma_start3A_418 : memref<32x64xi32, #tpu.memory_space<hbm>>) target(%arg7 : memref<32x64xi32, #tpu.memory_space<vmem>>) target_semaphore(%run_scoped3A : memref<!tpu.dma_semaphore, #tpu.memory_space<semaphore_mem>>)
      %dma_wait3A_419 = arith.constant 0 : i32
      %dma_wait3A_420 = tpu.memref_slice %arg2[%mul3A_2, %dma_wait3A_419] : memref<1024x64xi32, #tpu.memory_space<hbm>> -> memref<32x64xi32, #tpu.memory_space<hbm>>
      %dma_wait3A_421 = arith.constant 0 : i32
      %dma_wait3A_422 = tpu.memref_slice %arg2[%mul3A_2, %dma_wait3A_421] : memref<1024x64xi32, #tpu.memory_space<hbm>> -> memref<32x64xi32, #tpu.memory_space<hbm>>
      tpu.wait_dma2 semaphore(%run_scoped3A : memref<!tpu.dma_semaphore, #tpu.memory_space<semaphore_mem>>) src(%dma_wait3A_422 : memref<32x64xi32, #tpu.memory_space<hbm>>) dst(%arg7 : memref<32x64xi32, #tpu.memory_space<vmem>>)
      tpu.yield
    }) : () -> ()
    %dma_start3A = arith.constant 0 : i32
    %dma_start3A_3 = arith.constant 0 : i32
    %dma_start3A_4 = tpu.memref_slice %arg7[%dma_start3A, %dma_start3A_3] : memref<32x64xi32, #tpu.memory_space<vmem>> -> memref<1x32xi32, #tpu.memory_space<vmem>>
    %dma_start3A_5 = tpu.memref_squeeze %dma_start3A_4 : memref<1x32xi32, #tpu.memory_space<vmem>> -> memref<32xi32, #tpu.memory_space<vmem>>
    %dma_start3A_6 = arith.constant 0 : i32
    %dma_start3A_7 = arith.constant 0 : i32
    %dma_start3A_8 = tpu.memref_slice %arg4[%dma_start3A_6, %dma_start3A_7] : memref<100000x1024xf32, #tpu.memory_space<hbm>> -> memref<100000x1024xf32, #tpu.memory_space<hbm>>
    tpu.enqueue_indirect_dma source(%dma_start3A_8 : memref<100000x1024xf32, #tpu.memory_space<hbm>>) target(%arg11 : memref<32x1024xf32, #tpu.memory_space<vmem>>) offsets(%dma_start3A_5 : memref<32xi32, #tpu.memory_space<vmem>>) semaphore(%arg16 : memref<!tpu.dma_semaphore, #tpu.memory_space<semaphore_mem>>)
    %dma_start3A_9 = arith.constant 0 : i32
    %dma_start3A_10 = arith.constant 32 : i32
    %dma_start3A_11 = tpu.memref_slice %arg7[%dma_start3A_9, %dma_start3A_10] : memref<32x64xi32, #tpu.memory_space<vmem>> -> memref<1x16xi32, #tpu.memory_space<vmem>>
    %dma_start3A_12 = tpu.memref_squeeze %dma_start3A_11 : memref<1x16xi32, #tpu.memory_space<vmem>> -> memref<16xi32, #tpu.memory_space<vmem>>
    %dma_start3A_13 = arith.constant 0 : i32
    %dma_start3A_14 = arith.constant 0 : i32
    %dma_start3A_15 = tpu.memref_slice %arg4[%dma_start3A_13, %dma_start3A_14] : memref<100000x1024xf32, #tpu.memory_space<hbm>> -> memref<100000x1024xf32, #tpu.memory_space<hbm>>
    tpu.enqueue_indirect_dma source(%dma_start3A_15 : memref<100000x1024xf32, #tpu.memory_space<hbm>>) target(%arg12 : memref<16x1024xf32, #tpu.memory_space<vmem>>) offsets(%dma_start3A_12 : memref<16xi32, #tpu.memory_space<vmem>>) semaphore(%arg17 : memref<!tpu.dma_semaphore, #tpu.memory_space<semaphore_mem>>)
    %dma_start3A_16 = arith.constant 0 : i32
    %dma_start3A_17 = arith.constant 48 : i32
    %dma_start3A_18 = tpu.memref_slice %arg7[%dma_start3A_16, %dma_start3A_17] : memref<32x64xi32, #tpu.memory_space<vmem>> -> memref<1x2xi32, #tpu.memory_space<vmem>>
    %dma_start3A_19 = tpu.memref_squeeze %dma_start3A_18 : memref<1x2xi32, #tpu.memory_space<vmem>> -> memref<2xi32, #tpu.memory_space<vmem>>
    %dma_start3A_20 = arith.constant 0 : i32
    %dma_start3A_21 = arith.constant 0 : i32
    %dma_start3A_22 = tpu.memref_slice %arg4[%dma_start3A_20, %dma_start3A_21] : memref<100000x1024xf32, #tpu.memory_space<hbm>> -> memref<100000x1024xf32, #tpu.memory_space<hbm>>
    tpu.enqueue_indirect_dma source(%dma_start3A_22 : memref<100000x1024xf32, #tpu.memory_space<hbm>>) target(%arg13 : memref<2x1024xf32, #tpu.memory_space<vmem>>) offsets(%dma_start3A_19 : memref<2xi32, #tpu.memory_space<vmem>>) semaphore(%arg18 : memref<!tpu.dma_semaphore, #tpu.memory_space<semaphore_mem>>)
    %dma_start3A_23 = arith.constant 0 : i32
    %dma_start3A_24 = tpu.memref_slice %arg3[%dma_start3A_23] : memref<102400xf32, #tpu.memory_space<hbm>> -> memref<12800xf32, #tpu.memory_space<hbm>>
    %dma_start3A_25 = arith.constant 0 : i32
    %dma_start3A_26 = tpu.memref_slice %arg3[%dma_start3A_25] : memref<102400xf32, #tpu.memory_space<hbm>> -> memref<12800xf32, #tpu.memory_space<hbm>>
    tpu.enqueue_dma source(%dma_start3A_26 : memref<12800xf32, #tpu.memory_space<hbm>>) target(%arg9 : memref<12800xf32, #tpu.memory_space<vmem>>) target_semaphore(%arg19 : memref<!tpu.dma_semaphore, #tpu.memory_space<semaphore_mem>>)
    %dma_start3A_27 = arith.constant 12800 : i32
    %dma_start3A_28 = tpu.memref_slice %arg3[%dma_start3A_27] : memref<102400xf32, #tpu.memory_space<hbm>> -> memref<12800xf32, #tpu.memory_space<hbm>>
    %dma_start3A_29 = arith.constant 12800 : i32
    %dma_start3A_30 = tpu.memref_slice %arg3[%dma_start3A_29] : memref<102400xf32, #tpu.memory_space<hbm>> -> memref<12800xf32, #tpu.memory_space<hbm>>
    tpu.enqueue_dma source(%dma_start3A_30 : memref<12800xf32, #tpu.memory_space<hbm>>) target(%arg10 : memref<12800xf32, #tpu.memory_space<vmem>>) target_semaphore(%arg20 : memref<!tpu.dma_semaphore, #tpu.memory_space<semaphore_mem>>)
    %dma_wait3A = arith.constant 0 : i32
    %dma_wait3A_31 = tpu.memref_slice %arg3[%dma_wait3A] : memref<102400xf32, #tpu.memory_space<hbm>> -> memref<12800xf32, #tpu.memory_space<hbm>>
    %dma_wait3A_32 = arith.constant 0 : i32
    %dma_wait3A_33 = tpu.memref_slice %arg3[%dma_wait3A_32] : memref<102400xf32, #tpu.memory_space<hbm>> -> memref<12800xf32, #tpu.memory_space<hbm>>
    tpu.wait_dma2 semaphore(%arg19 : memref<!tpu.dma_semaphore, #tpu.memory_space<semaphore_mem>>) src(%dma_wait3A_33 : memref<12800xf32, #tpu.memory_space<hbm>>) dst(%arg9 : memref<12800xf32, #tpu.memory_space<vmem>>)
    %scan3A = arith.constant 0 : i32
    %scan3A_34 = arith.constant 32 : i32
    %scan3A_35 = arith.addi %scan3A, %scan3A_34 : i32
    %scan3A_36 = arith.constant 1 : i32
    scf.for %scan3A_415 = %scan3A to %scan3A_35 step %scan3A_36  : i32 {
      %mul3A_416 = arith.constant 1 : i32
      %mul3A_417 = arith.muli %scan3A_415, %mul3A_416 : i32
      %add3A_418 = arith.constant 0 : i32
      %add3A_419 = arith.addi %add3A_418, %mul3A_417 : i32
      %mul3A_420 = arith.constant 64 : i32
      %mul3A_421 = arith.muli %add3A_419, %mul3A_420 : i32
      %add3A_422 = arith.constant 0 : i32
      %add3A_423 = arith.addi %mul3A_421, %add3A_422 : i32
      %get3A_424 = arith.index_cast %add3A_419 : i32 to index
      %get3A_425 = arith.constant 0 : index
      %get3A_426 = tpu.vector_load %arg7[%get3A_424, %get3A_425] {strides = array<i32>} : memref<32x64xi32, #tpu.memory_space<vmem>>, vector<16xi32>,
      %sub3A = arith.constant 0 : i32
      %sub3A_427 = vector.broadcast %sub3A : i32 to vector<16xi32>
      %sub3A_428 = arith.subi %get3A_426, %sub3A_427 : vector<16xi32>
      %ge3A = arith.constant 0 : i32
      %ge3A_429 = vector.broadcast %ge3A : i32 to vector<16xi32>
      %ge3A_430 = arith.cmpi sge, %sub3A_428, %ge3A_429 : vector<16xi32>
      %lt3A_431 = arith.constant 12800 : i32
      %lt3A_432 = vector.broadcast %lt3A_431 : i32 to vector<16xi32>
      %lt3A_433 = arith.cmpi slt, %sub3A_428, %lt3A_432 : vector<16xi32>
      %and3A = arith.andi %ge3A_430, %lt3A_433 : vector<16xi1>
      %jit3A = arith.constant 0 : i32
      %jit3A_434 = arith.constant 12799 : i32
      %max3A = vector.broadcast %jit3A : i32 to vector<16xi32>
      %max3A_435 = arith.maxsi %max3A, %sub3A_428 : vector<16xi32>
      %min3A = vector.broadcast %jit3A_434 : i32 to vector<16xi32>
      %min3A_436 = arith.minsi %min3A, %max3A_435 : vector<16xi32>
      %gather3A = tpu.vector_load_idx %arg9[%min3A_436] : memref<12800xf32, #tpu.memory_space<vmem>>[vector<16xi32>], vector<16xf32>,
      %broadcast_in_dim3A_437 = arith.constant 0.000000e+00 : f32
      %broadcast_in_dim3A_438 = vector.broadcast %broadcast_in_dim3A_437 : f32 to vector<16xf32>
      %select_n3A = arith.select %and3A, %gather3A, %broadcast_in_dim3A_438 : vector<16xi1>, vector<16xf32>
      %swap3A = arith.index_cast %add3A_423 : i32 to index
      %swap3A_439 = tpu.vector_load %arg8[%swap3A] {strides = array<i32>} : memref<2064xf32, #tpu.memory_space<vmem>>, vector<16xf32>,
      tpu.vector_store %arg8[%swap3A], %select_n3A {strides = array<i32>} : memref<2064xf32, #tpu.memory_space<vmem>>, vector<16xf32>,
      %mul3A_440 = arith.constant 64 : i32
      %mul3A_441 = arith.muli %add3A_419, %mul3A_440 : i32
      %add3A_442 = arith.constant 16 : i32
      %add3A_443 = arith.addi %mul3A_441, %add3A_442 : i32
      %get3A_444 = arith.index_cast %add3A_419 : i32 to index
      %get3A_445 = arith.constant 16 : index
      %get3A_446 = tpu.vector_load %arg7[%get3A_444, %get3A_445] {strides = array<i32>} : memref<32x64xi32, #tpu.memory_space<vmem>>, vector<16xi32>,
      %sub3A_447 = arith.constant 0 : i32
      %sub3A_448 = vector.broadcast %sub3A_447 : i32 to vector<16xi32>
      %sub3A_449 = arith.subi %get3A_446, %sub3A_448 : vector<16xi32>
      %ge3A_450 = arith.constant 0 : i32
      %ge3A_451 = vector.broadcast %ge3A_450 : i32 to vector<16xi32>
      %ge3A_452 = arith.cmpi sge, %sub3A_449, %ge3A_451 : vector<16xi32>
      %lt3A_453 = arith.constant 12800 : i32
      %lt3A_454 = vector.broadcast %lt3A_453 : i32 to vector<16xi32>
      %lt3A_455 = arith.cmpi slt, %sub3A_449, %lt3A_454 : vector<16xi32>
      %and3A_456 = arith.andi %ge3A_452, %lt3A_455 : vector<16xi1>
      %jit3A_457 = arith.constant 0 : i32
      %jit3A_458 = arith.constant 12799 : i32
      %max3A_459 = vector.broadcast %jit3A_457 : i32 to vector<16xi32>
      %max3A_460 = arith.maxsi %max3A_459, %sub3A_449 : vector<16xi32>
      %min3A_461 = vector.broadcast %jit3A_458 : i32 to vector<16xi32>
      %min3A_462 = arith.minsi %min3A_461, %max3A_460 : vector<16xi32>
      %gather3A_463 = tpu.vector_load_idx %arg9[%min3A_462] : memref<12800xf32, #tpu.memory_space<vmem>>[vector<16xi32>], vector<16xf32>,
      %broadcast_in_dim3A_464 = arith.constant 0.000000e+00 : f32
      %broadcast_in_dim3A_465 = vector.broadcast %broadcast_in_dim3A_464 : f32 to vector<16xf32>
      %select_n3A_466 = arith.select %and3A_456, %gather3A_463, %broadcast_in_dim3A_465 : vector<16xi1>, vector<16xf32>
      %swap3A_467 = arith.index_cast %add3A_443 : i32 to index
      %swap3A_468 = tpu.vector_load %arg8[%swap3A_467] {strides = array<i32>} : memref<2064xf32, #tpu.memory_space<vmem>>, vector<16xf32>,
      tpu.vector_store %arg8[%swap3A_467], %select_n3A_466 {strides = array<i32>} : memref<2064xf32, #tpu.memory_space<vmem>>, vector<16xf32>,
      %mul3A_469 = arith.constant 64 : i32
      %mul3A_470 = arith.muli %add3A_419, %mul3A_469 : i32
      %add3A_471 = arith.constant 32 : i32
      %add3A_472 = arith.addi %mul3A_470, %add3A_471 : i32
      %get3A_473 = arith.index_cast %add3A_419 : i32 to index
      %get3A_474 = arith.constant 32 : index
      %get3A_475 = tpu.vector_load %arg7[%get3A_473, %get3A_474] {strides = array<i32>} : memref<32x64xi32, #tpu.memory_space<vmem>>, vector<16xi32>,
      %sub3A_476 = arith.constant 0 : i32
      %sub3A_477 = vector.broadcast %sub3A_476 : i32 to vector<16xi32>
      %sub3A_478 = arith.subi %get3A_475, %sub3A_477 : vector<16xi32>
      %ge3A_479 = arith.constant 0 : i32
      %ge3A_480 = vector.broadcast %ge3A_479 : i32 to vector<16xi32>
      %ge3A_481 = arith.cmpi sge, %sub3A_478, %ge3A_480 : vector<16xi32>
      %lt3A_482 = arith.constant 12800 : i32
      %lt3A_483 = vector.broadcast %lt3A_482 : i32 to vector<16xi32>
      %lt3A_484 = arith.cmpi slt, %sub3A_478, %lt3A_483 : vector<16xi32>
      %and3A_485 = arith.andi %ge3A_481, %lt3A_484 : vector<16xi1>
      %jit3A_486 = arith.constant 0 : i32
      %jit3A_487 = arith.constant 12799 : i32
      %max3A_488 = vector.broadcast %jit3A_486 : i32 to vector<16xi32>
      %max3A_489 = arith.maxsi %max3A_488, %sub3A_478 : vector<16xi32>
      %min3A_490 = vector.broadcast %jit3A_487 : i32 to vector<16xi32>
      %min3A_491 = arith.minsi %min3A_490, %max3A_489 : vector<16xi32>
      %gather3A_492 = tpu.vector_load_idx %arg9[%min3A_491] : memref<12800xf32, #tpu.memory_space<vmem>>[vector<16xi32>], vector<16xf32>,
      %broadcast_in_dim3A_493 = arith.constant 0.000000e+00 : f32
      %broadcast_in_dim3A_494 = vector.broadcast %broadcast_in_dim3A_493 : f32 to vector<16xf32>
      %select_n3A_495 = arith.select %and3A_485, %gather3A_492, %broadcast_in_dim3A_494 : vector<16xi1>, vector<16xf32>
      %swap3A_496 = arith.index_cast %add3A_472 : i32 to index
      %swap3A_497 = tpu.vector_load %arg8[%swap3A_496] {strides = array<i32>} : memref<2064xf32, #tpu.memory_space<vmem>>, vector<16xf32>,
      tpu.vector_store %arg8[%swap3A_496], %select_n3A_495 {strides = array<i32>} : memref<2064xf32, #tpu.memory_space<vmem>>, vector<16xf32>,
      %mul3A_498 = arith.constant 64 : i32
      %mul3A_499 = arith.muli %add3A_419, %mul3A_498 : i32
      %add3A_500 = arith.constant 48 : i32
      %add3A_501 = arith.addi %mul3A_499, %add3A_500 : i32
      %get3A_502 = arith.index_cast %add3A_419 : i32 to index
      %get3A_503 = arith.constant 48 : index
      %get3A_504 = tpu.vector_load %arg7[%get3A_502, %get3A_503] {strides = array<i32>} : memref<32x64xi32, #tpu.memory_space<vmem>>, vector<16xi32>,
      %sub3A_505 = arith.constant 0 : i32
      %sub3A_506 = vector.broadcast %sub3A_505 : i32 to vector<16xi32>
      %sub3A_507 = arith.subi %get3A_504, %sub3A_506 : vector<16xi32>
      %ge3A_508 = arith.constant 0 : i32
      %ge3A_509 = vector.broadcast %ge3A_508 : i32 to vector<16xi32>
      %ge3A_510 = arith.cmpi sge, %sub3A_507, %ge3A_509 : vector<16xi32>
      %lt3A_511 = arith.constant 12800 : i32
      %lt3A_512 = vector.broadcast %lt3A_511 : i32 to vector<16xi32>
      %lt3A_513 = arith.cmpi slt, %sub3A_507, %lt3A_512 : vector<16xi32>
      %and3A_514 = arith.andi %ge3A_510, %lt3A_513 : vector<16xi1>
      %jit3A_515 = arith.constant 0 : i32
      %jit3A_516 = arith.constant 12799 : i32
      %max3A_517 = vector.broadcast %jit3A_515 : i32 to vector<16xi32>
      %max3A_518 = arith.maxsi %max3A_517, %sub3A_507 : vector<16xi32>
      %min3A_519 = vector.broadcast %jit3A_516 : i32 to vector<16xi32>
      %min3A_520 = arith.minsi %min3A_519, %max3A_518 : vector<16xi32>
      %gather3A_521 = tpu.vector_load_idx %arg9[%min3A_520] : memref<12800xf32, #tpu.memory_space<vmem>>[vector<16xi32>], vector<16xf32>,
      %broadcast_in_dim3A_522 = arith.constant 0.000000e+00 : f32
      %broadcast_in_dim3A_523 = vector.broadcast %broadcast_in_dim3A_522 : f32 to vector<16xf32>
      %select_n3A_524 = arith.select %and3A_514, %gather3A_521, %broadcast_in_dim3A_523 : vector<16xi1>, vector<16xf32>
      %swap3A_525 = arith.index_cast %add3A_501 : i32 to index
      %swap3A_526 = tpu.vector_load %arg8[%swap3A_525] {strides = array<i32>} : memref<2064xf32, #tpu.memory_space<vmem>>, vector<16xf32>,
      tpu.vector_store %arg8[%swap3A_525], %select_n3A_524 {strides = array<i32>} : memref<2064xf32, #tpu.memory_space<vmem>>, vector<16xf32>,
    }
    %scan3A_37 = arith.constant 32 : i32
    %dma_start3A_38 = arith.constant 25600 : i32
    %dma_start3A_39 = tpu.memref_slice %arg3[%dma_start3A_38] : memref<102400xf32, #tpu.memory_space<hbm>> -> memref<12800xf32, #tpu.memory_space<hbm>>
    %dma_start3A_40 = arith.constant 25600 : i32
    %dma_start3A_41 = tpu.memref_slice %arg3[%dma_start3A_40] : memref<102400xf32, #tpu.memory_space<hbm>> -> memref<12800xf32, #tpu.memory_space<hbm>>
    tpu.enqueue_dma source(%dma_start3A_41 : memref<12800xf32, #tpu.memory_space<hbm>>) target(%arg9 : memref<12800xf32, #tpu.memory_space<vmem>>) target_semaphore(%arg19 : memref<!tpu.dma_semaphore, #tpu.memory_space<semaphore_mem>>)
    %dma_wait3A_42 = arith.constant 12800 : i32
    %dma_wait3A_43 = tpu.memref_slice %arg3[%dma_wait3A_42] : memref<102400xf32, #tpu.memory_space<hbm>> -> memref<12800xf32, #tpu.memory_space<hbm>>
    %dma_wait3A_44 = arith.constant 12800 : i32
    %dma_wait3A_45 = tpu.memref_slice %arg3[%dma_wait3A_44] : memref<102400xf32, #tpu.memory_space<hbm>> -> memref<12800xf32, #tpu.memory_space<hbm>>
    tpu.wait_dma2 semaphore(%arg20 : memref<!tpu.dma_semaphore, #tpu.memory_space<semaphore_mem>>) src(%dma_wait3A_45 : memref<12800xf32, #tpu.memory_space<hbm>>) dst(%arg10 : memref<12800xf32, #tpu.memory_space<vmem>>)
    %scan3A_46 = arith.constant 0 : i32
    %scan3A_47 = arith.constant 32 : i32
    %scan3A_48 = arith.addi %scan3A_46, %scan3A_47 : i32
    %scan3A_49 = arith.constant 1 : i32
    scf.for %scan3A_415 = %scan3A_46 to %scan3A_48 step %scan3A_49  : i32 {
      %mul3A_416 = arith.constant 1 : i32
      %mul3A_417 = arith.muli %scan3A_415, %mul3A_416 : i32
      %add3A_418 = arith.constant 0 : i32
      %add3A_419 = arith.addi %add3A_418, %mul3A_417 : i32
      %mul3A_420 = arith.constant 64 : i32
      %mul3A_421 = arith.muli %add3A_419, %mul3A_420 : i32
      %add3A_422 = arith.constant 0 : i32
      %add3A_423 = arith.addi %mul3A_421, %add3A_422 : i32
      %get3A_424 = arith.index_cast %add3A_419 : i32 to index
      %get3A_425 = arith.constant 0 : index
      %get3A_426 = tpu.vector_load %arg7[%get3A_424, %get3A_425] {strides = array<i32>} : memref<32x64xi32, #tpu.memory_space<vmem>>, vector<16xi32>,
      %sub3A = arith.constant 12800 : i32
      %sub3A_427 = vector.broadcast %sub3A : i32 to vector<16xi32>
      %sub3A_428 = arith.subi %get3A_426, %sub3A_427 : vector<16xi32>
      %ge3A = arith.constant 0 : i32
      %ge3A_429 = vector.broadcast %ge3A : i32 to vector<16xi32>
      %ge3A_430 = arith.cmpi sge, %sub3A_428, %ge3A_429 : vector<16xi32>
      %lt3A_431 = arith.constant 12800 : i32
      %lt3A_432 = vector.broadcast %lt3A_431 : i32 to vector<16xi32>
      %lt3A_433 = arith.cmpi slt, %sub3A_428, %lt3A_432 : vector<16xi32>
      %and3A = arith.andi %ge3A_430, %lt3A_433 : vector<16xi1>
      %jit3A = arith.constant 0 : i32
      %jit3A_434 = arith.constant 12799 : i32
      %max3A = vector.broadcast %jit3A : i32 to vector<16xi32>
      %max3A_435 = arith.maxsi %max3A, %sub3A_428 : vector<16xi32>
      %min3A = vector.broadcast %jit3A_434 : i32 to vector<16xi32>
      %min3A_436 = arith.minsi %min3A, %max3A_435 : vector<16xi32>
      %gather3A = tpu.vector_load_idx %arg10[%min3A_436] : memref<12800xf32, #tpu.memory_space<vmem>>[vector<16xi32>], vector<16xf32>,
      %get3A_437 = arith.index_cast %add3A_423 : i32 to index
      %get3A_438 = tpu.vector_load %arg8[%get3A_437] {strides = array<i32>} : memref<2064xf32, #tpu.memory_space<vmem>>, vector<16xf32>,
      %select_n3A = arith.select %and3A, %gather3A, %get3A_438 : vector<16xi1>, vector<16xf32>
      %swap3A = arith.index_cast %add3A_423 : i32 to index
      %swap3A_439 = tpu.vector_load %arg8[%swap3A] {strides = array<i32>} : memref<2064xf32, #tpu.memory_space<vmem>>, vector<16xf32>,
      tpu.vector_store %arg8[%swap3A], %select_n3A {strides = array<i32>} : memref<2064xf32, #tpu.memory_space<vmem>>, vector<16xf32>,
      %mul3A_440 = arith.constant 64 : i32
      %mul3A_441 = arith.muli %add3A_419, %mul3A_440 : i32
      %add3A_442 = arith.constant 16 : i32
      %add3A_443 = arith.addi %mul3A_441, %add3A_442 : i32
      %get3A_444 = arith.index_cast %add3A_419 : i32 to index
      %get3A_445 = arith.constant 16 : index
      %get3A_446 = tpu.vector_load %arg7[%get3A_444, %get3A_445] {strides = array<i32>} : memref<32x64xi32, #tpu.memory_space<vmem>>, vector<16xi32>,
      %sub3A_447 = arith.constant 12800 : i32
      %sub3A_448 = vector.broadcast %sub3A_447 : i32 to vector<16xi32>
      %sub3A_449 = arith.subi %get3A_446, %sub3A_448 : vector<16xi32>
      %ge3A_450 = arith.constant 0 : i32
      %ge3A_451 = vector.broadcast %ge3A_450 : i32 to vector<16xi32>
      %ge3A_452 = arith.cmpi sge, %sub3A_449, %ge3A_451 : vector<16xi32>
      %lt3A_453 = arith.constant 12800 : i32
      %lt3A_454 = vector.broadcast %lt3A_453 : i32 to vector<16xi32>
      %lt3A_455 = arith.cmpi slt, %sub3A_449, %lt3A_454 : vector<16xi32>
      %and3A_456 = arith.andi %ge3A_452, %lt3A_455 : vector<16xi1>
      %jit3A_457 = arith.constant 0 : i32
      %jit3A_458 = arith.constant 12799 : i32
      %max3A_459 = vector.broadcast %jit3A_457 : i32 to vector<16xi32>
      %max3A_460 = arith.maxsi %max3A_459, %sub3A_449 : vector<16xi32>
      %min3A_461 = vector.broadcast %jit3A_458 : i32 to vector<16xi32>
      %min3A_462 = arith.minsi %min3A_461, %max3A_460 : vector<16xi32>
      %gather3A_463 = tpu.vector_load_idx %arg10[%min3A_462] : memref<12800xf32, #tpu.memory_space<vmem>>[vector<16xi32>], vector<16xf32>,
      %get3A_464 = arith.index_cast %add3A_443 : i32 to index
      %get3A_465 = tpu.vector_load %arg8[%get3A_464] {strides = array<i32>} : memref<2064xf32, #tpu.memory_space<vmem>>, vector<16xf32>,
      %select_n3A_466 = arith.select %and3A_456, %gather3A_463, %get3A_465 : vector<16xi1>, vector<16xf32>
      %swap3A_467 = arith.index_cast %add3A_443 : i32 to index
      %swap3A_468 = tpu.vector_load %arg8[%swap3A_467] {strides = array<i32>} : memref<2064xf32, #tpu.memory_space<vmem>>, vector<16xf32>,
      tpu.vector_store %arg8[%swap3A_467], %select_n3A_466 {strides = array<i32>} : memref<2064xf32, #tpu.memory_space<vmem>>, vector<16xf32>,
      %mul3A_469 = arith.constant 64 : i32
      %mul3A_470 = arith.muli %add3A_419, %mul3A_469 : i32
      %add3A_471 = arith.constant 32 : i32
      %add3A_472 = arith.addi %mul3A_470, %add3A_471 : i32
      %get3A_473 = arith.index_cast %add3A_419 : i32 to index
      %get3A_474 = arith.constant 32 : index
      %get3A_475 = tpu.vector_load %arg7[%get3A_473, %get3A_474] {strides = array<i32>} : memref<32x64xi32, #tpu.memory_space<vmem>>, vector<16xi32>,
      %sub3A_476 = arith.constant 12800 : i32
      %sub3A_477 = vector.broadcast %sub3A_476 : i32 to vector<16xi32>
      %sub3A_478 = arith.subi %get3A_475, %sub3A_477 : vector<16xi32>
      %ge3A_479 = arith.constant 0 : i32
      %ge3A_480 = vector.broadcast %ge3A_479 : i32 to vector<16xi32>
      %ge3A_481 = arith.cmpi sge, %sub3A_478, %ge3A_480 : vector<16xi32>
      %lt3A_482 = arith.constant 12800 : i32
      %lt3A_483 = vector.broadcast %lt3A_482 : i32 to vector<16xi32>
      %lt3A_484 = arith.cmpi slt, %sub3A_478, %lt3A_483 : vector<16xi32>
      %and3A_485 = arith.andi %ge3A_481, %lt3A_484 : vector<16xi1>
      %jit3A_486 = arith.constant 0 : i32
      %jit3A_487 = arith.constant 12799 : i32
      %max3A_488 = vector.broadcast %jit3A_486 : i32 to vector<16xi32>
      %max3A_489 = arith.maxsi %max3A_488, %sub3A_478 : vector<16xi32>
      %min3A_490 = vector.broadcast %jit3A_487 : i32 to vector<16xi32>
      %min3A_491 = arith.minsi %min3A_490, %max3A_489 : vector<16xi32>
      %gather3A_492 = tpu.vector_load_idx %arg10[%min3A_491] : memref<12800xf32, #tpu.memory_space<vmem>>[vector<16xi32>], vector<16xf32>,
      %get3A_493 = arith.index_cast %add3A_472 : i32 to index
      %get3A_494 = tpu.vector_load %arg8[%get3A_493] {strides = array<i32>} : memref<2064xf32, #tpu.memory_space<vmem>>, vector<16xf32>,
      %select_n3A_495 = arith.select %and3A_485, %gather3A_492, %get3A_494 : vector<16xi1>, vector<16xf32>
      %swap3A_496 = arith.index_cast %add3A_472 : i32 to index
      %swap3A_497 = tpu.vector_load %arg8[%swap3A_496] {strides = array<i32>} : memref<2064xf32, #tpu.memory_space<vmem>>, vector<16xf32>,
      tpu.vector_store %arg8[%swap3A_496], %select_n3A_495 {strides = array<i32>} : memref<2064xf32, #tpu.memory_space<vmem>>, vector<16xf32>,
      %mul3A_498 = arith.constant 64 : i32
      %mul3A_499 = arith.muli %add3A_419, %mul3A_498 : i32
      %add3A_500 = arith.constant 48 : i32
      %add3A_501 = arith.addi %mul3A_499, %add3A_500 : i32
      %get3A_502 = arith.index_cast %add3A_419 : i32 to index
      %get3A_503 = arith.constant 48 : index
      %get3A_504 = tpu.vector_load %arg7[%get3A_502, %get3A_503] {strides = array<i32>} : memref<32x64xi32, #tpu.memory_space<vmem>>, vector<16xi32>,
      %sub3A_505 = arith.constant 12800 : i32
      %sub3A_506 = vector.broadcast %sub3A_505 : i32 to vector<16xi32>
      %sub3A_507 = arith.subi %get3A_504, %sub3A_506 : vector<16xi32>
      %ge3A_508 = arith.constant 0 : i32
      %ge3A_509 = vector.broadcast %ge3A_508 : i32 to vector<16xi32>
      %ge3A_510 = arith.cmpi sge, %sub3A_507, %ge3A_509 : vector<16xi32>
      %lt3A_511 = arith.constant 12800 : i32
      %lt3A_512 = vector.broadcast %lt3A_511 : i32 to vector<16xi32>
      %lt3A_513 = arith.cmpi slt, %sub3A_507, %lt3A_512 : vector<16xi32>
      %and3A_514 = arith.andi %ge3A_510, %lt3A_513 : vector<16xi1>
      %jit3A_515 = arith.constant 0 : i32
      %jit3A_516 = arith.constant 12799 : i32
      %max3A_517 = vector.broadcast %jit3A_515 : i32 to vector<16xi32>
      %max3A_518 = arith.maxsi %max3A_517, %sub3A_507 : vector<16xi32>
      %min3A_519 = vector.broadcast %jit3A_516 : i32 to vector<16xi32>
      %min3A_520 = arith.minsi %min3A_519, %max3A_518 : vector<16xi32>
      %gather3A_521 = tpu.vector_load_idx %arg10[%min3A_520] : memref<12800xf32, #tpu.memory_space<vmem>>[vector<16xi32>], vector<16xf32>,
      %get3A_522 = arith.index_cast %add3A_501 : i32 to index
      %get3A_523 = tpu.vector_load %arg8[%get3A_522] {strides = array<i32>} : memref<2064xf32, #tpu.memory_space<vmem>>, vector<16xf32>,
      %select_n3A_524 = arith.select %and3A_514, %gather3A_521, %get3A_523 : vector<16xi1>, vector<16xf32>
      %swap3A_525 = arith.index_cast %add3A_501 : i32 to index
      %swap3A_526 = tpu.vector_load %arg8[%swap3A_525] {strides = array<i32>} : memref<2064xf32, #tpu.memory_space<vmem>>, vector<16xf32>,
      tpu.vector_store %arg8[%swap3A_525], %select_n3A_524 {strides = array<i32>} : memref<2064xf32, #tpu.memory_space<vmem>>, vector<16xf32>,
    }
    %scan3A_50 = arith.constant 32 : i32
    %dma_start3A_51 = arith.constant 38400 : i32
    %dma_start3A_52 = tpu.memref_slice %arg3[%dma_start3A_51] : memref<102400xf32, #tpu.memory_space<hbm>> -> memref<12800xf32, #tpu.memory_space<hbm>>
    %dma_start3A_53 = arith.constant 38400 : i32
    %dma_start3A_54 = tpu.memref_slice %arg3[%dma_start3A_53] : memref<102400xf32, #tpu.memory_space<hbm>> -> memref<12800xf32, #tpu.memory_space<hbm>>
    tpu.enqueue_dma source(%dma_start3A_54 : memref<12800xf32, #tpu.memory_space<hbm>>) target(%arg10 : memref<12800xf32, #tpu.memory_space<vmem>>) target_semaphore(%arg20 : memref<!tpu.dma_semaphore, #tpu.memory_space<semaphore_mem>>)
    %dma_wait3A_55 = arith.constant 25600 : i32
    %dma_wait3A_56 = tpu.memref_slice %arg3[%dma_wait3A_55] : memref<102400xf32, #tpu.memory_space<hbm>> -> memref<12800xf32, #tpu.memory_space<hbm>>
    %dma_wait3A_57 = arith.constant 25600 : i32
    %dma_wait3A_58 = tpu.memref_slice %arg3[%dma_wait3A_57] : memref<102400xf32, #tpu.memory_space<hbm>> -> memref<12800xf32, #tpu.memory_space<hbm>>
    tpu.wait_dma2 semaphore(%arg19 : memref<!tpu.dma_semaphore, #tpu.memory_space<semaphore_mem>>) src(%dma_wait3A_58 : memref<12800xf32, #tpu.memory_space<hbm>>) dst(%arg9 : memref<12800xf32, #tpu.memory_space<vmem>>)
    %scan3A_59 = arith.constant 0 : i32
    %scan3A_60 = arith.constant 32 : i32
    %scan3A_61 = arith.addi %scan3A_59, %scan3A_60 : i32
    %scan3A_62 = arith.constant 1 : i32
    scf.for %scan3A_415 = %scan3A_59 to %scan3A_61 step %scan3A_62  : i32 {
      %mul3A_416 = arith.constant 1 : i32
      %mul3A_417 = arith.muli %scan3A_415, %mul3A_416 : i32
      %add3A_418 = arith.constant 0 : i32
      %add3A_419 = arith.addi %add3A_418, %mul3A_417 : i32
      %mul3A_420 = arith.constant 64 : i32
      %mul3A_421 = arith.muli %add3A_419, %mul3A_420 : i32
      %add3A_422 = arith.constant 0 : i32
      %add3A_423 = arith.addi %mul3A_421, %add3A_422 : i32
      %get3A_424 = arith.index_cast %add3A_419 : i32 to index
      %get3A_425 = arith.constant 0 : index
      %get3A_426 = tpu.vector_load %arg7[%get3A_424, %get3A_425] {strides = array<i32>} : memref<32x64xi32, #tpu.memory_space<vmem>>, vector<16xi32>,
      %sub3A = arith.constant 25600 : i32
      %sub3A_427 = vector.broadcast %sub3A : i32 to vector<16xi32>
      %sub3A_428 = arith.subi %get3A_426, %sub3A_427 : vector<16xi32>
      %ge3A = arith.constant 0 : i32
      %ge3A_429 = vector.broadcast %ge3A : i32 to vector<16xi32>
      %ge3A_430 = arith.cmpi sge, %sub3A_428, %ge3A_429 : vector<16xi32>
      %lt3A_431 = arith.constant 12800 : i32
      %lt3A_432 = vector.broadcast %lt3A_431 : i32 to vector<16xi32>
      %lt3A_433 = arith.cmpi slt, %sub3A_428, %lt3A_432 : vector<16xi32>
      %and3A = arith.andi %ge3A_430, %lt3A_433 : vector<16xi1>
      %jit3A = arith.constant 0 : i32
      %jit3A_434 = arith.constant 12799 : i32
      %max3A = vector.broadcast %jit3A : i32 to vector<16xi32>
      %max3A_435 = arith.maxsi %max3A, %sub3A_428 : vector<16xi32>
      %min3A = vector.broadcast %jit3A_434 : i32 to vector<16xi32>
      %min3A_436 = arith.minsi %min3A, %max3A_435 : vector<16xi32>
      %gather3A = tpu.vector_load_idx %arg9[%min3A_436] : memref<12800xf32, #tpu.memory_space<vmem>>[vector<16xi32>], vector<16xf32>,
      %get3A_437 = arith.index_cast %add3A_423 : i32 to index
      %get3A_438 = tpu.vector_load %arg8[%get3A_437] {strides = array<i32>} : memref<2064xf32, #tpu.memory_space<vmem>>, vector<16xf32>,
      %select_n3A = arith.select %and3A, %gather3A, %get3A_438 : vector<16xi1>, vector<16xf32>
      %swap3A = arith.index_cast %add3A_423 : i32 to index
      %swap3A_439 = tpu.vector_load %arg8[%swap3A] {strides = array<i32>} : memref<2064xf32, #tpu.memory_space<vmem>>, vector<16xf32>,
      tpu.vector_store %arg8[%swap3A], %select_n3A {strides = array<i32>} : memref<2064xf32, #tpu.memory_space<vmem>>, vector<16xf32>,
      %mul3A_440 = arith.constant 64 : i32
      %mul3A_441 = arith.muli %add3A_419, %mul3A_440 : i32
      %add3A_442 = arith.constant 16 : i32
      %add3A_443 = arith.addi %mul3A_441, %add3A_442 : i32
      %get3A_444 = arith.index_cast %add3A_419 : i32 to index
      %get3A_445 = arith.constant 16 : index
      %get3A_446 = tpu.vector_load %arg7[%get3A_444, %get3A_445] {strides = array<i32>} : memref<32x64xi32, #tpu.memory_space<vmem>>, vector<16xi32>,
      %sub3A_447 = arith.constant 25600 : i32
      %sub3A_448 = vector.broadcast %sub3A_447 : i32 to vector<16xi32>
      %sub3A_449 = arith.subi %get3A_446, %sub3A_448 : vector<16xi32>
      %ge3A_450 = arith.constant 0 : i32
      %ge3A_451 = vector.broadcast %ge3A_450 : i32 to vector<16xi32>
      %ge3A_452 = arith.cmpi sge, %sub3A_449, %ge3A_451 : vector<16xi32>
      %lt3A_453 = arith.constant 12800 : i32
      %lt3A_454 = vector.broadcast %lt3A_453 : i32 to vector<16xi32>
      %lt3A_455 = arith.cmpi slt, %sub3A_449, %lt3A_454 : vector<16xi32>
      %and3A_456 = arith.andi %ge3A_452, %lt3A_455 : vector<16xi1>
      %jit3A_457 = arith.constant 0 : i32
      %jit3A_458 = arith.constant 12799 : i32
      %max3A_459 = vector.broadcast %jit3A_457 : i32 to vector<16xi32>
      %max3A_460 = arith.maxsi %max3A_459, %sub3A_449 : vector<16xi32>
      %min3A_461 = vector.broadcast %jit3A_458 : i32 to vector<16xi32>
      %min3A_462 = arith.minsi %min3A_461, %max3A_460 : vector<16xi32>
      %gather3A_463 = tpu.vector_load_idx %arg9[%min3A_462] : memref<12800xf32, #tpu.memory_space<vmem>>[vector<16xi32>], vector<16xf32>,
      %get3A_464 = arith.index_cast %add3A_443 : i32 to index
      %get3A_465 = tpu.vector_load %arg8[%get3A_464] {strides = array<i32>} : memref<2064xf32, #tpu.memory_space<vmem>>, vector<16xf32>,
      %select_n3A_466 = arith.select %and3A_456, %gather3A_463, %get3A_465 : vector<16xi1>, vector<16xf32>
      %swap3A_467 = arith.index_cast %add3A_443 : i32 to index
      %swap3A_468 = tpu.vector_load %arg8[%swap3A_467] {strides = array<i32>} : memref<2064xf32, #tpu.memory_space<vmem>>, vector<16xf32>,
      tpu.vector_store %arg8[%swap3A_467], %select_n3A_466 {strides = array<i32>} : memref<2064xf32, #tpu.memory_space<vmem>>, vector<16xf32>,
      %mul3A_469 = arith.constant 64 : i32
      %mul3A_470 = arith.muli %add3A_419, %mul3A_469 : i32
      %add3A_471 = arith.constant 32 : i32
      %add3A_472 = arith.addi %mul3A_470, %add3A_471 : i32
      %get3A_473 = arith.index_cast %add3A_419 : i32 to index
      %get3A_474 = arith.constant 32 : index
      %get3A_475 = tpu.vector_load %arg7[%get3A_473, %get3A_474] {strides = array<i32>} : memref<32x64xi32, #tpu.memory_space<vmem>>, vector<16xi32>,
      %sub3A_476 = arith.constant 25600 : i32
      %sub3A_477 = vector.broadcast %sub3A_476 : i32 to vector<16xi32>
      %sub3A_478 = arith.subi %get3A_475, %sub3A_477 : vector<16xi32>
      %ge3A_479 = arith.constant 0 : i32
      %ge3A_480 = vector.broadcast %ge3A_479 : i32 to vector<16xi32>
      %ge3A_481 = arith.cmpi sge, %sub3A_478, %ge3A_480 : vector<16xi32>
      %lt3A_482 = arith.constant 12800 : i32
      %lt3A_483 = vector.broadcast %lt3A_482 : i32 to vector<16xi32>
      %lt3A_484 = arith.cmpi slt, %sub3A_478, %lt3A_483 : vector<16xi32>
      %and3A_485 = arith.andi %ge3A_481, %lt3A_484 : vector<16xi1>
      %jit3A_486 = arith.constant 0 : i32
      %jit3A_487 = arith.constant 12799 : i32
      %max3A_488 = vector.broadcast %jit3A_486 : i32 to vector<16xi32>
      %max3A_489 = arith.maxsi %max3A_488, %sub3A_478 : vector<16xi32>
      %min3A_490 = vector.broadcast %jit3A_487 : i32 to vector<16xi32>
      %min3A_491 = arith.minsi %min3A_490, %max3A_489 : vector<16xi32>
      %gather3A_492 = tpu.vector_load_idx %arg9[%min3A_491] : memref<12800xf32, #tpu.memory_space<vmem>>[vector<16xi32>], vector<16xf32>,
      %get3A_493 = arith.index_cast %add3A_472 : i32 to index
      %get3A_494 = tpu.vector_load %arg8[%get3A_493] {strides = array<i32>} : memref<2064xf32, #tpu.memory_space<vmem>>, vector<16xf32>,
      %select_n3A_495 = arith.select %and3A_485, %gather3A_492, %get3A_494 : vector<16xi1>, vector<16xf32>
      %swap3A_496 = arith.index_cast %add3A_472 : i32 to index
      %swap3A_497 = tpu.vector_load %arg8[%swap3A_496] {strides = array<i32>} : memref<2064xf32, #tpu.memory_space<vmem>>, vector<16xf32>,
      tpu.vector_store %arg8[%swap3A_496], %select_n3A_495 {strides = array<i32>} : memref<2064xf32, #tpu.memory_space<vmem>>, vector<16xf32>,
      %mul3A_498 = arith.constant 64 : i32
      %mul3A_499 = arith.muli %add3A_419, %mul3A_498 : i32
      %add3A_500 = arith.constant 48 : i32
      %add3A_501 = arith.addi %mul3A_499, %add3A_500 : i32
      %get3A_502 = arith.index_cast %add3A_419 : i32 to index
      %get3A_503 = arith.constant 48 : index
      %get3A_504 = tpu.vector_load %arg7[%get3A_502, %get3A_503] {strides = array<i32>} : memref<32x64xi32, #tpu.memory_space<vmem>>, vector<16xi32>,
      %sub3A_505 = arith.constant 25600 : i32
      %sub3A_506 = vector.broadcast %sub3A_505 : i32 to vector<16xi32>
      %sub3A_507 = arith.subi %get3A_504, %sub3A_506 : vector<16xi32>
      %ge3A_508 = arith.constant 0 : i32
      %ge3A_509 = vector.broadcast %ge3A_508 : i32 to vector<16xi32>
      %ge3A_510 = arith.cmpi sge, %sub3A_507, %ge3A_509 : vector<16xi32>
      %lt3A_511 = arith.constant 12800 : i32
      %lt3A_512 = vector.broadcast %lt3A_511 : i32 to vector<16xi32>
      %lt3A_513 = arith.cmpi slt, %sub3A_507, %lt3A_512 : vector<16xi32>
      %and3A_514 = arith.andi %ge3A_510, %lt3A_513 : vector<16xi1>
      %jit3A_515 = arith.constant 0 : i32
      %jit3A_516 = arith.constant 12799 : i32
      %max3A_517 = vector.broadcast %jit3A_515 : i32 to vector<16xi32>
      %max3A_518 = arith.maxsi %max3A_517, %sub3A_507 : vector<16xi32>
      %min3A_519 = vector.broadcast %jit3A_516 : i32 to vector<16xi32>
      %min3A_520 = arith.minsi %min3A_519, %max3A_518 : vector<16xi32>
      %gather3A_521 = tpu.vector_load_idx %arg9[%min3A_520] : memref<12800xf32, #tpu.memory_space<vmem>>[vector<16xi32>], vector<16xf32>,
      %get3A_522 = arith.index_cast %add3A_501 : i32 to index
      %get3A_523 = tpu.vector_load %arg8[%get3A_522] {strides = array<i32>} : memref<2064xf32, #tpu.memory_space<vmem>>, vector<16xf32>,
      %select_n3A_524 = arith.select %and3A_514, %gather3A_521, %get3A_523 : vector<16xi1>, vector<16xf32>
      %swap3A_525 = arith.index_cast %add3A_501 : i32 to index
      %swap3A_526 = tpu.vector_load %arg8[%swap3A_525] {strides = array<i32>} : memref<2064xf32, #tpu.memory_space<vmem>>, vector<16xf32>,
      tpu.vector_store %arg8[%swap3A_525], %select_n3A_524 {strides = array<i32>} : memref<2064xf32, #tpu.memory_space<vmem>>, vector<16xf32>,
    }
    %scan3A_63 = arith.constant 32 : i32
    %dma_start3A_64 = arith.constant 51200 : i32
    %dma_start3A_65 = tpu.memref_slice %arg3[%dma_start3A_64] : memref<102400xf32, #tpu.memory_space<hbm>> -> memref<12800xf32, #tpu.memory_space<hbm>>
    %dma_start3A_66 = arith.constant 51200 : i32
    %dma_start3A_67 = tpu.memref_slice %arg3[%dma_start3A_66] : memref<102400xf32, #tpu.memory_space<hbm>> -> memref<12800xf32, #tpu.memory_space<hbm>>
    tpu.enqueue_dma source(%dma_start3A_67 : memref<12800xf32, #tpu.memory_space<hbm>>) target(%arg9 : memref<12800xf32, #tpu.memory_space<vmem>>) target_semaphore(%arg19 : memref<!tpu.dma_semaphore, #tpu.memory_space<semaphore_mem>>)
    %dma_wait3A_68 = arith.constant 38400 : i32
    %dma_wait3A_69 = tpu.memref_slice %arg3[%dma_wait3A_68] : memref<102400xf32, #tpu.memory_space<hbm>> -> memref<12800xf32, #tpu.memory_space<hbm>>
    %dma_wait3A_70 = arith.constant 38400 : i32
    %dma_wait3A_71 = tpu.memref_slice %arg3[%dma_wait3A_70] : memref<102400xf32, #tpu.memory_space<hbm>> -> memref<12800xf32, #tpu.memory_space<hbm>>
    tpu.wait_dma2 semaphore(%arg20 : memref<!tpu.dma_semaphore, #tpu.memory_space<semaphore_mem>>) src(%dma_wait3A_71 : memref<12800xf32, #tpu.memory_space<hbm>>) dst(%arg10 : memref<12800xf32, #tpu.memory_space<vmem>>)
    %scan3A_72 = arith.constant 0 : i32
    %scan3A_73 = arith.constant 32 : i32
    %scan3A_74 = arith.addi %scan3A_72, %scan3A_73 : i32
    %scan3A_75 = arith.constant 1 : i32
    scf.for %scan3A_415 = %scan3A_72 to %scan3A_74 step %scan3A_75  : i32 {
      %mul3A_416 = arith.constant 1 : i32
      %mul3A_417 = arith.muli %scan3A_415, %mul3A_416 : i32
      %add3A_418 = arith.constant 0 : i32
      %add3A_419 = arith.addi %add3A_418, %mul3A_417 : i32
      %mul3A_420 = arith.constant 64 : i32
      %mul3A_421 = arith.muli %add3A_419, %mul3A_420 : i32
      %add3A_422 = arith.constant 0 : i32
      %add3A_423 = arith.addi %mul3A_421, %add3A_422 : i32
      %get3A_424 = arith.index_cast %add3A_419 : i32 to index
      %get3A_425 = arith.constant 0 : index
      %get3A_426 = tpu.vector_load %arg7[%get3A_424, %get3A_425] {strides = array<i32>} : memref<32x64xi32, #tpu.memory_space<vmem>>, vector<16xi32>,
      %sub3A = arith.constant 38400 : i32
      %sub3A_427 = vector.broadcast %sub3A : i32 to vector<16xi32>
      %sub3A_428 = arith.subi %get3A_426, %sub3A_427 : vector<16xi32>
      %ge3A = arith.constant 0 : i32
      %ge3A_429 = vector.broadcast %ge3A : i32 to vector<16xi32>
      %ge3A_430 = arith.cmpi sge, %sub3A_428, %ge3A_429 : vector<16xi32>
      %lt3A_431 = arith.constant 12800 : i32
      %lt3A_432 = vector.broadcast %lt3A_431 : i32 to vector<16xi32>
      %lt3A_433 = arith.cmpi slt, %sub3A_428, %lt3A_432 : vector<16xi32>
      %and3A = arith.andi %ge3A_430, %lt3A_433 : vector<16xi1>
      %jit3A = arith.constant 0 : i32
      %jit3A_434 = arith.constant 12799 : i32
      %max3A = vector.broadcast %jit3A : i32 to vector<16xi32>
      %max3A_435 = arith.maxsi %max3A, %sub3A_428 : vector<16xi32>
      %min3A = vector.broadcast %jit3A_434 : i32 to vector<16xi32>
      %min3A_436 = arith.minsi %min3A, %max3A_435 : vector<16xi32>
      %gather3A = tpu.vector_load_idx %arg10[%min3A_436] : memref<12800xf32, #tpu.memory_space<vmem>>[vector<16xi32>], vector<16xf32>,
      %get3A_437 = arith.index_cast %add3A_423 : i32 to index
      %get3A_438 = tpu.vector_load %arg8[%get3A_437] {strides = array<i32>} : memref<2064xf32, #tpu.memory_space<vmem>>, vector<16xf32>,
      %select_n3A = arith.select %and3A, %gather3A, %get3A_438 : vector<16xi1>, vector<16xf32>
      %swap3A = arith.index_cast %add3A_423 : i32 to index
      %swap3A_439 = tpu.vector_load %arg8[%swap3A] {strides = array<i32>} : memref<2064xf32, #tpu.memory_space<vmem>>, vector<16xf32>,
      tpu.vector_store %arg8[%swap3A], %select_n3A {strides = array<i32>} : memref<2064xf32, #tpu.memory_space<vmem>>, vector<16xf32>,
      %mul3A_440 = arith.constant 64 : i32
      %mul3A_441 = arith.muli %add3A_419, %mul3A_440 : i32
      %add3A_442 = arith.constant 16 : i32
      %add3A_443 = arith.addi %mul3A_441, %add3A_442 : i32
      %get3A_444 = arith.index_cast %add3A_419 : i32 to index
      %get3A_445 = arith.constant 16 : index
      %get3A_446 = tpu.vector_load %arg7[%get3A_444, %get3A_445] {strides = array<i32>} : memref<32x64xi32, #tpu.memory_space<vmem>>, vector<16xi32>,
      %sub3A_447 = arith.constant 38400 : i32
      %sub3A_448 = vector.broadcast %sub3A_447 : i32 to vector<16xi32>
      %sub3A_449 = arith.subi %get3A_446, %sub3A_448 : vector<16xi32>
      %ge3A_450 = arith.constant 0 : i32
      %ge3A_451 = vector.broadcast %ge3A_450 : i32 to vector<16xi32>
      %ge3A_452 = arith.cmpi sge, %sub3A_449, %ge3A_451 : vector<16xi32>
      %lt3A_453 = arith.constant 12800 : i32
      %lt3A_454 = vector.broadcast %lt3A_453 : i32 to vector<16xi32>
      %lt3A_455 = arith.cmpi slt, %sub3A_449, %lt3A_454 : vector<16xi32>
      %and3A_456 = arith.andi %ge3A_452, %lt3A_455 : vector<16xi1>
      %jit3A_457 = arith.constant 0 : i32
      %jit3A_458 = arith.constant 12799 : i32
      %max3A_459 = vector.broadcast %jit3A_457 : i32 to vector<16xi32>
      %max3A_460 = arith.maxsi %max3A_459, %sub3A_449 : vector<16xi32>
      %min3A_461 = vector.broadcast %jit3A_458 : i32 to vector<16xi32>
      %min3A_462 = arith.minsi %min3A_461, %max3A_460 : vector<16xi32>
      %gather3A_463 = tpu.vector_load_idx %arg10[%min3A_462] : memref<12800xf32, #tpu.memory_space<vmem>>[vector<16xi32>], vector<16xf32>,
      %get3A_464 = arith.index_cast %add3A_443 : i32 to index
      %get3A_465 = tpu.vector_load %arg8[%get3A_464] {strides = array<i32>} : memref<2064xf32, #tpu.memory_space<vmem>>, vector<16xf32>,
      %select_n3A_466 = arith.select %and3A_456, %gather3A_463, %get3A_465 : vector<16xi1>, vector<16xf32>
      %swap3A_467 = arith.index_cast %add3A_443 : i32 to index
      %swap3A_468 = tpu.vector_load %arg8[%swap3A_467] {strides = array<i32>} : memref<2064xf32, #tpu.memory_space<vmem>>, vector<16xf32>,
      tpu.vector_store %arg8[%swap3A_467], %select_n3A_466 {strides = array<i32>} : memref<2064xf32, #tpu.memory_space<vmem>>, vector<16xf32>,
      %mul3A_469 = arith.constant 64 : i32
      %mul3A_470 = arith.muli %add3A_419, %mul3A_469 : i32
      %add3A_471 = arith.constant 32 : i32
      %add3A_472 = arith.addi %mul3A_470, %add3A_471 : i32
      %get3A_473 = arith.index_cast %add3A_419 : i32 to index
      %get3A_474 = arith.constant 32 : index
      %get3A_475 = tpu.vector_load %arg7[%get3A_473, %get3A_474] {strides = array<i32>} : memref<32x64xi32, #tpu.memory_space<vmem>>, vector<16xi32>,
      %sub3A_476 = arith.constant 38400 : i32
      %sub3A_477 = vector.broadcast %sub3A_476 : i32 to vector<16xi32>
      %sub3A_478 = arith.subi %get3A_475, %sub3A_477 : vector<16xi32>
      %ge3A_479 = arith.constant 0 : i32
      %ge3A_480 = vector.broadcast %ge3A_479 : i32 to vector<16xi32>
      %ge3A_481 = arith.cmpi sge, %sub3A_478, %ge3A_480 : vector<16xi32>
      %lt3A_482 = arith.constant 12800 : i32
      %lt3A_483 = vector.broadcast %lt3A_482 : i32 to vector<16xi32>
      %lt3A_484 = arith.cmpi slt, %sub3A_478, %lt3A_483 : vector<16xi32>
      %and3A_485 = arith.andi %ge3A_481, %lt3A_484 : vector<16xi1>
      %jit3A_486 = arith.constant 0 : i32
      %jit3A_487 = arith.constant 12799 : i32
      %max3A_488 = vector.broadcast %jit3A_486 : i32 to vector<16xi32>
      %max3A_489 = arith.maxsi %max3A_488, %sub3A_478 : vector<16xi32>
      %min3A_490 = vector.broadcast %jit3A_487 : i32 to vector<16xi32>
      %min3A_491 = arith.minsi %min3A_490, %max3A_489 : vector<16xi32>
      %gather3A_492 = tpu.vector_load_idx %arg10[%min3A_491] : memref<12800xf32, #tpu.memory_space<vmem>>[vector<16xi32>], vector<16xf32>,
      %get3A_493 = arith.index_cast %add3A_472 : i32 to index
      %get3A_494 = tpu.vector_load %arg8[%get3A_493] {strides = array<i32>} : memref<2064xf32, #tpu.memory_space<vmem>>, vector<16xf32>,
      %select_n3A_495 = arith.select %and3A_485, %gather3A_492, %get3A_494 : vector<16xi1>, vector<16xf32>
      %swap3A_496 = arith.index_cast %add3A_472 : i32 to index
      %swap3A_497 = tpu.vector_load %arg8[%swap3A_496] {strides = array<i32>} : memref<2064xf32, #tpu.memory_space<vmem>>, vector<16xf32>,
      tpu.vector_store %arg8[%swap3A_496], %select_n3A_495 {strides = array<i32>} : memref<2064xf32, #tpu.memory_space<vmem>>, vector<16xf32>,
      %mul3A_498 = arith.constant 64 : i32
      %mul3A_499 = arith.muli %add3A_419, %mul3A_498 : i32
      %add3A_500 = arith.constant 48 : i32
      %add3A_501 = arith.addi %mul3A_499, %add3A_500 : i32
      %get3A_502 = arith.index_cast %add3A_419 : i32 to index
      %get3A_503 = arith.constant 48 : index
      %get3A_504 = tpu.vector_load %arg7[%get3A_502, %get3A_503] {strides = array<i32>} : memref<32x64xi32, #tpu.memory_space<vmem>>, vector<16xi32>,
      %sub3A_505 = arith.constant 38400 : i32
      %sub3A_506 = vector.broadcast %sub3A_505 : i32 to vector<16xi32>
      %sub3A_507 = arith.subi %get3A_504, %sub3A_506 : vector<16xi32>
      %ge3A_508 = arith.constant 0 : i32
      %ge3A_509 = vector.broadcast %ge3A_508 : i32 to vector<16xi32>
      %ge3A_510 = arith.cmpi sge, %sub3A_507, %ge3A_509 : vector<16xi32>
      %lt3A_511 = arith.constant 12800 : i32
      %lt3A_512 = vector.broadcast %lt3A_511 : i32 to vector<16xi32>
      %lt3A_513 = arith.cmpi slt, %sub3A_507, %lt3A_512 : vector<16xi32>
      %and3A_514 = arith.andi %ge3A_510, %lt3A_513 : vector<16xi1>
      %jit3A_515 = arith.constant 0 : i32
      %jit3A_516 = arith.constant 12799 : i32
      %max3A_517 = vector.broadcast %jit3A_515 : i32 to vector<16xi32>
      %max3A_518 = arith.maxsi %max3A_517, %sub3A_507 : vector<16xi32>
      %min3A_519 = vector.broadcast %jit3A_516 : i32 to vector<16xi32>
      %min3A_520 = arith.minsi %min3A_519, %max3A_518 : vector<16xi32>
      %gather3A_521 = tpu.vector_load_idx %arg10[%min3A_520] : memref<12800xf32, #tpu.memory_space<vmem>>[vector<16xi32>], vector<16xf32>,
      %get3A_522 = arith.index_cast %add3A_501 : i32 to index
      %get3A_523 = tpu.vector_load %arg8[%get3A_522] {strides = array<i32>} : memref<2064xf32, #tpu.memory_space<vmem>>, vector<16xf32>,
      %select_n3A_524 = arith.select %and3A_514, %gather3A_521, %get3A_523 : vector<16xi1>, vector<16xf32>
      %swap3A_525 = arith.index_cast %add3A_501 : i32 to index
      %swap3A_526 = tpu.vector_load %arg8[%swap3A_525] {strides = array<i32>} : memref<2064xf32, #tpu.memory_space<vmem>>, vector<16xf32>,
      tpu.vector_store %arg8[%swap3A_525], %select_n3A_524 {strides = array<i32>} : memref<2064xf32, #tpu.memory_space<vmem>>, vector<16xf32>,
    }
    %scan3A_76 = arith.constant 32 : i32
    %dma_start3A_77 = arith.constant 64000 : i32
    %dma_start3A_78 = tpu.memref_slice %arg3[%dma_start3A_77] : memref<102400xf32, #tpu.memory_space<hbm>> -> memref<12800xf32, #tpu.memory_space<hbm>>
    %dma_start3A_79 = arith.constant 64000 : i32
    %dma_start3A_80 = tpu.memref_slice %arg3[%dma_start3A_79] : memref<102400xf32, #tpu.memory_space<hbm>> -> memref<12800xf32, #tpu.memory_space<hbm>>
    tpu.enqueue_dma source(%dma_start3A_80 : memref<12800xf32, #tpu.memory_space<hbm>>) target(%arg10 : memref<12800xf32, #tpu.memory_space<vmem>>) target_semaphore(%arg20 : memref<!tpu.dma_semaphore, #tpu.memory_space<semaphore_mem>>)
    %dma_wait3A_81 = arith.constant 51200 : i32
    %dma_wait3A_82 = tpu.memref_slice %arg3[%dma_wait3A_81] : memref<102400xf32, #tpu.memory_space<hbm>> -> memref<12800xf32, #tpu.memory_space<hbm>>
    %dma_wait3A_83 = arith.constant 51200 : i32
    %dma_wait3A_84 = tpu.memref_slice %arg3[%dma_wait3A_83] : memref<102400xf32, #tpu.memory_space<hbm>> -> memref<12800xf32, #tpu.memory_space<hbm>>
    tpu.wait_dma2 semaphore(%arg19 : memref<!tpu.dma_semaphore, #tpu.memory_space<semaphore_mem>>) src(%dma_wait3A_84 : memref<12800xf32, #tpu.memory_space<hbm>>) dst(%arg9 : memref<12800xf32, #tpu.memory_space<vmem>>)
    %scan3A_85 = arith.constant 0 : i32
    %scan3A_86 = arith.constant 32 : i32
    %scan3A_87 = arith.addi %scan3A_85, %scan3A_86 : i32
    %scan3A_88 = arith.constant 1 : i32
    scf.for %scan3A_415 = %scan3A_85 to %scan3A_87 step %scan3A_88  : i32 {
      %mul3A_416 = arith.constant 1 : i32
      %mul3A_417 = arith.muli %scan3A_415, %mul3A_416 : i32
      %add3A_418 = arith.constant 0 : i32
      %add3A_419 = arith.addi %add3A_418, %mul3A_417 : i32
      %mul3A_420 = arith.constant 64 : i32
      %mul3A_421 = arith.muli %add3A_419, %mul3A_420 : i32
      %add3A_422 = arith.constant 0 : i32
      %add3A_423 = arith.addi %mul3A_421, %add3A_422 : i32
      %get3A_424 = arith.index_cast %add3A_419 : i32 to index
      %get3A_425 = arith.constant 0 : index
      %get3A_426 = tpu.vector_load %arg7[%get3A_424, %get3A_425] {strides = array<i32>} : memref<32x64xi32, #tpu.memory_space<vmem>>, vector<16xi32>,
      %sub3A = arith.constant 51200 : i32
      %sub3A_427 = vector.broadcast %sub3A : i32 to vector<16xi32>
      %sub3A_428 = arith.subi %get3A_426, %sub3A_427 : vector<16xi32>
      %ge3A = arith.constant 0 : i32
      %ge3A_429 = vector.broadcast %ge3A : i32 to vector<16xi32>
      %ge3A_430 = arith.cmpi sge, %sub3A_428, %ge3A_429 : vector<16xi32>
      %lt3A_431 = arith.constant 12800 : i32
      %lt3A_432 = vector.broadcast %lt3A_431 : i32 to vector<16xi32>
      %lt3A_433 = arith.cmpi slt, %sub3A_428, %lt3A_432 : vector<16xi32>
      %and3A = arith.andi %ge3A_430, %lt3A_433 : vector<16xi1>
      %jit3A = arith.constant 0 : i32
      %jit3A_434 = arith.constant 12799 : i32
      %max3A = vector.broadcast %jit3A : i32 to vector<16xi32>
      %max3A_435 = arith.maxsi %max3A, %sub3A_428 : vector<16xi32>
      %min3A = vector.broadcast %jit3A_434 : i32 to vector<16xi32>
      %min3A_436 = arith.minsi %min3A, %max3A_435 : vector<16xi32>
      %gather3A = tpu.vector_load_idx %arg9[%min3A_436] : memref<12800xf32, #tpu.memory_space<vmem>>[vector<16xi32>], vector<16xf32>,
      %get3A_437 = arith.index_cast %add3A_423 : i32 to index
      %get3A_438 = tpu.vector_load %arg8[%get3A_437] {strides = array<i32>} : memref<2064xf32, #tpu.memory_space<vmem>>, vector<16xf32>,
      %select_n3A = arith.select %and3A, %gather3A, %get3A_438 : vector<16xi1>, vector<16xf32>
      %swap3A = arith.index_cast %add3A_423 : i32 to index
      %swap3A_439 = tpu.vector_load %arg8[%swap3A] {strides = array<i32>} : memref<2064xf32, #tpu.memory_space<vmem>>, vector<16xf32>,
      tpu.vector_store %arg8[%swap3A], %select_n3A {strides = array<i32>} : memref<2064xf32, #tpu.memory_space<vmem>>, vector<16xf32>,
      %mul3A_440 = arith.constant 64 : i32
      %mul3A_441 = arith.muli %add3A_419, %mul3A_440 : i32
      %add3A_442 = arith.constant 16 : i32
      %add3A_443 = arith.addi %mul3A_441, %add3A_442 : i32
      %get3A_444 = arith.index_cast %add3A_419 : i32 to index
      %get3A_445 = arith.constant 16 : index
      %get3A_446 = tpu.vector_load %arg7[%get3A_444, %get3A_445] {strides = array<i32>} : memref<32x64xi32, #tpu.memory_space<vmem>>, vector<16xi32>,
      %sub3A_447 = arith.constant 51200 : i32
      %sub3A_448 = vector.broadcast %sub3A_447 : i32 to vector<16xi32>
      %sub3A_449 = arith.subi %get3A_446, %sub3A_448 : vector<16xi32>
      %ge3A_450 = arith.constant 0 : i32
      %ge3A_451 = vector.broadcast %ge3A_450 : i32 to vector<16xi32>
      %ge3A_452 = arith.cmpi sge, %sub3A_449, %ge3A_451 : vector<16xi32>
      %lt3A_453 = arith.constant 12800 : i32
      %lt3A_454 = vector.broadcast %lt3A_453 : i32 to vector<16xi32>
      %lt3A_455 = arith.cmpi slt, %sub3A_449, %lt3A_454 : vector<16xi32>
      %and3A_456 = arith.andi %ge3A_452, %lt3A_455 : vector<16xi1>
      %jit3A_457 = arith.constant 0 : i32
      %jit3A_458 = arith.constant 12799 : i32
      %max3A_459 = vector.broadcast %jit3A_457 : i32 to vector<16xi32>
      %max3A_460 = arith.maxsi %max3A_459, %sub3A_449 : vector<16xi32>
      %min3A_461 = vector.broadcast %jit3A_458 : i32 to vector<16xi32>
      %min3A_462 = arith.minsi %min3A_461, %max3A_460 : vector<16xi32>
      %gather3A_463 = tpu.vector_load_idx %arg9[%min3A_462] : memref<12800xf32, #tpu.memory_space<vmem>>[vector<16xi32>], vector<16xf32>,
      %get3A_464 = arith.index_cast %add3A_443 : i32 to index
      %get3A_465 = tpu.vector_load %arg8[%get3A_464] {strides = array<i32>} : memref<2064xf32, #tpu.memory_space<vmem>>, vector<16xf32>,
      %select_n3A_466 = arith.select %and3A_456, %gather3A_463, %get3A_465 : vector<16xi1>, vector<16xf32>
      %swap3A_467 = arith.index_cast %add3A_443 : i32 to index
      %swap3A_468 = tpu.vector_load %arg8[%swap3A_467] {strides = array<i32>} : memref<2064xf32, #tpu.memory_space<vmem>>, vector<16xf32>,
      tpu.vector_store %arg8[%swap3A_467], %select_n3A_466 {strides = array<i32>} : memref<2064xf32, #tpu.memory_space<vmem>>, vector<16xf32>,
      %mul3A_469 = arith.constant 64 : i32
      %mul3A_470 = arith.muli %add3A_419, %mul3A_469 : i32
      %add3A_471 = arith.constant 32 : i32
      %add3A_472 = arith.addi %mul3A_470, %add3A_471 : i32
      %get3A_473 = arith.index_cast %add3A_419 : i32 to index
      %get3A_474 = arith.constant 32 : index
      %get3A_475 = tpu.vector_load %arg7[%get3A_473, %get3A_474] {strides = array<i32>} : memref<32x64xi32, #tpu.memory_space<vmem>>, vector<16xi32>,
      %sub3A_476 = arith.constant 51200 : i32
      %sub3A_477 = vector.broadcast %sub3A_476 : i32 to vector<16xi32>
      %sub3A_478 = arith.subi %get3A_475, %sub3A_477 : vector<16xi32>
      %ge3A_479 = arith.constant 0 : i32
      %ge3A_480 = vector.broadcast %ge3A_479 : i32 to vector<16xi32>
      %ge3A_481 = arith.cmpi sge, %sub3A_478, %ge3A_480 : vector<16xi32>
      %lt3A_482 = arith.constant 12800 : i32
      %lt3A_483 = vector.broadcast %lt3A_482 : i32 to vector<16xi32>
      %lt3A_484 = arith.cmpi slt, %sub3A_478, %lt3A_483 : vector<16xi32>
      %and3A_485 = arith.andi %ge3A_481, %lt3A_484 : vector<16xi1>
      %jit3A_486 = arith.constant 0 : i32
      %jit3A_487 = arith.constant 12799 : i32
      %max3A_488 = vector.broadcast %jit3A_486 : i32 to vector<16xi32>
      %max3A_489 = arith.maxsi %max3A_488, %sub3A_478 : vector<16xi32>
      %min3A_490 = vector.broadcast %jit3A_487 : i32 to vector<16xi32>
      %min3A_491 = arith.minsi %min3A_490, %max3A_489 : vector<16xi32>
      %gather3A_492 = tpu.vector_load_idx %arg9[%min3A_491] : memref<12800xf32, #tpu.memory_space<vmem>>[vector<16xi32>], vector<16xf32>,
      %get3A_493 = arith.index_cast %add3A_472 : i32 to index
      %get3A_494 = tpu.vector_load %arg8[%get3A_493] {strides = array<i32>} : memref<2064xf32, #tpu.memory_space<vmem>>, vector<16xf32>,
      %select_n3A_495 = arith.select %and3A_485, %gather3A_492, %get3A_494 : vector<16xi1>, vector<16xf32>
      %swap3A_496 = arith.index_cast %add3A_472 : i32 to index
      %swap3A_497 = tpu.vector_load %arg8[%swap3A_496] {strides = array<i32>} : memref<2064xf32, #tpu.memory_space<vmem>>, vector<16xf32>,
      tpu.vector_store %arg8[%swap3A_496], %select_n3A_495 {strides = array<i32>} : memref<2064xf32, #tpu.memory_space<vmem>>, vector<16xf32>,
      %mul3A_498 = arith.constant 64 : i32
      %mul3A_499 = arith.muli %add3A_419, %mul3A_498 : i32
      %add3A_500 = arith.constant 48 : i32
      %add3A_501 = arith.addi %mul3A_499, %add3A_500 : i32
      %get3A_502 = arith.index_cast %add3A_419 : i32 to index
      %get3A_503 = arith.constant 48 : index
      %get3A_504 = tpu.vector_load %arg7[%get3A_502, %get3A_503] {strides = array<i32>} : memref<32x64xi32, #tpu.memory_space<vmem>>, vector<16xi32>,
      %sub3A_505 = arith.constant 51200 : i32
      %sub3A_506 = vector.broadcast %sub3A_505 : i32 to vector<16xi32>
      %sub3A_507 = arith.subi %get3A_504, %sub3A_506 : vector<16xi32>
      %ge3A_508 = arith.constant 0 : i32
      %ge3A_509 = vector.broadcast %ge3A_508 : i32 to vector<16xi32>
      %ge3A_510 = arith.cmpi sge, %sub3A_507, %ge3A_509 : vector<16xi32>
      %lt3A_511 = arith.constant 12800 : i32
      %lt3A_512 = vector.broadcast %lt3A_511 : i32 to vector<16xi32>
      %lt3A_513 = arith.cmpi slt, %sub3A_507, %lt3A_512 : vector<16xi32>
      %and3A_514 = arith.andi %ge3A_510, %lt3A_513 : vector<16xi1>
      %jit3A_515 = arith.constant 0 : i32
      %jit3A_516 = arith.constant 12799 : i32
      %max3A_517 = vector.broadcast %jit3A_515 : i32 to vector<16xi32>
      %max3A_518 = arith.maxsi %max3A_517, %sub3A_507 : vector<16xi32>
      %min3A_519 = vector.broadcast %jit3A_516 : i32 to vector<16xi32>
      %min3A_520 = arith.minsi %min3A_519, %max3A_518 : vector<16xi32>
      %gather3A_521 = tpu.vector_load_idx %arg9[%min3A_520] : memref<12800xf32, #tpu.memory_space<vmem>>[vector<16xi32>], vector<16xf32>,
      %get3A_522 = arith.index_cast %add3A_501 : i32 to index
      %get3A_523 = tpu.vector_load %arg8[%get3A_522] {strides = array<i32>} : memref<2064xf32, #tpu.memory_space<vmem>>, vector<16xf32>,
      %select_n3A_524 = arith.select %and3A_514, %gather3A_521, %get3A_523 : vector<16xi1>, vector<16xf32>
      %swap3A_525 = arith.index_cast %add3A_501 : i32 to index
      %swap3A_526 = tpu.vector_load %arg8[%swap3A_525] {strides = array<i32>} : memref<2064xf32, #tpu.memory_space<vmem>>, vector<16xf32>,
      tpu.vector_store %arg8[%swap3A_525], %select_n3A_524 {strides = array<i32>} : memref<2064xf32, #tpu.memory_space<vmem>>, vector<16xf32>,
    }
    %scan3A_89 = arith.constant 32 : i32
    %dma_start3A_90 = arith.constant 76800 : i32
    %dma_start3A_91 = tpu.memref_slice %arg3[%dma_start3A_90] : memref<102400xf32, #tpu.memory_space<hbm>> -> memref<12800xf32, #tpu.memory_space<hbm>>
    %dma_start3A_92 = arith.constant 76800 : i32
    %dma_start3A_93 = tpu.memref_slice %arg3[%dma_start3A_92] : memref<102400xf32, #tpu.memory_space<hbm>> -> memref<12800xf32, #tpu.memory_space<hbm>>
    tpu.enqueue_dma source(%dma_start3A_93 : memref<12800xf32, #tpu.memory_space<hbm>>) target(%arg9 : memref<12800xf32, #tpu.memory_space<vmem>>) target_semaphore(%arg19 : memref<!tpu.dma_semaphore, #tpu.memory_space<semaphore_mem>>)
    %dma_wait3A_94 = arith.constant 64000 : i32
    %dma_wait3A_95 = tpu.memref_slice %arg3[%dma_wait3A_94] : memref<102400xf32, #tpu.memory_space<hbm>> -> memref<12800xf32, #tpu.memory_space<hbm>>
    %dma_wait3A_96 = arith.constant 64000 : i32
    %dma_wait3A_97 = tpu.memref_slice %arg3[%dma_wait3A_96] : memref<102400xf32, #tpu.memory_space<hbm>> -> memref<12800xf32, #tpu.memory_space<hbm>>
    tpu.wait_dma2 semaphore(%arg20 : memref<!tpu.dma_semaphore, #tpu.memory_space<semaphore_mem>>) src(%dma_wait3A_97 : memref<12800xf32, #tpu.memory_space<hbm>>) dst(%arg10 : memref<12800xf32, #tpu.memory_space<vmem>>)
    %scan3A_98 = arith.constant 0 : i32
    %scan3A_99 = arith.constant 32 : i32
    %scan3A_100 = arith.addi %scan3A_98, %scan3A_99 : i32
    %scan3A_101 = arith.constant 1 : i32
    scf.for %scan3A_415 = %scan3A_98 to %scan3A_100 step %scan3A_101  : i32 {
      %mul3A_416 = arith.constant 1 : i32
      %mul3A_417 = arith.muli %scan3A_415, %mul3A_416 : i32
      %add3A_418 = arith.constant 0 : i32
      %add3A_419 = arith.addi %add3A_418, %mul3A_417 : i32
      %mul3A_420 = arith.constant 64 : i32
      %mul3A_421 = arith.muli %add3A_419, %mul3A_420 : i32
      %add3A_422 = arith.constant 0 : i32
      %add3A_423 = arith.addi %mul3A_421, %add3A_422 : i32
      %get3A_424 = arith.index_cast %add3A_419 : i32 to index
      %get3A_425 = arith.constant 0 : index
      %get3A_426 = tpu.vector_load %arg7[%get3A_424, %get3A_425] {strides = array<i32>} : memref<32x64xi32, #tpu.memory_space<vmem>>, vector<16xi32>,
      %sub3A = arith.constant 64000 : i32
      %sub3A_427 = vector.broadcast %sub3A : i32 to vector<16xi32>
      %sub3A_428 = arith.subi %get3A_426, %sub3A_427 : vector<16xi32>
      %ge3A = arith.constant 0 : i32
      %ge3A_429 = vector.broadcast %ge3A : i32 to vector<16xi32>
      %ge3A_430 = arith.cmpi sge, %sub3A_428, %ge3A_429 : vector<16xi32>
      %lt3A_431 = arith.constant 12800 : i32
      %lt3A_432 = vector.broadcast %lt3A_431 : i32 to vector<16xi32>
      %lt3A_433 = arith.cmpi slt, %sub3A_428, %lt3A_432 : vector<16xi32>
      %and3A = arith.andi %ge3A_430, %lt3A_433 : vector<16xi1>
      %jit3A = arith.constant 0 : i32
      %jit3A_434 = arith.constant 12799 : i32
      %max3A = vector.broadcast %jit3A : i32 to vector<16xi32>
      %max3A_435 = arith.maxsi %max3A, %sub3A_428 : vector<16xi32>
      %min3A = vector.broadcast %jit3A_434 : i32 to vector<16xi32>
      %min3A_436 = arith.minsi %min3A, %max3A_435 : vector<16xi32>
      %gather3A = tpu.vector_load_idx %arg10[%min3A_436] : memref<12800xf32, #tpu.memory_space<vmem>>[vector<16xi32>], vector<16xf32>,
      %get3A_437 = arith.index_cast %add3A_423 : i32 to index
      %get3A_438 = tpu.vector_load %arg8[%get3A_437] {strides = array<i32>} : memref<2064xf32, #tpu.memory_space<vmem>>, vector<16xf32>,
      %select_n3A = arith.select %and3A, %gather3A, %get3A_438 : vector<16xi1>, vector<16xf32>
      %swap3A = arith.index_cast %add3A_423 : i32 to index
      %swap3A_439 = tpu.vector_load %arg8[%swap3A] {strides = array<i32>} : memref<2064xf32, #tpu.memory_space<vmem>>, vector<16xf32>,
      tpu.vector_store %arg8[%swap3A], %select_n3A {strides = array<i32>} : memref<2064xf32, #tpu.memory_space<vmem>>, vector<16xf32>,
      %mul3A_440 = arith.constant 64 : i32
      %mul3A_441 = arith.muli %add3A_419, %mul3A_440 : i32
      %add3A_442 = arith.constant 16 : i32
      %add3A_443 = arith.addi %mul3A_441, %add3A_442 : i32
      %get3A_444 = arith.index_cast %add3A_419 : i32 to index
      %get3A_445 = arith.constant 16 : index
      %get3A_446 = tpu.vector_load %arg7[%get3A_444, %get3A_445] {strides = array<i32>} : memref<32x64xi32, #tpu.memory_space<vmem>>, vector<16xi32>,
      %sub3A_447 = arith.constant 64000 : i32
      %sub3A_448 = vector.broadcast %sub3A_447 : i32 to vector<16xi32>
      %sub3A_449 = arith.subi %get3A_446, %sub3A_448 : vector<16xi32>
      %ge3A_450 = arith.constant 0 : i32
      %ge3A_451 = vector.broadcast %ge3A_450 : i32 to vector<16xi32>
      %ge3A_452 = arith.cmpi sge, %sub3A_449, %ge3A_451 : vector<16xi32>
      %lt3A_453 = arith.constant 12800 : i32
      %lt3A_454 = vector.broadcast %lt3A_453 : i32 to vector<16xi32>
      %lt3A_455 = arith.cmpi slt, %sub3A_449, %lt3A_454 : vector<16xi32>
      %and3A_456 = arith.andi %ge3A_452, %lt3A_455 : vector<16xi1>
      %jit3A_457 = arith.constant 0 : i32
      %jit3A_458 = arith.constant 12799 : i32
      %max3A_459 = vector.broadcast %jit3A_457 : i32 to vector<16xi32>
      %max3A_460 = arith.maxsi %max3A_459, %sub3A_449 : vector<16xi32>
      %min3A_461 = vector.broadcast %jit3A_458 : i32 to vector<16xi32>
      %min3A_462 = arith.minsi %min3A_461, %max3A_460 : vector<16xi32>
      %gather3A_463 = tpu.vector_load_idx %arg10[%min3A_462] : memref<12800xf32, #tpu.memory_space<vmem>>[vector<16xi32>], vector<16xf32>,
      %get3A_464 = arith.index_cast %add3A_443 : i32 to index
      %get3A_465 = tpu.vector_load %arg8[%get3A_464] {strides = array<i32>} : memref<2064xf32, #tpu.memory_space<vmem>>, vector<16xf32>,
      %select_n3A_466 = arith.select %and3A_456, %gather3A_463, %get3A_465 : vector<16xi1>, vector<16xf32>
      %swap3A_467 = arith.index_cast %add3A_443 : i32 to index
      %swap3A_468 = tpu.vector_load %arg8[%swap3A_467] {strides = array<i32>} : memref<2064xf32, #tpu.memory_space<vmem>>, vector<16xf32>,
      tpu.vector_store %arg8[%swap3A_467], %select_n3A_466 {strides = array<i32>} : memref<2064xf32, #tpu.memory_space<vmem>>, vector<16xf32>,
      %mul3A_469 = arith.constant 64 : i32
      %mul3A_470 = arith.muli %add3A_419, %mul3A_469 : i32
      %add3A_471 = arith.constant 32 : i32
      %add3A_472 = arith.addi %mul3A_470, %add3A_471 : i32
      %get3A_473 = arith.index_cast %add3A_419 : i32 to index
      %get3A_474 = arith.constant 32 : index
      %get3A_475 = tpu.vector_load %arg7[%get3A_473, %get3A_474] {strides = array<i32>} : memref<32x64xi32, #tpu.memory_space<vmem>>, vector<16xi32>,
      %sub3A_476 = arith.constant 64000 : i32
      %sub3A_477 = vector.broadcast %sub3A_476 : i32 to vector<16xi32>
      %sub3A_478 = arith.subi %get3A_475, %sub3A_477 : vector<16xi32>
      %ge3A_479 = arith.constant 0 : i32
      %ge3A_480 = vector.broadcast %ge3A_479 : i32 to vector<16xi32>
      %ge3A_481 = arith.cmpi sge, %sub3A_478, %ge3A_480 : vector<16xi32>
      %lt3A_482 = arith.constant 12800 : i32
      %lt3A_483 = vector.broadcast %lt3A_482 : i32 to vector<16xi32>
      %lt3A_484 = arith.cmpi slt, %sub3A_478, %lt3A_483 : vector<16xi32>
      %and3A_485 = arith.andi %ge3A_481, %lt3A_484 : vector<16xi1>
      %jit3A_486 = arith.constant 0 : i32
      %jit3A_487 = arith.constant 12799 : i32
      %max3A_488 = vector.broadcast %jit3A_486 : i32 to vector<16xi32>
      %max3A_489 = arith.maxsi %max3A_488, %sub3A_478 : vector<16xi32>
      %min3A_490 = vector.broadcast %jit3A_487 : i32 to vector<16xi32>
      %min3A_491 = arith.minsi %min3A_490, %max3A_489 : vector<16xi32>
      %gather3A_492 = tpu.vector_load_idx %arg10[%min3A_491] : memref<12800xf32, #tpu.memory_space<vmem>>[vector<16xi32>], vector<16xf32>,
      %get3A_493 = arith.index_cast %add3A_472 : i32 to index
      %get3A_494 = tpu.vector_load %arg8[%get3A_493] {strides = array<i32>} : memref<2064xf32, #tpu.memory_space<vmem>>, vector<16xf32>,
      %select_n3A_495 = arith.select %and3A_485, %gather3A_492, %get3A_494 : vector<16xi1>, vector<16xf32>
      %swap3A_496 = arith.index_cast %add3A_472 : i32 to index
      %swap3A_497 = tpu.vector_load %arg8[%swap3A_496] {strides = array<i32>} : memref<2064xf32, #tpu.memory_space<vmem>>, vector<16xf32>,
      tpu.vector_store %arg8[%swap3A_496], %select_n3A_495 {strides = array<i32>} : memref<2064xf32, #tpu.memory_space<vmem>>, vector<16xf32>,
      %mul3A_498 = arith.constant 64 : i32
      %mul3A_499 = arith.muli %add3A_419, %mul3A_498 : i32
      %add3A_500 = arith.constant 48 : i32
      %add3A_501 = arith.addi %mul3A_499, %add3A_500 : i32
      %get3A_502 = arith.index_cast %add3A_419 : i32 to index
      %get3A_503 = arith.constant 48 : index
      %get3A_504 = tpu.vector_load %arg7[%get3A_502, %get3A_503] {strides = array<i32>} : memref<32x64xi32, #tpu.memory_space<vmem>>, vector<16xi32>,
      %sub3A_505 = arith.constant 64000 : i32
      %sub3A_506 = vector.broadcast %sub3A_505 : i32 to vector<16xi32>
      %sub3A_507 = arith.subi %get3A_504, %sub3A_506 : vector<16xi32>
      %ge3A_508 = arith.constant 0 : i32
      %ge3A_509 = vector.broadcast %ge3A_508 : i32 to vector<16xi32>
      %ge3A_510 = arith.cmpi sge, %sub3A_507, %ge3A_509 : vector<16xi32>
      %lt3A_511 = arith.constant 12800 : i32
      %lt3A_512 = vector.broadcast %lt3A_511 : i32 to vector<16xi32>
      %lt3A_513 = arith.cmpi slt, %sub3A_507, %lt3A_512 : vector<16xi32>
      %and3A_514 = arith.andi %ge3A_510, %lt3A_513 : vector<16xi1>
      %jit3A_515 = arith.constant 0 : i32
      %jit3A_516 = arith.constant 12799 : i32
      %max3A_517 = vector.broadcast %jit3A_515 : i32 to vector<16xi32>
      %max3A_518 = arith.maxsi %max3A_517, %sub3A_507 : vector<16xi32>
      %min3A_519 = vector.broadcast %jit3A_516 : i32 to vector<16xi32>
      %min3A_520 = arith.minsi %min3A_519, %max3A_518 : vector<16xi32>
      %gather3A_521 = tpu.vector_load_idx %arg10[%min3A_520] : memref<12800xf32, #tpu.memory_space<vmem>>[vector<16xi32>], vector<16xf32>,
      %get3A_522 = arith.index_cast %add3A_501 : i32 to index
      %get3A_523 = tpu.vector_load %arg8[%get3A_522] {strides = array<i32>} : memref<2064xf32, #tpu.memory_space<vmem>>, vector<16xf32>,
      %select_n3A_524 = arith.select %and3A_514, %gather3A_521, %get3A_523 : vector<16xi1>, vector<16xf32>
      %swap3A_525 = arith.index_cast %add3A_501 : i32 to index
      %swap3A_526 = tpu.vector_load %arg8[%swap3A_525] {strides = array<i32>} : memref<2064xf32, #tpu.memory_space<vmem>>, vector<16xf32>,
      tpu.vector_store %arg8[%swap3A_525], %select_n3A_524 {strides = array<i32>} : memref<2064xf32, #tpu.memory_space<vmem>>, vector<16xf32>,
    }
    %scan3A_102 = arith.constant 32 : i32
    %dma_start3A_103 = arith.constant 89600 : i32
    %dma_start3A_104 = tpu.memref_slice %arg3[%dma_start3A_103] : memref<102400xf32, #tpu.memory_space<hbm>> -> memref<12800xf32, #tpu.memory_space<hbm>>
    %dma_start3A_105 = arith.constant 89600 : i32
    %dma_start3A_106 = tpu.memref_slice %arg3[%dma_start3A_105] : memref<102400xf32, #tpu.memory_space<hbm>> -> memref<12800xf32, #tpu.memory_space<hbm>>
    tpu.enqueue_dma source(%dma_start3A_106 : memref<12800xf32, #tpu.memory_space<hbm>>) target(%arg10 : memref<12800xf32, #tpu.memory_space<vmem>>) target_semaphore(%arg20 : memref<!tpu.dma_semaphore, #tpu.memory_space<semaphore_mem>>)
    %dma_wait3A_107 = arith.constant 76800 : i32
    %dma_wait3A_108 = tpu.memref_slice %arg3[%dma_wait3A_107] : memref<102400xf32, #tpu.memory_space<hbm>> -> memref<12800xf32, #tpu.memory_space<hbm>>
    %dma_wait3A_109 = arith.constant 76800 : i32
    %dma_wait3A_110 = tpu.memref_slice %arg3[%dma_wait3A_109] : memref<102400xf32, #tpu.memory_space<hbm>> -> memref<12800xf32, #tpu.memory_space<hbm>>
    tpu.wait_dma2 semaphore(%arg19 : memref<!tpu.dma_semaphore, #tpu.memory_space<semaphore_mem>>) src(%dma_wait3A_110 : memref<12800xf32, #tpu.memory_space<hbm>>) dst(%arg9 : memref<12800xf32, #tpu.memory_space<vmem>>)
    %scan3A_111 = arith.constant 0 : i32
    %scan3A_112 = arith.constant 32 : i32
    %scan3A_113 = arith.addi %scan3A_111, %scan3A_112 : i32
    %scan3A_114 = arith.constant 1 : i32
    scf.for %scan3A_415 = %scan3A_111 to %scan3A_113 step %scan3A_114  : i32 {
      %mul3A_416 = arith.constant 1 : i32
      %mul3A_417 = arith.muli %scan3A_415, %mul3A_416 : i32
      %add3A_418 = arith.constant 0 : i32
      %add3A_419 = arith.addi %add3A_418, %mul3A_417 : i32
      %mul3A_420 = arith.constant 64 : i32
      %mul3A_421 = arith.muli %add3A_419, %mul3A_420 : i32
      %add3A_422 = arith.constant 0 : i32
      %add3A_423 = arith.addi %mul3A_421, %add3A_422 : i32
      %get3A_424 = arith.index_cast %add3A_419 : i32 to index
      %get3A_425 = arith.constant 0 : index
      %get3A_426 = tpu.vector_load %arg7[%get3A_424, %get3A_425] {strides = array<i32>} : memref<32x64xi32, #tpu.memory_space<vmem>>, vector<16xi32>,
      %sub3A = arith.constant 76800 : i32
      %sub3A_427 = vector.broadcast %sub3A : i32 to vector<16xi32>
      %sub3A_428 = arith.subi %get3A_426, %sub3A_427 : vector<16xi32>
      %ge3A = arith.constant 0 : i32
      %ge3A_429 = vector.broadcast %ge3A : i32 to vector<16xi32>
      %ge3A_430 = arith.cmpi sge, %sub3A_428, %ge3A_429 : vector<16xi32>
      %lt3A_431 = arith.constant 12800 : i32
      %lt3A_432 = vector.broadcast %lt3A_431 : i32 to vector<16xi32>
      %lt3A_433 = arith.cmpi slt, %sub3A_428, %lt3A_432 : vector<16xi32>
      %and3A = arith.andi %ge3A_430, %lt3A_433 : vector<16xi1>
      %jit3A = arith.constant 0 : i32
      %jit3A_434 = arith.constant 12799 : i32
      %max3A = vector.broadcast %jit3A : i32 to vector<16xi32>
      %max3A_435 = arith.maxsi %max3A, %sub3A_428 : vector<16xi32>
      %min3A = vector.broadcast %jit3A_434 : i32 to vector<16xi32>
      %min3A_436 = arith.minsi %min3A, %max3A_435 : vector<16xi32>
      %gather3A = tpu.vector_load_idx %arg9[%min3A_436] : memref<12800xf32, #tpu.memory_space<vmem>>[vector<16xi32>], vector<16xf32>,
      %get3A_437 = arith.index_cast %add3A_423 : i32 to index
      %get3A_438 = tpu.vector_load %arg8[%get3A_437] {strides = array<i32>} : memref<2064xf32, #tpu.memory_space<vmem>>, vector<16xf32>,
      %select_n3A = arith.select %and3A, %gather3A, %get3A_438 : vector<16xi1>, vector<16xf32>
      %swap3A = arith.index_cast %add3A_423 : i32 to index
      %swap3A_439 = tpu.vector_load %arg8[%swap3A] {strides = array<i32>} : memref<2064xf32, #tpu.memory_space<vmem>>, vector<16xf32>,
      tpu.vector_store %arg8[%swap3A], %select_n3A {strides = array<i32>} : memref<2064xf32, #tpu.memory_space<vmem>>, vector<16xf32>,
      %mul3A_440 = arith.constant 64 : i32
      %mul3A_441 = arith.muli %add3A_419, %mul3A_440 : i32
      %add3A_442 = arith.constant 16 : i32
      %add3A_443 = arith.addi %mul3A_441, %add3A_442 : i32
      %get3A_444 = arith.index_cast %add3A_419 : i32 to index
      %get3A_445 = arith.constant 16 : index
      %get3A_446 = tpu.vector_load %arg7[%get3A_444, %get3A_445] {strides = array<i32>} : memref<32x64xi32, #tpu.memory_space<vmem>>, vector<16xi32>,
      %sub3A_447 = arith.constant 76800 : i32
      %sub3A_448 = vector.broadcast %sub3A_447 : i32 to vector<16xi32>
      %sub3A_449 = arith.subi %get3A_446, %sub3A_448 : vector<16xi32>
      %ge3A_450 = arith.constant 0 : i32
      %ge3A_451 = vector.broadcast %ge3A_450 : i32 to vector<16xi32>
      %ge3A_452 = arith.cmpi sge, %sub3A_449, %ge3A_451 : vector<16xi32>
      %lt3A_453 = arith.constant 12800 : i32
      %lt3A_454 = vector.broadcast %lt3A_453 : i32 to vector<16xi32>
      %lt3A_455 = arith.cmpi slt, %sub3A_449, %lt3A_454 : vector<16xi32>
      %and3A_456 = arith.andi %ge3A_452, %lt3A_455 : vector<16xi1>
      %jit3A_457 = arith.constant 0 : i32
      %jit3A_458 = arith.constant 12799 : i32
      %max3A_459 = vector.broadcast %jit3A_457 : i32 to vector<16xi32>
      %max3A_460 = arith.maxsi %max3A_459, %sub3A_449 : vector<16xi32>
      %min3A_461 = vector.broadcast %jit3A_458 : i32 to vector<16xi32>
      %min3A_462 = arith.minsi %min3A_461, %max3A_460 : vector<16xi32>
      %gather3A_463 = tpu.vector_load_idx %arg9[%min3A_462] : memref<12800xf32, #tpu.memory_space<vmem>>[vector<16xi32>], vector<16xf32>,
      %get3A_464 = arith.index_cast %add3A_443 : i32 to index
      %get3A_465 = tpu.vector_load %arg8[%get3A_464] {strides = array<i32>} : memref<2064xf32, #tpu.memory_space<vmem>>, vector<16xf32>,
      %select_n3A_466 = arith.select %and3A_456, %gather3A_463, %get3A_465 : vector<16xi1>, vector<16xf32>
      %swap3A_467 = arith.index_cast %add3A_443 : i32 to index
      %swap3A_468 = tpu.vector_load %arg8[%swap3A_467] {strides = array<i32>} : memref<2064xf32, #tpu.memory_space<vmem>>, vector<16xf32>,
      tpu.vector_store %arg8[%swap3A_467], %select_n3A_466 {strides = array<i32>} : memref<2064xf32, #tpu.memory_space<vmem>>, vector<16xf32>,
      %mul3A_469 = arith.constant 64 : i32
      %mul3A_470 = arith.muli %add3A_419, %mul3A_469 : i32
      %add3A_471 = arith.constant 32 : i32
      %add3A_472 = arith.addi %mul3A_470, %add3A_471 : i32
      %get3A_473 = arith.index_cast %add3A_419 : i32 to index
      %get3A_474 = arith.constant 32 : index
      %get3A_475 = tpu.vector_load %arg7[%get3A_473, %get3A_474] {strides = array<i32>} : memref<32x64xi32, #tpu.memory_space<vmem>>, vector<16xi32>,
      %sub3A_476 = arith.constant 76800 : i32
      %sub3A_477 = vector.broadcast %sub3A_476 : i32 to vector<16xi32>
      %sub3A_478 = arith.subi %get3A_475, %sub3A_477 : vector<16xi32>
      %ge3A_479 = arith.constant 0 : i32
      %ge3A_480 = vector.broadcast %ge3A_479 : i32 to vector<16xi32>
      %ge3A_481 = arith.cmpi sge, %sub3A_478, %ge3A_480 : vector<16xi32>
      %lt3A_482 = arith.constant 12800 : i32
      %lt3A_483 = vector.broadcast %lt3A_482 : i32 to vector<16xi32>
      %lt3A_484 = arith.cmpi slt, %sub3A_478, %lt3A_483 : vector<16xi32>
      %and3A_485 = arith.andi %ge3A_481, %lt3A_484 : vector<16xi1>
      %jit3A_486 = arith.constant 0 : i32
      %jit3A_487 = arith.constant 12799 : i32
      %max3A_488 = vector.broadcast %jit3A_486 : i32 to vector<16xi32>
      %max3A_489 = arith.maxsi %max3A_488, %sub3A_478 : vector<16xi32>
      %min3A_490 = vector.broadcast %jit3A_487 : i32 to vector<16xi32>
      %min3A_491 = arith.minsi %min3A_490, %max3A_489 : vector<16xi32>
      %gather3A_492 = tpu.vector_load_idx %arg9[%min3A_491] : memref<12800xf32, #tpu.memory_space<vmem>>[vector<16xi32>], vector<16xf32>,
      %get3A_493 = arith.index_cast %add3A_472 : i32 to index
      %get3A_494 = tpu.vector_load %arg8[%get3A_493] {strides = array<i32>} : memref<2064xf32, #tpu.memory_space<vmem>>, vector<16xf32>,
      %select_n3A_495 = arith.select %and3A_485, %gather3A_492, %get3A_494 : vector<16xi1>, vector<16xf32>
      %swap3A_496 = arith.index_cast %add3A_472 : i32 to index
      %swap3A_497 = tpu.vector_load %arg8[%swap3A_496] {strides = array<i32>} : memref<2064xf32, #tpu.memory_space<vmem>>, vector<16xf32>,
      tpu.vector_store %arg8[%swap3A_496], %select_n3A_495 {strides = array<i32>} : memref<2064xf32, #tpu.memory_space<vmem>>, vector<16xf32>,
      %mul3A_498 = arith.constant 64 : i32
      %mul3A_499 = arith.muli %add3A_419, %mul3A_498 : i32
      %add3A_500 = arith.constant 48 : i32
      %add3A_501 = arith.addi %mul3A_499, %add3A_500 : i32
      %get3A_502 = arith.index_cast %add3A_419 : i32 to index
      %get3A_503 = arith.constant 48 : index
      %get3A_504 = tpu.vector_load %arg7[%get3A_502, %get3A_503] {strides = array<i32>} : memref<32x64xi32, #tpu.memory_space<vmem>>, vector<16xi32>,
      %sub3A_505 = arith.constant 76800 : i32
      %sub3A_506 = vector.broadcast %sub3A_505 : i32 to vector<16xi32>
      %sub3A_507 = arith.subi %get3A_504, %sub3A_506 : vector<16xi32>
      %ge3A_508 = arith.constant 0 : i32
      %ge3A_509 = vector.broadcast %ge3A_508 : i32 to vector<16xi32>
      %ge3A_510 = arith.cmpi sge, %sub3A_507, %ge3A_509 : vector<16xi32>
      %lt3A_511 = arith.constant 12800 : i32
      %lt3A_512 = vector.broadcast %lt3A_511 : i32 to vector<16xi32>
      %lt3A_513 = arith.cmpi slt, %sub3A_507, %lt3A_512 : vector<16xi32>
      %and3A_514 = arith.andi %ge3A_510, %lt3A_513 : vector<16xi1>
      %jit3A_515 = arith.constant 0 : i32
      %jit3A_516 = arith.constant 12799 : i32
      %max3A_517 = vector.broadcast %jit3A_515 : i32 to vector<16xi32>
      %max3A_518 = arith.maxsi %max3A_517, %sub3A_507 : vector<16xi32>
      %min3A_519 = vector.broadcast %jit3A_516 : i32 to vector<16xi32>
      %min3A_520 = arith.minsi %min3A_519, %max3A_518 : vector<16xi32>
      %gather3A_521 = tpu.vector_load_idx %arg9[%min3A_520] : memref<12800xf32, #tpu.memory_space<vmem>>[vector<16xi32>], vector<16xf32>,
      %get3A_522 = arith.index_cast %add3A_501 : i32 to index
      %get3A_523 = tpu.vector_load %arg8[%get3A_522] {strides = array<i32>} : memref<2064xf32, #tpu.memory_space<vmem>>, vector<16xf32>,
      %select_n3A_524 = arith.select %and3A_514, %gather3A_521, %get3A_523 : vector<16xi1>, vector<16xf32>
      %swap3A_525 = arith.index_cast %add3A_501 : i32 to index
      %swap3A_526 = tpu.vector_load %arg8[%swap3A_525] {strides = array<i32>} : memref<2064xf32, #tpu.memory_space<vmem>>, vector<16xf32>,
      tpu.vector_store %arg8[%swap3A_525], %select_n3A_524 {strides = array<i32>} : memref<2064xf32, #tpu.memory_space<vmem>>, vector<16xf32>,
    }
    %scan3A_115 = arith.constant 32 : i32
    %dma_wait3A_116 = arith.constant 89600 : i32
    %dma_wait3A_117 = tpu.memref_slice %arg3[%dma_wait3A_116] : memref<102400xf32, #tpu.memory_space<hbm>> -> memref<12800xf32, #tpu.memory_space<hbm>>
    %dma_wait3A_118 = arith.constant 89600 : i32
    %dma_wait3A_119 = tpu.memref_slice %arg3[%dma_wait3A_118] : memref<102400xf32, #tpu.memory_space<hbm>> -> memref<12800xf32, #tpu.memory_space<hbm>>
    tpu.wait_dma2 semaphore(%arg20 : memref<!tpu.dma_semaphore, #tpu.memory_space<semaphore_mem>>) src(%dma_wait3A_119 : memref<12800xf32, #tpu.memory_space<hbm>>) dst(%arg10 : memref<12800xf32, #tpu.memory_space<vmem>>)
    %scan3A_120 = arith.constant 0 : i32
    %scan3A_121 = arith.constant 32 : i32
    %scan3A_122 = arith.addi %scan3A_120, %scan3A_121 : i32
    %scan3A_123 = arith.constant 1 : i32
    scf.for %scan3A_415 = %scan3A_120 to %scan3A_122 step %scan3A_123  : i32 {
      %mul3A_416 = arith.constant 1 : i32
      %mul3A_417 = arith.muli %scan3A_415, %mul3A_416 : i32
      %add3A_418 = arith.constant 0 : i32
      %add3A_419 = arith.addi %add3A_418, %mul3A_417 : i32
      %mul3A_420 = arith.constant 64 : i32
      %mul3A_421 = arith.muli %add3A_419, %mul3A_420 : i32
      %add3A_422 = arith.constant 0 : i32
      %add3A_423 = arith.addi %mul3A_421, %add3A_422 : i32
      %get3A_424 = arith.index_cast %add3A_419 : i32 to index
      %get3A_425 = arith.constant 0 : index
      %get3A_426 = tpu.vector_load %arg7[%get3A_424, %get3A_425] {strides = array<i32>} : memref<32x64xi32, #tpu.memory_space<vmem>>, vector<16xi32>,
      %sub3A = arith.constant 89600 : i32
      %sub3A_427 = vector.broadcast %sub3A : i32 to vector<16xi32>
      %sub3A_428 = arith.subi %get3A_426, %sub3A_427 : vector<16xi32>
      %ge3A = arith.constant 0 : i32
      %ge3A_429 = vector.broadcast %ge3A : i32 to vector<16xi32>
      %ge3A_430 = arith.cmpi sge, %sub3A_428, %ge3A_429 : vector<16xi32>
      %lt3A_431 = arith.constant 12800 : i32
      %lt3A_432 = vector.broadcast %lt3A_431 : i32 to vector<16xi32>
      %lt3A_433 = arith.cmpi slt, %sub3A_428, %lt3A_432 : vector<16xi32>
      %and3A = arith.andi %ge3A_430, %lt3A_433 : vector<16xi1>
      %jit3A = arith.constant 0 : i32
      %jit3A_434 = arith.constant 12799 : i32
      %max3A = vector.broadcast %jit3A : i32 to vector<16xi32>
      %max3A_435 = arith.maxsi %max3A, %sub3A_428 : vector<16xi32>
      %min3A = vector.broadcast %jit3A_434 : i32 to vector<16xi32>
      %min3A_436 = arith.minsi %min3A, %max3A_435 : vector<16xi32>
      %gather3A = tpu.vector_load_idx %arg10[%min3A_436] : memref<12800xf32, #tpu.memory_space<vmem>>[vector<16xi32>], vector<16xf32>,
      %get3A_437 = arith.index_cast %add3A_423 : i32 to index
      %get3A_438 = tpu.vector_load %arg8[%get3A_437] {strides = array<i32>} : memref<2064xf32, #tpu.memory_space<vmem>>, vector<16xf32>,
      %select_n3A = arith.select %and3A, %gather3A, %get3A_438 : vector<16xi1>, vector<16xf32>
      %swap3A = arith.index_cast %add3A_423 : i32 to index
      %swap3A_439 = tpu.vector_load %arg8[%swap3A] {strides = array<i32>} : memref<2064xf32, #tpu.memory_space<vmem>>, vector<16xf32>,
      tpu.vector_store %arg8[%swap3A], %select_n3A {strides = array<i32>} : memref<2064xf32, #tpu.memory_space<vmem>>, vector<16xf32>,
      %mul3A_440 = arith.constant 64 : i32
      %mul3A_441 = arith.muli %add3A_419, %mul3A_440 : i32
      %add3A_442 = arith.constant 16 : i32
      %add3A_443 = arith.addi %mul3A_441, %add3A_442 : i32
      %get3A_444 = arith.index_cast %add3A_419 : i32 to index
      %get3A_445 = arith.constant 16 : index
      %get3A_446 = tpu.vector_load %arg7[%get3A_444, %get3A_445] {strides = array<i32>} : memref<32x64xi32, #tpu.memory_space<vmem>>, vector<16xi32>,
      %sub3A_447 = arith.constant 89600 : i32
      %sub3A_448 = vector.broadcast %sub3A_447 : i32 to vector<16xi32>
      %sub3A_449 = arith.subi %get3A_446, %sub3A_448 : vector<16xi32>
      %ge3A_450 = arith.constant 0 : i32
      %ge3A_451 = vector.broadcast %ge3A_450 : i32 to vector<16xi32>
      %ge3A_452 = arith.cmpi sge, %sub3A_449, %ge3A_451 : vector<16xi32>
      %lt3A_453 = arith.constant 12800 : i32
      %lt3A_454 = vector.broadcast %lt3A_453 : i32 to vector<16xi32>
      %lt3A_455 = arith.cmpi slt, %sub3A_449, %lt3A_454 : vector<16xi32>
      %and3A_456 = arith.andi %ge3A_452, %lt3A_455 : vector<16xi1>
      %jit3A_457 = arith.constant 0 : i32
      %jit3A_458 = arith.constant 12799 : i32
      %max3A_459 = vector.broadcast %jit3A_457 : i32 to vector<16xi32>
      %max3A_460 = arith.maxsi %max3A_459, %sub3A_449 : vector<16xi32>
      %min3A_461 = vector.broadcast %jit3A_458 : i32 to vector<16xi32>
      %min3A_462 = arith.minsi %min3A_461, %max3A_460 : vector<16xi32>
      %gather3A_463 = tpu.vector_load_idx %arg10[%min3A_462] : memref<12800xf32, #tpu.memory_space<vmem>>[vector<16xi32>], vector<16xf32>,
      %get3A_464 = arith.index_cast %add3A_443 : i32 to index
      %get3A_465 = tpu.vector_load %arg8[%get3A_464] {strides = array<i32>} : memref<2064xf32, #tpu.memory_space<vmem>>, vector<16xf32>,
      %select_n3A_466 = arith.select %and3A_456, %gather3A_463, %get3A_465 : vector<16xi1>, vector<16xf32>
      %swap3A_467 = arith.index_cast %add3A_443 : i32 to index
      %swap3A_468 = tpu.vector_load %arg8[%swap3A_467] {strides = array<i32>} : memref<2064xf32, #tpu.memory_space<vmem>>, vector<16xf32>,
      tpu.vector_store %arg8[%swap3A_467], %select_n3A_466 {strides = array<i32>} : memref<2064xf32, #tpu.memory_space<vmem>>, vector<16xf32>,
      %mul3A_469 = arith.constant 64 : i32
      %mul3A_470 = arith.muli %add3A_419, %mul3A_469 : i32
      %add3A_471 = arith.constant 32 : i32
      %add3A_472 = arith.addi %mul3A_470, %add3A_471 : i32
      %get3A_473 = arith.index_cast %add3A_419 : i32 to index
      %get3A_474 = arith.constant 32 : index
      %get3A_475 = tpu.vector_load %arg7[%get3A_473, %get3A_474] {strides = array<i32>} : memref<32x64xi32, #tpu.memory_space<vmem>>, vector<16xi32>,
      %sub3A_476 = arith.constant 89600 : i32
      %sub3A_477 = vector.broadcast %sub3A_476 : i32 to vector<16xi32>
      %sub3A_478 = arith.subi %get3A_475, %sub3A_477 : vector<16xi32>
      %ge3A_479 = arith.constant 0 : i32
      %ge3A_480 = vector.broadcast %ge3A_479 : i32 to vector<16xi32>
      %ge3A_481 = arith.cmpi sge, %sub3A_478, %ge3A_480 : vector<16xi32>
      %lt3A_482 = arith.constant 12800 : i32
      %lt3A_483 = vector.broadcast %lt3A_482 : i32 to vector<16xi32>
      %lt3A_484 = arith.cmpi slt, %sub3A_478, %lt3A_483 : vector<16xi32>
      %and3A_485 = arith.andi %ge3A_481, %lt3A_484 : vector<16xi1>
      %jit3A_486 = arith.constant 0 : i32
      %jit3A_487 = arith.constant 12799 : i32
      %max3A_488 = vector.broadcast %jit3A_486 : i32 to vector<16xi32>
      %max3A_489 = arith.maxsi %max3A_488, %sub3A_478 : vector<16xi32>
      %min3A_490 = vector.broadcast %jit3A_487 : i32 to vector<16xi32>
      %min3A_491 = arith.minsi %min3A_490, %max3A_489 : vector<16xi32>
      %gather3A_492 = tpu.vector_load_idx %arg10[%min3A_491] : memref<12800xf32, #tpu.memory_space<vmem>>[vector<16xi32>], vector<16xf32>,
      %get3A_493 = arith.index_cast %add3A_472 : i32 to index
      %get3A_494 = tpu.vector_load %arg8[%get3A_493] {strides = array<i32>} : memref<2064xf32, #tpu.memory_space<vmem>>, vector<16xf32>,
      %select_n3A_495 = arith.select %and3A_485, %gather3A_492, %get3A_494 : vector<16xi1>, vector<16xf32>
      %swap3A_496 = arith.index_cast %add3A_472 : i32 to index
      %swap3A_497 = tpu.vector_load %arg8[%swap3A_496] {strides = array<i32>} : memref<2064xf32, #tpu.memory_space<vmem>>, vector<16xf32>,
      tpu.vector_store %arg8[%swap3A_496], %select_n3A_495 {strides = array<i32>} : memref<2064xf32, #tpu.memory_space<vmem>>, vector<16xf32>,
      %mul3A_498 = arith.constant 64 : i32
      %mul3A_499 = arith.muli %add3A_419, %mul3A_498 : i32
      %add3A_500 = arith.constant 48 : i32
      %add3A_501 = arith.addi %mul3A_499, %add3A_500 : i32
      %get3A_502 = arith.index_cast %add3A_419 : i32 to index
      %get3A_503 = arith.constant 48 : index
      %get3A_504 = tpu.vector_load %arg7[%get3A_502, %get3A_503] {strides = array<i32>} : memref<32x64xi32, #tpu.memory_space<vmem>>, vector<16xi32>,
      %sub3A_505 = arith.constant 89600 : i32
      %sub3A_506 = vector.broadcast %sub3A_505 : i32 to vector<16xi32>
      %sub3A_507 = arith.subi %get3A_504, %sub3A_506 : vector<16xi32>
      %ge3A_508 = arith.constant 0 : i32
      %ge3A_509 = vector.broadcast %ge3A_508 : i32 to vector<16xi32>
      %ge3A_510 = arith.cmpi sge, %sub3A_507, %ge3A_509 : vector<16xi32>
      %lt3A_511 = arith.constant 12800 : i32
      %lt3A_512 = vector.broadcast %lt3A_511 : i32 to vector<16xi32>
      %lt3A_513 = arith.cmpi slt, %sub3A_507, %lt3A_512 : vector<16xi32>
      %and3A_514 = arith.andi %ge3A_510, %lt3A_513 : vector<16xi1>
      %jit3A_515 = arith.constant 0 : i32
      %jit3A_516 = arith.constant 12799 : i32
      %max3A_517 = vector.broadcast %jit3A_515 : i32 to vector<16xi32>
      %max3A_518 = arith.maxsi %max3A_517, %sub3A_507 : vector<16xi32>
      %min3A_519 = vector.broadcast %jit3A_516 : i32 to vector<16xi32>
      %min3A_520 = arith.minsi %min3A_519, %max3A_518 : vector<16xi32>
      %gather3A_521 = tpu.vector_load_idx %arg10[%min3A_520] : memref<12800xf32, #tpu.memory_space<vmem>>[vector<16xi32>], vector<16xf32>,
      %get3A_522 = arith.index_cast %add3A_501 : i32 to index
      %get3A_523 = tpu.vector_load %arg8[%get3A_522] {strides = array<i32>} : memref<2064xf32, #tpu.memory_space<vmem>>, vector<16xf32>,
      %select_n3A_524 = arith.select %and3A_514, %gather3A_521, %get3A_523 : vector<16xi1>, vector<16xf32>
      %swap3A_525 = arith.index_cast %add3A_501 : i32 to index
      %swap3A_526 = tpu.vector_load %arg8[%swap3A_525] {strides = array<i32>} : memref<2064xf32, #tpu.memory_space<vmem>>, vector<16xf32>,
      tpu.vector_store %arg8[%swap3A_525], %select_n3A_524 {strides = array<i32>} : memref<2064xf32, #tpu.memory_space<vmem>>, vector<16xf32>,
    }
    %scan3A_124 = arith.constant 32 : i32
    %iota3A = tpu.iota {dimensions = array<i32: 0>} : vector<16xi32>
    %lt3A = arith.constant 2 : i32
    %lt3A_125 = vector.broadcast %lt3A : i32 to vector<16xi32>
    %lt3A_126 = arith.cmpi slt, %iota3A, %lt3A_125 : vector<16xi32>
    %scan3A_127 = arith.constant 0 : i32
    %scan3A_128 = arith.constant 32 : i32
    %scan3A_129 = arith.addi %scan3A_127, %scan3A_128 : i32
    %scan3A_130 = arith.constant 1 : i32
    scf.for %scan3A_415 = %scan3A_127 to %scan3A_129 step %scan3A_130  : i32 {
      %mul3A_416 = arith.constant 1 : i32
      %mul3A_417 = arith.muli %scan3A_415, %mul3A_416 : i32
      %add3A_418 = arith.constant 0 : i32
      %add3A_419 = arith.addi %add3A_418, %mul3A_417 : i32
      %broadcast_in_dim3A_420 = arith.constant 0.000000e+00 : f32
      %broadcast_in_dim3A_421 = vector.broadcast %broadcast_in_dim3A_420 : f32 to vector<16xf32>
      %mul3A_422 = arith.constant 64 : i32
      %mul3A_423 = arith.muli %add3A_419, %mul3A_422 : i32
      %add3A_424 = arith.constant 0 : i32
      %add3A_425 = arith.addi %mul3A_423, %add3A_424 : i32
      %get3A_426 = arith.index_cast %add3A_425 : i32 to index
      %get3A_427 = tpu.vector_load %arg8[%get3A_426] {strides = array<i32>} : memref<2064xf32, #tpu.memory_space<vmem>>, vector<16xf32>,
      %max3A = arith.constant 1.000000e-01 : f32
      %max3A_428 = vector.broadcast %max3A : f32 to vector<16xf32>
      %max3A_429 = arith.maximumf %get3A_427, %max3A_428 : vector<16xf32>
      %swap3A = arith.index_cast %add3A_425 : i32 to index
      %swap3A_430 = tpu.vector_load %arg8[%swap3A] {strides = array<i32>} : memref<2064xf32, #tpu.memory_space<vmem>>, vector<16xf32>,
      tpu.vector_store %arg8[%swap3A], %max3A_429 {strides = array<i32>} : memref<2064xf32, #tpu.memory_space<vmem>>, vector<16xf32>,
      %add3A_431 = arith.addf %broadcast_in_dim3A_421, %max3A_429 : vector<16xf32>
      %mul3A_432 = arith.constant 64 : i32
      %mul3A_433 = arith.muli %add3A_419, %mul3A_432 : i32
      %add3A_434 = arith.constant 16 : i32
      %add3A_435 = arith.addi %mul3A_433, %add3A_434 : i32
      %get3A_436 = arith.index_cast %add3A_435 : i32 to index
      %get3A_437 = tpu.vector_load %arg8[%get3A_436] {strides = array<i32>} : memref<2064xf32, #tpu.memory_space<vmem>>, vector<16xf32>,
      %max3A_438 = arith.constant 1.000000e-01 : f32
      %max3A_439 = vector.broadcast %max3A_438 : f32 to vector<16xf32>
      %max3A_440 = arith.maximumf %get3A_437, %max3A_439 : vector<16xf32>
      %swap3A_441 = arith.index_cast %add3A_435 : i32 to index
      %swap3A_442 = tpu.vector_load %arg8[%swap3A_441] {strides = array<i32>} : memref<2064xf32, #tpu.memory_space<vmem>>, vector<16xf32>,
      tpu.vector_store %arg8[%swap3A_441], %max3A_440 {strides = array<i32>} : memref<2064xf32, #tpu.memory_space<vmem>>, vector<16xf32>,
      %add3A_443 = arith.addf %add3A_431, %max3A_440 : vector<16xf32>
      %mul3A_444 = arith.constant 64 : i32
      %mul3A_445 = arith.muli %add3A_419, %mul3A_444 : i32
      %add3A_446 = arith.constant 32 : i32
      %add3A_447 = arith.addi %mul3A_445, %add3A_446 : i32
      %get3A_448 = arith.index_cast %add3A_447 : i32 to index
      %get3A_449 = tpu.vector_load %arg8[%get3A_448] {strides = array<i32>} : memref<2064xf32, #tpu.memory_space<vmem>>, vector<16xf32>,
      %max3A_450 = arith.constant 1.000000e-01 : f32
      %max3A_451 = vector.broadcast %max3A_450 : f32 to vector<16xf32>
      %max3A_452 = arith.maximumf %get3A_449, %max3A_451 : vector<16xf32>
      %swap3A_453 = arith.index_cast %add3A_447 : i32 to index
      %swap3A_454 = tpu.vector_load %arg8[%swap3A_453] {strides = array<i32>} : memref<2064xf32, #tpu.memory_space<vmem>>, vector<16xf32>,
      tpu.vector_store %arg8[%swap3A_453], %max3A_452 {strides = array<i32>} : memref<2064xf32, #tpu.memory_space<vmem>>, vector<16xf32>,
      %add3A_455 = arith.addf %add3A_443, %max3A_452 : vector<16xf32>
      %mul3A_456 = arith.constant 64 : i32
      %mul3A_457 = arith.muli %add3A_419, %mul3A_456 : i32
      %add3A_458 = arith.constant 48 : i32
      %add3A_459 = arith.addi %mul3A_457, %add3A_458 : i32
      %get3A_460 = arith.index_cast %add3A_459 : i32 to index
      %get3A_461 = tpu.vector_load %arg8[%get3A_460] {strides = array<i32>} : memref<2064xf32, #tpu.memory_space<vmem>>, vector<16xf32>,
      %max3A_462 = arith.constant 1.000000e-01 : f32
      %max3A_463 = vector.broadcast %max3A_462 : f32 to vector<16xf32>
      %max3A_464 = arith.maximumf %get3A_461, %max3A_463 : vector<16xf32>
      %jit3A = arith.constant 0.000000e+00 : f32
      %broadcast_in_dim3A_465 = vector.broadcast %jit3A : f32 to vector<16xf32>
      %select_n3A = arith.select %lt3A_126, %max3A_464, %broadcast_in_dim3A_465 : vector<16xi1>, vector<16xf32>
      %swap3A_466 = arith.index_cast %add3A_459 : i32 to index
      %swap3A_467 = tpu.vector_load %arg8[%swap3A_466] {strides = array<i32>} : memref<2064xf32, #tpu.memory_space<vmem>>, vector<16xf32>,
      tpu.vector_store %arg8[%swap3A_466], %select_n3A {strides = array<i32>} : memref<2064xf32, #tpu.memory_space<vmem>>, vector<16xf32>,
      %add3A_468 = arith.addf %add3A_455, %select_n3A : vector<16xf32>
      %swap3A_469 = arith.index_cast %add3A_419 : i32 to index
      %swap3A_470 = arith.constant 0 : index
      %swap3A_471 = tpu.vector_load %arg15[%swap3A_469, %swap3A_470] {strides = array<i32>} : memref<32x16xf32, #tpu.memory_space<vmem>>, vector<16xf32>,
      tpu.vector_store %arg15[%swap3A_469, %swap3A_470], %add3A_468 {strides = array<i32>} : memref<32x16xf32, #tpu.memory_space<vmem>>, vector<16xf32>,
    }
    %scan3A_131 = arith.constant 32 : i32
    %scan3A_132 = arith.constant 0 : i32
    %scan3A_133 = arith.constant 31 : i32
    %scan3A_134 = arith.addi %scan3A_132, %scan3A_133 : i32
    %scan3A_135 = arith.constant 1 : i32
    scf.for %scan3A_415 = %scan3A_132 to %scan3A_134 step %scan3A_135  : i32 {
      %mul3A_416 = arith.constant 1 : i32
      %mul3A_417 = arith.muli %scan3A_415, %mul3A_416 : i32
      %add3A_418 = arith.constant 0 : i32
      %add3A_419 = arith.addi %add3A_418, %mul3A_417 : i32
      %dma_wait3A_420 = arith.constant 0 : i32
      %dma_wait3A_421 = tpu.memref_slice %arg7[%add3A_419, %dma_wait3A_420] : memref<32x64xi32, #tpu.memory_space<vmem>> -> memref<1x32xi32, #tpu.memory_space<vmem>>
      %dma_wait3A_422 = tpu.memref_squeeze %dma_wait3A_421 : memref<1x32xi32, #tpu.memory_space<vmem>> -> memref<32xi32, #tpu.memory_space<vmem>>
      %dma_wait3A_423 = arith.constant 0 : i32
      %dma_wait3A_424 = arith.constant 0 : i32
      %dma_wait3A_425 = tpu.memref_slice %arg4[%dma_wait3A_423, %dma_wait3A_424] : memref<100000x1024xf32, #tpu.memory_space<hbm>> -> memref<100000x1024xf32, #tpu.memory_space<hbm>>
      tpu.wait_indirect_dma semaphore(%arg16 : memref<!tpu.dma_semaphore, #tpu.memory_space<semaphore_mem>>) src(%dma_wait3A_425 : memref<100000x1024xf32, #tpu.memory_space<hbm>>) dst(%arg11 : memref<32x1024xf32, #tpu.memory_space<vmem>>)
      %mul3A_426 = arith.constant 64 : i32
      %mul3A_427 = arith.muli %add3A_419, %mul3A_426 : i32
      %add3A_428 = arith.constant 0 : i32
      %add3A_429 = arith.addi %mul3A_427, %add3A_428 : i32
      %add3A_430 = arith.constant 0 : i32
      %add3A_431 = arith.addi %add3A_429, %add3A_430 : i32
      %get3A_432 = arith.index_cast %add3A_431 : i32 to index
      %get3A_433 = tpu.vector_load %arg8[%get3A_432] {strides = array<i32>} : memref<2064xf32, #tpu.memory_space<vmem>>, vector<16xf32>,
      %slice3A_434 = vector.extract_strided_slice %get3A_433 {offsets = [0], sizes = [1], strides = [1]} : vector<16xf32> to vector<1xf32>
      %squeeze3A_435 = vector.extract %slice3A_434[0] : f32 from vector<1xf32>
      %broadcast_in_dim3A_436 = vector.broadcast %squeeze3A_435 : f32 to vector<16xf32>
      %mul3A_437 = arith.constant 64 : i32
      %mul3A_438 = arith.muli %add3A_419, %mul3A_437 : i32
      %add3A_439 = arith.constant 0 : i32
      %add3A_440 = arith.addi %mul3A_438, %add3A_439 : i32
      %add3A_441 = arith.constant 1 : i32
      %add3A_442 = arith.addi %add3A_440, %add3A_441 : i32
      %get3A_443 = arith.index_cast %add3A_442 : i32 to index
      %get3A_444 = tpu.vector_load %arg8[%get3A_443] {strides = array<i32>} : memref<2064xf32, #tpu.memory_space<vmem>>, vector<16xf32>,
      %slice3A_445 = vector.extract_strided_slice %get3A_444 {offsets = [0], sizes = [1], strides = [1]} : vector<16xf32> to vector<1xf32>
      %squeeze3A_446 = vector.extract %slice3A_445[0] : f32 from vector<1xf32>
      %broadcast_in_dim3A_447 = vector.broadcast %squeeze3A_446 : f32 to vector<16xf32>
      %mul3A_448 = arith.constant 64 : i32
      %mul3A_449 = arith.muli %add3A_419, %mul3A_448 : i32
      %add3A_450 = arith.constant 0 : i32
      %add3A_451 = arith.addi %mul3A_449, %add3A_450 : i32
      %add3A_452 = arith.constant 2 : i32
      %add3A_453 = arith.addi %add3A_451, %add3A_452 : i32
      %get3A_454 = arith.index_cast %add3A_453 : i32 to index
      %get3A_455 = tpu.vector_load %arg8[%get3A_454] {strides = array<i32>} : memref<2064xf32, #tpu.memory_space<vmem>>, vector<16xf32>,
      %slice3A_456 = vector.extract_strided_slice %get3A_455 {offsets = [0], sizes = [1], strides = [1]} : vector<16xf32> to vector<1xf32>
      %squeeze3A_457 = vector.extract %slice3A_456[0] : f32 from vector<1xf32>
      %broadcast_in_dim3A_458 = vector.broadcast %squeeze3A_457 : f32 to vector<16xf32>
      %mul3A_459 = arith.constant 64 : i32
      %mul3A_460 = arith.muli %add3A_419, %mul3A_459 : i32
      %add3A_461 = arith.constant 0 : i32
      %add3A_462 = arith.addi %mul3A_460, %add3A_461 : i32
      %add3A_463 = arith.constant 3 : i32
      %add3A_464 = arith.addi %add3A_462, %add3A_463 : i32
      %get3A_465 = arith.index_cast %add3A_464 : i32 to index
      %get3A_466 = tpu.vector_load %arg8[%get3A_465] {strides = array<i32>} : memref<2064xf32, #tpu.memory_space<vmem>>, vector<16xf32>,
      %slice3A_467 = vector.extract_strided_slice %get3A_466 {offsets = [0], sizes = [1], strides = [1]} : vector<16xf32> to vector<1xf32>
      %squeeze3A_468 = vector.extract %slice3A_467[0] : f32 from vector<1xf32>
      %broadcast_in_dim3A_469 = vector.broadcast %squeeze3A_468 : f32 to vector<16xf32>
      %mul3A_470 = arith.constant 64 : i32
      %mul3A_471 = arith.muli %add3A_419, %mul3A_470 : i32
      %add3A_472 = arith.constant 0 : i32
      %add3A_473 = arith.addi %mul3A_471, %add3A_472 : i32
      %add3A_474 = arith.constant 4 : i32
      %add3A_475 = arith.addi %add3A_473, %add3A_474 : i32
      %get3A_476 = arith.index_cast %add3A_475 : i32 to index
      %get3A_477 = tpu.vector_load %arg8[%get3A_476] {strides = array<i32>} : memref<2064xf32, #tpu.memory_space<vmem>>, vector<16xf32>,
      %slice3A_478 = vector.extract_strided_slice %get3A_477 {offsets = [0], sizes = [1], strides = [1]} : vector<16xf32> to vector<1xf32>
      %squeeze3A_479 = vector.extract %slice3A_478[0] : f32 from vector<1xf32>
      %broadcast_in_dim3A_480 = vector.broadcast %squeeze3A_479 : f32 to vector<16xf32>
      %mul3A_481 = arith.constant 64 : i32
      %mul3A_482 = arith.muli %add3A_419, %mul3A_481 : i32
      %add3A_483 = arith.constant 0 : i32
      %add3A_484 = arith.addi %mul3A_482, %add3A_483 : i32
      %add3A_485 = arith.constant 5 : i32
      %add3A_486 = arith.addi %add3A_484, %add3A_485 : i32
      %get3A_487 = arith.index_cast %add3A_486 : i32 to index
      %get3A_488 = tpu.vector_load %arg8[%get3A_487] {strides = array<i32>} : memref<2064xf32, #tpu.memory_space<vmem>>, vector<16xf32>,
      %slice3A_489 = vector.extract_strided_slice %get3A_488 {offsets = [0], sizes = [1], strides = [1]} : vector<16xf32> to vector<1xf32>
      %squeeze3A_490 = vector.extract %slice3A_489[0] : f32 from vector<1xf32>
      %broadcast_in_dim3A_491 = vector.broadcast %squeeze3A_490 : f32 to vector<16xf32>
      %mul3A_492 = arith.constant 64 : i32
      %mul3A_493 = arith.muli %add3A_419, %mul3A_492 : i32
      %add3A_494 = arith.constant 0 : i32
      %add3A_495 = arith.addi %mul3A_493, %add3A_494 : i32
      %add3A_496 = arith.constant 6 : i32
      %add3A_497 = arith.addi %add3A_495, %add3A_496 : i32
      %get3A_498 = arith.index_cast %add3A_497 : i32 to index
      %get3A_499 = tpu.vector_load %arg8[%get3A_498] {strides = array<i32>} : memref<2064xf32, #tpu.memory_space<vmem>>, vector<16xf32>,
      %slice3A_500 = vector.extract_strided_slice %get3A_499 {offsets = [0], sizes = [1], strides = [1]} : vector<16xf32> to vector<1xf32>
      %squeeze3A_501 = vector.extract %slice3A_500[0] : f32 from vector<1xf32>
      %broadcast_in_dim3A_502 = vector.broadcast %squeeze3A_501 : f32 to vector<16xf32>
      %mul3A_503 = arith.constant 64 : i32
      %mul3A_504 = arith.muli %add3A_419, %mul3A_503 : i32
      %add3A_505 = arith.constant 0 : i32
      %add3A_506 = arith.addi %mul3A_504, %add3A_505 : i32
      %add3A_507 = arith.constant 7 : i32
      %add3A_508 = arith.addi %add3A_506, %add3A_507 : i32
      %get3A_509 = arith.index_cast %add3A_508 : i32 to index
      %get3A_510 = tpu.vector_load %arg8[%get3A_509] {strides = array<i32>} : memref<2064xf32, #tpu.memory_space<vmem>>, vector<16xf32>,
      %slice3A_511 = vector.extract_strided_slice %get3A_510 {offsets = [0], sizes = [1], strides = [1]} : vector<16xf32> to vector<1xf32>
      %squeeze3A_512 = vector.extract %slice3A_511[0] : f32 from vector<1xf32>
      %broadcast_in_dim3A_513 = vector.broadcast %squeeze3A_512 : f32 to vector<16xf32>
      %mul3A_514 = arith.constant 64 : i32
      %mul3A_515 = arith.muli %add3A_419, %mul3A_514 : i32
      %add3A_516 = arith.constant 0 : i32
      %add3A_517 = arith.addi %mul3A_515, %add3A_516 : i32
      %add3A_518 = arith.constant 8 : i32
      %add3A_519 = arith.addi %add3A_517, %add3A_518 : i32
      %get3A_520 = arith.index_cast %add3A_519 : i32 to index
      %get3A_521 = tpu.vector_load %arg8[%get3A_520] {strides = array<i32>} : memref<2064xf32, #tpu.memory_space<vmem>>, vector<16xf32>,
      %slice3A_522 = vector.extract_strided_slice %get3A_521 {offsets = [0], sizes = [1], strides = [1]} : vector<16xf32> to vector<1xf32>
      %squeeze3A_523 = vector.extract %slice3A_522[0] : f32 from vector<1xf32>
      %broadcast_in_dim3A_524 = vector.broadcast %squeeze3A_523 : f32 to vector<16xf32>
      %mul3A_525 = arith.constant 64 : i32
      %mul3A_526 = arith.muli %add3A_419, %mul3A_525 : i32
      %add3A_527 = arith.constant 0 : i32
      %add3A_528 = arith.addi %mul3A_526, %add3A_527 : i32
      %add3A_529 = arith.constant 9 : i32
      %add3A_530 = arith.addi %add3A_528, %add3A_529 : i32
      %get3A_531 = arith.index_cast %add3A_530 : i32 to index
      %get3A_532 = tpu.vector_load %arg8[%get3A_531] {strides = array<i32>} : memref<2064xf32, #tpu.memory_space<vmem>>, vector<16xf32>,
      %slice3A_533 = vector.extract_strided_slice %get3A_532 {offsets = [0], sizes = [1], strides = [1]} : vector<16xf32> to vector<1xf32>
      %squeeze3A_534 = vector.extract %slice3A_533[0] : f32 from vector<1xf32>
      %broadcast_in_dim3A_535 = vector.broadcast %squeeze3A_534 : f32 to vector<16xf32>
      %mul3A_536 = arith.constant 64 : i32
      %mul3A_537 = arith.muli %add3A_419, %mul3A_536 : i32
      %add3A_538 = arith.constant 0 : i32
      %add3A_539 = arith.addi %mul3A_537, %add3A_538 : i32
      %add3A_540 = arith.constant 10 : i32
      %add3A_541 = arith.addi %add3A_539, %add3A_540 : i32
      %get3A_542 = arith.index_cast %add3A_541 : i32 to index
      %get3A_543 = tpu.vector_load %arg8[%get3A_542] {strides = array<i32>} : memref<2064xf32, #tpu.memory_space<vmem>>, vector<16xf32>,
      %slice3A_544 = vector.extract_strided_slice %get3A_543 {offsets = [0], sizes = [1], strides = [1]} : vector<16xf32> to vector<1xf32>
      %squeeze3A_545 = vector.extract %slice3A_544[0] : f32 from vector<1xf32>
      %broadcast_in_dim3A_546 = vector.broadcast %squeeze3A_545 : f32 to vector<16xf32>
      %mul3A_547 = arith.constant 64 : i32
      %mul3A_548 = arith.muli %add3A_419, %mul3A_547 : i32
      %add3A_549 = arith.constant 0 : i32
      %add3A_550 = arith.addi %mul3A_548, %add3A_549 : i32
      %add3A_551 = arith.constant 11 : i32
      %add3A_552 = arith.addi %add3A_550, %add3A_551 : i32
      %get3A_553 = arith.index_cast %add3A_552 : i32 to index
      %get3A_554 = tpu.vector_load %arg8[%get3A_553] {strides = array<i32>} : memref<2064xf32, #tpu.memory_space<vmem>>, vector<16xf32>,
      %slice3A_555 = vector.extract_strided_slice %get3A_554 {offsets = [0], sizes = [1], strides = [1]} : vector<16xf32> to vector<1xf32>
      %squeeze3A_556 = vector.extract %slice3A_555[0] : f32 from vector<1xf32>
      %broadcast_in_dim3A_557 = vector.broadcast %squeeze3A_556 : f32 to vector<16xf32>
      %mul3A_558 = arith.constant 64 : i32
      %mul3A_559 = arith.muli %add3A_419, %mul3A_558 : i32
      %add3A_560 = arith.constant 0 : i32
      %add3A_561 = arith.addi %mul3A_559, %add3A_560 : i32
      %add3A_562 = arith.constant 12 : i32
      %add3A_563 = arith.addi %add3A_561, %add3A_562 : i32
      %get3A_564 = arith.index_cast %add3A_563 : i32 to index
      %get3A_565 = tpu.vector_load %arg8[%get3A_564] {strides = array<i32>} : memref<2064xf32, #tpu.memory_space<vmem>>, vector<16xf32>,
      %slice3A_566 = vector.extract_strided_slice %get3A_565 {offsets = [0], sizes = [1], strides = [1]} : vector<16xf32> to vector<1xf32>
      %squeeze3A_567 = vector.extract %slice3A_566[0] : f32 from vector<1xf32>
      %broadcast_in_dim3A_568 = vector.broadcast %squeeze3A_567 : f32 to vector<16xf32>
      %mul3A_569 = arith.constant 64 : i32
      %mul3A_570 = arith.muli %add3A_419, %mul3A_569 : i32
      %add3A_571 = arith.constant 0 : i32
      %add3A_572 = arith.addi %mul3A_570, %add3A_571 : i32
      %add3A_573 = arith.constant 13 : i32
      %add3A_574 = arith.addi %add3A_572, %add3A_573 : i32
      %get3A_575 = arith.index_cast %add3A_574 : i32 to index
      %get3A_576 = tpu.vector_load %arg8[%get3A_575] {strides = array<i32>} : memref<2064xf32, #tpu.memory_space<vmem>>, vector<16xf32>,
      %slice3A_577 = vector.extract_strided_slice %get3A_576 {offsets = [0], sizes = [1], strides = [1]} : vector<16xf32> to vector<1xf32>
      %squeeze3A_578 = vector.extract %slice3A_577[0] : f32 from vector<1xf32>
      %broadcast_in_dim3A_579 = vector.broadcast %squeeze3A_578 : f32 to vector<16xf32>
      %mul3A_580 = arith.constant 64 : i32
      %mul3A_581 = arith.muli %add3A_419, %mul3A_580 : i32
      %add3A_582 = arith.constant 0 : i32
      %add3A_583 = arith.addi %mul3A_581, %add3A_582 : i32
      %add3A_584 = arith.constant 14 : i32
      %add3A_585 = arith.addi %add3A_583, %add3A_584 : i32
      %get3A_586 = arith.index_cast %add3A_585 : i32 to index
      %get3A_587 = tpu.vector_load %arg8[%get3A_586] {strides = array<i32>} : memref<2064xf32, #tpu.memory_space<vmem>>, vector<16xf32>,
      %slice3A_588 = vector.extract_strided_slice %get3A_587 {offsets = [0], sizes = [1], strides = [1]} : vector<16xf32> to vector<1xf32>
      %squeeze3A_589 = vector.extract %slice3A_588[0] : f32 from vector<1xf32>
      %broadcast_in_dim3A_590 = vector.broadcast %squeeze3A_589 : f32 to vector<16xf32>
      %mul3A_591 = arith.constant 64 : i32
      %mul3A_592 = arith.muli %add3A_419, %mul3A_591 : i32
      %add3A_593 = arith.constant 0 : i32
      %add3A_594 = arith.addi %mul3A_592, %add3A_593 : i32
      %add3A_595 = arith.constant 15 : i32
      %add3A_596 = arith.addi %add3A_594, %add3A_595 : i32
      %get3A_597 = arith.index_cast %add3A_596 : i32 to index
      %get3A_598 = tpu.vector_load %arg8[%get3A_597] {strides = array<i32>} : memref<2064xf32, #tpu.memory_space<vmem>>, vector<16xf32>,
      %slice3A_599 = vector.extract_strided_slice %get3A_598 {offsets = [0], sizes = [1], strides = [1]} : vector<16xf32> to vector<1xf32>
      %squeeze3A_600 = vector.extract %slice3A_599[0] : f32 from vector<1xf32>
      %broadcast_in_dim3A_601 = vector.broadcast %squeeze3A_600 : f32 to vector<16xf32>
      %parallel_loop3A_602 = arith.constant 0 : i32
      %parallel_loop3A_603 = arith.constant 1024 : i32
      %parallel_loop3A_604 = arith.constant 16 : i32
      scf.for %parallel_loop3A_1024 = %parallel_loop3A_602 to %parallel_loop3A_603 step %parallel_loop3A_604  : i32 {
        %parallel_loop3A_1025 = arith.constant 0 : i32
        %parallel_loop3A_1026 = arith.index_cast %parallel_loop3A_1025 : i32 to index
        %parallel_loop3A_1027 = arith.index_cast %parallel_loop3A_1024 : i32 to index
        %parallel_loop3A_1028 = tpu.vector_load %arg11[%parallel_loop3A_1026, %parallel_loop3A_1027] {strides = array<i32>} : memref<32x1024xf32, #tpu.memory_space<vmem>>, vector<16xf32>,
        %parallel_loop3A_1029 = arith.mulf %parallel_loop3A_1028, %broadcast_in_dim3A_436 : vector<16xf32>
        %parallel_loop3A_1030 = arith.constant 1 : i32
        %parallel_loop3A_1031 = arith.index_cast %parallel_loop3A_1030 : i32 to index
        %parallel_loop3A_1032 = arith.index_cast %parallel_loop3A_1024 : i32 to index
        %parallel_loop3A_1033 = tpu.vector_load %arg11[%parallel_loop3A_1031, %parallel_loop3A_1032] {strides = array<i32>} : memref<32x1024xf32, #tpu.memory_space<vmem>>, vector<16xf32>,
        %parallel_loop3A_1034 = arith.mulf %parallel_loop3A_1033, %broadcast_in_dim3A_447 : vector<16xf32>
        %parallel_loop3A_1035 = arith.constant 2 : i32
        %parallel_loop3A_1036 = arith.index_cast %parallel_loop3A_1035 : i32 to index
        %parallel_loop3A_1037 = arith.index_cast %parallel_loop3A_1024 : i32 to index
        %parallel_loop3A_1038 = tpu.vector_load %arg11[%parallel_loop3A_1036, %parallel_loop3A_1037] {strides = array<i32>} : memref<32x1024xf32, #tpu.memory_space<vmem>>, vector<16xf32>,
        %parallel_loop3A_1039 = arith.mulf %parallel_loop3A_1038, %broadcast_in_dim3A_458 : vector<16xf32>
        %parallel_loop3A_1040 = arith.constant 3 : i32
        %parallel_loop3A_1041 = arith.index_cast %parallel_loop3A_1040 : i32 to index
        %parallel_loop3A_1042 = arith.index_cast %parallel_loop3A_1024 : i32 to index
        %parallel_loop3A_1043 = tpu.vector_load %arg11[%parallel_loop3A_1041, %parallel_loop3A_1042] {strides = array<i32>} : memref<32x1024xf32, #tpu.memory_space<vmem>>, vector<16xf32>,
        %parallel_loop3A_1044 = arith.mulf %parallel_loop3A_1043, %broadcast_in_dim3A_469 : vector<16xf32>
        %parallel_loop3A_1045 = arith.constant 4 : i32
        %parallel_loop3A_1046 = arith.index_cast %parallel_loop3A_1045 : i32 to index
        %parallel_loop3A_1047 = arith.index_cast %parallel_loop3A_1024 : i32 to index
        %parallel_loop3A_1048 = tpu.vector_load %arg11[%parallel_loop3A_1046, %parallel_loop3A_1047] {strides = array<i32>} : memref<32x1024xf32, #tpu.memory_space<vmem>>, vector<16xf32>,
        %parallel_loop3A_1049 = arith.mulf %parallel_loop3A_1048, %broadcast_in_dim3A_480 : vector<16xf32>
        %parallel_loop3A_1050 = arith.constant 5 : i32
        %parallel_loop3A_1051 = arith.index_cast %parallel_loop3A_1050 : i32 to index
        %parallel_loop3A_1052 = arith.index_cast %parallel_loop3A_1024 : i32 to index
        %parallel_loop3A_1053 = tpu.vector_load %arg11[%parallel_loop3A_1051, %parallel_loop3A_1052] {strides = array<i32>} : memref<32x1024xf32, #tpu.memory_space<vmem>>, vector<16xf32>,
        %parallel_loop3A_1054 = arith.mulf %parallel_loop3A_1053, %broadcast_in_dim3A_491 : vector<16xf32>
        %parallel_loop3A_1055 = arith.constant 6 : i32
        %parallel_loop3A_1056 = arith.index_cast %parallel_loop3A_1055 : i32 to index
        %parallel_loop3A_1057 = arith.index_cast %parallel_loop3A_1024 : i32 to index
        %parallel_loop3A_1058 = tpu.vector_load %arg11[%parallel_loop3A_1056, %parallel_loop3A_1057] {strides = array<i32>} : memref<32x1024xf32, #tpu.memory_space<vmem>>, vector<16xf32>,
        %parallel_loop3A_1059 = arith.mulf %parallel_loop3A_1058, %broadcast_in_dim3A_502 : vector<16xf32>
        %parallel_loop3A_1060 = arith.constant 7 : i32
        %parallel_loop3A_1061 = arith.index_cast %parallel_loop3A_1060 : i32 to index
        %parallel_loop3A_1062 = arith.index_cast %parallel_loop3A_1024 : i32 to index
        %parallel_loop3A_1063 = tpu.vector_load %arg11[%parallel_loop3A_1061, %parallel_loop3A_1062] {strides = array<i32>} : memref<32x1024xf32, #tpu.memory_space<vmem>>, vector<16xf32>,
        %parallel_loop3A_1064 = arith.mulf %parallel_loop3A_1063, %broadcast_in_dim3A_513 : vector<16xf32>
        %parallel_loop3A_1065 = arith.constant 8 : i32
        %parallel_loop3A_1066 = arith.index_cast %parallel_loop3A_1065 : i32 to index
        %parallel_loop3A_1067 = arith.index_cast %parallel_loop3A_1024 : i32 to index
        %parallel_loop3A_1068 = tpu.vector_load %arg11[%parallel_loop3A_1066, %parallel_loop3A_1067] {strides = array<i32>} : memref<32x1024xf32, #tpu.memory_space<vmem>>, vector<16xf32>,
        %parallel_loop3A_1069 = arith.mulf %parallel_loop3A_1068, %broadcast_in_dim3A_524 : vector<16xf32>
        %parallel_loop3A_1070 = arith.constant 9 : i32
        %parallel_loop3A_1071 = arith.index_cast %parallel_loop3A_1070 : i32 to index
        %parallel_loop3A_1072 = arith.index_cast %parallel_loop3A_1024 : i32 to index
        %parallel_loop3A_1073 = tpu.vector_load %arg11[%parallel_loop3A_1071, %parallel_loop3A_1072] {strides = array<i32>} : memref<32x1024xf32, #tpu.memory_space<vmem>>, vector<16xf32>,
        %parallel_loop3A_1074 = arith.mulf %parallel_loop3A_1073, %broadcast_in_dim3A_535 : vector<16xf32>
        %parallel_loop3A_1075 = arith.constant 10 : i32
        %parallel_loop3A_1076 = arith.index_cast %parallel_loop3A_1075 : i32 to index
        %parallel_loop3A_1077 = arith.index_cast %parallel_loop3A_1024 : i32 to index
        %parallel_loop3A_1078 = tpu.vector_load %arg11[%parallel_loop3A_1076, %parallel_loop3A_1077] {strides = array<i32>} : memref<32x1024xf32, #tpu.memory_space<vmem>>, vector<16xf32>,
        %parallel_loop3A_1079 = arith.mulf %parallel_loop3A_1078, %broadcast_in_dim3A_546 : vector<16xf32>
        %parallel_loop3A_1080 = arith.constant 11 : i32
        %parallel_loop3A_1081 = arith.index_cast %parallel_loop3A_1080 : i32 to index
        %parallel_loop3A_1082 = arith.index_cast %parallel_loop3A_1024 : i32 to index
        %parallel_loop3A_1083 = tpu.vector_load %arg11[%parallel_loop3A_1081, %parallel_loop3A_1082] {strides = array<i32>} : memref<32x1024xf32, #tpu.memory_space<vmem>>, vector<16xf32>,
        %parallel_loop3A_1084 = arith.mulf %parallel_loop3A_1083, %broadcast_in_dim3A_557 : vector<16xf32>
        %parallel_loop3A_1085 = arith.constant 12 : i32
        %parallel_loop3A_1086 = arith.index_cast %parallel_loop3A_1085 : i32 to index
        %parallel_loop3A_1087 = arith.index_cast %parallel_loop3A_1024 : i32 to index
        %parallel_loop3A_1088 = tpu.vector_load %arg11[%parallel_loop3A_1086, %parallel_loop3A_1087] {strides = array<i32>} : memref<32x1024xf32, #tpu.memory_space<vmem>>, vector<16xf32>,
        %parallel_loop3A_1089 = arith.mulf %parallel_loop3A_1088, %broadcast_in_dim3A_568 : vector<16xf32>
        %parallel_loop3A_1090 = arith.constant 13 : i32
        %parallel_loop3A_1091 = arith.index_cast %parallel_loop3A_1090 : i32 to index
        %parallel_loop3A_1092 = arith.index_cast %parallel_loop3A_1024 : i32 to index
        %parallel_loop3A_1093 = tpu.vector_load %arg11[%parallel_loop3A_1091, %parallel_loop3A_1092] {strides = array<i32>} : memref<32x1024xf32, #tpu.memory_space<vmem>>, vector<16xf32>,
        %parallel_loop3A_1094 = arith.mulf %parallel_loop3A_1093, %broadcast_in_dim3A_579 : vector<16xf32>
        %parallel_loop3A_1095 = arith.constant 14 : i32
        %parallel_loop3A_1096 = arith.index_cast %parallel_loop3A_1095 : i32 to index
        %parallel_loop3A_1097 = arith.index_cast %parallel_loop3A_1024 : i32 to index
        %parallel_loop3A_1098 = tpu.vector_load %arg11[%parallel_loop3A_1096, %parallel_loop3A_1097] {strides = array<i32>} : memref<32x1024xf32, #tpu.memory_space<vmem>>, vector<16xf32>,
        %parallel_loop3A_1099 = arith.mulf %parallel_loop3A_1098, %broadcast_in_dim3A_590 : vector<16xf32>
        %parallel_loop3A_1100 = arith.constant 15 : i32
        %parallel_loop3A_1101 = arith.index_cast %parallel_loop3A_1100 : i32 to index
        %parallel_loop3A_1102 = arith.index_cast %parallel_loop3A_1024 : i32 to index
        %parallel_loop3A_1103 = tpu.vector_load %arg11[%parallel_loop3A_1101, %parallel_loop3A_1102] {strides = array<i32>} : memref<32x1024xf32, #tpu.memory_space<vmem>>, vector<16xf32>,
        %parallel_loop3A_1104 = arith.mulf %parallel_loop3A_1103, %broadcast_in_dim3A_601 : vector<16xf32>
        %parallel_loop3A_1105 = arith.addf %parallel_loop3A_1029, %parallel_loop3A_1034 : vector<16xf32>
        %parallel_loop3A_1106 = arith.addf %parallel_loop3A_1039, %parallel_loop3A_1044 : vector<16xf32>
        %parallel_loop3A_1107 = arith.addf %parallel_loop3A_1049, %parallel_loop3A_1054 : vector<16xf32>
        %parallel_loop3A_1108 = arith.addf %parallel_loop3A_1059, %parallel_loop3A_1064 : vector<16xf32>
        %parallel_loop3A_1109 = arith.addf %parallel_loop3A_1069, %parallel_loop3A_1074 : vector<16xf32>
        %parallel_loop3A_1110 = arith.addf %parallel_loop3A_1079, %parallel_loop3A_1084 : vector<16xf32>
        %parallel_loop3A_1111 = arith.addf %parallel_loop3A_1089, %parallel_loop3A_1094 : vector<16xf32>
        %parallel_loop3A_1112 = arith.addf %parallel_loop3A_1099, %parallel_loop3A_1104 : vector<16xf32>
        %parallel_loop3A_1113 = arith.addf %parallel_loop3A_1105, %parallel_loop3A_1106 : vector<16xf32>
        %parallel_loop3A_1114 = arith.addf %parallel_loop3A_1107, %parallel_loop3A_1108 : vector<16xf32>
        %parallel_loop3A_1115 = arith.addf %parallel_loop3A_1109, %parallel_loop3A_1110 : vector<16xf32>
        %parallel_loop3A_1116 = arith.addf %parallel_loop3A_1111, %parallel_loop3A_1112 : vector<16xf32>
        %parallel_loop3A_1117 = arith.addf %parallel_loop3A_1113, %parallel_loop3A_1114 : vector<16xf32>
        %parallel_loop3A_1118 = arith.addf %parallel_loop3A_1115, %parallel_loop3A_1116 : vector<16xf32>
        %parallel_loop3A_1119 = arith.addf %parallel_loop3A_1117, %parallel_loop3A_1118 : vector<16xf32>
        %parallel_loop3A_1120 = arith.index_cast %add3A_419 : i32 to index
        %parallel_loop3A_1121 = arith.index_cast %parallel_loop3A_1024 : i32 to index
        %parallel_loop3A_1122 = tpu.vector_load %arg14[%parallel_loop3A_1120, %parallel_loop3A_1121] {strides = array<i32>} : memref<32x1024xf32, #tpu.memory_space<vmem>>, vector<16xf32>,
        tpu.vector_store %arg14[%parallel_loop3A_1120, %parallel_loop3A_1121], %parallel_loop3A_1119 {strides = array<i32>} : memref<32x1024xf32, #tpu.memory_space<vmem>>, vector<16xf32>,
      } {sc.loop_unroll_factor = 2 : i64, sc.parallel_access}
      %mul3A_605 = arith.constant 64 : i32
      %mul3A_606 = arith.muli %add3A_419, %mul3A_605 : i32
      %add3A_607 = arith.constant 16 : i32
      %add3A_608 = arith.addi %mul3A_606, %add3A_607 : i32
      %add3A_609 = arith.constant 0 : i32
      %add3A_610 = arith.addi %add3A_608, %add3A_609 : i32
      %get3A_611 = arith.index_cast %add3A_610 : i32 to index
      %get3A_612 = tpu.vector_load %arg8[%get3A_611] {strides = array<i32>} : memref<2064xf32, #tpu.memory_space<vmem>>, vector<16xf32>,
      %slice3A_613 = vector.extract_strided_slice %get3A_612 {offsets = [0], sizes = [1], strides = [1]} : vector<16xf32> to vector<1xf32>
      %squeeze3A_614 = vector.extract %slice3A_613[0] : f32 from vector<1xf32>
      %broadcast_in_dim3A_615 = vector.broadcast %squeeze3A_614 : f32 to vector<16xf32>
      %mul3A_616 = arith.constant 64 : i32
      %mul3A_617 = arith.muli %add3A_419, %mul3A_616 : i32
      %add3A_618 = arith.constant 16 : i32
      %add3A_619 = arith.addi %mul3A_617, %add3A_618 : i32
      %add3A_620 = arith.constant 1 : i32
      %add3A_621 = arith.addi %add3A_619, %add3A_620 : i32
      %get3A_622 = arith.index_cast %add3A_621 : i32 to index
      %get3A_623 = tpu.vector_load %arg8[%get3A_622] {strides = array<i32>} : memref<2064xf32, #tpu.memory_space<vmem>>, vector<16xf32>,
      %slice3A_624 = vector.extract_strided_slice %get3A_623 {offsets = [0], sizes = [1], strides = [1]} : vector<16xf32> to vector<1xf32>
      %squeeze3A_625 = vector.extract %slice3A_624[0] : f32 from vector<1xf32>
      %broadcast_in_dim3A_626 = vector.broadcast %squeeze3A_625 : f32 to vector<16xf32>
      %mul3A_627 = arith.constant 64 : i32
      %mul3A_628 = arith.muli %add3A_419, %mul3A_627 : i32
      %add3A_629 = arith.constant 16 : i32
      %add3A_630 = arith.addi %mul3A_628, %add3A_629 : i32
      %add3A_631 = arith.constant 2 : i32
      %add3A_632 = arith.addi %add3A_630, %add3A_631 : i32
      %get3A_633 = arith.index_cast %add3A_632 : i32 to index
      %get3A_634 = tpu.vector_load %arg8[%get3A_633] {strides = array<i32>} : memref<2064xf32, #tpu.memory_space<vmem>>, vector<16xf32>,
      %slice3A_635 = vector.extract_strided_slice %get3A_634 {offsets = [0], sizes = [1], strides = [1]} : vector<16xf32> to vector<1xf32>
      %squeeze3A_636 = vector.extract %slice3A_635[0] : f32 from vector<1xf32>
      %broadcast_in_dim3A_637 = vector.broadcast %squeeze3A_636 : f32 to vector<16xf32>
      %mul3A_638 = arith.constant 64 : i32
      %mul3A_639 = arith.muli %add3A_419, %mul3A_638 : i32
      %add3A_640 = arith.constant 16 : i32
      %add3A_641 = arith.addi %mul3A_639, %add3A_640 : i32
      %add3A_642 = arith.constant 3 : i32
      %add3A_643 = arith.addi %add3A_641, %add3A_642 : i32
      %get3A_644 = arith.index_cast %add3A_643 : i32 to index
      %get3A_645 = tpu.vector_load %arg8[%get3A_644] {strides = array<i32>} : memref<2064xf32, #tpu.memory_space<vmem>>, vector<16xf32>,
      %slice3A_646 = vector.extract_strided_slice %get3A_645 {offsets = [0], sizes = [1], strides = [1]} : vector<16xf32> to vector<1xf32>
      %squeeze3A_647 = vector.extract %slice3A_646[0] : f32 from vector<1xf32>
      %broadcast_in_dim3A_648 = vector.broadcast %squeeze3A_647 : f32 to vector<16xf32>
      %mul3A_649 = arith.constant 64 : i32
      %mul3A_650 = arith.muli %add3A_419, %mul3A_649 : i32
      %add3A_651 = arith.constant 16 : i32
      %add3A_652 = arith.addi %mul3A_650, %add3A_651 : i32
      %add3A_653 = arith.constant 4 : i32
      %add3A_654 = arith.addi %add3A_652, %add3A_653 : i32
      %get3A_655 = arith.index_cast %add3A_654 : i32 to index
      %get3A_656 = tpu.vector_load %arg8[%get3A_655] {strides = array<i32>} : memref<2064xf32, #tpu.memory_space<vmem>>, vector<16xf32>,
      %slice3A_657 = vector.extract_strided_slice %get3A_656 {offsets = [0], sizes = [1], strides = [1]} : vector<16xf32> to vector<1xf32>
      %squeeze3A_658 = vector.extract %slice3A_657[0] : f32 from vector<1xf32>
      %broadcast_in_dim3A_659 = vector.broadcast %squeeze3A_658 : f32 to vector<16xf32>
      %mul3A_660 = arith.constant 64 : i32
      %mul3A_661 = arith.muli %add3A_419, %mul3A_660 : i32
      %add3A_662 = arith.constant 16 : i32
      %add3A_663 = arith.addi %mul3A_661, %add3A_662 : i32
      %add3A_664 = arith.constant 5 : i32
      %add3A_665 = arith.addi %add3A_663, %add3A_664 : i32
      %get3A_666 = arith.index_cast %add3A_665 : i32 to index
      %get3A_667 = tpu.vector_load %arg8[%get3A_666] {strides = array<i32>} : memref<2064xf32, #tpu.memory_space<vmem>>, vector<16xf32>,
      %slice3A_668 = vector.extract_strided_slice %get3A_667 {offsets = [0], sizes = [1], strides = [1]} : vector<16xf32> to vector<1xf32>
      %squeeze3A_669 = vector.extract %slice3A_668[0] : f32 from vector<1xf32>
      %broadcast_in_dim3A_670 = vector.broadcast %squeeze3A_669 : f32 to vector<16xf32>
      %mul3A_671 = arith.constant 64 : i32
      %mul3A_672 = arith.muli %add3A_419, %mul3A_671 : i32
      %add3A_673 = arith.constant 16 : i32
      %add3A_674 = arith.addi %mul3A_672, %add3A_673 : i32
      %add3A_675 = arith.constant 6 : i32
      %add3A_676 = arith.addi %add3A_674, %add3A_675 : i32
      %get3A_677 = arith.index_cast %add3A_676 : i32 to index
      %get3A_678 = tpu.vector_load %arg8[%get3A_677] {strides = array<i32>} : memref<2064xf32, #tpu.memory_space<vmem>>, vector<16xf32>,
      %slice3A_679 = vector.extract_strided_slice %get3A_678 {offsets = [0], sizes = [1], strides = [1]} : vector<16xf32> to vector<1xf32>
      %squeeze3A_680 = vector.extract %slice3A_679[0] : f32 from vector<1xf32>
      %broadcast_in_dim3A_681 = vector.broadcast %squeeze3A_680 : f32 to vector<16xf32>
      %mul3A_682 = arith.constant 64 : i32
      %mul3A_683 = arith.muli %add3A_419, %mul3A_682 : i32
      %add3A_684 = arith.constant 16 : i32
      %add3A_685 = arith.addi %mul3A_683, %add3A_684 : i32
      %add3A_686 = arith.constant 7 : i32
      %add3A_687 = arith.addi %add3A_685, %add3A_686 : i32
      %get3A_688 = arith.index_cast %add3A_687 : i32 to index
      %get3A_689 = tpu.vector_load %arg8[%get3A_688] {strides = array<i32>} : memref<2064xf32, #tpu.memory_space<vmem>>, vector<16xf32>,
      %slice3A_690 = vector.extract_strided_slice %get3A_689 {offsets = [0], sizes = [1], strides = [1]} : vector<16xf32> to vector<1xf32>
      %squeeze3A_691 = vector.extract %slice3A_690[0] : f32 from vector<1xf32>
      %broadcast_in_dim3A_692 = vector.broadcast %squeeze3A_691 : f32 to vector<16xf32>
      %mul3A_693 = arith.constant 64 : i32
      %mul3A_694 = arith.muli %add3A_419, %mul3A_693 : i32
      %add3A_695 = arith.constant 16 : i32
      %add3A_696 = arith.addi %mul3A_694, %add3A_695 : i32
      %add3A_697 = arith.constant 8 : i32
      %add3A_698 = arith.addi %add3A_696, %add3A_697 : i32
      %get3A_699 = arith.index_cast %add3A_698 : i32 to index
      %get3A_700 = tpu.vector_load %arg8[%get3A_699] {strides = array<i32>} : memref<2064xf32, #tpu.memory_space<vmem>>, vector<16xf32>,
      %slice3A_701 = vector.extract_strided_slice %get3A_700 {offsets = [0], sizes = [1], strides = [1]} : vector<16xf32> to vector<1xf32>
      %squeeze3A_702 = vector.extract %slice3A_701[0] : f32 from vector<1xf32>
      %broadcast_in_dim3A_703 = vector.broadcast %squeeze3A_702 : f32 to vector<16xf32>
      %mul3A_704 = arith.constant 64 : i32
      %mul3A_705 = arith.muli %add3A_419, %mul3A_704 : i32
      %add3A_706 = arith.constant 16 : i32
      %add3A_707 = arith.addi %mul3A_705, %add3A_706 : i32
      %add3A_708 = arith.constant 9 : i32
      %add3A_709 = arith.addi %add3A_707, %add3A_708 : i32
      %get3A_710 = arith.index_cast %add3A_709 : i32 to index
      %get3A_711 = tpu.vector_load %arg8[%get3A_710] {strides = array<i32>} : memref<2064xf32, #tpu.memory_space<vmem>>, vector<16xf32>,
      %slice3A_712 = vector.extract_strided_slice %get3A_711 {offsets = [0], sizes = [1], strides = [1]} : vector<16xf32> to vector<1xf32>
      %squeeze3A_713 = vector.extract %slice3A_712[0] : f32 from vector<1xf32>
      %broadcast_in_dim3A_714 = vector.broadcast %squeeze3A_713 : f32 to vector<16xf32>
      %mul3A_715 = arith.constant 64 : i32
      %mul3A_716 = arith.muli %add3A_419, %mul3A_715 : i32
      %add3A_717 = arith.constant 16 : i32
      %add3A_718 = arith.addi %mul3A_716, %add3A_717 : i32
      %add3A_719 = arith.constant 10 : i32
      %add3A_720 = arith.addi %add3A_718, %add3A_719 : i32
      %get3A_721 = arith.index_cast %add3A_720 : i32 to index
      %get3A_722 = tpu.vector_load %arg8[%get3A_721] {strides = array<i32>} : memref<2064xf32, #tpu.memory_space<vmem>>, vector<16xf32>,
      %slice3A_723 = vector.extract_strided_slice %get3A_722 {offsets = [0], sizes = [1], strides = [1]} : vector<16xf32> to vector<1xf32>
      %squeeze3A_724 = vector.extract %slice3A_723[0] : f32 from vector<1xf32>
      %broadcast_in_dim3A_725 = vector.broadcast %squeeze3A_724 : f32 to vector<16xf32>
      %mul3A_726 = arith.constant 64 : i32
      %mul3A_727 = arith.muli %add3A_419, %mul3A_726 : i32
      %add3A_728 = arith.constant 16 : i32
      %add3A_729 = arith.addi %mul3A_727, %add3A_728 : i32
      %add3A_730 = arith.constant 11 : i32
      %add3A_731 = arith.addi %add3A_729, %add3A_730 : i32
      %get3A_732 = arith.index_cast %add3A_731 : i32 to index
      %get3A_733 = tpu.vector_load %arg8[%get3A_732] {strides = array<i32>} : memref<2064xf32, #tpu.memory_space<vmem>>, vector<16xf32>,
      %slice3A_734 = vector.extract_strided_slice %get3A_733 {offsets = [0], sizes = [1], strides = [1]} : vector<16xf32> to vector<1xf32>
      %squeeze3A_735 = vector.extract %slice3A_734[0] : f32 from vector<1xf32>
      %broadcast_in_dim3A_736 = vector.broadcast %squeeze3A_735 : f32 to vector<16xf32>
      %mul3A_737 = arith.constant 64 : i32
      %mul3A_738 = arith.muli %add3A_419, %mul3A_737 : i32
      %add3A_739 = arith.constant 16 : i32
      %add3A_740 = arith.addi %mul3A_738, %add3A_739 : i32
      %add3A_741 = arith.constant 12 : i32
      %add3A_742 = arith.addi %add3A_740, %add3A_741 : i32
      %get3A_743 = arith.index_cast %add3A_742 : i32 to index
      %get3A_744 = tpu.vector_load %arg8[%get3A_743] {strides = array<i32>} : memref<2064xf32, #tpu.memory_space<vmem>>, vector<16xf32>,
      %slice3A_745 = vector.extract_strided_slice %get3A_744 {offsets = [0], sizes = [1], strides = [1]} : vector<16xf32> to vector<1xf32>
      %squeeze3A_746 = vector.extract %slice3A_745[0] : f32 from vector<1xf32>
      %broadcast_in_dim3A_747 = vector.broadcast %squeeze3A_746 : f32 to vector<16xf32>
      %mul3A_748 = arith.constant 64 : i32
      %mul3A_749 = arith.muli %add3A_419, %mul3A_748 : i32
      %add3A_750 = arith.constant 16 : i32
      %add3A_751 = arith.addi %mul3A_749, %add3A_750 : i32
      %add3A_752 = arith.constant 13 : i32
      %add3A_753 = arith.addi %add3A_751, %add3A_752 : i32
      %get3A_754 = arith.index_cast %add3A_753 : i32 to index
      %get3A_755 = tpu.vector_load %arg8[%get3A_754] {strides = array<i32>} : memref<2064xf32, #tpu.memory_space<vmem>>, vector<16xf32>,
      %slice3A_756 = vector.extract_strided_slice %get3A_755 {offsets = [0], sizes = [1], strides = [1]} : vector<16xf32> to vector<1xf32>
      %squeeze3A_757 = vector.extract %slice3A_756[0] : f32 from vector<1xf32>
      %broadcast_in_dim3A_758 = vector.broadcast %squeeze3A_757 : f32 to vector<16xf32>
      %mul3A_759 = arith.constant 64 : i32
      %mul3A_760 = arith.muli %add3A_419, %mul3A_759 : i32
      %add3A_761 = arith.constant 16 : i32
      %add3A_762 = arith.addi %mul3A_760, %add3A_761 : i32
      %add3A_763 = arith.constant 14 : i32
      %add3A_764 = arith.addi %add3A_762, %add3A_763 : i32
      %get3A_765 = arith.index_cast %add3A_764 : i32 to index
      %get3A_766 = tpu.vector_load %arg8[%get3A_765] {strides = array<i32>} : memref<2064xf32, #tpu.memory_space<vmem>>, vector<16xf32>,
      %slice3A_767 = vector.extract_strided_slice %get3A_766 {offsets = [0], sizes = [1], strides = [1]} : vector<16xf32> to vector<1xf32>
      %squeeze3A_768 = vector.extract %slice3A_767[0] : f32 from vector<1xf32>
      %broadcast_in_dim3A_769 = vector.broadcast %squeeze3A_768 : f32 to vector<16xf32>
      %mul3A_770 = arith.constant 64 : i32
      %mul3A_771 = arith.muli %add3A_419, %mul3A_770 : i32
      %add3A_772 = arith.constant 16 : i32
      %add3A_773 = arith.addi %mul3A_771, %add3A_772 : i32
      %add3A_774 = arith.constant 15 : i32
      %add3A_775 = arith.addi %add3A_773, %add3A_774 : i32
      %get3A_776 = arith.index_cast %add3A_775 : i32 to index
      %get3A_777 = tpu.vector_load %arg8[%get3A_776] {strides = array<i32>} : memref<2064xf32, #tpu.memory_space<vmem>>, vector<16xf32>,
      %slice3A_778 = vector.extract_strided_slice %get3A_777 {offsets = [0], sizes = [1], strides = [1]} : vector<16xf32> to vector<1xf32>
      %squeeze3A_779 = vector.extract %slice3A_778[0] : f32 from vector<1xf32>
      %broadcast_in_dim3A_780 = vector.broadcast %squeeze3A_779 : f32 to vector<16xf32>
      %parallel_loop3A_781 = arith.constant 0 : i32
      %parallel_loop3A_782 = arith.constant 1024 : i32
      %parallel_loop3A_783 = arith.constant 16 : i32
      scf.for %parallel_loop3A_1024 = %parallel_loop3A_781 to %parallel_loop3A_782 step %parallel_loop3A_783  : i32 {
        %parallel_loop3A_1025 = arith.constant 16 : i32
        %parallel_loop3A_1026 = arith.index_cast %parallel_loop3A_1025 : i32 to index
        %parallel_loop3A_1027 = arith.index_cast %parallel_loop3A_1024 : i32 to index
        %parallel_loop3A_1028 = tpu.vector_load %arg11[%parallel_loop3A_1026, %parallel_loop3A_1027] {strides = array<i32>} : memref<32x1024xf32, #tpu.memory_space<vmem>>, vector<16xf32>,
        %parallel_loop3A_1029 = arith.mulf %parallel_loop3A_1028, %broadcast_in_dim3A_615 : vector<16xf32>
        %parallel_loop3A_1030 = arith.constant 17 : i32
        %parallel_loop3A_1031 = arith.index_cast %parallel_loop3A_1030 : i32 to index
        %parallel_loop3A_1032 = arith.index_cast %parallel_loop3A_1024 : i32 to index
        %parallel_loop3A_1033 = tpu.vector_load %arg11[%parallel_loop3A_1031, %parallel_loop3A_1032] {strides = array<i32>} : memref<32x1024xf32, #tpu.memory_space<vmem>>, vector<16xf32>,
        %parallel_loop3A_1034 = arith.mulf %parallel_loop3A_1033, %broadcast_in_dim3A_626 : vector<16xf32>
        %parallel_loop3A_1035 = arith.constant 18 : i32
        %parallel_loop3A_1036 = arith.index_cast %parallel_loop3A_1035 : i32 to index
        %parallel_loop3A_1037 = arith.index_cast %parallel_loop3A_1024 : i32 to index
        %parallel_loop3A_1038 = tpu.vector_load %arg11[%parallel_loop3A_1036, %parallel_loop3A_1037] {strides = array<i32>} : memref<32x1024xf32, #tpu.memory_space<vmem>>, vector<16xf32>,
        %parallel_loop3A_1039 = arith.mulf %parallel_loop3A_1038, %broadcast_in_dim3A_637 : vector<16xf32>
        %parallel_loop3A_1040 = arith.constant 19 : i32
        %parallel_loop3A_1041 = arith.index_cast %parallel_loop3A_1040 : i32 to index
        %parallel_loop3A_1042 = arith.index_cast %parallel_loop3A_1024 : i32 to index
        %parallel_loop3A_1043 = tpu.vector_load %arg11[%parallel_loop3A_1041, %parallel_loop3A_1042] {strides = array<i32>} : memref<32x1024xf32, #tpu.memory_space<vmem>>, vector<16xf32>,
        %parallel_loop3A_1044 = arith.mulf %parallel_loop3A_1043, %broadcast_in_dim3A_648 : vector<16xf32>
        %parallel_loop3A_1045 = arith.constant 20 : i32
        %parallel_loop3A_1046 = arith.index_cast %parallel_loop3A_1045 : i32 to index
        %parallel_loop3A_1047 = arith.index_cast %parallel_loop3A_1024 : i32 to index
        %parallel_loop3A_1048 = tpu.vector_load %arg11[%parallel_loop3A_1046, %parallel_loop3A_1047] {strides = array<i32>} : memref<32x1024xf32, #tpu.memory_space<vmem>>, vector<16xf32>,
        %parallel_loop3A_1049 = arith.mulf %parallel_loop3A_1048, %broadcast_in_dim3A_659 : vector<16xf32>
        %parallel_loop3A_1050 = arith.constant 21 : i32
        %parallel_loop3A_1051 = arith.index_cast %parallel_loop3A_1050 : i32 to index
        %parallel_loop3A_1052 = arith.index_cast %parallel_loop3A_1024 : i32 to index
        %parallel_loop3A_1053 = tpu.vector_load %arg11[%parallel_loop3A_1051, %parallel_loop3A_1052] {strides = array<i32>} : memref<32x1024xf32, #tpu.memory_space<vmem>>, vector<16xf32>,
        %parallel_loop3A_1054 = arith.mulf %parallel_loop3A_1053, %broadcast_in_dim3A_670 : vector<16xf32>
        %parallel_loop3A_1055 = arith.constant 22 : i32
        %parallel_loop3A_1056 = arith.index_cast %parallel_loop3A_1055 : i32 to index
        %parallel_loop3A_1057 = arith.index_cast %parallel_loop3A_1024 : i32 to index
        %parallel_loop3A_1058 = tpu.vector_load %arg11[%parallel_loop3A_1056, %parallel_loop3A_1057] {strides = array<i32>} : memref<32x1024xf32, #tpu.memory_space<vmem>>, vector<16xf32>,
        %parallel_loop3A_1059 = arith.mulf %parallel_loop3A_1058, %broadcast_in_dim3A_681 : vector<16xf32>
        %parallel_loop3A_1060 = arith.constant 23 : i32
        %parallel_loop3A_1061 = arith.index_cast %parallel_loop3A_1060 : i32 to index
        %parallel_loop3A_1062 = arith.index_cast %parallel_loop3A_1024 : i32 to index
        %parallel_loop3A_1063 = tpu.vector_load %arg11[%parallel_loop3A_1061, %parallel_loop3A_1062] {strides = array<i32>} : memref<32x1024xf32, #tpu.memory_space<vmem>>, vector<16xf32>,
        %parallel_loop3A_1064 = arith.mulf %parallel_loop3A_1063, %broadcast_in_dim3A_692 : vector<16xf32>
        %parallel_loop3A_1065 = arith.constant 24 : i32
        %parallel_loop3A_1066 = arith.index_cast %parallel_loop3A_1065 : i32 to index
        %parallel_loop3A_1067 = arith.index_cast %parallel_loop3A_1024 : i32 to index
        %parallel_loop3A_1068 = tpu.vector_load %arg11[%parallel_loop3A_1066, %parallel_loop3A_1067] {strides = array<i32>} : memref<32x1024xf32, #tpu.memory_space<vmem>>, vector<16xf32>,
        %parallel_loop3A_1069 = arith.mulf %parallel_loop3A_1068, %broadcast_in_dim3A_703 : vector<16xf32>
        %parallel_loop3A_1070 = arith.constant 25 : i32
        %parallel_loop3A_1071 = arith.index_cast %parallel_loop3A_1070 : i32 to index
        %parallel_loop3A_1072 = arith.index_cast %parallel_loop3A_1024 : i32 to index
        %parallel_loop3A_1073 = tpu.vector_load %arg11[%parallel_loop3A_1071, %parallel_loop3A_1072] {strides = array<i32>} : memref<32x1024xf32, #tpu.memory_space<vmem>>, vector<16xf32>,
        %parallel_loop3A_1074 = arith.mulf %parallel_loop3A_1073, %broadcast_in_dim3A_714 : vector<16xf32>
        %parallel_loop3A_1075 = arith.constant 26 : i32
        %parallel_loop3A_1076 = arith.index_cast %parallel_loop3A_1075 : i32 to index
        %parallel_loop3A_1077 = arith.index_cast %parallel_loop3A_1024 : i32 to index
        %parallel_loop3A_1078 = tpu.vector_load %arg11[%parallel_loop3A_1076, %parallel_loop3A_1077] {strides = array<i32>} : memref<32x1024xf32, #tpu.memory_space<vmem>>, vector<16xf32>,
        %parallel_loop3A_1079 = arith.mulf %parallel_loop3A_1078, %broadcast_in_dim3A_725 : vector<16xf32>
        %parallel_loop3A_1080 = arith.constant 27 : i32
        %parallel_loop3A_1081 = arith.index_cast %parallel_loop3A_1080 : i32 to index
        %parallel_loop3A_1082 = arith.index_cast %parallel_loop3A_1024 : i32 to index
        %parallel_loop3A_1083 = tpu.vector_load %arg11[%parallel_loop3A_1081, %parallel_loop3A_1082] {strides = array<i32>} : memref<32x1024xf32, #tpu.memory_space<vmem>>, vector<16xf32>,
        %parallel_loop3A_1084 = arith.mulf %parallel_loop3A_1083, %broadcast_in_dim3A_736 : vector<16xf32>
        %parallel_loop3A_1085 = arith.constant 28 : i32
        %parallel_loop3A_1086 = arith.index_cast %parallel_loop3A_1085 : i32 to index
        %parallel_loop3A_1087 = arith.index_cast %parallel_loop3A_1024 : i32 to index
        %parallel_loop3A_1088 = tpu.vector_load %arg11[%parallel_loop3A_1086, %parallel_loop3A_1087] {strides = array<i32>} : memref<32x1024xf32, #tpu.memory_space<vmem>>, vector<16xf32>,
        %parallel_loop3A_1089 = arith.mulf %parallel_loop3A_1088, %broadcast_in_dim3A_747 : vector<16xf32>
        %parallel_loop3A_1090 = arith.constant 29 : i32
        %parallel_loop3A_1091 = arith.index_cast %parallel_loop3A_1090 : i32 to index
        %parallel_loop3A_1092 = arith.index_cast %parallel_loop3A_1024 : i32 to index
        %parallel_loop3A_1093 = tpu.vector_load %arg11[%parallel_loop3A_1091, %parallel_loop3A_1092] {strides = array<i32>} : memref<32x1024xf32, #tpu.memory_space<vmem>>, vector<16xf32>,
        %parallel_loop3A_1094 = arith.mulf %parallel_loop3A_1093, %broadcast_in_dim3A_758 : vector<16xf32>
        %parallel_loop3A_1095 = arith.constant 30 : i32
        %parallel_loop3A_1096 = arith.index_cast %parallel_loop3A_1095 : i32 to index
        %parallel_loop3A_1097 = arith.index_cast %parallel_loop3A_1024 : i32 to index
        %parallel_loop3A_1098 = tpu.vector_load %arg11[%parallel_loop3A_1096, %parallel_loop3A_1097] {strides = array<i32>} : memref<32x1024xf32, #tpu.memory_space<vmem>>, vector<16xf32>,
        %parallel_loop3A_1099 = arith.mulf %parallel_loop3A_1098, %broadcast_in_dim3A_769 : vector<16xf32>
        %parallel_loop3A_1100 = arith.constant 31 : i32
        %parallel_loop3A_1101 = arith.index_cast %parallel_loop3A_1100 : i32 to index
        %parallel_loop3A_1102 = arith.index_cast %parallel_loop3A_1024 : i32 to index
        %parallel_loop3A_1103 = tpu.vector_load %arg11[%parallel_loop3A_1101, %parallel_loop3A_1102] {strides = array<i32>} : memref<32x1024xf32, #tpu.memory_space<vmem>>, vector<16xf32>,
        %parallel_loop3A_1104 = arith.mulf %parallel_loop3A_1103, %broadcast_in_dim3A_780 : vector<16xf32>
        %parallel_loop3A_1105 = arith.addf %parallel_loop3A_1029, %parallel_loop3A_1034 : vector<16xf32>
        %parallel_loop3A_1106 = arith.addf %parallel_loop3A_1039, %parallel_loop3A_1044 : vector<16xf32>
        %parallel_loop3A_1107 = arith.addf %parallel_loop3A_1049, %parallel_loop3A_1054 : vector<16xf32>
        %parallel_loop3A_1108 = arith.addf %parallel_loop3A_1059, %parallel_loop3A_1064 : vector<16xf32>
        %parallel_loop3A_1109 = arith.addf %parallel_loop3A_1069, %parallel_loop3A_1074 : vector<16xf32>
        %parallel_loop3A_1110 = arith.addf %parallel_loop3A_1079, %parallel_loop3A_1084 : vector<16xf32>
        %parallel_loop3A_1111 = arith.addf %parallel_loop3A_1089, %parallel_loop3A_1094 : vector<16xf32>
        %parallel_loop3A_1112 = arith.addf %parallel_loop3A_1099, %parallel_loop3A_1104 : vector<16xf32>
        %parallel_loop3A_1113 = arith.addf %parallel_loop3A_1105, %parallel_loop3A_1106 : vector<16xf32>
        %parallel_loop3A_1114 = arith.addf %parallel_loop3A_1107, %parallel_loop3A_1108 : vector<16xf32>
        %parallel_loop3A_1115 = arith.addf %parallel_loop3A_1109, %parallel_loop3A_1110 : vector<16xf32>
        %parallel_loop3A_1116 = arith.addf %parallel_loop3A_1111, %parallel_loop3A_1112 : vector<16xf32>
        %parallel_loop3A_1117 = arith.addf %parallel_loop3A_1113, %parallel_loop3A_1114 : vector<16xf32>
        %parallel_loop3A_1118 = arith.addf %parallel_loop3A_1115, %parallel_loop3A_1116 : vector<16xf32>
        %parallel_loop3A_1119 = arith.addf %parallel_loop3A_1117, %parallel_loop3A_1118 : vector<16xf32>
        %parallel_loop3A_1120 = arith.index_cast %add3A_419 : i32 to index
        %parallel_loop3A_1121 = arith.index_cast %parallel_loop3A_1024 : i32 to index
        %parallel_loop3A_1122 = tpu.vector_load %arg14[%parallel_loop3A_1120, %parallel_loop3A_1121] {strides = array<i32>} : memref<32x1024xf32, #tpu.memory_space<vmem>>, vector<16xf32>,
        tpu.vector_store %arg14[%parallel_loop3A_1120, %parallel_loop3A_1121], %parallel_loop3A_1119 {add = true, strides = array<i32>} : memref<32x1024xf32, #tpu.memory_space<vmem>>, vector<16xf32>,
      } {sc.loop_unroll_factor = 2 : i64, sc.parallel_access}
      %add3A_784 = arith.constant 1 : i32
      %add3A_785 = arith.addi %add3A_419, %add3A_784 : i32
      %dma_start3A_786 = arith.constant 0 : i32
      %dma_start3A_787 = tpu.memref_slice %arg7[%add3A_785, %dma_start3A_786] : memref<32x64xi32, #tpu.memory_space<vmem>> -> memref<1x32xi32, #tpu.memory_space<vmem>>
      %dma_start3A_788 = tpu.memref_squeeze %dma_start3A_787 : memref<1x32xi32, #tpu.memory_space<vmem>> -> memref<32xi32, #tpu.memory_space<vmem>>
      %dma_start3A_789 = arith.constant 0 : i32
      %dma_start3A_790 = arith.constant 0 : i32
      %dma_start3A_791 = tpu.memref_slice %arg4[%dma_start3A_789, %dma_start3A_790] : memref<100000x1024xf32, #tpu.memory_space<hbm>> -> memref<100000x1024xf32, #tpu.memory_space<hbm>>
      tpu.enqueue_indirect_dma source(%dma_start3A_791 : memref<100000x1024xf32, #tpu.memory_space<hbm>>) target(%arg11 : memref<32x1024xf32, #tpu.memory_space<vmem>>) offsets(%dma_start3A_788 : memref<32xi32, #tpu.memory_space<vmem>>) semaphore(%arg16 : memref<!tpu.dma_semaphore, #tpu.memory_space<semaphore_mem>>)
      %dma_wait3A_792 = arith.constant 32 : i32
      %dma_wait3A_793 = tpu.memref_slice %arg7[%add3A_419, %dma_wait3A_792] : memref<32x64xi32, #tpu.memory_space<vmem>> -> memref<1x16xi32, #tpu.memory_space<vmem>>
      %dma_wait3A_794 = tpu.memref_squeeze %dma_wait3A_793 : memref<1x16xi32, #tpu.memory_space<vmem>> -> memref<16xi32, #tpu.memory_space<vmem>>
      %dma_wait3A_795 = arith.constant 0 : i32
      %dma_wait3A_796 = arith.constant 0 : i32
      %dma_wait3A_797 = tpu.memref_slice %arg4[%dma_wait3A_795, %dma_wait3A_796] : memref<100000x1024xf32, #tpu.memory_space<hbm>> -> memref<100000x1024xf32, #tpu.memory_space<hbm>>
      tpu.wait_indirect_dma semaphore(%arg17 : memref<!tpu.dma_semaphore, #tpu.memory_space<semaphore_mem>>) src(%dma_wait3A_797 : memref<100000x1024xf32, #tpu.memory_space<hbm>>) dst(%arg12 : memref<16x1024xf32, #tpu.memory_space<vmem>>)
      %mul3A_798 = arith.constant 64 : i32
      %mul3A_799 = arith.muli %add3A_419, %mul3A_798 : i32
      %add3A_800 = arith.constant 32 : i32
      %add3A_801 = arith.addi %mul3A_799, %add3A_800 : i32
      %add3A_802 = arith.constant 0 : i32
      %add3A_803 = arith.addi %add3A_801, %add3A_802 : i32
      %get3A_804 = arith.index_cast %add3A_803 : i32 to index
      %get3A_805 = tpu.vector_load %arg8[%get3A_804] {strides = array<i32>} : memref<2064xf32, #tpu.memory_space<vmem>>, vector<16xf32>,
      %slice3A_806 = vector.extract_strided_slice %get3A_805 {offsets = [0], sizes = [1], strides = [1]} : vector<16xf32> to vector<1xf32>
      %squeeze3A_807 = vector.extract %slice3A_806[0] : f32 from vector<1xf32>
      %broadcast_in_dim3A_808 = vector.broadcast %squeeze3A_807 : f32 to vector<16xf32>
      %mul3A_809 = arith.constant 64 : i32
      %mul3A_810 = arith.muli %add3A_419, %mul3A_809 : i32
      %add3A_811 = arith.constant 32 : i32
      %add3A_812 = arith.addi %mul3A_810, %add3A_811 : i32
      %add3A_813 = arith.constant 1 : i32
      %add3A_814 = arith.addi %add3A_812, %add3A_813 : i32
      %get3A_815 = arith.index_cast %add3A_814 : i32 to index
      %get3A_816 = tpu.vector_load %arg8[%get3A_815] {strides = array<i32>} : memref<2064xf32, #tpu.memory_space<vmem>>, vector<16xf32>,
      %slice3A_817 = vector.extract_strided_slice %get3A_816 {offsets = [0], sizes = [1], strides = [1]} : vector<16xf32> to vector<1xf32>
      %squeeze3A_818 = vector.extract %slice3A_817[0] : f32 from vector<1xf32>
      %broadcast_in_dim3A_819 = vector.broadcast %squeeze3A_818 : f32 to vector<16xf32>
      %mul3A_820 = arith.constant 64 : i32
      %mul3A_821 = arith.muli %add3A_419, %mul3A_820 : i32
      %add3A_822 = arith.constant 32 : i32
      %add3A_823 = arith.addi %mul3A_821, %add3A_822 : i32
      %add3A_824 = arith.constant 2 : i32
      %add3A_825 = arith.addi %add3A_823, %add3A_824 : i32
      %get3A_826 = arith.index_cast %add3A_825 : i32 to index
      %get3A_827 = tpu.vector_load %arg8[%get3A_826] {strides = array<i32>} : memref<2064xf32, #tpu.memory_space<vmem>>, vector<16xf32>,
      %slice3A_828 = vector.extract_strided_slice %get3A_827 {offsets = [0], sizes = [1], strides = [1]} : vector<16xf32> to vector<1xf32>
      %squeeze3A_829 = vector.extract %slice3A_828[0] : f32 from vector<1xf32>
      %broadcast_in_dim3A_830 = vector.broadcast %squeeze3A_829 : f32 to vector<16xf32>
      %mul3A_831 = arith.constant 64 : i32
      %mul3A_832 = arith.muli %add3A_419, %mul3A_831 : i32
      %add3A_833 = arith.constant 32 : i32
      %add3A_834 = arith.addi %mul3A_832, %add3A_833 : i32
      %add3A_835 = arith.constant 3 : i32
      %add3A_836 = arith.addi %add3A_834, %add3A_835 : i32
      %get3A_837 = arith.index_cast %add3A_836 : i32 to index
      %get3A_838 = tpu.vector_load %arg8[%get3A_837] {strides = array<i32>} : memref<2064xf32, #tpu.memory_space<vmem>>, vector<16xf32>,
      %slice3A_839 = vector.extract_strided_slice %get3A_838 {offsets = [0], sizes = [1], strides = [1]} : vector<16xf32> to vector<1xf32>
      %squeeze3A_840 = vector.extract %slice3A_839[0] : f32 from vector<1xf32>
      %broadcast_in_dim3A_841 = vector.broadcast %squeeze3A_840 : f32 to vector<16xf32>
      %mul3A_842 = arith.constant 64 : i32
      %mul3A_843 = arith.muli %add3A_419, %mul3A_842 : i32
      %add3A_844 = arith.constant 32 : i32
      %add3A_845 = arith.addi %mul3A_843, %add3A_844 : i32
      %add3A_846 = arith.constant 4 : i32
      %add3A_847 = arith.addi %add3A_845, %add3A_846 : i32
      %get3A_848 = arith.index_cast %add3A_847 : i32 to index
      %get3A_849 = tpu.vector_load %arg8[%get3A_848] {strides = array<i32>} : memref<2064xf32, #tpu.memory_space<vmem>>, vector<16xf32>,
      %slice3A_850 = vector.extract_strided_slice %get3A_849 {offsets = [0], sizes = [1], strides = [1]} : vector<16xf32> to vector<1xf32>
      %squeeze3A_851 = vector.extract %slice3A_850[0] : f32 from vector<1xf32>
      %broadcast_in_dim3A_852 = vector.broadcast %squeeze3A_851 : f32 to vector<16xf32>
      %mul3A_853 = arith.constant 64 : i32
      %mul3A_854 = arith.muli %add3A_419, %mul3A_853 : i32
      %add3A_855 = arith.constant 32 : i32
      %add3A_856 = arith.addi %mul3A_854, %add3A_855 : i32
      %add3A_857 = arith.constant 5 : i32
      %add3A_858 = arith.addi %add3A_856, %add3A_857 : i32
      %get3A_859 = arith.index_cast %add3A_858 : i32 to index
      %get3A_860 = tpu.vector_load %arg8[%get3A_859] {strides = array<i32>} : memref<2064xf32, #tpu.memory_space<vmem>>, vector<16xf32>,
      %slice3A_861 = vector.extract_strided_slice %get3A_860 {offsets = [0], sizes = [1], strides = [1]} : vector<16xf32> to vector<1xf32>
      %squeeze3A_862 = vector.extract %slice3A_861[0] : f32 from vector<1xf32>
      %broadcast_in_dim3A_863 = vector.broadcast %squeeze3A_862 : f32 to vector<16xf32>
      %mul3A_864 = arith.constant 64 : i32
      %mul3A_865 = arith.muli %add3A_419, %mul3A_864 : i32
      %add3A_866 = arith.constant 32 : i32
      %add3A_867 = arith.addi %mul3A_865, %add3A_866 : i32
      %add3A_868 = arith.constant 6 : i32
      %add3A_869 = arith.addi %add3A_867, %add3A_868 : i32
      %get3A_870 = arith.index_cast %add3A_869 : i32 to index
      %get3A_871 = tpu.vector_load %arg8[%get3A_870] {strides = array<i32>} : memref<2064xf32, #tpu.memory_space<vmem>>, vector<16xf32>,
      %slice3A_872 = vector.extract_strided_slice %get3A_871 {offsets = [0], sizes = [1], strides = [1]} : vector<16xf32> to vector<1xf32>
      %squeeze3A_873 = vector.extract %slice3A_872[0] : f32 from vector<1xf32>
      %broadcast_in_dim3A_874 = vector.broadcast %squeeze3A_873 : f32 to vector<16xf32>
      %mul3A_875 = arith.constant 64 : i32
      %mul3A_876 = arith.muli %add3A_419, %mul3A_875 : i32
      %add3A_877 = arith.constant 32 : i32
      %add3A_878 = arith.addi %mul3A_876, %add3A_877 : i32
      %add3A_879 = arith.constant 7 : i32
      %add3A_880 = arith.addi %add3A_878, %add3A_879 : i32
      %get3A_881 = arith.index_cast %add3A_880 : i32 to index
      %get3A_882 = tpu.vector_load %arg8[%get3A_881] {strides = array<i32>} : memref<2064xf32, #tpu.memory_space<vmem>>, vector<16xf32>,
      %slice3A_883 = vector.extract_strided_slice %get3A_882 {offsets = [0], sizes = [1], strides = [1]} : vector<16xf32> to vector<1xf32>
      %squeeze3A_884 = vector.extract %slice3A_883[0] : f32 from vector<1xf32>
      %broadcast_in_dim3A_885 = vector.broadcast %squeeze3A_884 : f32 to vector<16xf32>
      %mul3A_886 = arith.constant 64 : i32
      %mul3A_887 = arith.muli %add3A_419, %mul3A_886 : i32
      %add3A_888 = arith.constant 32 : i32
      %add3A_889 = arith.addi %mul3A_887, %add3A_888 : i32
      %add3A_890 = arith.constant 8 : i32
      %add3A_891 = arith.addi %add3A_889, %add3A_890 : i32
      %get3A_892 = arith.index_cast %add3A_891 : i32 to index
      %get3A_893 = tpu.vector_load %arg8[%get3A_892] {strides = array<i32>} : memref<2064xf32, #tpu.memory_space<vmem>>, vector<16xf32>,
      %slice3A_894 = vector.extract_strided_slice %get3A_893 {offsets = [0], sizes = [1], strides = [1]} : vector<16xf32> to vector<1xf32>
      %squeeze3A_895 = vector.extract %slice3A_894[0] : f32 from vector<1xf32>
      %broadcast_in_dim3A_896 = vector.broadcast %squeeze3A_895 : f32 to vector<16xf32>
      %mul3A_897 = arith.constant 64 : i32
      %mul3A_898 = arith.muli %add3A_419, %mul3A_897 : i32
      %add3A_899 = arith.constant 32 : i32
      %add3A_900 = arith.addi %mul3A_898, %add3A_899 : i32
      %add3A_901 = arith.constant 9 : i32
      %add3A_902 = arith.addi %add3A_900, %add3A_901 : i32
      %get3A_903 = arith.index_cast %add3A_902 : i32 to index
      %get3A_904 = tpu.vector_load %arg8[%get3A_903] {strides = array<i32>} : memref<2064xf32, #tpu.memory_space<vmem>>, vector<16xf32>,
      %slice3A_905 = vector.extract_strided_slice %get3A_904 {offsets = [0], sizes = [1], strides = [1]} : vector<16xf32> to vector<1xf32>
      %squeeze3A_906 = vector.extract %slice3A_905[0] : f32 from vector<1xf32>
      %broadcast_in_dim3A_907 = vector.broadcast %squeeze3A_906 : f32 to vector<16xf32>
      %mul3A_908 = arith.constant 64 : i32
      %mul3A_909 = arith.muli %add3A_419, %mul3A_908 : i32
      %add3A_910 = arith.constant 32 : i32
      %add3A_911 = arith.addi %mul3A_909, %add3A_910 : i32
      %add3A_912 = arith.constant 10 : i32
      %add3A_913 = arith.addi %add3A_911, %add3A_912 : i32
      %get3A_914 = arith.index_cast %add3A_913 : i32 to index
      %get3A_915 = tpu.vector_load %arg8[%get3A_914] {strides = array<i32>} : memref<2064xf32, #tpu.memory_space<vmem>>, vector<16xf32>,
      %slice3A_916 = vector.extract_strided_slice %get3A_915 {offsets = [0], sizes = [1], strides = [1]} : vector<16xf32> to vector<1xf32>
      %squeeze3A_917 = vector.extract %slice3A_916[0] : f32 from vector<1xf32>
      %broadcast_in_dim3A_918 = vector.broadcast %squeeze3A_917 : f32 to vector<16xf32>
      %mul3A_919 = arith.constant 64 : i32
      %mul3A_920 = arith.muli %add3A_419, %mul3A_919 : i32
      %add3A_921 = arith.constant 32 : i32
      %add3A_922 = arith.addi %mul3A_920, %add3A_921 : i32
      %add3A_923 = arith.constant 11 : i32
      %add3A_924 = arith.addi %add3A_922, %add3A_923 : i32
      %get3A_925 = arith.index_cast %add3A_924 : i32 to index
      %get3A_926 = tpu.vector_load %arg8[%get3A_925] {strides = array<i32>} : memref<2064xf32, #tpu.memory_space<vmem>>, vector<16xf32>,
      %slice3A_927 = vector.extract_strided_slice %get3A_926 {offsets = [0], sizes = [1], strides = [1]} : vector<16xf32> to vector<1xf32>
      %squeeze3A_928 = vector.extract %slice3A_927[0] : f32 from vector<1xf32>
      %broadcast_in_dim3A_929 = vector.broadcast %squeeze3A_928 : f32 to vector<16xf32>
      %mul3A_930 = arith.constant 64 : i32
      %mul3A_931 = arith.muli %add3A_419, %mul3A_930 : i32
      %add3A_932 = arith.constant 32 : i32
      %add3A_933 = arith.addi %mul3A_931, %add3A_932 : i32
      %add3A_934 = arith.constant 12 : i32
      %add3A_935 = arith.addi %add3A_933, %add3A_934 : i32
      %get3A_936 = arith.index_cast %add3A_935 : i32 to index
      %get3A_937 = tpu.vector_load %arg8[%get3A_936] {strides = array<i32>} : memref<2064xf32, #tpu.memory_space<vmem>>, vector<16xf32>,
      %slice3A_938 = vector.extract_strided_slice %get3A_937 {offsets = [0], sizes = [1], strides = [1]} : vector<16xf32> to vector<1xf32>
      %squeeze3A_939 = vector.extract %slice3A_938[0] : f32 from vector<1xf32>
      %broadcast_in_dim3A_940 = vector.broadcast %squeeze3A_939 : f32 to vector<16xf32>
      %mul3A_941 = arith.constant 64 : i32
      %mul3A_942 = arith.muli %add3A_419, %mul3A_941 : i32
      %add3A_943 = arith.constant 32 : i32
      %add3A_944 = arith.addi %mul3A_942, %add3A_943 : i32
      %add3A_945 = arith.constant 13 : i32
      %add3A_946 = arith.addi %add3A_944, %add3A_945 : i32
      %get3A_947 = arith.index_cast %add3A_946 : i32 to index
      %get3A_948 = tpu.vector_load %arg8[%get3A_947] {strides = array<i32>} : memref<2064xf32, #tpu.memory_space<vmem>>, vector<16xf32>,
      %slice3A_949 = vector.extract_strided_slice %get3A_948 {offsets = [0], sizes = [1], strides = [1]} : vector<16xf32> to vector<1xf32>
      %squeeze3A_950 = vector.extract %slice3A_949[0] : f32 from vector<1xf32>
      %broadcast_in_dim3A_951 = vector.broadcast %squeeze3A_950 : f32 to vector<16xf32>
      %mul3A_952 = arith.constant 64 : i32
      %mul3A_953 = arith.muli %add3A_419, %mul3A_952 : i32
      %add3A_954 = arith.constant 32 : i32
      %add3A_955 = arith.addi %mul3A_953, %add3A_954 : i32
      %add3A_956 = arith.constant 14 : i32
      %add3A_957 = arith.addi %add3A_955, %add3A_956 : i32
      %get3A_958 = arith.index_cast %add3A_957 : i32 to index
      %get3A_959 = tpu.vector_load %arg8[%get3A_958] {strides = array<i32>} : memref<2064xf32, #tpu.memory_space<vmem>>, vector<16xf32>,
      %slice3A_960 = vector.extract_strided_slice %get3A_959 {offsets = [0], sizes = [1], strides = [1]} : vector<16xf32> to vector<1xf32>
      %squeeze3A_961 = vector.extract %slice3A_960[0] : f32 from vector<1xf32>
      %broadcast_in_dim3A_962 = vector.broadcast %squeeze3A_961 : f32 to vector<16xf32>
      %mul3A_963 = arith.constant 64 : i32
      %mul3A_964 = arith.muli %add3A_419, %mul3A_963 : i32
      %add3A_965 = arith.constant 32 : i32
      %add3A_966 = arith.addi %mul3A_964, %add3A_965 : i32
      %add3A_967 = arith.constant 15 : i32
      %add3A_968 = arith.addi %add3A_966, %add3A_967 : i32
      %get3A_969 = arith.index_cast %add3A_968 : i32 to index
      %get3A_970 = tpu.vector_load %arg8[%get3A_969] {strides = array<i32>} : memref<2064xf32, #tpu.memory_space<vmem>>, vector<16xf32>,
      %slice3A_971 = vector.extract_strided_slice %get3A_970 {offsets = [0], sizes = [1], strides = [1]} : vector<16xf32> to vector<1xf32>
      %squeeze3A_972 = vector.extract %slice3A_971[0] : f32 from vector<1xf32>
      %broadcast_in_dim3A_973 = vector.broadcast %squeeze3A_972 : f32 to vector<16xf32>
      %parallel_loop3A_974 = arith.constant 0 : i32
      %parallel_loop3A_975 = arith.constant 1024 : i32
      %parallel_loop3A_976 = arith.constant 16 : i32
      scf.for %parallel_loop3A_1024 = %parallel_loop3A_974 to %parallel_loop3A_975 step %parallel_loop3A_976  : i32 {
        %parallel_loop3A_1025 = arith.constant 0 : i32
        %parallel_loop3A_1026 = arith.index_cast %parallel_loop3A_1025 : i32 to index
        %parallel_loop3A_1027 = arith.index_cast %parallel_loop3A_1024 : i32 to index
        %parallel_loop3A_1028 = tpu.vector_load %arg12[%parallel_loop3A_1026, %parallel_loop3A_1027] {strides = array<i32>} : memref<16x1024xf32, #tpu.memory_space<vmem>>, vector<16xf32>,
        %parallel_loop3A_1029 = arith.mulf %parallel_loop3A_1028, %broadcast_in_dim3A_808 : vector<16xf32>
        %parallel_loop3A_1030 = arith.constant 1 : i32
        %parallel_loop3A_1031 = arith.index_cast %parallel_loop3A_1030 : i32 to index
        %parallel_loop3A_1032 = arith.index_cast %parallel_loop3A_1024 : i32 to index
        %parallel_loop3A_1033 = tpu.vector_load %arg12[%parallel_loop3A_1031, %parallel_loop3A_1032] {strides = array<i32>} : memref<16x1024xf32, #tpu.memory_space<vmem>>, vector<16xf32>,
        %parallel_loop3A_1034 = arith.mulf %parallel_loop3A_1033, %broadcast_in_dim3A_819 : vector<16xf32>
        %parallel_loop3A_1035 = arith.constant 2 : i32
        %parallel_loop3A_1036 = arith.index_cast %parallel_loop3A_1035 : i32 to index
        %parallel_loop3A_1037 = arith.index_cast %parallel_loop3A_1024 : i32 to index
        %parallel_loop3A_1038 = tpu.vector_load %arg12[%parallel_loop3A_1036, %parallel_loop3A_1037] {strides = array<i32>} : memref<16x1024xf32, #tpu.memory_space<vmem>>, vector<16xf32>,
        %parallel_loop3A_1039 = arith.mulf %parallel_loop3A_1038, %broadcast_in_dim3A_830 : vector<16xf32>
        %parallel_loop3A_1040 = arith.constant 3 : i32
        %parallel_loop3A_1041 = arith.index_cast %parallel_loop3A_1040 : i32 to index
        %parallel_loop3A_1042 = arith.index_cast %parallel_loop3A_1024 : i32 to index
        %parallel_loop3A_1043 = tpu.vector_load %arg12[%parallel_loop3A_1041, %parallel_loop3A_1042] {strides = array<i32>} : memref<16x1024xf32, #tpu.memory_space<vmem>>, vector<16xf32>,
        %parallel_loop3A_1044 = arith.mulf %parallel_loop3A_1043, %broadcast_in_dim3A_841 : vector<16xf32>
        %parallel_loop3A_1045 = arith.constant 4 : i32
        %parallel_loop3A_1046 = arith.index_cast %parallel_loop3A_1045 : i32 to index
        %parallel_loop3A_1047 = arith.index_cast %parallel_loop3A_1024 : i32 to index
        %parallel_loop3A_1048 = tpu.vector_load %arg12[%parallel_loop3A_1046, %parallel_loop3A_1047] {strides = array<i32>} : memref<16x1024xf32, #tpu.memory_space<vmem>>, vector<16xf32>,
        %parallel_loop3A_1049 = arith.mulf %parallel_loop3A_1048, %broadcast_in_dim3A_852 : vector<16xf32>
        %parallel_loop3A_1050 = arith.constant 5 : i32
        %parallel_loop3A_1051 = arith.index_cast %parallel_loop3A_1050 : i32 to index
        %parallel_loop3A_1052 = arith.index_cast %parallel_loop3A_1024 : i32 to index
        %parallel_loop3A_1053 = tpu.vector_load %arg12[%parallel_loop3A_1051, %parallel_loop3A_1052] {strides = array<i32>} : memref<16x1024xf32, #tpu.memory_space<vmem>>, vector<16xf32>,
        %parallel_loop3A_1054 = arith.mulf %parallel_loop3A_1053, %broadcast_in_dim3A_863 : vector<16xf32>
        %parallel_loop3A_1055 = arith.constant 6 : i32
        %parallel_loop3A_1056 = arith.index_cast %parallel_loop3A_1055 : i32 to index
        %parallel_loop3A_1057 = arith.index_cast %parallel_loop3A_1024 : i32 to index
        %parallel_loop3A_1058 = tpu.vector_load %arg12[%parallel_loop3A_1056, %parallel_loop3A_1057] {strides = array<i32>} : memref<16x1024xf32, #tpu.memory_space<vmem>>, vector<16xf32>,
        %parallel_loop3A_1059 = arith.mulf %parallel_loop3A_1058, %broadcast_in_dim3A_874 : vector<16xf32>
        %parallel_loop3A_1060 = arith.constant 7 : i32
        %parallel_loop3A_1061 = arith.index_cast %parallel_loop3A_1060 : i32 to index
        %parallel_loop3A_1062 = arith.index_cast %parallel_loop3A_1024 : i32 to index
        %parallel_loop3A_1063 = tpu.vector_load %arg12[%parallel_loop3A_1061, %parallel_loop3A_1062] {strides = array<i32>} : memref<16x1024xf32, #tpu.memory_space<vmem>>, vector<16xf32>,
        %parallel_loop3A_1064 = arith.mulf %parallel_loop3A_1063, %broadcast_in_dim3A_885 : vector<16xf32>
        %parallel_loop3A_1065 = arith.constant 8 : i32
        %parallel_loop3A_1066 = arith.index_cast %parallel_loop3A_1065 : i32 to index
        %parallel_loop3A_1067 = arith.index_cast %parallel_loop3A_1024 : i32 to index
        %parallel_loop3A_1068 = tpu.vector_load %arg12[%parallel_loop3A_1066, %parallel_loop3A_1067] {strides = array<i32>} : memref<16x1024xf32, #tpu.memory_space<vmem>>, vector<16xf32>,
        %parallel_loop3A_1069 = arith.mulf %parallel_loop3A_1068, %broadcast_in_dim3A_896 : vector<16xf32>
        %parallel_loop3A_1070 = arith.constant 9 : i32
        %parallel_loop3A_1071 = arith.index_cast %parallel_loop3A_1070 : i32 to index
        %parallel_loop3A_1072 = arith.index_cast %parallel_loop3A_1024 : i32 to index
        %parallel_loop3A_1073 = tpu.vector_load %arg12[%parallel_loop3A_1071, %parallel_loop3A_1072] {strides = array<i32>} : memref<16x1024xf32, #tpu.memory_space<vmem>>, vector<16xf32>,
        %parallel_loop3A_1074 = arith.mulf %parallel_loop3A_1073, %broadcast_in_dim3A_907 : vector<16xf32>
        %parallel_loop3A_1075 = arith.constant 10 : i32
        %parallel_loop3A_1076 = arith.index_cast %parallel_loop3A_1075 : i32 to index
        %parallel_loop3A_1077 = arith.index_cast %parallel_loop3A_1024 : i32 to index
        %parallel_loop3A_1078 = tpu.vector_load %arg12[%parallel_loop3A_1076, %parallel_loop3A_1077] {strides = array<i32>} : memref<16x1024xf32, #tpu.memory_space<vmem>>, vector<16xf32>,
        %parallel_loop3A_1079 = arith.mulf %parallel_loop3A_1078, %broadcast_in_dim3A_918 : vector<16xf32>
        %parallel_loop3A_1080 = arith.constant 11 : i32
        %parallel_loop3A_1081 = arith.index_cast %parallel_loop3A_1080 : i32 to index
        %parallel_loop3A_1082 = arith.index_cast %parallel_loop3A_1024 : i32 to index
        %parallel_loop3A_1083 = tpu.vector_load %arg12[%parallel_loop3A_1081, %parallel_loop3A_1082] {strides = array<i32>} : memref<16x1024xf32, #tpu.memory_space<vmem>>, vector<16xf32>,
        %parallel_loop3A_1084 = arith.mulf %parallel_loop3A_1083, %broadcast_in_dim3A_929 : vector<16xf32>
        %parallel_loop3A_1085 = arith.constant 12 : i32
        %parallel_loop3A_1086 = arith.index_cast %parallel_loop3A_1085 : i32 to index
        %parallel_loop3A_1087 = arith.index_cast %parallel_loop3A_1024 : i32 to index
        %parallel_loop3A_1088 = tpu.vector_load %arg12[%parallel_loop3A_1086, %parallel_loop3A_1087] {strides = array<i32>} : memref<16x1024xf32, #tpu.memory_space<vmem>>, vector<16xf32>,
        %parallel_loop3A_1089 = arith.mulf %parallel_loop3A_1088, %broadcast_in_dim3A_940 : vector<16xf32>
        %parallel_loop3A_1090 = arith.constant 13 : i32
        %parallel_loop3A_1091 = arith.index_cast %parallel_loop3A_1090 : i32 to index
        %parallel_loop3A_1092 = arith.index_cast %parallel_loop3A_1024 : i32 to index
        %parallel_loop3A_1093 = tpu.vector_load %arg12[%parallel_loop3A_1091, %parallel_loop3A_1092] {strides = array<i32>} : memref<16x1024xf32, #tpu.memory_space<vmem>>, vector<16xf32>,
        %parallel_loop3A_1094 = arith.mulf %parallel_loop3A_1093, %broadcast_in_dim3A_951 : vector<16xf32>
        %parallel_loop3A_1095 = arith.constant 14 : i32
        %parallel_loop3A_1096 = arith.index_cast %parallel_loop3A_1095 : i32 to index
        %parallel_loop3A_1097 = arith.index_cast %parallel_loop3A_1024 : i32 to index
        %parallel_loop3A_1098 = tpu.vector_load %arg12[%parallel_loop3A_1096, %parallel_loop3A_1097] {strides = array<i32>} : memref<16x1024xf32, #tpu.memory_space<vmem>>, vector<16xf32>,
        %parallel_loop3A_1099 = arith.mulf %parallel_loop3A_1098, %broadcast_in_dim3A_962 : vector<16xf32>
        %parallel_loop3A_1100 = arith.constant 15 : i32
        %parallel_loop3A_1101 = arith.index_cast %parallel_loop3A_1100 : i32 to index
        %parallel_loop3A_1102 = arith.index_cast %parallel_loop3A_1024 : i32 to index
        %parallel_loop3A_1103 = tpu.vector_load %arg12[%parallel_loop3A_1101, %parallel_loop3A_1102] {strides = array<i32>} : memref<16x1024xf32, #tpu.memory_space<vmem>>, vector<16xf32>,
        %parallel_loop3A_1104 = arith.mulf %parallel_loop3A_1103, %broadcast_in_dim3A_973 : vector<16xf32>
        %parallel_loop3A_1105 = arith.addf %parallel_loop3A_1029, %parallel_loop3A_1034 : vector<16xf32>
        %parallel_loop3A_1106 = arith.addf %parallel_loop3A_1039, %parallel_loop3A_1044 : vector<16xf32>
        %parallel_loop3A_1107 = arith.addf %parallel_loop3A_1049, %parallel_loop3A_1054 : vector<16xf32>
        %parallel_loop3A_1108 = arith.addf %parallel_loop3A_1059, %parallel_loop3A_1064 : vector<16xf32>
        %parallel_loop3A_1109 = arith.addf %parallel_loop3A_1069, %parallel_loop3A_1074 : vector<16xf32>
        %parallel_loop3A_1110 = arith.addf %parallel_loop3A_1079, %parallel_loop3A_1084 : vector<16xf32>
        %parallel_loop3A_1111 = arith.addf %parallel_loop3A_1089, %parallel_loop3A_1094 : vector<16xf32>
        %parallel_loop3A_1112 = arith.addf %parallel_loop3A_1099, %parallel_loop3A_1104 : vector<16xf32>
        %parallel_loop3A_1113 = arith.addf %parallel_loop3A_1105, %parallel_loop3A_1106 : vector<16xf32>
        %parallel_loop3A_1114 = arith.addf %parallel_loop3A_1107, %parallel_loop3A_1108 : vector<16xf32>
        %parallel_loop3A_1115 = arith.addf %parallel_loop3A_1109, %parallel_loop3A_1110 : vector<16xf32>
        %parallel_loop3A_1116 = arith.addf %parallel_loop3A_1111, %parallel_loop3A_1112 : vector<16xf32>
        %parallel_loop3A_1117 = arith.addf %parallel_loop3A_1113, %parallel_loop3A_1114 : vector<16xf32>
        %parallel_loop3A_1118 = arith.addf %parallel_loop3A_1115, %parallel_loop3A_1116 : vector<16xf32>
        %parallel_loop3A_1119 = arith.addf %parallel_loop3A_1117, %parallel_loop3A_1118 : vector<16xf32>
        %parallel_loop3A_1120 = arith.index_cast %add3A_419 : i32 to index
        %parallel_loop3A_1121 = arith.index_cast %parallel_loop3A_1024 : i32 to index
        %parallel_loop3A_1122 = tpu.vector_load %arg14[%parallel_loop3A_1120, %parallel_loop3A_1121] {strides = array<i32>} : memref<32x1024xf32, #tpu.memory_space<vmem>>, vector<16xf32>,
        tpu.vector_store %arg14[%parallel_loop3A_1120, %parallel_loop3A_1121], %parallel_loop3A_1119 {add = true, strides = array<i32>} : memref<32x1024xf32, #tpu.memory_space<vmem>>, vector<16xf32>,
      } {sc.loop_unroll_factor = 2 : i64, sc.parallel_access}
      %add3A_977 = arith.constant 1 : i32
      %add3A_978 = arith.addi %add3A_419, %add3A_977 : i32
      %dma_start3A_979 = arith.constant 32 : i32
      %dma_start3A_980 = tpu.memref_slice %arg7[%add3A_978, %dma_start3A_979] : memref<32x64xi32, #tpu.memory_space<vmem>> -> memref<1x16xi32, #tpu.memory_space<vmem>>
      %dma_start3A_981 = tpu.memref_squeeze %dma_start3A_980 : memref<1x16xi32, #tpu.memory_space<vmem>> -> memref<16xi32, #tpu.memory_space<vmem>>
      %dma_start3A_982 = arith.constant 0 : i32
      %dma_start3A_983 = arith.constant 0 : i32
      %dma_start3A_984 = tpu.memref_slice %arg4[%dma_start3A_982, %dma_start3A_983] : memref<100000x1024xf32, #tpu.memory_space<hbm>> -> memref<100000x1024xf32, #tpu.memory_space<hbm>>
      tpu.enqueue_indirect_dma source(%dma_start3A_984 : memref<100000x1024xf32, #tpu.memory_space<hbm>>) target(%arg12 : memref<16x1024xf32, #tpu.memory_space<vmem>>) offsets(%dma_start3A_981 : memref<16xi32, #tpu.memory_space<vmem>>) semaphore(%arg17 : memref<!tpu.dma_semaphore, #tpu.memory_space<semaphore_mem>>)
      %dma_wait3A_985 = arith.constant 48 : i32
      %dma_wait3A_986 = tpu.memref_slice %arg7[%add3A_419, %dma_wait3A_985] : memref<32x64xi32, #tpu.memory_space<vmem>> -> memref<1x2xi32, #tpu.memory_space<vmem>>
      %dma_wait3A_987 = tpu.memref_squeeze %dma_wait3A_986 : memref<1x2xi32, #tpu.memory_space<vmem>> -> memref<2xi32, #tpu.memory_space<vmem>>
      %dma_wait3A_988 = arith.constant 0 : i32
      %dma_wait3A_989 = arith.constant 0 : i32
      %dma_wait3A_990 = tpu.memref_slice %arg4[%dma_wait3A_988, %dma_wait3A_989] : memref<100000x1024xf32, #tpu.memory_space<hbm>> -> memref<100000x1024xf32, #tpu.memory_space<hbm>>
      tpu.wait_indirect_dma semaphore(%arg18 : memref<!tpu.dma_semaphore, #tpu.memory_space<semaphore_mem>>) src(%dma_wait3A_990 : memref<100000x1024xf32, #tpu.memory_space<hbm>>) dst(%arg13 : memref<2x1024xf32, #tpu.memory_space<vmem>>)
      %mul3A_991 = arith.constant 64 : i32
      %mul3A_992 = arith.muli %add3A_419, %mul3A_991 : i32
      %add3A_993 = arith.constant 48 : i32
      %add3A_994 = arith.addi %mul3A_992, %add3A_993 : i32
      %add3A_995 = arith.constant 0 : i32
      %add3A_996 = arith.addi %add3A_994, %add3A_995 : i32
      %get3A_997 = arith.index_cast %add3A_996 : i32 to index
      %get3A_998 = tpu.vector_load %arg8[%get3A_997] {strides = array<i32>} : memref<2064xf32, #tpu.memory_space<vmem>>, vector<16xf32>,
      %slice3A_999 = vector.extract_strided_slice %get3A_998 {offsets = [0], sizes = [1], strides = [1]} : vector<16xf32> to vector<1xf32>
      %squeeze3A_1000 = vector.extract %slice3A_999[0] : f32 from vector<1xf32>
      %broadcast_in_dim3A_1001 = vector.broadcast %squeeze3A_1000 : f32 to vector<16xf32>
      %mul3A_1002 = arith.constant 64 : i32
      %mul3A_1003 = arith.muli %add3A_419, %mul3A_1002 : i32
      %add3A_1004 = arith.constant 48 : i32
      %add3A_1005 = arith.addi %mul3A_1003, %add3A_1004 : i32
      %add3A_1006 = arith.constant 1 : i32
      %add3A_1007 = arith.addi %add3A_1005, %add3A_1006 : i32
      %get3A_1008 = arith.index_cast %add3A_1007 : i32 to index
      %get3A_1009 = tpu.vector_load %arg8[%get3A_1008] {strides = array<i32>} : memref<2064xf32, #tpu.memory_space<vmem>>, vector<16xf32>,
      %slice3A_1010 = vector.extract_strided_slice %get3A_1009 {offsets = [0], sizes = [1], strides = [1]} : vector<16xf32> to vector<1xf32>
      %squeeze3A_1011 = vector.extract %slice3A_1010[0] : f32 from vector<1xf32>
      %broadcast_in_dim3A_1012 = vector.broadcast %squeeze3A_1011 : f32 to vector<16xf32>
      %parallel_loop3A_1013 = arith.constant 0 : i32
      %parallel_loop3A_1014 = arith.constant 1024 : i32
      %parallel_loop3A_1015 = arith.constant 16 : i32
      scf.for %parallel_loop3A_1024 = %parallel_loop3A_1013 to %parallel_loop3A_1014 step %parallel_loop3A_1015  : i32 {
        %parallel_loop3A_1025 = arith.constant 0 : i32
        %parallel_loop3A_1026 = arith.index_cast %parallel_loop3A_1025 : i32 to index
        %parallel_loop3A_1027 = arith.index_cast %parallel_loop3A_1024 : i32 to index
        %parallel_loop3A_1028 = tpu.vector_load %arg13[%parallel_loop3A_1026, %parallel_loop3A_1027] {strides = array<i32>} : memref<2x1024xf32, #tpu.memory_space<vmem>>, vector<16xf32>,
        %parallel_loop3A_1029 = arith.mulf %parallel_loop3A_1028, %broadcast_in_dim3A_1001 : vector<16xf32>
        %parallel_loop3A_1030 = arith.constant 1 : i32
        %parallel_loop3A_1031 = arith.index_cast %parallel_loop3A_1030 : i32 to index
        %parallel_loop3A_1032 = arith.index_cast %parallel_loop3A_1024 : i32 to index
        %parallel_loop3A_1033 = tpu.vector_load %arg13[%parallel_loop3A_1031, %parallel_loop3A_1032] {strides = array<i32>} : memref<2x1024xf32, #tpu.memory_space<vmem>>, vector<16xf32>,
        %parallel_loop3A_1034 = arith.mulf %parallel_loop3A_1033, %broadcast_in_dim3A_1012 : vector<16xf32>
        %parallel_loop3A_1035 = arith.addf %parallel_loop3A_1029, %parallel_loop3A_1034 : vector<16xf32>
        %parallel_loop3A_1036 = arith.index_cast %add3A_419 : i32 to index
        %parallel_loop3A_1037 = arith.index_cast %parallel_loop3A_1024 : i32 to index
        %parallel_loop3A_1038 = tpu.vector_load %arg14[%parallel_loop3A_1036, %parallel_loop3A_1037] {strides = array<i32>} : memref<32x1024xf32, #tpu.memory_space<vmem>>, vector<16xf32>,
        tpu.vector_store %arg14[%parallel_loop3A_1036, %parallel_loop3A_1037], %parallel_loop3A_1035 {add = true, strides = array<i32>} : memref<32x1024xf32, #tpu.memory_space<vmem>>, vector<16xf32>,
      } {sc.loop_unroll_factor = 2 : i64, sc.parallel_access}
      %add3A_1016 = arith.constant 1 : i32
      %add3A_1017 = arith.addi %add3A_419, %add3A_1016 : i32
      %dma_start3A_1018 = arith.constant 48 : i32
      %dma_start3A_1019 = tpu.memref_slice %arg7[%add3A_1017, %dma_start3A_1018] : memref<32x64xi32, #tpu.memory_space<vmem>> -> memref<1x2xi32, #tpu.memory_space<vmem>>
      %dma_start3A_1020 = tpu.memref_squeeze %dma_start3A_1019 : memref<1x2xi32, #tpu.memory_space<vmem>> -> memref<2xi32, #tpu.memory_space<vmem>>
      %dma_start3A_1021 = arith.constant 0 : i32
      %dma_start3A_1022 = arith.constant 0 : i32
      %dma_start3A_1023 = tpu.memref_slice %arg4[%dma_start3A_1021, %dma_start3A_1022] : memref<100000x1024xf32, #tpu.memory_space<hbm>> -> memref<100000x1024xf32, #tpu.memory_space<hbm>>
      tpu.enqueue_indirect_dma source(%dma_start3A_1023 : memref<100000x1024xf32, #tpu.memory_space<hbm>>) target(%arg13 : memref<2x1024xf32, #tpu.memory_space<vmem>>) offsets(%dma_start3A_1020 : memref<2xi32, #tpu.memory_space<vmem>>) semaphore(%arg18 : memref<!tpu.dma_semaphore, #tpu.memory_space<semaphore_mem>>)
    }
    %scan3A_136 = arith.constant 31 : i32
    %dma_wait3A_137 = arith.constant 31 : i32
    %dma_wait3A_138 = arith.constant 0 : i32
    %dma_wait3A_139 = tpu.memref_slice %arg7[%dma_wait3A_137, %dma_wait3A_138] : memref<32x64xi32, #tpu.memory_space<vmem>> -> memref<1x32xi32, #tpu.memory_space<vmem>>
    %dma_wait3A_140 = tpu.memref_squeeze %dma_wait3A_139 : memref<1x32xi32, #tpu.memory_space<vmem>> -> memref<32xi32, #tpu.memory_space<vmem>>
    %dma_wait3A_141 = arith.constant 0 : i32
    %dma_wait3A_142 = arith.constant 0 : i32
    %dma_wait3A_143 = tpu.memref_slice %arg4[%dma_wait3A_141, %dma_wait3A_142] : memref<100000x1024xf32, #tpu.memory_space<hbm>> -> memref<100000x1024xf32, #tpu.memory_space<hbm>>
    tpu.wait_indirect_dma semaphore(%arg16 : memref<!tpu.dma_semaphore, #tpu.memory_space<semaphore_mem>>) src(%dma_wait3A_143 : memref<100000x1024xf32, #tpu.memory_space<hbm>>) dst(%arg11 : memref<32x1024xf32, #tpu.memory_space<vmem>>)
    %get3A = arith.constant 1984 : index
    %get3A_144 = tpu.vector_load %arg8[%get3A] {strides = array<i32>} : memref<2064xf32, #tpu.memory_space<vmem>>, vector<16xf32>,
    %slice3A = vector.extract_strided_slice %get3A_144 {offsets = [0], sizes = [1], strides = [1]} : vector<16xf32> to vector<1xf32>
    %squeeze3A = vector.extract %slice3A[0] : f32 from vector<1xf32>
    %broadcast_in_dim3A = vector.broadcast %squeeze3A : f32 to vector<16xf32>
    %get3A_145 = arith.constant 1985 : index
    %get3A_146 = tpu.vector_load %arg8[%get3A_145] {strides = array<i32>} : memref<2064xf32, #tpu.memory_space<vmem>>, vector<16xf32>,
    %slice3A_147 = vector.extract_strided_slice %get3A_146 {offsets = [0], sizes = [1], strides = [1]} : vector<16xf32> to vector<1xf32>
    %squeeze3A_148 = vector.extract %slice3A_147[0] : f32 from vector<1xf32>
    %broadcast_in_dim3A_149 = vector.broadcast %squeeze3A_148 : f32 to vector<16xf32>
    %get3A_150 = arith.constant 1986 : index
    %get3A_151 = tpu.vector_load %arg8[%get3A_150] {strides = array<i32>} : memref<2064xf32, #tpu.memory_space<vmem>>, vector<16xf32>,
    %slice3A_152 = vector.extract_strided_slice %get3A_151 {offsets = [0], sizes = [1], strides = [1]} : vector<16xf32> to vector<1xf32>
    %squeeze3A_153 = vector.extract %slice3A_152[0] : f32 from vector<1xf32>
    %broadcast_in_dim3A_154 = vector.broadcast %squeeze3A_153 : f32 to vector<16xf32>
    %get3A_155 = arith.constant 1987 : index
    %get3A_156 = tpu.vector_load %arg8[%get3A_155] {strides = array<i32>} : memref<2064xf32, #tpu.memory_space<vmem>>, vector<16xf32>,
    %slice3A_157 = vector.extract_strided_slice %get3A_156 {offsets = [0], sizes = [1], strides = [1]} : vector<16xf32> to vector<1xf32>
    %squeeze3A_158 = vector.extract %slice3A_157[0] : f32 from vector<1xf32>
    %broadcast_in_dim3A_159 = vector.broadcast %squeeze3A_158 : f32 to vector<16xf32>
    %get3A_160 = arith.constant 1988 : index
    %get3A_161 = tpu.vector_load %arg8[%get3A_160] {strides = array<i32>} : memref<2064xf32, #tpu.memory_space<vmem>>, vector<16xf32>,
    %slice3A_162 = vector.extract_strided_slice %get3A_161 {offsets = [0], sizes = [1], strides = [1]} : vector<16xf32> to vector<1xf32>
    %squeeze3A_163 = vector.extract %slice3A_162[0] : f32 from vector<1xf32>
    %broadcast_in_dim3A_164 = vector.broadcast %squeeze3A_163 : f32 to vector<16xf32>
    %get3A_165 = arith.constant 1989 : index
    %get3A_166 = tpu.vector_load %arg8[%get3A_165] {strides = array<i32>} : memref<2064xf32, #tpu.memory_space<vmem>>, vector<16xf32>,
    %slice3A_167 = vector.extract_strided_slice %get3A_166 {offsets = [0], sizes = [1], strides = [1]} : vector<16xf32> to vector<1xf32>
    %squeeze3A_168 = vector.extract %slice3A_167[0] : f32 from vector<1xf32>
    %broadcast_in_dim3A_169 = vector.broadcast %squeeze3A_168 : f32 to vector<16xf32>
    %get3A_170 = arith.constant 1990 : index
    %get3A_171 = tpu.vector_load %arg8[%get3A_170] {strides = array<i32>} : memref<2064xf32, #tpu.memory_space<vmem>>, vector<16xf32>,
    %slice3A_172 = vector.extract_strided_slice %get3A_171 {offsets = [0], sizes = [1], strides = [1]} : vector<16xf32> to vector<1xf32>
    %squeeze3A_173 = vector.extract %slice3A_172[0] : f32 from vector<1xf32>
    %broadcast_in_dim3A_174 = vector.broadcast %squeeze3A_173 : f32 to vector<16xf32>
    %get3A_175 = arith.constant 1991 : index
    %get3A_176 = tpu.vector_load %arg8[%get3A_175] {strides = array<i32>} : memref<2064xf32, #tpu.memory_space<vmem>>, vector<16xf32>,
    %slice3A_177 = vector.extract_strided_slice %get3A_176 {offsets = [0], sizes = [1], strides = [1]} : vector<16xf32> to vector<1xf32>
    %squeeze3A_178 = vector.extract %slice3A_177[0] : f32 from vector<1xf32>
    %broadcast_in_dim3A_179 = vector.broadcast %squeeze3A_178 : f32 to vector<16xf32>
    %get3A_180 = arith.constant 1992 : index
    %get3A_181 = tpu.vector_load %arg8[%get3A_180] {strides = array<i32>} : memref<2064xf32, #tpu.memory_space<vmem>>, vector<16xf32>,
    %slice3A_182 = vector.extract_strided_slice %get3A_181 {offsets = [0], sizes = [1], strides = [1]} : vector<16xf32> to vector<1xf32>
    %squeeze3A_183 = vector.extract %slice3A_182[0] : f32 from vector<1xf32>
    %broadcast_in_dim3A_184 = vector.broadcast %squeeze3A_183 : f32 to vector<16xf32>
    %get3A_185 = arith.constant 1993 : index
    %get3A_186 = tpu.vector_load %arg8[%get3A_185] {strides = array<i32>} : memref<2064xf32, #tpu.memory_space<vmem>>, vector<16xf32>,
    %slice3A_187 = vector.extract_strided_slice %get3A_186 {offsets = [0], sizes = [1], strides = [1]} : vector<16xf32> to vector<1xf32>
    %squeeze3A_188 = vector.extract %slice3A_187[0] : f32 from vector<1xf32>
    %broadcast_in_dim3A_189 = vector.broadcast %squeeze3A_188 : f32 to vector<16xf32>
    %get3A_190 = arith.constant 1994 : index
    %get3A_191 = tpu.vector_load %arg8[%get3A_190] {strides = array<i32>} : memref<2064xf32, #tpu.memory_space<vmem>>, vector<16xf32>,
    %slice3A_192 = vector.extract_strided_slice %get3A_191 {offsets = [0], sizes = [1], strides = [1]} : vector<16xf32> to vector<1xf32>
    %squeeze3A_193 = vector.extract %slice3A_192[0] : f32 from vector<1xf32>
    %broadcast_in_dim3A_194 = vector.broadcast %squeeze3A_193 : f32 to vector<16xf32>
    %get3A_195 = arith.constant 1995 : index
    %get3A_196 = tpu.vector_load %arg8[%get3A_195] {strides = array<i32>} : memref<2064xf32, #tpu.memory_space<vmem>>, vector<16xf32>,
    %slice3A_197 = vector.extract_strided_slice %get3A_196 {offsets = [0], sizes = [1], strides = [1]} : vector<16xf32> to vector<1xf32>
    %squeeze3A_198 = vector.extract %slice3A_197[0] : f32 from vector<1xf32>
    %broadcast_in_dim3A_199 = vector.broadcast %squeeze3A_198 : f32 to vector<16xf32>
    %get3A_200 = arith.constant 1996 : index
    %get3A_201 = tpu.vector_load %arg8[%get3A_200] {strides = array<i32>} : memref<2064xf32, #tpu.memory_space<vmem>>, vector<16xf32>,
    %slice3A_202 = vector.extract_strided_slice %get3A_201 {offsets = [0], sizes = [1], strides = [1]} : vector<16xf32> to vector<1xf32>
    %squeeze3A_203 = vector.extract %slice3A_202[0] : f32 from vector<1xf32>
    %broadcast_in_dim3A_204 = vector.broadcast %squeeze3A_203 : f32 to vector<16xf32>
    %get3A_205 = arith.constant 1997 : index
    %get3A_206 = tpu.vector_load %arg8[%get3A_205] {strides = array<i32>} : memref<2064xf32, #tpu.memory_space<vmem>>, vector<16xf32>,
    %slice3A_207 = vector.extract_strided_slice %get3A_206 {offsets = [0], sizes = [1], strides = [1]} : vector<16xf32> to vector<1xf32>
    %squeeze3A_208 = vector.extract %slice3A_207[0] : f32 from vector<1xf32>
    %broadcast_in_dim3A_209 = vector.broadcast %squeeze3A_208 : f32 to vector<16xf32>
    %get3A_210 = arith.constant 1998 : index
    %get3A_211 = tpu.vector_load %arg8[%get3A_210] {strides = array<i32>} : memref<2064xf32, #tpu.memory_space<vmem>>, vector<16xf32>,
    %slice3A_212 = vector.extract_strided_slice %get3A_211 {offsets = [0], sizes = [1], strides = [1]} : vector<16xf32> to vector<1xf32>
    %squeeze3A_213 = vector.extract %slice3A_212[0] : f32 from vector<1xf32>
    %broadcast_in_dim3A_214 = vector.broadcast %squeeze3A_213 : f32 to vector<16xf32>
    %get3A_215 = arith.constant 1999 : index
    %get3A_216 = tpu.vector_load %arg8[%get3A_215] {strides = array<i32>} : memref<2064xf32, #tpu.memory_space<vmem>>, vector<16xf32>,
    %slice3A_217 = vector.extract_strided_slice %get3A_216 {offsets = [0], sizes = [1], strides = [1]} : vector<16xf32> to vector<1xf32>
    %squeeze3A_218 = vector.extract %slice3A_217[0] : f32 from vector<1xf32>
    %broadcast_in_dim3A_219 = vector.broadcast %squeeze3A_218 : f32 to vector<16xf32>
    %parallel_loop3A = arith.constant 0 : i32
    %parallel_loop3A_220 = arith.constant 1024 : i32
    %parallel_loop3A_221 = arith.constant 16 : i32
    scf.for %parallel_loop3A_415 = %parallel_loop3A to %parallel_loop3A_220 step %parallel_loop3A_221  : i32 {
      %parallel_loop3A_416 = arith.constant 0 : i32
      %parallel_loop3A_417 = arith.index_cast %parallel_loop3A_416 : i32 to index
      %parallel_loop3A_418 = arith.index_cast %parallel_loop3A_415 : i32 to index
      %parallel_loop3A_419 = tpu.vector_load %arg11[%parallel_loop3A_417, %parallel_loop3A_418] {strides = array<i32>} : memref<32x1024xf32, #tpu.memory_space<vmem>>, vector<16xf32>,
      %parallel_loop3A_420 = arith.mulf %parallel_loop3A_419, %broadcast_in_dim3A : vector<16xf32>
      %parallel_loop3A_421 = arith.constant 1 : i32
      %parallel_loop3A_422 = arith.index_cast %parallel_loop3A_421 : i32 to index
      %parallel_loop3A_423 = arith.index_cast %parallel_loop3A_415 : i32 to index
      %parallel_loop3A_424 = tpu.vector_load %arg11[%parallel_loop3A_422, %parallel_loop3A_423] {strides = array<i32>} : memref<32x1024xf32, #tpu.memory_space<vmem>>, vector<16xf32>,
      %parallel_loop3A_425 = arith.mulf %parallel_loop3A_424, %broadcast_in_dim3A_149 : vector<16xf32>
      %parallel_loop3A_426 = arith.constant 2 : i32
      %parallel_loop3A_427 = arith.index_cast %parallel_loop3A_426 : i32 to index
      %parallel_loop3A_428 = arith.index_cast %parallel_loop3A_415 : i32 to index
      %parallel_loop3A_429 = tpu.vector_load %arg11[%parallel_loop3A_427, %parallel_loop3A_428] {strides = array<i32>} : memref<32x1024xf32, #tpu.memory_space<vmem>>, vector<16xf32>,
      %parallel_loop3A_430 = arith.mulf %parallel_loop3A_429, %broadcast_in_dim3A_154 : vector<16xf32>
      %parallel_loop3A_431 = arith.constant 3 : i32
      %parallel_loop3A_432 = arith.index_cast %parallel_loop3A_431 : i32 to index
      %parallel_loop3A_433 = arith.index_cast %parallel_loop3A_415 : i32 to index
      %parallel_loop3A_434 = tpu.vector_load %arg11[%parallel_loop3A_432, %parallel_loop3A_433] {strides = array<i32>} : memref<32x1024xf32, #tpu.memory_space<vmem>>, vector<16xf32>,
      %parallel_loop3A_435 = arith.mulf %parallel_loop3A_434, %broadcast_in_dim3A_159 : vector<16xf32>
      %parallel_loop3A_436 = arith.constant 4 : i32
      %parallel_loop3A_437 = arith.index_cast %parallel_loop3A_436 : i32 to index
      %parallel_loop3A_438 = arith.index_cast %parallel_loop3A_415 : i32 to index
      %parallel_loop3A_439 = tpu.vector_load %arg11[%parallel_loop3A_437, %parallel_loop3A_438] {strides = array<i32>} : memref<32x1024xf32, #tpu.memory_space<vmem>>, vector<16xf32>,
      %parallel_loop3A_440 = arith.mulf %parallel_loop3A_439, %broadcast_in_dim3A_164 : vector<16xf32>
      %parallel_loop3A_441 = arith.constant 5 : i32
      %parallel_loop3A_442 = arith.index_cast %parallel_loop3A_441 : i32 to index
      %parallel_loop3A_443 = arith.index_cast %parallel_loop3A_415 : i32 to index
      %parallel_loop3A_444 = tpu.vector_load %arg11[%parallel_loop3A_442, %parallel_loop3A_443] {strides = array<i32>} : memref<32x1024xf32, #tpu.memory_space<vmem>>, vector<16xf32>,
      %parallel_loop3A_445 = arith.mulf %parallel_loop3A_444, %broadcast_in_dim3A_169 : vector<16xf32>
      %parallel_loop3A_446 = arith.constant 6 : i32
      %parallel_loop3A_447 = arith.index_cast %parallel_loop3A_446 : i32 to index
      %parallel_loop3A_448 = arith.index_cast %parallel_loop3A_415 : i32 to index
      %parallel_loop3A_449 = tpu.vector_load %arg11[%parallel_loop3A_447, %parallel_loop3A_448] {strides = array<i32>} : memref<32x1024xf32, #tpu.memory_space<vmem>>, vector<16xf32>,
      %parallel_loop3A_450 = arith.mulf %parallel_loop3A_449, %broadcast_in_dim3A_174 : vector<16xf32>
      %parallel_loop3A_451 = arith.constant 7 : i32
      %parallel_loop3A_452 = arith.index_cast %parallel_loop3A_451 : i32 to index
      %parallel_loop3A_453 = arith.index_cast %parallel_loop3A_415 : i32 to index
      %parallel_loop3A_454 = tpu.vector_load %arg11[%parallel_loop3A_452, %parallel_loop3A_453] {strides = array<i32>} : memref<32x1024xf32, #tpu.memory_space<vmem>>, vector<16xf32>,
      %parallel_loop3A_455 = arith.mulf %parallel_loop3A_454, %broadcast_in_dim3A_179 : vector<16xf32>
      %parallel_loop3A_456 = arith.constant 8 : i32
      %parallel_loop3A_457 = arith.index_cast %parallel_loop3A_456 : i32 to index
      %parallel_loop3A_458 = arith.index_cast %parallel_loop3A_415 : i32 to index
      %parallel_loop3A_459 = tpu.vector_load %arg11[%parallel_loop3A_457, %parallel_loop3A_458] {strides = array<i32>} : memref<32x1024xf32, #tpu.memory_space<vmem>>, vector<16xf32>,
      %parallel_loop3A_460 = arith.mulf %parallel_loop3A_459, %broadcast_in_dim3A_184 : vector<16xf32>
      %parallel_loop3A_461 = arith.constant 9 : i32
      %parallel_loop3A_462 = arith.index_cast %parallel_loop3A_461 : i32 to index
      %parallel_loop3A_463 = arith.index_cast %parallel_loop3A_415 : i32 to index
      %parallel_loop3A_464 = tpu.vector_load %arg11[%parallel_loop3A_462, %parallel_loop3A_463] {strides = array<i32>} : memref<32x1024xf32, #tpu.memory_space<vmem>>, vector<16xf32>,
      %parallel_loop3A_465 = arith.mulf %parallel_loop3A_464, %broadcast_in_dim3A_189 : vector<16xf32>
      %parallel_loop3A_466 = arith.constant 10 : i32
      %parallel_loop3A_467 = arith.index_cast %parallel_loop3A_466 : i32 to index
      %parallel_loop3A_468 = arith.index_cast %parallel_loop3A_415 : i32 to index
      %parallel_loop3A_469 = tpu.vector_load %arg11[%parallel_loop3A_467, %parallel_loop3A_468] {strides = array<i32>} : memref<32x1024xf32, #tpu.memory_space<vmem>>, vector<16xf32>,
      %parallel_loop3A_470 = arith.mulf %parallel_loop3A_469, %broadcast_in_dim3A_194 : vector<16xf32>
      %parallel_loop3A_471 = arith.constant 11 : i32
      %parallel_loop3A_472 = arith.index_cast %parallel_loop3A_471 : i32 to index
      %parallel_loop3A_473 = arith.index_cast %parallel_loop3A_415 : i32 to index
      %parallel_loop3A_474 = tpu.vector_load %arg11[%parallel_loop3A_472, %parallel_loop3A_473] {strides = array<i32>} : memref<32x1024xf32, #tpu.memory_space<vmem>>, vector<16xf32>,
      %parallel_loop3A_475 = arith.mulf %parallel_loop3A_474, %broadcast_in_dim3A_199 : vector<16xf32>
      %parallel_loop3A_476 = arith.constant 12 : i32
      %parallel_loop3A_477 = arith.index_cast %parallel_loop3A_476 : i32 to index
      %parallel_loop3A_478 = arith.index_cast %parallel_loop3A_415 : i32 to index
      %parallel_loop3A_479 = tpu.vector_load %arg11[%parallel_loop3A_477, %parallel_loop3A_478] {strides = array<i32>} : memref<32x1024xf32, #tpu.memory_space<vmem>>, vector<16xf32>,
      %parallel_loop3A_480 = arith.mulf %parallel_loop3A_479, %broadcast_in_dim3A_204 : vector<16xf32>
      %parallel_loop3A_481 = arith.constant 13 : i32
      %parallel_loop3A_482 = arith.index_cast %parallel_loop3A_481 : i32 to index
      %parallel_loop3A_483 = arith.index_cast %parallel_loop3A_415 : i32 to index
      %parallel_loop3A_484 = tpu.vector_load %arg11[%parallel_loop3A_482, %parallel_loop3A_483] {strides = array<i32>} : memref<32x1024xf32, #tpu.memory_space<vmem>>, vector<16xf32>,
      %parallel_loop3A_485 = arith.mulf %parallel_loop3A_484, %broadcast_in_dim3A_209 : vector<16xf32>
      %parallel_loop3A_486 = arith.constant 14 : i32
      %parallel_loop3A_487 = arith.index_cast %parallel_loop3A_486 : i32 to index
      %parallel_loop3A_488 = arith.index_cast %parallel_loop3A_415 : i32 to index
      %parallel_loop3A_489 = tpu.vector_load %arg11[%parallel_loop3A_487, %parallel_loop3A_488] {strides = array<i32>} : memref<32x1024xf32, #tpu.memory_space<vmem>>, vector<16xf32>,
      %parallel_loop3A_490 = arith.mulf %parallel_loop3A_489, %broadcast_in_dim3A_214 : vector<16xf32>
      %parallel_loop3A_491 = arith.constant 15 : i32
      %parallel_loop3A_492 = arith.index_cast %parallel_loop3A_491 : i32 to index
      %parallel_loop3A_493 = arith.index_cast %parallel_loop3A_415 : i32 to index
      %parallel_loop3A_494 = tpu.vector_load %arg11[%parallel_loop3A_492, %parallel_loop3A_493] {strides = array<i32>} : memref<32x1024xf32, #tpu.memory_space<vmem>>, vector<16xf32>,
      %parallel_loop3A_495 = arith.mulf %parallel_loop3A_494, %broadcast_in_dim3A_219 : vector<16xf32>
      %parallel_loop3A_496 = arith.addf %parallel_loop3A_420, %parallel_loop3A_425 : vector<16xf32>
      %parallel_loop3A_497 = arith.addf %parallel_loop3A_430, %parallel_loop3A_435 : vector<16xf32>
      %parallel_loop3A_498 = arith.addf %parallel_loop3A_440, %parallel_loop3A_445 : vector<16xf32>
      %parallel_loop3A_499 = arith.addf %parallel_loop3A_450, %parallel_loop3A_455 : vector<16xf32>
      %parallel_loop3A_500 = arith.addf %parallel_loop3A_460, %parallel_loop3A_465 : vector<16xf32>
      %parallel_loop3A_501 = arith.addf %parallel_loop3A_470, %parallel_loop3A_475 : vector<16xf32>
      %parallel_loop3A_502 = arith.addf %parallel_loop3A_480, %parallel_loop3A_485 : vector<16xf32>
      %parallel_loop3A_503 = arith.addf %parallel_loop3A_490, %parallel_loop3A_495 : vector<16xf32>
      %parallel_loop3A_504 = arith.addf %parallel_loop3A_496, %parallel_loop3A_497 : vector<16xf32>
      %parallel_loop3A_505 = arith.addf %parallel_loop3A_498, %parallel_loop3A_499 : vector<16xf32>
      %parallel_loop3A_506 = arith.addf %parallel_loop3A_500, %parallel_loop3A_501 : vector<16xf32>
      %parallel_loop3A_507 = arith.addf %parallel_loop3A_502, %parallel_loop3A_503 : vector<16xf32>
      %parallel_loop3A_508 = arith.addf %parallel_loop3A_504, %parallel_loop3A_505 : vector<16xf32>
      %parallel_loop3A_509 = arith.addf %parallel_loop3A_506, %parallel_loop3A_507 : vector<16xf32>
      %parallel_loop3A_510 = arith.addf %parallel_loop3A_508, %parallel_loop3A_509 : vector<16xf32>
      %parallel_loop3A_511 = arith.constant 31 : i32
      %parallel_loop3A_512 = arith.index_cast %parallel_loop3A_511 : i32 to index
      %parallel_loop3A_513 = arith.index_cast %parallel_loop3A_415 : i32 to index
      %parallel_loop3A_514 = tpu.vector_load %arg14[%parallel_loop3A_512, %parallel_loop3A_513] {strides = array<i32>} : memref<32x1024xf32, #tpu.memory_space<vmem>>, vector<16xf32>,
      tpu.vector_store %arg14[%parallel_loop3A_512, %parallel_loop3A_513], %parallel_loop3A_510 {strides = array<i32>} : memref<32x1024xf32, #tpu.memory_space<vmem>>, vector<16xf32>,
    } {sc.loop_unroll_factor = 2 : i64, sc.parallel_access}
    %get3A_222 = arith.constant 2000 : index
    %get3A_223 = tpu.vector_load %arg8[%get3A_222] {strides = array<i32>} : memref<2064xf32, #tpu.memory_space<vmem>>, vector<16xf32>,
    %slice3A_224 = vector.extract_strided_slice %get3A_223 {offsets = [0], sizes = [1], strides = [1]} : vector<16xf32> to vector<1xf32>
    %squeeze3A_225 = vector.extract %slice3A_224[0] : f32 from vector<1xf32>
    %broadcast_in_dim3A_226 = vector.broadcast %squeeze3A_225 : f32 to vector<16xf32>
    %get3A_227 = arith.constant 2001 : index
    %get3A_228 = tpu.vector_load %arg8[%get3A_227] {strides = array<i32>} : memref<2064xf32, #tpu.memory_space<vmem>>, vector<16xf32>,
    %slice3A_229 = vector.extract_strided_slice %get3A_228 {offsets = [0], sizes = [1], strides = [1]} : vector<16xf32> to vector<1xf32>
    %squeeze3A_230 = vector.extract %slice3A_229[0] : f32 from vector<1xf32>
    %broadcast_in_dim3A_231 = vector.broadcast %squeeze3A_230 : f32 to vector<16xf32>
    %get3A_232 = arith.constant 2002 : index
    %get3A_233 = tpu.vector_load %arg8[%get3A_232] {strides = array<i32>} : memref<2064xf32, #tpu.memory_space<vmem>>, vector<16xf32>,
    %slice3A_234 = vector.extract_strided_slice %get3A_233 {offsets = [0], sizes = [1], strides = [1]} : vector<16xf32> to vector<1xf32>
    %squeeze3A_235 = vector.extract %slice3A_234[0] : f32 from vector<1xf32>
    %broadcast_in_dim3A_236 = vector.broadcast %squeeze3A_235 : f32 to vector<16xf32>
    %get3A_237 = arith.constant 2003 : index
    %get3A_238 = tpu.vector_load %arg8[%get3A_237] {strides = array<i32>} : memref<2064xf32, #tpu.memory_space<vmem>>, vector<16xf32>,
    %slice3A_239 = vector.extract_strided_slice %get3A_238 {offsets = [0], sizes = [1], strides = [1]} : vector<16xf32> to vector<1xf32>
    %squeeze3A_240 = vector.extract %slice3A_239[0] : f32 from vector<1xf32>
    %broadcast_in_dim3A_241 = vector.broadcast %squeeze3A_240 : f32 to vector<16xf32>
    %get3A_242 = arith.constant 2004 : index
    %get3A_243 = tpu.vector_load %arg8[%get3A_242] {strides = array<i32>} : memref<2064xf32, #tpu.memory_space<vmem>>, vector<16xf32>,
    %slice3A_244 = vector.extract_strided_slice %get3A_243 {offsets = [0], sizes = [1], strides = [1]} : vector<16xf32> to vector<1xf32>
    %squeeze3A_245 = vector.extract %slice3A_244[0] : f32 from vector<1xf32>
    %broadcast_in_dim3A_246 = vector.broadcast %squeeze3A_245 : f32 to vector<16xf32>
    %get3A_247 = arith.constant 2005 : index
    %get3A_248 = tpu.vector_load %arg8[%get3A_247] {strides = array<i32>} : memref<2064xf32, #tpu.memory_space<vmem>>, vector<16xf32>,
    %slice3A_249 = vector.extract_strided_slice %get3A_248 {offsets = [0], sizes = [1], strides = [1]} : vector<16xf32> to vector<1xf32>
    %squeeze3A_250 = vector.extract %slice3A_249[0] : f32 from vector<1xf32>
    %broadcast_in_dim3A_251 = vector.broadcast %squeeze3A_250 : f32 to vector<16xf32>
    %get3A_252 = arith.constant 2006 : index
    %get3A_253 = tpu.vector_load %arg8[%get3A_252] {strides = array<i32>} : memref<2064xf32, #tpu.memory_space<vmem>>, vector<16xf32>,
    %slice3A_254 = vector.extract_strided_slice %get3A_253 {offsets = [0], sizes = [1], strides = [1]} : vector<16xf32> to vector<1xf32>
    %squeeze3A_255 = vector.extract %slice3A_254[0] : f32 from vector<1xf32>
    %broadcast_in_dim3A_256 = vector.broadcast %squeeze3A_255 : f32 to vector<16xf32>
    %get3A_257 = arith.constant 2007 : index
    %get3A_258 = tpu.vector_load %arg8[%get3A_257] {strides = array<i32>} : memref<2064xf32, #tpu.memory_space<vmem>>, vector<16xf32>,
    %slice3A_259 = vector.extract_strided_slice %get3A_258 {offsets = [0], sizes = [1], strides = [1]} : vector<16xf32> to vector<1xf32>
    %squeeze3A_260 = vector.extract %slice3A_259[0] : f32 from vector<1xf32>
    %broadcast_in_dim3A_261 = vector.broadcast %squeeze3A_260 : f32 to vector<16xf32>
    %get3A_262 = arith.constant 2008 : index
    %get3A_263 = tpu.vector_load %arg8[%get3A_262] {strides = array<i32>} : memref<2064xf32, #tpu.memory_space<vmem>>, vector<16xf32>,
    %slice3A_264 = vector.extract_strided_slice %get3A_263 {offsets = [0], sizes = [1], strides = [1]} : vector<16xf32> to vector<1xf32>
    %squeeze3A_265 = vector.extract %slice3A_264[0] : f32 from vector<1xf32>
    %broadcast_in_dim3A_266 = vector.broadcast %squeeze3A_265 : f32 to vector<16xf32>
    %get3A_267 = arith.constant 2009 : index
    %get3A_268 = tpu.vector_load %arg8[%get3A_267] {strides = array<i32>} : memref<2064xf32, #tpu.memory_space<vmem>>, vector<16xf32>,
    %slice3A_269 = vector.extract_strided_slice %get3A_268 {offsets = [0], sizes = [1], strides = [1]} : vector<16xf32> to vector<1xf32>
    %squeeze3A_270 = vector.extract %slice3A_269[0] : f32 from vector<1xf32>
    %broadcast_in_dim3A_271 = vector.broadcast %squeeze3A_270 : f32 to vector<16xf32>
    %get3A_272 = arith.constant 2010 : index
    %get3A_273 = tpu.vector_load %arg8[%get3A_272] {strides = array<i32>} : memref<2064xf32, #tpu.memory_space<vmem>>, vector<16xf32>,
    %slice3A_274 = vector.extract_strided_slice %get3A_273 {offsets = [0], sizes = [1], strides = [1]} : vector<16xf32> to vector<1xf32>
    %squeeze3A_275 = vector.extract %slice3A_274[0] : f32 from vector<1xf32>
    %broadcast_in_dim3A_276 = vector.broadcast %squeeze3A_275 : f32 to vector<16xf32>
    %get3A_277 = arith.constant 2011 : index
    %get3A_278 = tpu.vector_load %arg8[%get3A_277] {strides = array<i32>} : memref<2064xf32, #tpu.memory_space<vmem>>, vector<16xf32>,
    %slice3A_279 = vector.extract_strided_slice %get3A_278 {offsets = [0], sizes = [1], strides = [1]} : vector<16xf32> to vector<1xf32>
    %squeeze3A_280 = vector.extract %slice3A_279[0] : f32 from vector<1xf32>
    %broadcast_in_dim3A_281 = vector.broadcast %squeeze3A_280 : f32 to vector<16xf32>
    %get3A_282 = arith.constant 2012 : index
    %get3A_283 = tpu.vector_load %arg8[%get3A_282] {strides = array<i32>} : memref<2064xf32, #tpu.memory_space<vmem>>, vector<16xf32>,
    %slice3A_284 = vector.extract_strided_slice %get3A_283 {offsets = [0], sizes = [1], strides = [1]} : vector<16xf32> to vector<1xf32>
    %squeeze3A_285 = vector.extract %slice3A_284[0] : f32 from vector<1xf32>
    %broadcast_in_dim3A_286 = vector.broadcast %squeeze3A_285 : f32 to vector<16xf32>
    %get3A_287 = arith.constant 2013 : index
    %get3A_288 = tpu.vector_load %arg8[%get3A_287] {strides = array<i32>} : memref<2064xf32, #tpu.memory_space<vmem>>, vector<16xf32>,
    %slice3A_289 = vector.extract_strided_slice %get3A_288 {offsets = [0], sizes = [1], strides = [1]} : vector<16xf32> to vector<1xf32>
    %squeeze3A_290 = vector.extract %slice3A_289[0] : f32 from vector<1xf32>
    %broadcast_in_dim3A_291 = vector.broadcast %squeeze3A_290 : f32 to vector<16xf32>
    %get3A_292 = arith.constant 2014 : index
    %get3A_293 = tpu.vector_load %arg8[%get3A_292] {strides = array<i32>} : memref<2064xf32, #tpu.memory_space<vmem>>, vector<16xf32>,
    %slice3A_294 = vector.extract_strided_slice %get3A_293 {offsets = [0], sizes = [1], strides = [1]} : vector<16xf32> to vector<1xf32>
    %squeeze3A_295 = vector.extract %slice3A_294[0] : f32 from vector<1xf32>
    %broadcast_in_dim3A_296 = vector.broadcast %squeeze3A_295 : f32 to vector<16xf32>
    %get3A_297 = arith.constant 2015 : index
    %get3A_298 = tpu.vector_load %arg8[%get3A_297] {strides = array<i32>} : memref<2064xf32, #tpu.memory_space<vmem>>, vector<16xf32>,
    %slice3A_299 = vector.extract_strided_slice %get3A_298 {offsets = [0], sizes = [1], strides = [1]} : vector<16xf32> to vector<1xf32>
    %squeeze3A_300 = vector.extract %slice3A_299[0] : f32 from vector<1xf32>
    %broadcast_in_dim3A_301 = vector.broadcast %squeeze3A_300 : f32 to vector<16xf32>
    %parallel_loop3A_302 = arith.constant 0 : i32
    %parallel_loop3A_303 = arith.constant 1024 : i32
    %parallel_loop3A_304 = arith.constant 16 : i32
    scf.for %parallel_loop3A_415 = %parallel_loop3A_302 to %parallel_loop3A_303 step %parallel_loop3A_304  : i32 {
      %parallel_loop3A_416 = arith.constant 16 : i32
      %parallel_loop3A_417 = arith.index_cast %parallel_loop3A_416 : i32 to index
      %parallel_loop3A_418 = arith.index_cast %parallel_loop3A_415 : i32 to index
      %parallel_loop3A_419 = tpu.vector_load %arg11[%parallel_loop3A_417, %parallel_loop3A_418] {strides = array<i32>} : memref<32x1024xf32, #tpu.memory_space<vmem>>, vector<16xf32>,
      %parallel_loop3A_420 = arith.mulf %parallel_loop3A_419, %broadcast_in_dim3A_226 : vector<16xf32>
      %parallel_loop3A_421 = arith.constant 17 : i32
      %parallel_loop3A_422 = arith.index_cast %parallel_loop3A_421 : i32 to index
      %parallel_loop3A_423 = arith.index_cast %parallel_loop3A_415 : i32 to index
      %parallel_loop3A_424 = tpu.vector_load %arg11[%parallel_loop3A_422, %parallel_loop3A_423] {strides = array<i32>} : memref<32x1024xf32, #tpu.memory_space<vmem>>, vector<16xf32>,
      %parallel_loop3A_425 = arith.mulf %parallel_loop3A_424, %broadcast_in_dim3A_231 : vector<16xf32>
      %parallel_loop3A_426 = arith.constant 18 : i32
      %parallel_loop3A_427 = arith.index_cast %parallel_loop3A_426 : i32 to index
      %parallel_loop3A_428 = arith.index_cast %parallel_loop3A_415 : i32 to index
      %parallel_loop3A_429 = tpu.vector_load %arg11[%parallel_loop3A_427, %parallel_loop3A_428] {strides = array<i32>} : memref<32x1024xf32, #tpu.memory_space<vmem>>, vector<16xf32>,
      %parallel_loop3A_430 = arith.mulf %parallel_loop3A_429, %broadcast_in_dim3A_236 : vector<16xf32>
      %parallel_loop3A_431 = arith.constant 19 : i32
      %parallel_loop3A_432 = arith.index_cast %parallel_loop3A_431 : i32 to index
      %parallel_loop3A_433 = arith.index_cast %parallel_loop3A_415 : i32 to index
      %parallel_loop3A_434 = tpu.vector_load %arg11[%parallel_loop3A_432, %parallel_loop3A_433] {strides = array<i32>} : memref<32x1024xf32, #tpu.memory_space<vmem>>, vector<16xf32>,
      %parallel_loop3A_435 = arith.mulf %parallel_loop3A_434, %broadcast_in_dim3A_241 : vector<16xf32>
      %parallel_loop3A_436 = arith.constant 20 : i32
      %parallel_loop3A_437 = arith.index_cast %parallel_loop3A_436 : i32 to index
      %parallel_loop3A_438 = arith.index_cast %parallel_loop3A_415 : i32 to index
      %parallel_loop3A_439 = tpu.vector_load %arg11[%parallel_loop3A_437, %parallel_loop3A_438] {strides = array<i32>} : memref<32x1024xf32, #tpu.memory_space<vmem>>, vector<16xf32>,
      %parallel_loop3A_440 = arith.mulf %parallel_loop3A_439, %broadcast_in_dim3A_246 : vector<16xf32>
      %parallel_loop3A_441 = arith.constant 21 : i32
      %parallel_loop3A_442 = arith.index_cast %parallel_loop3A_441 : i32 to index
      %parallel_loop3A_443 = arith.index_cast %parallel_loop3A_415 : i32 to index
      %parallel_loop3A_444 = tpu.vector_load %arg11[%parallel_loop3A_442, %parallel_loop3A_443] {strides = array<i32>} : memref<32x1024xf32, #tpu.memory_space<vmem>>, vector<16xf32>,
      %parallel_loop3A_445 = arith.mulf %parallel_loop3A_444, %broadcast_in_dim3A_251 : vector<16xf32>
      %parallel_loop3A_446 = arith.constant 22 : i32
      %parallel_loop3A_447 = arith.index_cast %parallel_loop3A_446 : i32 to index
      %parallel_loop3A_448 = arith.index_cast %parallel_loop3A_415 : i32 to index
      %parallel_loop3A_449 = tpu.vector_load %arg11[%parallel_loop3A_447, %parallel_loop3A_448] {strides = array<i32>} : memref<32x1024xf32, #tpu.memory_space<vmem>>, vector<16xf32>,
      %parallel_loop3A_450 = arith.mulf %parallel_loop3A_449, %broadcast_in_dim3A_256 : vector<16xf32>
      %parallel_loop3A_451 = arith.constant 23 : i32
      %parallel_loop3A_452 = arith.index_cast %parallel_loop3A_451 : i32 to index
      %parallel_loop3A_453 = arith.index_cast %parallel_loop3A_415 : i32 to index
      %parallel_loop3A_454 = tpu.vector_load %arg11[%parallel_loop3A_452, %parallel_loop3A_453] {strides = array<i32>} : memref<32x1024xf32, #tpu.memory_space<vmem>>, vector<16xf32>,
      %parallel_loop3A_455 = arith.mulf %parallel_loop3A_454, %broadcast_in_dim3A_261 : vector<16xf32>
      %parallel_loop3A_456 = arith.constant 24 : i32
      %parallel_loop3A_457 = arith.index_cast %parallel_loop3A_456 : i32 to index
      %parallel_loop3A_458 = arith.index_cast %parallel_loop3A_415 : i32 to index
      %parallel_loop3A_459 = tpu.vector_load %arg11[%parallel_loop3A_457, %parallel_loop3A_458] {strides = array<i32>} : memref<32x1024xf32, #tpu.memory_space<vmem>>, vector<16xf32>,
      %parallel_loop3A_460 = arith.mulf %parallel_loop3A_459, %broadcast_in_dim3A_266 : vector<16xf32>
      %parallel_loop3A_461 = arith.constant 25 : i32
      %parallel_loop3A_462 = arith.index_cast %parallel_loop3A_461 : i32 to index
      %parallel_loop3A_463 = arith.index_cast %parallel_loop3A_415 : i32 to index
      %parallel_loop3A_464 = tpu.vector_load %arg11[%parallel_loop3A_462, %parallel_loop3A_463] {strides = array<i32>} : memref<32x1024xf32, #tpu.memory_space<vmem>>, vector<16xf32>,
      %parallel_loop3A_465 = arith.mulf %parallel_loop3A_464, %broadcast_in_dim3A_271 : vector<16xf32>
      %parallel_loop3A_466 = arith.constant 26 : i32
      %parallel_loop3A_467 = arith.index_cast %parallel_loop3A_466 : i32 to index
      %parallel_loop3A_468 = arith.index_cast %parallel_loop3A_415 : i32 to index
      %parallel_loop3A_469 = tpu.vector_load %arg11[%parallel_loop3A_467, %parallel_loop3A_468] {strides = array<i32>} : memref<32x1024xf32, #tpu.memory_space<vmem>>, vector<16xf32>,
      %parallel_loop3A_470 = arith.mulf %parallel_loop3A_469, %broadcast_in_dim3A_276 : vector<16xf32>
      %parallel_loop3A_471 = arith.constant 27 : i32
      %parallel_loop3A_472 = arith.index_cast %parallel_loop3A_471 : i32 to index
      %parallel_loop3A_473 = arith.index_cast %parallel_loop3A_415 : i32 to index
      %parallel_loop3A_474 = tpu.vector_load %arg11[%parallel_loop3A_472, %parallel_loop3A_473] {strides = array<i32>} : memref<32x1024xf32, #tpu.memory_space<vmem>>, vector<16xf32>,
      %parallel_loop3A_475 = arith.mulf %parallel_loop3A_474, %broadcast_in_dim3A_281 : vector<16xf32>
      %parallel_loop3A_476 = arith.constant 28 : i32
      %parallel_loop3A_477 = arith.index_cast %parallel_loop3A_476 : i32 to index
      %parallel_loop3A_478 = arith.index_cast %parallel_loop3A_415 : i32 to index
      %parallel_loop3A_479 = tpu.vector_load %arg11[%parallel_loop3A_477, %parallel_loop3A_478] {strides = array<i32>} : memref<32x1024xf32, #tpu.memory_space<vmem>>, vector<16xf32>,
      %parallel_loop3A_480 = arith.mulf %parallel_loop3A_479, %broadcast_in_dim3A_286 : vector<16xf32>
      %parallel_loop3A_481 = arith.constant 29 : i32
      %parallel_loop3A_482 = arith.index_cast %parallel_loop3A_481 : i32 to index
      %parallel_loop3A_483 = arith.index_cast %parallel_loop3A_415 : i32 to index
      %parallel_loop3A_484 = tpu.vector_load %arg11[%parallel_loop3A_482, %parallel_loop3A_483] {strides = array<i32>} : memref<32x1024xf32, #tpu.memory_space<vmem>>, vector<16xf32>,
      %parallel_loop3A_485 = arith.mulf %parallel_loop3A_484, %broadcast_in_dim3A_291 : vector<16xf32>
      %parallel_loop3A_486 = arith.constant 30 : i32
      %parallel_loop3A_487 = arith.index_cast %parallel_loop3A_486 : i32 to index
      %parallel_loop3A_488 = arith.index_cast %parallel_loop3A_415 : i32 to index
      %parallel_loop3A_489 = tpu.vector_load %arg11[%parallel_loop3A_487, %parallel_loop3A_488] {strides = array<i32>} : memref<32x1024xf32, #tpu.memory_space<vmem>>, vector<16xf32>,
      %parallel_loop3A_490 = arith.mulf %parallel_loop3A_489, %broadcast_in_dim3A_296 : vector<16xf32>
      %parallel_loop3A_491 = arith.constant 31 : i32
      %parallel_loop3A_492 = arith.index_cast %parallel_loop3A_491 : i32 to index
      %parallel_loop3A_493 = arith.index_cast %parallel_loop3A_415 : i32 to index
      %parallel_loop3A_494 = tpu.vector_load %arg11[%parallel_loop3A_492, %parallel_loop3A_493] {strides = array<i32>} : memref<32x1024xf32, #tpu.memory_space<vmem>>, vector<16xf32>,
      %parallel_loop3A_495 = arith.mulf %parallel_loop3A_494, %broadcast_in_dim3A_301 : vector<16xf32>
      %parallel_loop3A_496 = arith.addf %parallel_loop3A_420, %parallel_loop3A_425 : vector<16xf32>
      %parallel_loop3A_497 = arith.addf %parallel_loop3A_430, %parallel_loop3A_435 : vector<16xf32>
      %parallel_loop3A_498 = arith.addf %parallel_loop3A_440, %parallel_loop3A_445 : vector<16xf32>
      %parallel_loop3A_499 = arith.addf %parallel_loop3A_450, %parallel_loop3A_455 : vector<16xf32>
      %parallel_loop3A_500 = arith.addf %parallel_loop3A_460, %parallel_loop3A_465 : vector<16xf32>
      %parallel_loop3A_501 = arith.addf %parallel_loop3A_470, %parallel_loop3A_475 : vector<16xf32>
      %parallel_loop3A_502 = arith.addf %parallel_loop3A_480, %parallel_loop3A_485 : vector<16xf32>
      %parallel_loop3A_503 = arith.addf %parallel_loop3A_490, %parallel_loop3A_495 : vector<16xf32>
      %parallel_loop3A_504 = arith.addf %parallel_loop3A_496, %parallel_loop3A_497 : vector<16xf32>
      %parallel_loop3A_505 = arith.addf %parallel_loop3A_498, %parallel_loop3A_499 : vector<16xf32>
      %parallel_loop3A_506 = arith.addf %parallel_loop3A_500, %parallel_loop3A_501 : vector<16xf32>
      %parallel_loop3A_507 = arith.addf %parallel_loop3A_502, %parallel_loop3A_503 : vector<16xf32>
      %parallel_loop3A_508 = arith.addf %parallel_loop3A_504, %parallel_loop3A_505 : vector<16xf32>
      %parallel_loop3A_509 = arith.addf %parallel_loop3A_506, %parallel_loop3A_507 : vector<16xf32>
      %parallel_loop3A_510 = arith.addf %parallel_loop3A_508, %parallel_loop3A_509 : vector<16xf32>
      %parallel_loop3A_511 = arith.constant 31 : i32
      %parallel_loop3A_512 = arith.index_cast %parallel_loop3A_511 : i32 to index
      %parallel_loop3A_513 = arith.index_cast %parallel_loop3A_415 : i32 to index
      %parallel_loop3A_514 = tpu.vector_load %arg14[%parallel_loop3A_512, %parallel_loop3A_513] {strides = array<i32>} : memref<32x1024xf32, #tpu.memory_space<vmem>>, vector<16xf32>,
      tpu.vector_store %arg14[%parallel_loop3A_512, %parallel_loop3A_513], %parallel_loop3A_510 {add = true, strides = array<i32>} : memref<32x1024xf32, #tpu.memory_space<vmem>>, vector<16xf32>,
    } {sc.loop_unroll_factor = 2 : i64, sc.parallel_access}
    %dma_wait3A_305 = arith.constant 31 : i32
    %dma_wait3A_306 = arith.constant 32 : i32
    %dma_wait3A_307 = tpu.memref_slice %arg7[%dma_wait3A_305, %dma_wait3A_306] : memref<32x64xi32, #tpu.memory_space<vmem>> -> memref<1x16xi32, #tpu.memory_space<vmem>>
    %dma_wait3A_308 = tpu.memref_squeeze %dma_wait3A_307 : memref<1x16xi32, #tpu.memory_space<vmem>> -> memref<16xi32, #tpu.memory_space<vmem>>
    %dma_wait3A_309 = arith.constant 0 : i32
    %dma_wait3A_310 = arith.constant 0 : i32
    %dma_wait3A_311 = tpu.memref_slice %arg4[%dma_wait3A_309, %dma_wait3A_310] : memref<100000x1024xf32, #tpu.memory_space<hbm>> -> memref<100000x1024xf32, #tpu.memory_space<hbm>>
    tpu.wait_indirect_dma semaphore(%arg17 : memref<!tpu.dma_semaphore, #tpu.memory_space<semaphore_mem>>) src(%dma_wait3A_311 : memref<100000x1024xf32, #tpu.memory_space<hbm>>) dst(%arg12 : memref<16x1024xf32, #tpu.memory_space<vmem>>)
    %get3A_312 = arith.constant 2016 : index
    %get3A_313 = tpu.vector_load %arg8[%get3A_312] {strides = array<i32>} : memref<2064xf32, #tpu.memory_space<vmem>>, vector<16xf32>,
    %slice3A_314 = vector.extract_strided_slice %get3A_313 {offsets = [0], sizes = [1], strides = [1]} : vector<16xf32> to vector<1xf32>
    %squeeze3A_315 = vector.extract %slice3A_314[0] : f32 from vector<1xf32>
    %broadcast_in_dim3A_316 = vector.broadcast %squeeze3A_315 : f32 to vector<16xf32>
    %get3A_317 = arith.constant 2017 : index
    %get3A_318 = tpu.vector_load %arg8[%get3A_317] {strides = array<i32>} : memref<2064xf32, #tpu.memory_space<vmem>>, vector<16xf32>,
    %slice3A_319 = vector.extract_strided_slice %get3A_318 {offsets = [0], sizes = [1], strides = [1]} : vector<16xf32> to vector<1xf32>
    %squeeze3A_320 = vector.extract %slice3A_319[0] : f32 from vector<1xf32>
    %broadcast_in_dim3A_321 = vector.broadcast %squeeze3A_320 : f32 to vector<16xf32>
    %get3A_322 = arith.constant 2018 : index
    %get3A_323 = tpu.vector_load %arg8[%get3A_322] {strides = array<i32>} : memref<2064xf32, #tpu.memory_space<vmem>>, vector<16xf32>,
    %slice3A_324 = vector.extract_strided_slice %get3A_323 {offsets = [0], sizes = [1], strides = [1]} : vector<16xf32> to vector<1xf32>
    %squeeze3A_325 = vector.extract %slice3A_324[0] : f32 from vector<1xf32>
    %broadcast_in_dim3A_326 = vector.broadcast %squeeze3A_325 : f32 to vector<16xf32>
    %get3A_327 = arith.constant 2019 : index
    %get3A_328 = tpu.vector_load %arg8[%get3A_327] {strides = array<i32>} : memref<2064xf32, #tpu.memory_space<vmem>>, vector<16xf32>,
    %slice3A_329 = vector.extract_strided_slice %get3A_328 {offsets = [0], sizes = [1], strides = [1]} : vector<16xf32> to vector<1xf32>
    %squeeze3A_330 = vector.extract %slice3A_329[0] : f32 from vector<1xf32>
    %broadcast_in_dim3A_331 = vector.broadcast %squeeze3A_330 : f32 to vector<16xf32>
    %get3A_332 = arith.constant 2020 : index
    %get3A_333 = tpu.vector_load %arg8[%get3A_332] {strides = array<i32>} : memref<2064xf32, #tpu.memory_space<vmem>>, vector<16xf32>,
    %slice3A_334 = vector.extract_strided_slice %get3A_333 {offsets = [0], sizes = [1], strides = [1]} : vector<16xf32> to vector<1xf32>
    %squeeze3A_335 = vector.extract %slice3A_334[0] : f32 from vector<1xf32>
    %broadcast_in_dim3A_336 = vector.broadcast %squeeze3A_335 : f32 to vector<16xf32>
    %get3A_337 = arith.constant 2021 : index
    %get3A_338 = tpu.vector_load %arg8[%get3A_337] {strides = array<i32>} : memref<2064xf32, #tpu.memory_space<vmem>>, vector<16xf32>,
    %slice3A_339 = vector.extract_strided_slice %get3A_338 {offsets = [0], sizes = [1], strides = [1]} : vector<16xf32> to vector<1xf32>
    %squeeze3A_340 = vector.extract %slice3A_339[0] : f32 from vector<1xf32>
    %broadcast_in_dim3A_341 = vector.broadcast %squeeze3A_340 : f32 to vector<16xf32>
    %get3A_342 = arith.constant 2022 : index
    %get3A_343 = tpu.vector_load %arg8[%get3A_342] {strides = array<i32>} : memref<2064xf32, #tpu.memory_space<vmem>>, vector<16xf32>,
    %slice3A_344 = vector.extract_strided_slice %get3A_343 {offsets = [0], sizes = [1], strides = [1]} : vector<16xf32> to vector<1xf32>
    %squeeze3A_345 = vector.extract %slice3A_344[0] : f32 from vector<1xf32>
    %broadcast_in_dim3A_346 = vector.broadcast %squeeze3A_345 : f32 to vector<16xf32>
    %get3A_347 = arith.constant 2023 : index
    %get3A_348 = tpu.vector_load %arg8[%get3A_347] {strides = array<i32>} : memref<2064xf32, #tpu.memory_space<vmem>>, vector<16xf32>,
    %slice3A_349 = vector.extract_strided_slice %get3A_348 {offsets = [0], sizes = [1], strides = [1]} : vector<16xf32> to vector<1xf32>
    %squeeze3A_350 = vector.extract %slice3A_349[0] : f32 from vector<1xf32>
    %broadcast_in_dim3A_351 = vector.broadcast %squeeze3A_350 : f32 to vector<16xf32>
    %get3A_352 = arith.constant 2024 : index
    %get3A_353 = tpu.vector_load %arg8[%get3A_352] {strides = array<i32>} : memref<2064xf32, #tpu.memory_space<vmem>>, vector<16xf32>,
    %slice3A_354 = vector.extract_strided_slice %get3A_353 {offsets = [0], sizes = [1], strides = [1]} : vector<16xf32> to vector<1xf32>
    %squeeze3A_355 = vector.extract %slice3A_354[0] : f32 from vector<1xf32>
    %broadcast_in_dim3A_356 = vector.broadcast %squeeze3A_355 : f32 to vector<16xf32>
    %get3A_357 = arith.constant 2025 : index
    %get3A_358 = tpu.vector_load %arg8[%get3A_357] {strides = array<i32>} : memref<2064xf32, #tpu.memory_space<vmem>>, vector<16xf32>,
    %slice3A_359 = vector.extract_strided_slice %get3A_358 {offsets = [0], sizes = [1], strides = [1]} : vector<16xf32> to vector<1xf32>
    %squeeze3A_360 = vector.extract %slice3A_359[0] : f32 from vector<1xf32>
    %broadcast_in_dim3A_361 = vector.broadcast %squeeze3A_360 : f32 to vector<16xf32>
    %get3A_362 = arith.constant 2026 : index
    %get3A_363 = tpu.vector_load %arg8[%get3A_362] {strides = array<i32>} : memref<2064xf32, #tpu.memory_space<vmem>>, vector<16xf32>,
    %slice3A_364 = vector.extract_strided_slice %get3A_363 {offsets = [0], sizes = [1], strides = [1]} : vector<16xf32> to vector<1xf32>
    %squeeze3A_365 = vector.extract %slice3A_364[0] : f32 from vector<1xf32>
    %broadcast_in_dim3A_366 = vector.broadcast %squeeze3A_365 : f32 to vector<16xf32>
    %get3A_367 = arith.constant 2027 : index
    %get3A_368 = tpu.vector_load %arg8[%get3A_367] {strides = array<i32>} : memref<2064xf32, #tpu.memory_space<vmem>>, vector<16xf32>,
    %slice3A_369 = vector.extract_strided_slice %get3A_368 {offsets = [0], sizes = [1], strides = [1]} : vector<16xf32> to vector<1xf32>
    %squeeze3A_370 = vector.extract %slice3A_369[0] : f32 from vector<1xf32>
    %broadcast_in_dim3A_371 = vector.broadcast %squeeze3A_370 : f32 to vector<16xf32>
    %get3A_372 = arith.constant 2028 : index
    %get3A_373 = tpu.vector_load %arg8[%get3A_372] {strides = array<i32>} : memref<2064xf32, #tpu.memory_space<vmem>>, vector<16xf32>,
    %slice3A_374 = vector.extract_strided_slice %get3A_373 {offsets = [0], sizes = [1], strides = [1]} : vector<16xf32> to vector<1xf32>
    %squeeze3A_375 = vector.extract %slice3A_374[0] : f32 from vector<1xf32>
    %broadcast_in_dim3A_376 = vector.broadcast %squeeze3A_375 : f32 to vector<16xf32>
    %get3A_377 = arith.constant 2029 : index
    %get3A_378 = tpu.vector_load %arg8[%get3A_377] {strides = array<i32>} : memref<2064xf32, #tpu.memory_space<vmem>>, vector<16xf32>,
    %slice3A_379 = vector.extract_strided_slice %get3A_378 {offsets = [0], sizes = [1], strides = [1]} : vector<16xf32> to vector<1xf32>
    %squeeze3A_380 = vector.extract %slice3A_379[0] : f32 from vector<1xf32>
    %broadcast_in_dim3A_381 = vector.broadcast %squeeze3A_380 : f32 to vector<16xf32>
    %get3A_382 = arith.constant 2030 : index
    %get3A_383 = tpu.vector_load %arg8[%get3A_382] {strides = array<i32>} : memref<2064xf32, #tpu.memory_space<vmem>>, vector<16xf32>,
    %slice3A_384 = vector.extract_strided_slice %get3A_383 {offsets = [0], sizes = [1], strides = [1]} : vector<16xf32> to vector<1xf32>
    %squeeze3A_385 = vector.extract %slice3A_384[0] : f32 from vector<1xf32>
    %broadcast_in_dim3A_386 = vector.broadcast %squeeze3A_385 : f32 to vector<16xf32>
    %get3A_387 = arith.constant 2031 : index
    %get3A_388 = tpu.vector_load %arg8[%get3A_387] {strides = array<i32>} : memref<2064xf32, #tpu.memory_space<vmem>>, vector<16xf32>,
    %slice3A_389 = vector.extract_strided_slice %get3A_388 {offsets = [0], sizes = [1], strides = [1]} : vector<16xf32> to vector<1xf32>
    %squeeze3A_390 = vector.extract %slice3A_389[0] : f32 from vector<1xf32>
    %broadcast_in_dim3A_391 = vector.broadcast %squeeze3A_390 : f32 to vector<16xf32>
    %parallel_loop3A_392 = arith.constant 0 : i32
    %parallel_loop3A_393 = arith.constant 1024 : i32
    %parallel_loop3A_394 = arith.constant 16 : i32
    scf.for %parallel_loop3A_415 = %parallel_loop3A_392 to %parallel_loop3A_393 step %parallel_loop3A_394  : i32 {
      %parallel_loop3A_416 = arith.constant 0 : i32
      %parallel_loop3A_417 = arith.index_cast %parallel_loop3A_416 : i32 to index
      %parallel_loop3A_418 = arith.index_cast %parallel_loop3A_415 : i32 to index
      %parallel_loop3A_419 = tpu.vector_load %arg12[%parallel_loop3A_417, %parallel_loop3A_418] {strides = array<i32>} : memref<16x1024xf32, #tpu.memory_space<vmem>>, vector<16xf32>,
      %parallel_loop3A_420 = arith.mulf %parallel_loop3A_419, %broadcast_in_dim3A_316 : vector<16xf32>
      %parallel_loop3A_421 = arith.constant 1 : i32
      %parallel_loop3A_422 = arith.index_cast %parallel_loop3A_421 : i32 to index
      %parallel_loop3A_423 = arith.index_cast %parallel_loop3A_415 : i32 to index
      %parallel_loop3A_424 = tpu.vector_load %arg12[%parallel_loop3A_422, %parallel_loop3A_423] {strides = array<i32>} : memref<16x1024xf32, #tpu.memory_space<vmem>>, vector<16xf32>,
      %parallel_loop3A_425 = arith.mulf %parallel_loop3A_424, %broadcast_in_dim3A_321 : vector<16xf32>
      %parallel_loop3A_426 = arith.constant 2 : i32
      %parallel_loop3A_427 = arith.index_cast %parallel_loop3A_426 : i32 to index
      %parallel_loop3A_428 = arith.index_cast %parallel_loop3A_415 : i32 to index
      %parallel_loop3A_429 = tpu.vector_load %arg12[%parallel_loop3A_427, %parallel_loop3A_428] {strides = array<i32>} : memref<16x1024xf32, #tpu.memory_space<vmem>>, vector<16xf32>,
      %parallel_loop3A_430 = arith.mulf %parallel_loop3A_429, %broadcast_in_dim3A_326 : vector<16xf32>
      %parallel_loop3A_431 = arith.constant 3 : i32
      %parallel_loop3A_432 = arith.index_cast %parallel_loop3A_431 : i32 to index
      %parallel_loop3A_433 = arith.index_cast %parallel_loop3A_415 : i32 to index
      %parallel_loop3A_434 = tpu.vector_load %arg12[%parallel_loop3A_432, %parallel_loop3A_433] {strides = array<i32>} : memref<16x1024xf32, #tpu.memory_space<vmem>>, vector<16xf32>,
      %parallel_loop3A_435 = arith.mulf %parallel_loop3A_434, %broadcast_in_dim3A_331 : vector<16xf32>
      %parallel_loop3A_436 = arith.constant 4 : i32
      %parallel_loop3A_437 = arith.index_cast %parallel_loop3A_436 : i32 to index
      %parallel_loop3A_438 = arith.index_cast %parallel_loop3A_415 : i32 to index
      %parallel_loop3A_439 = tpu.vector_load %arg12[%parallel_loop3A_437, %parallel_loop3A_438] {strides = array<i32>} : memref<16x1024xf32, #tpu.memory_space<vmem>>, vector<16xf32>,
      %parallel_loop3A_440 = arith.mulf %parallel_loop3A_439, %broadcast_in_dim3A_336 : vector<16xf32>
      %parallel_loop3A_441 = arith.constant 5 : i32
      %parallel_loop3A_442 = arith.index_cast %parallel_loop3A_441 : i32 to index
      %parallel_loop3A_443 = arith.index_cast %parallel_loop3A_415 : i32 to index
      %parallel_loop3A_444 = tpu.vector_load %arg12[%parallel_loop3A_442, %parallel_loop3A_443] {strides = array<i32>} : memref<16x1024xf32, #tpu.memory_space<vmem>>, vector<16xf32>,
      %parallel_loop3A_445 = arith.mulf %parallel_loop3A_444, %broadcast_in_dim3A_341 : vector<16xf32>
      %parallel_loop3A_446 = arith.constant 6 : i32
      %parallel_loop3A_447 = arith.index_cast %parallel_loop3A_446 : i32 to index
      %parallel_loop3A_448 = arith.index_cast %parallel_loop3A_415 : i32 to index
      %parallel_loop3A_449 = tpu.vector_load %arg12[%parallel_loop3A_447, %parallel_loop3A_448] {strides = array<i32>} : memref<16x1024xf32, #tpu.memory_space<vmem>>, vector<16xf32>,
      %parallel_loop3A_450 = arith.mulf %parallel_loop3A_449, %broadcast_in_dim3A_346 : vector<16xf32>
      %parallel_loop3A_451 = arith.constant 7 : i32
      %parallel_loop3A_452 = arith.index_cast %parallel_loop3A_451 : i32 to index
      %parallel_loop3A_453 = arith.index_cast %parallel_loop3A_415 : i32 to index
      %parallel_loop3A_454 = tpu.vector_load %arg12[%parallel_loop3A_452, %parallel_loop3A_453] {strides = array<i32>} : memref<16x1024xf32, #tpu.memory_space<vmem>>, vector<16xf32>,
      %parallel_loop3A_455 = arith.mulf %parallel_loop3A_454, %broadcast_in_dim3A_351 : vector<16xf32>
      %parallel_loop3A_456 = arith.constant 8 : i32
      %parallel_loop3A_457 = arith.index_cast %parallel_loop3A_456 : i32 to index
      %parallel_loop3A_458 = arith.index_cast %parallel_loop3A_415 : i32 to index
      %parallel_loop3A_459 = tpu.vector_load %arg12[%parallel_loop3A_457, %parallel_loop3A_458] {strides = array<i32>} : memref<16x1024xf32, #tpu.memory_space<vmem>>, vector<16xf32>,
      %parallel_loop3A_460 = arith.mulf %parallel_loop3A_459, %broadcast_in_dim3A_356 : vector<16xf32>
      %parallel_loop3A_461 = arith.constant 9 : i32
      %parallel_loop3A_462 = arith.index_cast %parallel_loop3A_461 : i32 to index
      %parallel_loop3A_463 = arith.index_cast %parallel_loop3A_415 : i32 to index
      %parallel_loop3A_464 = tpu.vector_load %arg12[%parallel_loop3A_462, %parallel_loop3A_463] {strides = array<i32>} : memref<16x1024xf32, #tpu.memory_space<vmem>>, vector<16xf32>,
      %parallel_loop3A_465 = arith.mulf %parallel_loop3A_464, %broadcast_in_dim3A_361 : vector<16xf32>
      %parallel_loop3A_466 = arith.constant 10 : i32
      %parallel_loop3A_467 = arith.index_cast %parallel_loop3A_466 : i32 to index
      %parallel_loop3A_468 = arith.index_cast %parallel_loop3A_415 : i32 to index
      %parallel_loop3A_469 = tpu.vector_load %arg12[%parallel_loop3A_467, %parallel_loop3A_468] {strides = array<i32>} : memref<16x1024xf32, #tpu.memory_space<vmem>>, vector<16xf32>,
      %parallel_loop3A_470 = arith.mulf %parallel_loop3A_469, %broadcast_in_dim3A_366 : vector<16xf32>
      %parallel_loop3A_471 = arith.constant 11 : i32
      %parallel_loop3A_472 = arith.index_cast %parallel_loop3A_471 : i32 to index
      %parallel_loop3A_473 = arith.index_cast %parallel_loop3A_415 : i32 to index
      %parallel_loop3A_474 = tpu.vector_load %arg12[%parallel_loop3A_472, %parallel_loop3A_473] {strides = array<i32>} : memref<16x1024xf32, #tpu.memory_space<vmem>>, vector<16xf32>,
      %parallel_loop3A_475 = arith.mulf %parallel_loop3A_474, %broadcast_in_dim3A_371 : vector<16xf32>
      %parallel_loop3A_476 = arith.constant 12 : i32
      %parallel_loop3A_477 = arith.index_cast %parallel_loop3A_476 : i32 to index
      %parallel_loop3A_478 = arith.index_cast %parallel_loop3A_415 : i32 to index
      %parallel_loop3A_479 = tpu.vector_load %arg12[%parallel_loop3A_477, %parallel_loop3A_478] {strides = array<i32>} : memref<16x1024xf32, #tpu.memory_space<vmem>>, vector<16xf32>,
      %parallel_loop3A_480 = arith.mulf %parallel_loop3A_479, %broadcast_in_dim3A_376 : vector<16xf32>
      %parallel_loop3A_481 = arith.constant 13 : i32
      %parallel_loop3A_482 = arith.index_cast %parallel_loop3A_481 : i32 to index
      %parallel_loop3A_483 = arith.index_cast %parallel_loop3A_415 : i32 to index
      %parallel_loop3A_484 = tpu.vector_load %arg12[%parallel_loop3A_482, %parallel_loop3A_483] {strides = array<i32>} : memref<16x1024xf32, #tpu.memory_space<vmem>>, vector<16xf32>,
      %parallel_loop3A_485 = arith.mulf %parallel_loop3A_484, %broadcast_in_dim3A_381 : vector<16xf32>
      %parallel_loop3A_486 = arith.constant 14 : i32
      %parallel_loop3A_487 = arith.index_cast %parallel_loop3A_486 : i32 to index
      %parallel_loop3A_488 = arith.index_cast %parallel_loop3A_415 : i32 to index
      %parallel_loop3A_489 = tpu.vector_load %arg12[%parallel_loop3A_487, %parallel_loop3A_488] {strides = array<i32>} : memref<16x1024xf32, #tpu.memory_space<vmem>>, vector<16xf32>,
      %parallel_loop3A_490 = arith.mulf %parallel_loop3A_489, %broadcast_in_dim3A_386 : vector<16xf32>
      %parallel_loop3A_491 = arith.constant 15 : i32
      %parallel_loop3A_492 = arith.index_cast %parallel_loop3A_491 : i32 to index
      %parallel_loop3A_493 = arith.index_cast %parallel_loop3A_415 : i32 to index
      %parallel_loop3A_494 = tpu.vector_load %arg12[%parallel_loop3A_492, %parallel_loop3A_493] {strides = array<i32>} : memref<16x1024xf32, #tpu.memory_space<vmem>>, vector<16xf32>,
      %parallel_loop3A_495 = arith.mulf %parallel_loop3A_494, %broadcast_in_dim3A_391 : vector<16xf32>
      %parallel_loop3A_496 = arith.addf %parallel_loop3A_420, %parallel_loop3A_425 : vector<16xf32>
      %parallel_loop3A_497 = arith.addf %parallel_loop3A_430, %parallel_loop3A_435 : vector<16xf32>
      %parallel_loop3A_498 = arith.addf %parallel_loop3A_440, %parallel_loop3A_445 : vector<16xf32>
      %parallel_loop3A_499 = arith.addf %parallel_loop3A_450, %parallel_loop3A_455 : vector<16xf32>
      %parallel_loop3A_500 = arith.addf %parallel_loop3A_460, %parallel_loop3A_465 : vector<16xf32>
      %parallel_loop3A_501 = arith.addf %parallel_loop3A_470, %parallel_loop3A_475 : vector<16xf32>
      %parallel_loop3A_502 = arith.addf %parallel_loop3A_480, %parallel_loop3A_485 : vector<16xf32>
      %parallel_loop3A_503 = arith.addf %parallel_loop3A_490, %parallel_loop3A_495 : vector<16xf32>
      %parallel_loop3A_504 = arith.addf %parallel_loop3A_496, %parallel_loop3A_497 : vector<16xf32>
      %parallel_loop3A_505 = arith.addf %parallel_loop3A_498, %parallel_loop3A_499 : vector<16xf32>
      %parallel_loop3A_506 = arith.addf %parallel_loop3A_500, %parallel_loop3A_501 : vector<16xf32>
      %parallel_loop3A_507 = arith.addf %parallel_loop3A_502, %parallel_loop3A_503 : vector<16xf32>
      %parallel_loop3A_508 = arith.addf %parallel_loop3A_504, %parallel_loop3A_505 : vector<16xf32>
      %parallel_loop3A_509 = arith.addf %parallel_loop3A_506, %parallel_loop3A_507 : vector<16xf32>
      %parallel_loop3A_510 = arith.addf %parallel_loop3A_508, %parallel_loop3A_509 : vector<16xf32>
      %parallel_loop3A_511 = arith.constant 31 : i32
      %parallel_loop3A_512 = arith.index_cast %parallel_loop3A_511 : i32 to index
      %parallel_loop3A_513 = arith.index_cast %parallel_loop3A_415 : i32 to index
      %parallel_loop3A_514 = tpu.vector_load %arg14[%parallel_loop3A_512, %parallel_loop3A_513] {strides = array<i32>} : memref<32x1024xf32, #tpu.memory_space<vmem>>, vector<16xf32>,
      tpu.vector_store %arg14[%parallel_loop3A_512, %parallel_loop3A_513], %parallel_loop3A_510 {add = true, strides = array<i32>} : memref<32x1024xf32, #tpu.memory_space<vmem>>, vector<16xf32>,
    } {sc.loop_unroll_factor = 2 : i64, sc.parallel_access}
    %dma_wait3A_395 = arith.constant 31 : i32
    %dma_wait3A_396 = arith.constant 48 : i32
    %dma_wait3A_397 = tpu.memref_slice %arg7[%dma_wait3A_395, %dma_wait3A_396] : memref<32x64xi32, #tpu.memory_space<vmem>> -> memref<1x2xi32, #tpu.memory_space<vmem>>
    %dma_wait3A_398 = tpu.memref_squeeze %dma_wait3A_397 : memref<1x2xi32, #tpu.memory_space<vmem>> -> memref<2xi32, #tpu.memory_space<vmem>>
    %dma_wait3A_399 = arith.constant 0 : i32
    %dma_wait3A_400 = arith.constant 0 : i32
    %dma_wait3A_401 = tpu.memref_slice %arg4[%dma_wait3A_399, %dma_wait3A_400] : memref<100000x1024xf32, #tpu.memory_space<hbm>> -> memref<100000x1024xf32, #tpu.memory_space<hbm>>
    tpu.wait_indirect_dma semaphore(%arg18 : memref<!tpu.dma_semaphore, #tpu.memory_space<semaphore_mem>>) src(%dma_wait3A_401 : memref<100000x1024xf32, #tpu.memory_space<hbm>>) dst(%arg13 : memref<2x1024xf32, #tpu.memory_space<vmem>>)
    %get3A_402 = arith.constant 2032 : index
    %get3A_403 = tpu.vector_load %arg8[%get3A_402] {strides = array<i32>} : memref<2064xf32, #tpu.memory_space<vmem>>, vector<16xf32>,
    %slice3A_404 = vector.extract_strided_slice %get3A_403 {offsets = [0], sizes = [1], strides = [1]} : vector<16xf32> to vector<1xf32>
    %squeeze3A_405 = vector.extract %slice3A_404[0] : f32 from vector<1xf32>
    %broadcast_in_dim3A_406 = vector.broadcast %squeeze3A_405 : f32 to vector<16xf32>
    %get3A_407 = arith.constant 2033 : index
    %get3A_408 = tpu.vector_load %arg8[%get3A_407] {strides = array<i32>} : memref<2064xf32, #tpu.memory_space<vmem>>, vector<16xf32>,
    %slice3A_409 = vector.extract_strided_slice %get3A_408 {offsets = [0], sizes = [1], strides = [1]} : vector<16xf32> to vector<1xf32>
    %squeeze3A_410 = vector.extract %slice3A_409[0] : f32 from vector<1xf32>
    %broadcast_in_dim3A_411 = vector.broadcast %squeeze3A_410 : f32 to vector<16xf32>
    %parallel_loop3A_412 = arith.constant 0 : i32
    %parallel_loop3A_413 = arith.constant 1024 : i32
    %parallel_loop3A_414 = arith.constant 16 : i32
    scf.for %parallel_loop3A_415 = %parallel_loop3A_412 to %parallel_loop3A_413 step %parallel_loop3A_414  : i32 {
      %parallel_loop3A_416 = arith.constant 0 : i32
      %parallel_loop3A_417 = arith.index_cast %parallel_loop3A_416 : i32 to index
      %parallel_loop3A_418 = arith.index_cast %parallel_loop3A_415 : i32 to index
      %parallel_loop3A_419 = tpu.vector_load %arg13[%parallel_loop3A_417, %parallel_loop3A_418] {strides = array<i32>} : memref<2x1024xf32, #tpu.memory_space<vmem>>, vector<16xf32>,
      %parallel_loop3A_420 = arith.mulf %parallel_loop3A_419, %broadcast_in_dim3A_406 : vector<16xf32>
      %parallel_loop3A_421 = arith.constant 1 : i32
      %parallel_loop3A_422 = arith.index_cast %parallel_loop3A_421 : i32 to index
      %parallel_loop3A_423 = arith.index_cast %parallel_loop3A_415 : i32 to index
      %parallel_loop3A_424 = tpu.vector_load %arg13[%parallel_loop3A_422, %parallel_loop3A_423] {strides = array<i32>} : memref<2x1024xf32, #tpu.memory_space<vmem>>, vector<16xf32>,
      %parallel_loop3A_425 = arith.mulf %parallel_loop3A_424, %broadcast_in_dim3A_411 : vector<16xf32>
      %parallel_loop3A_426 = arith.addf %parallel_loop3A_420, %parallel_loop3A_425 : vector<16xf32>
      %parallel_loop3A_427 = arith.constant 31 : i32
      %parallel_loop3A_428 = arith.index_cast %parallel_loop3A_427 : i32 to index
      %parallel_loop3A_429 = arith.index_cast %parallel_loop3A_415 : i32 to index
      %parallel_loop3A_430 = tpu.vector_load %arg14[%parallel_loop3A_428, %parallel_loop3A_429] {strides = array<i32>} : memref<32x1024xf32, #tpu.memory_space<vmem>>, vector<16xf32>,
      tpu.vector_store %arg14[%parallel_loop3A_428, %parallel_loop3A_429], %parallel_loop3A_426 {add = true, strides = array<i32>} : memref<32x1024xf32, #tpu.memory_space<vmem>>, vector<16xf32>,
    } {sc.loop_unroll_factor = 2 : i64, sc.parallel_access}
    "tpu.region"() ({
      %run_scoped3A = tpu.sem_alloc : memref<!tpu.dma_semaphore, #tpu.memory_space<semaphore_mem>>
      %dma_start3A_415 = arith.constant 0 : i32
      %dma_start3A_416 = tpu.memref_slice %arg5[%mul3A_2, %dma_start3A_415] : memref<1024x1024xf32, #tpu.memory_space<hbm>> -> memref<32x1024xf32, #tpu.memory_space<hbm>>
      %dma_start3A_417 = arith.constant 0 : i32
      %dma_start3A_418 = tpu.memref_slice %arg5[%mul3A_2, %dma_start3A_417] : memref<1024x1024xf32, #tpu.memory_space<hbm>> -> memref<32x1024xf32, #tpu.memory_space<hbm>>
      tpu.enqueue_dma source(%arg14 : memref<32x1024xf32, #tpu.memory_space<vmem>>) target(%dma_start3A_418 : memref<32x1024xf32, #tpu.memory_space<hbm>>) target_semaphore(%run_scoped3A : memref<!tpu.dma_semaphore, #tpu.memory_space<semaphore_mem>>)
      %dma_wait3A_419 = arith.constant 0 : i32
      %dma_wait3A_420 = tpu.memref_slice %arg5[%mul3A_2, %dma_wait3A_419] : memref<1024x1024xf32, #tpu.memory_space<hbm>> -> memref<32x1024xf32, #tpu.memory_space<hbm>>
      %dma_wait3A_421 = arith.constant 0 : i32
      %dma_wait3A_422 = tpu.memref_slice %arg5[%mul3A_2, %dma_wait3A_421] : memref<1024x1024xf32, #tpu.memory_space<hbm>> -> memref<32x1024xf32, #tpu.memory_space<hbm>>
      tpu.wait_dma2 semaphore(%run_scoped3A : memref<!tpu.dma_semaphore, #tpu.memory_space<semaphore_mem>>) src(%arg14 : memref<32x1024xf32, #tpu.memory_space<vmem>>) dst(%dma_wait3A_422 : memref<32x1024xf32, #tpu.memory_space<hbm>>)
      tpu.yield
    }) : () -> ()
    "tpu.region"() ({
      %run_scoped3A = tpu.sem_alloc : memref<!tpu.dma_semaphore, #tpu.memory_space<semaphore_mem>>
      %dma_start3A_415 = arith.constant 0 : i32
      %dma_start3A_416 = tpu.memref_slice %arg6[%mul3A_2, %dma_start3A_415] : memref<1024x16xf32, #tpu.memory_space<hbm>> -> memref<32x16xf32, #tpu.memory_space<hbm>>
      %dma_start3A_417 = arith.constant 0 : i32
      %dma_start3A_418 = tpu.memref_slice %arg6[%mul3A_2, %dma_start3A_417] : memref<1024x16xf32, #tpu.memory_space<hbm>> -> memref<32x16xf32, #tpu.memory_space<hbm>>
      tpu.enqueue_dma source(%arg15 : memref<32x16xf32, #tpu.memory_space<vmem>>) target(%dma_start3A_418 : memref<32x16xf32, #tpu.memory_space<hbm>>) target_semaphore(%run_scoped3A : memref<!tpu.dma_semaphore, #tpu.memory_space<semaphore_mem>>)
      %dma_wait3A_419 = arith.constant 0 : i32
      %dma_wait3A_420 = tpu.memref_slice %arg6[%mul3A_2, %dma_wait3A_419] : memref<1024x16xf32, #tpu.memory_space<hbm>> -> memref<32x16xf32, #tpu.memory_space<hbm>>
      %dma_wait3A_421 = arith.constant 0 : i32
      %dma_wait3A_422 = tpu.memref_slice %arg6[%mul3A_2, %dma_wait3A_421] : memref<1024x16xf32, #tpu.memory_space<hbm>> -> memref<32x16xf32, #tpu.memory_space<hbm>>
      tpu.wait_dma2 semaphore(%run_scoped3A : memref<!tpu.dma_semaphore, #tpu.memory_space<semaphore_mem>>) src(%arg15 : memref<32x16xf32, #tpu.memory_space<vmem>>) dst(%dma_wait3A_422 : memref<32x16xf32, #tpu.memory_space<hbm>>)
      tpu.yield
    }) : () -> ()
    return
  }
}

module attributes {stable_mosaic.version = 14 : i64} {
  func.func @_pre_body(%arg0: memref<1024x1024xf32, #tpu.memory_space<vmem>>, %arg1: memref<1024x128xf32, #tpu.memory_space<vmem>>, %arg2: memref<1x128xf32, #tpu.memory_space<vmem>>, %arg3: memref<1024x512xf32, #tpu.memory_space<vmem>>, %arg4: memref<1x512xf32, #tpu.memory_space<vmem>>, %arg5: memref<1024x128xf32, #tpu.memory_space<vmem>>, %arg6: memref<1024x512xf32, #tpu.memory_space<vmem>>) attributes {dimension_semantics = [], scalar_prefetch = 0 : i64, scratch_operands = 0 : i64, tpu.core_type = #tpu.core_type<tc>} {
    %get3A = arith.constant 0 : index
    %get3A_0 = arith.constant 0 : index
    %get3A_1 = vector.load %arg0[%get3A, %get3A_0] : memref<1024x1024xf32, #tpu.memory_space<vmem>>, vector<1024x1024xf32>
    %get3A_2 = arith.constant 0 : index
    %get3A_3 = arith.constant 0 : index
    %get3A_4 = vector.load %arg1[%get3A_2, %get3A_3] : memref<1024x128xf32, #tpu.memory_space<vmem>>, vector<1024x128xf32>
    %dot_general3A = arith.constant dense<0.000000e+00> : vector<1024x128xf32>
    %dot_general3A_5 = tpu.matmul %get3A_1, %get3A_4, %dot_general3A {dimension_numbers = #tpu.dot_dimension_numbers<[1], [0], [0], [1], [0, 0, 1, 1], [], []>, transpose_lhs_hint = false} : vector<1024x1024xf32>, vector<1024x128xf32>, vector<1024x128xf32> -> vector<1024x128xf32>
    %get3A_6 = arith.constant 0 : index
    %get3A_7 = arith.constant 0 : index
    %get3A_8 = vector.load %arg2[%get3A_6, %get3A_7] : memref<1x128xf32, #tpu.memory_space<vmem>>, vector<1x128xf32>
    %add3A = vector.broadcast %get3A_8 : vector<1x128xf32> to vector<1024x128xf32>
    %add3A_9 = arith.addf %dot_general3A_5, %add3A : vector<1024x128xf32>
    %swap3A = arith.constant 0 : index
    %swap3A_10 = arith.constant 0 : index
    %swap3A_11 = vector.load %arg5[%swap3A, %swap3A_10] : memref<1024x128xf32, #tpu.memory_space<vmem>>, vector<1024x128xf32>
    tpu.vector_store %arg5[%swap3A, %swap3A_10], %add3A_9 {strides = array<i32>} : memref<1024x128xf32, #tpu.memory_space<vmem>>, vector<1024x128xf32>,
    %get3A_12 = arith.constant 0 : index
    %get3A_13 = arith.constant 0 : index
    %get3A_14 = vector.load %arg3[%get3A_12, %get3A_13] : memref<1024x512xf32, #tpu.memory_space<vmem>>, vector<1024x512xf32>
    %dot_general3A_15 = arith.constant dense<0.000000e+00> : vector<1024x512xf32>
    %dot_general3A_16 = tpu.matmul %get3A_1, %get3A_14, %dot_general3A_15 {dimension_numbers = #tpu.dot_dimension_numbers<[1], [0], [0], [1], [0, 0, 1, 1], [], []>, transpose_lhs_hint = false} : vector<1024x1024xf32>, vector<1024x512xf32>, vector<1024x512xf32> -> vector<1024x512xf32>
    %get3A_17 = arith.constant 0 : index
    %get3A_18 = arith.constant 0 : index
    %get3A_19 = vector.load %arg4[%get3A_17, %get3A_18] : memref<1x512xf32, #tpu.memory_space<vmem>>, vector<1x512xf32>
    %add3A_20 = vector.broadcast %get3A_19 : vector<1x512xf32> to vector<1024x512xf32>
    %add3A_21 = arith.addf %dot_general3A_16, %add3A_20 : vector<1024x512xf32>
    %swap3A_22 = arith.constant 0 : index
    %swap3A_23 = arith.constant 0 : index
    %swap3A_24 = vector.load %arg6[%swap3A_22, %swap3A_23] : memref<1024x512xf32, #tpu.memory_space<vmem>>, vector<1024x512xf32>
    tpu.vector_store %arg6[%swap3A_22, %swap3A_23], %add3A_21 {strides = array<i32>} : memref<1024x512xf32, #tpu.memory_space<vmem>>, vector<1024x512xf32>,
    return
  }
}

module attributes {stable_mosaic.version = 14 : i64} {
  func.func @_mlp_body(%arg0: memref<1024x1024xf32, #tpu.memory_space<vmem>>, %arg1: memref<1024x16xf32, #tpu.memory_space<vmem>>, %arg2: memref<1024x128xf32, #tpu.memory_space<vmem>>, %arg3: memref<1024x512xf32, #tpu.memory_space<vmem>>, %arg4: memref<1024x512xf32, #tpu.memory_space<vmem>>, %arg5: memref<1x512xf32, #tpu.memory_space<vmem>>, %arg6: memref<512x128xf32, #tpu.memory_space<vmem>>, %arg7: memref<1x128xf32, #tpu.memory_space<vmem>>, %arg8: memref<128x512xf32, #tpu.memory_space<vmem>>, %arg9: memref<512x128xf32, #tpu.memory_space<vmem>>, %arg10: memref<1x128xf32, #tpu.memory_space<vmem>>, %arg11: memref<1024x128xf32, #tpu.memory_space<vmem>>, %arg12: memref<1024x128xf32, #tpu.memory_space<vmem>>) attributes {dimension_semantics = [], scalar_prefetch = 0 : i64, scratch_operands = 0 : i64, tpu.core_type = #tpu.core_type<tc>} {
    %get3A = arith.constant 0 : index
    %get3A_0 = arith.constant 0 : index
    %get3A_1 = vector.load %arg1[%get3A, %get3A_0] : memref<1024x16xf32, #tpu.memory_space<vmem>>, vector<1024x16xf32>
    %reduce_sum3A = arith.constant dense<0.000000e+00> : vector<1024xf32>
    %reduce_sum3A_2 = vector.multi_reduction <add>, %get3A_1, %reduce_sum3A [1] : vector<1024x16xf32> to vector<1024xf32>
    %broadcast_in_dim3A = vector.shape_cast %reduce_sum3A_2 : vector<1024xf32> to vector<1024x1xf32>
    %get3A_3 = arith.constant 0 : index
    %get3A_4 = arith.constant 0 : index
    %get3A_5 = vector.load %arg0[%get3A_3, %get3A_4] : memref<1024x1024xf32, #tpu.memory_space<vmem>>, vector<1024x1024xf32>
    %max3A = arith.constant 9.99999993E-9 : f32
    %max3A_6 = vector.broadcast %max3A : f32 to vector<1024x1xf32>
    %max3A_7 = arith.maximumf %broadcast_in_dim3A, %max3A_6 : vector<1024x1xf32>
    %div3A = vector.broadcast %max3A_7 : vector<1024x1xf32> to vector<1024x1024xf32>
    %div3A_8 = arith.divf %get3A_5, %div3A : vector<1024x1024xf32>
    %get3A_9 = arith.constant 0 : index
    %get3A_10 = arith.constant 0 : index
    %get3A_11 = vector.load %arg4[%get3A_9, %get3A_10] : memref<1024x512xf32, #tpu.memory_space<vmem>>, vector<1024x512xf32>
    %dot_general3A = arith.constant dense<0.000000e+00> : vector<1024x512xf32>
    %dot_general3A_12 = tpu.matmul %div3A_8, %get3A_11, %dot_general3A {dimension_numbers = #tpu.dot_dimension_numbers<[1], [0], [0], [1], [0, 0, 1, 1], [], []>, transpose_lhs_hint = false} : vector<1024x1024xf32>, vector<1024x512xf32>, vector<1024x512xf32> -> vector<1024x512xf32>
    %get3A_13 = arith.constant 0 : index
    %get3A_14 = arith.constant 0 : index
    %get3A_15 = vector.load %arg5[%get3A_13, %get3A_14] : memref<1x512xf32, #tpu.memory_space<vmem>>, vector<1x512xf32>
    %add3A = vector.broadcast %get3A_15 : vector<1x512xf32> to vector<1024x512xf32>
    %add3A_16 = arith.addf %dot_general3A_12, %add3A : vector<1024x512xf32>
    %neg3A = arith.constant 0.000000e+00 : f32
    %neg3A_17 = vector.broadcast %neg3A : f32 to vector<1024x512xf32>
    %neg3A_18 = arith.subf %neg3A_17, %add3A_16 : vector<1024x512xf32>
    %exp3A = math.exp %neg3A_18 : vector<1024x512xf32>
    %add3A_19 = arith.constant 1.000000e+00 : f32
    %add3A_20 = vector.broadcast %add3A_19 : f32 to vector<1024x512xf32>
    %add3A_21 = arith.addf %add3A_20, %exp3A : vector<1024x512xf32>
    %div3A_22 = arith.divf %add3A_16, %add3A_21 : vector<1024x512xf32>
    %get3A_23 = arith.constant 0 : index
    %get3A_24 = arith.constant 0 : index
    %get3A_25 = vector.load %arg6[%get3A_23, %get3A_24] : memref<512x128xf32, #tpu.memory_space<vmem>>, vector<512x128xf32>
    %dot_general3A_26 = arith.constant dense<0.000000e+00> : vector<1024x128xf32>
    %dot_general3A_27 = tpu.matmul %div3A_22, %get3A_25, %dot_general3A_26 {dimension_numbers = #tpu.dot_dimension_numbers<[1], [0], [0], [1], [0, 0, 1, 1], [], []>, transpose_lhs_hint = false} : vector<1024x512xf32>, vector<512x128xf32>, vector<1024x128xf32> -> vector<1024x128xf32>
    %get3A_28 = arith.constant 0 : index
    %get3A_29 = arith.constant 0 : index
    %get3A_30 = vector.load %arg7[%get3A_28, %get3A_29] : memref<1x128xf32, #tpu.memory_space<vmem>>, vector<1x128xf32>
    %add3A_31 = vector.broadcast %get3A_30 : vector<1x128xf32> to vector<1024x128xf32>
    %add3A_32 = arith.addf %dot_general3A_27, %add3A_31 : vector<1024x128xf32>
    %get3A_33 = arith.constant 0 : index
    %get3A_34 = arith.constant 0 : index
    %get3A_35 = vector.load %arg2[%get3A_33, %get3A_34] : memref<1024x128xf32, #tpu.memory_space<vmem>>, vector<1024x128xf32>
    %add3A_36 = arith.addf %add3A_32, %get3A_35 : vector<1024x128xf32>
    %mul3A = arith.mulf %add3A_36, %add3A_36 : vector<1024x128xf32>
    %reduce_sum3A_37 = arith.constant dense<0.000000e+00> : vector<1024xf32>
    %reduce_sum3A_38 = vector.multi_reduction <add>, %mul3A, %reduce_sum3A_37 [1] : vector<1024x128xf32> to vector<1024xf32>
    %broadcast_in_dim3A_39 = vector.shape_cast %reduce_sum3A_38 : vector<1024xf32> to vector<1024x1xf32>
    %sqrt3A = math.sqrt %broadcast_in_dim3A_39 : vector<1024x1xf32>
    %max3A_40 = arith.constant 9.99999993E-9 : f32
    %max3A_41 = vector.broadcast %max3A_40 : f32 to vector<1024x1xf32>
    %max3A_42 = arith.maximumf %sqrt3A, %max3A_41 : vector<1024x1xf32>
    %div3A_43 = vector.broadcast %max3A_42 : vector<1024x1xf32> to vector<1024x128xf32>
    %div3A_44 = arith.divf %add3A_36, %div3A_43 : vector<1024x128xf32>
    %swap3A = arith.constant 0 : index
    %swap3A_45 = arith.constant 0 : index
    %swap3A_46 = vector.load %arg11[%swap3A, %swap3A_45] : memref<1024x128xf32, #tpu.memory_space<vmem>>, vector<1024x128xf32>
    tpu.vector_store %arg11[%swap3A, %swap3A_45], %div3A_44 {strides = array<i32>} : memref<1024x128xf32, #tpu.memory_space<vmem>>, vector<1024x128xf32>,
    %get3A_47 = arith.constant 0 : index
    %get3A_48 = arith.constant 0 : index
    %get3A_49 = vector.load %arg8[%get3A_47, %get3A_48] : memref<128x512xf32, #tpu.memory_space<vmem>>, vector<128x512xf32>
    %dot_general3A_50 = arith.constant dense<0.000000e+00> : vector<1024x512xf32>
    %dot_general3A_51 = tpu.matmul %div3A_44, %get3A_49, %dot_general3A_50 {dimension_numbers = #tpu.dot_dimension_numbers<[1], [0], [0], [1], [0, 0, 1, 1], [], []>, transpose_lhs_hint = false} : vector<1024x128xf32>, vector<128x512xf32>, vector<1024x512xf32> -> vector<1024x512xf32>
    %get3A_52 = arith.constant 0 : index
    %get3A_53 = arith.constant 0 : index
    %get3A_54 = vector.load %arg3[%get3A_52, %get3A_53] : memref<1024x512xf32, #tpu.memory_space<vmem>>, vector<1024x512xf32>
    %add3A_55 = arith.addf %dot_general3A_51, %get3A_54 : vector<1024x512xf32>
    %neg3A_56 = arith.constant 0.000000e+00 : f32
    %neg3A_57 = vector.broadcast %neg3A_56 : f32 to vector<1024x512xf32>
    %neg3A_58 = arith.subf %neg3A_57, %add3A_55 : vector<1024x512xf32>
    %exp3A_59 = math.exp %neg3A_58 : vector<1024x512xf32>
    %add3A_60 = arith.constant 1.000000e+00 : f32
    %add3A_61 = vector.broadcast %add3A_60 : f32 to vector<1024x512xf32>
    %add3A_62 = arith.addf %add3A_61, %exp3A_59 : vector<1024x512xf32>
    %div3A_63 = arith.divf %add3A_55, %add3A_62 : vector<1024x512xf32>
    %get3A_64 = arith.constant 0 : index
    %get3A_65 = arith.constant 0 : index
    %get3A_66 = vector.load %arg9[%get3A_64, %get3A_65] : memref<512x128xf32, #tpu.memory_space<vmem>>, vector<512x128xf32>
    %dot_general3A_67 = arith.constant dense<0.000000e+00> : vector<1024x128xf32>
    %dot_general3A_68 = tpu.matmul %div3A_63, %get3A_66, %dot_general3A_67 {dimension_numbers = #tpu.dot_dimension_numbers<[1], [0], [0], [1], [0, 0, 1, 1], [], []>, transpose_lhs_hint = false} : vector<1024x512xf32>, vector<512x128xf32>, vector<1024x128xf32> -> vector<1024x128xf32>
    %get3A_69 = arith.constant 0 : index
    %get3A_70 = arith.constant 0 : index
    %get3A_71 = vector.load %arg10[%get3A_69, %get3A_70] : memref<1x128xf32, #tpu.memory_space<vmem>>, vector<1x128xf32>
    %add3A_72 = vector.broadcast %get3A_71 : vector<1x128xf32> to vector<1024x128xf32>
    %add3A_73 = arith.addf %dot_general3A_68, %add3A_72 : vector<1024x128xf32>
    %swap3A_74 = arith.constant 0 : index
    %swap3A_75 = arith.constant 0 : index
    %swap3A_76 = vector.load %arg12[%swap3A_74, %swap3A_75] : memref<1024x128xf32, #tpu.memory_space<vmem>>, vector<1024x128xf32>
    tpu.vector_store %arg12[%swap3A_74, %swap3A_75], %add3A_73 {strides = array<i32>} : memref<1024x128xf32, #tpu.memory_space<vmem>>, vector<1024x128xf32>,
    return
  }
}

</mosaic_0001>

<sc_bundles>
// kernel: kernel.5.cloned.1.call-start
scs
__scs_entry_jumppad:
0x0: {  	(pc) =	sbr.rel $0x88, $3  }
0x1: {  	(tag) =	ssettag $0x0;
	lr =	simm.s32 $0x1  }
0x2: {  	[smem:$0x3F93] =	sst lr;
	_ =	strace $0xD0000000  }
0x3: {  	_ = 	snop  }
0x4: {  	_ = 	snop  }
0x5: {  	_ = 	snop  }
0x6: {  	_ = 	snop  }
0x7: {  	_ = 	snop  }
__scs_overlays_trampoline_lowered:
0x8: {  	[smem:$0x3FA2] =	sst s0  }
0x9: {  	[smem:$0x3FA3] =	sst s1  }
0xa: {  	[smem:$0x3FA4] =	sst s2  }
0xb: {  	[smem:$0x3FA5] =	sst s3  }
0xc: {  	[smem:$0x3FA6] =	sst s4  }
0xd: {  	[smem:$0x3FA7] =	sst s5  }
0xe: {  	[smem:$0x3FA8] =	sst s6  }
0xf: {  	[smem:$0x3FA9] =	sst s7  }
0x10: {  	[smem:$0x3FAA] =	sst s8  }
0x11: {  	[smem:$0x3FAB] =	sst s9;
	s0 =	simm.s32 @!p0 $0x0  }
0x12: {  	s1 =	sld [smem:$0x3F91];
	s0 =	simm.s32 @p0 $0x1  }
0x13: {  	[smem:$0x3FAC] =	sst s0;
	s0 =	simm.s32 @!p1 $0x0  }
0x14: {  	s2 =	sld [smem:$0x3F90];
	s0 =	simm.s32 @p1 $0x1  }
0x15: {  	[smem:$0x3FAD] =	sst s0;
	s0 =	simm.s32 @!p2 $0x0  }
0x16: {  	s3 =	sld [smem:$0x3FDB];
	s0 =	simm.s32 @p2 $0x1  }
0x17: {  	s4 =	simm.s32 $0x1BF5;
	[smem:$0x3FAF] =	sst s0  }
0x18: {  	s0 =	sld [smem:$0x3F92];
	_ =	swait.ge [sflag:s4], $0x0  }
0x19: {  	s7 =	sld [smem:$0x3F93]  }
0x1a: {  	s8 =	sadd.s32 $0xFFFFE003, lr  }
0x1b: {  	s9 =	sadd.s32 $0xFFFFFEF7, lr;
	s5 =	simm.s32 $0xFFFFFFFF;
	p2 =	slt.u32 s8, $0xFFFFF086  }
0x1c: {  	p1 =	slt.u32 s9, $0xF7A;
	s5 =	simm.s32 @!p2 $0x0  }
0x1d: {  	s5 =	simm.s32 @p1 $0x1;
	p0 =	seq.s32 s7, s2  }
0x1e: {  	s7 =	smul.u32 @!p0 $0xF7A, s2;
	p2 =	seq.s32 @!p0 s5, $0x0  }
0x1f: {  	s9 =	smul.u32 $0xF7A, s1;
	s8 =	simm.s32 @!p0 $0x1BF5;
	p2 =	por !p2, p0  }
0x20: {  	[sflag:s8] =	ssyncset.s32 @!p0 $0xFFFFF086;
	s6 =	sadd.s32 @!p0 s3, s7;
	s7 =	simm.s32 @!p0 $0x108  }
0x21: {  	s3 =	sadd.s32 s3, s9;
	s6 =	sadd.s32 @!p0 $0x88, s6;
	s7 =	simm.s32 @p2 $0x1082  }
0x22: {  	[simem:s7], [sflag:s8] =	dma.local @!p0 [hbm:s6], $0xF7A  }
0x23: {  	s9 =	sor.u32 $0xD0000000, s2;
	s6 =	simm.s32 $0x108;
	_ =	swait.ge @!p0 [sflag:s8], $0x0  }
0x24: {  	s3 =	sadd.s32 $0x88, s3;
	s6 =	simm.s32 @!p1 $0x1082;
	[sflag:s4] =	ssyncset.s32 $0xFFFFF086  }
0x25: {  	[simem:s6], [sflag:s4] =	dma.local [hbm:s3], $0xF7A  }
0x26: {  	[smem:$0x3F93] =	sst s1;
	(tag) =	ssettag s2;
	_ =	strace s9  }
0x27: {  	s1 =	sld [smem:$0x3FA3]  }
0x28: {  	s2 =	sld [smem:$0x3FA4]  }
0x29: {  	s4 =	sld [smem:$0x3FA6]  }
0x2a: {  	p0 =	seq.s32 s5, $0x0;
	s5 =	sld [smem:$0x3FA7]  }
0x2b: {  	s6 =	sld [smem:$0x3FA8]  }
0x2c: {  	s7 =	sld [smem:$0x3FA9]  }
0x2d: {  	s3 =	simm.s32 $0x108;
	s8 =	sld [smem:$0x3FAA]  }
0x2e: {  	s3 =	simm.s32 @!p0 $0x1082;
	s9 =	sld [smem:$0x3FAB]  }
0x2f: {  	lr =	sadd.s32 s0, s3;
	s0 =	sld [smem:$0x3FA2]  }
0x30: {  	s3 =	sld [smem:$0x3FA5]  }
0x31: {  	[smem:$0x3FAE] =	sst s10  }
0x32: {  	s10 =	sld [smem:$0x3FAC];
	_ =	sdelay $0x3  }
0x33: {  	p0 =	seq.s32 s10, $0x1;
	s10 =	sld [smem:$0x3FAE];
	_ =	sdelay $0x3  }
0x34: {  	[smem:$0x3FAE] =	sst s10  }
0x35: {  	s10 =	sld [smem:$0x3FAD];
	_ =	sdelay $0x3  }
0x36: {  	p1 =	seq.s32 s10, $0x1;
	s10 =	sld [smem:$0x3FAE];
	_ =	sdelay $0x3  }
0x37: {  	[smem:$0x3FAE] =	sst s10  }
0x38: {  	s10 =	sld [smem:$0x3FAF]  }
0x39: {  	_ = 	snop;
	(pc) =	sbr.ind lr, $3  }
0x3a: {  	_ = 	snop  }
0x3b: {  	_ = 	snop  }
0x3c: {  	p2 =	seq.s32 s10, $0x1;
	s10 =	sld [smem:$0x3FAE]  }
0x3d: {  	_ =	shalt  }
0x3e: {  	_ =	shalt  }
0x3f: {  	_ =	shalt  }
0x40: {  	_ =	shalt  }
0x41: {  	_ =	shalt  }
0x42: {  	_ =	shalt  }
0x43: {  	_ =	shalt  }
0x44: {  	_ =	shalt  }
0x45: {  	_ =	shalt  }
0x46: {  	_ =	shalt  }
0x47: {  	_ =	shalt  }
0x48: {  	_ =	shalt  }
0x49: {  	_ =	shalt  }
0x4a: {  	_ =	shalt  }
0x4b: {  	_ =	shalt  }
0x4c: {  	_ =	shalt  }
0x4d: {  	_ =	shalt  }
0x4e: {  	_ =	shalt  }
0x4f: {  	_ =	shalt  }
0x50: {  	_ =	shalt  }
0x51: {  	_ =	shalt  }
0x52: {  	_ =	shalt  }
0x53: {  	_ =	shalt  }
0x54: {  	_ =	shalt  }
0x55: {  	_ =	shalt  }
0x56: {  	_ =	shalt  }
0x57: {  	_ =	shalt  }
0x58: {  	_ =	shalt  }
0x59: {  	_ =	shalt  }
0x5a: {  	_ =	shalt  }
0x5b: {  	_ =	shalt  }
0x5c: {  	_ =	shalt  }
0x5d: {  	_ =	shalt  }
0x5e: {  	_ =	shalt  }
0x5f: {  	_ =	shalt  }
0x60: {  	_ =	shalt  }
0x61: {  	_ =	shalt  }
0x62: {  	_ =	shalt  }
0x63: {  	_ =	shalt  }
0x64: {  	_ =	shalt  }
0x65: {  	_ =	shalt  }
0x66: {  	_ =	shalt  }
0x67: {  	_ =	shalt  }
0x68: {  	_ =	shalt  }
0x69: {  	_ =	shalt  }
0x6a: {  	_ =	shalt  }
0x6b: {  	_ =	shalt  }
0x6c: {  	_ =	shalt  }
0x6d: {  	_ =	shalt  }
0x6e: {  	_ =	shalt  }
0x6f: {  	_ =	shalt  }
0x70: {  	_ =	shalt  }
0x71: {  	_ =	shalt  }
0x72: {  	_ =	shalt  }
0x73: {  	_ =	shalt  }
0x74: {  	_ =	shalt  }
0x75: {  	_ =	shalt  }
0x76: {  	_ =	shalt  }
0x77: {  	_ =	shalt  }
0x78: {  	_ =	shalt  }
0x79: {  	_ =	shalt  }
0x7a: {  	_ =	shalt  }
0x7b: {  	_ =	shalt  }
0x7c: {  	_ =	shalt  }
0x7d: {  	_ =	shalt  }
0x7e: {  	_ =	shalt  }
0x7f: {  	_ =	shalt  }
0x80: {  	_ =	shalt  }
0x81: {  	_ =	shalt  }
0x82: {  	_ =	shalt  }
0x83: {  	_ =	shalt  }
0x84: {  	_ =	shalt  }
0x85: {  	_ =	shalt  }
0x86: {  	_ =	shalt  }
0x87: {  	_ =	shalt  }
.Lfunc_end0:
.L_simem_size_0:
called_computation_lowered:
.L_overlay_start_0:
0x88: {  	s2 =	sld [smem:$0x3FD9]  }
0x89: {  	s3 =	sld [smem:$0x3FFE];
	_ =	sdelay $0x1  }
0x8a: {  	s1 =	srdreg.scid  }
0x8b: {  	s0 =	sand.u32 $0x1, s1  }
0x8c: {  	s14 =	sshll.u32 s0, $0xA;
	s2 =	sadd.s32 s3, s2  }
0x8d: {  	s2 =	sadd.s32 s2, s14  }
0x8e: {  	[smem:$0x3FBA] =	sst s2  }
0x8f: {  	_ = 	snop  }
0x90: {  	s2 =	sld [smem:$0x3FD0];
	_ =	sdelay $0x2  }
0x91: {  	s4 =	simm.s32 $0xA;
	s5 =	simm.s32 $0x10;
	s15 =	sld [smem:$0x3FC7]  }
0x92: {  	[smem:s5], [sflag:s4] =	dma.local [hbm:s2], $0x1  }
0x93: {  	_ =	swait.eq [sflag:s4], $0x1  }
0x94: {  	s16 =	sld [smem:$0x10];
	[sflag:s4] =	ssyncset.done $0x0  }
0x95: {  	s17 =	sld [smem:$0x11];
	[sflag:s4] =	ssyncadd.s32 $0xFFFFFFFF  }
0x96: {  	s18 =	sld [smem:$0x12];
	(tm) =	ssettm $0x1  }
0x97: {  	s6 =	sld [smem:$0x3FFB];
	_ =	sdelay $0x3  }
0x98: {  	_ =	strace s6  }
0x99: {  	s6 =	sld [smem:$0x3FFC];
	_ =	sdelay $0x3  }
0x9a: {  	_ =	strace s6  }
0x9b: {  	s6 =	sld [smem:$0x3FFD];
	_ =	sdelay $0x3  }
0x9c: {  	_ =	strace s6  }
0x9d: {  	_ =	strace $0x8FFFFFFF  }
0x9e: {  	s19 =	sld [smem:$0x3FDB];
	_ =	sdelay $0x1  }
0x9f: {  	s7 =	simm.s32 $_scs_section_size  }
0xa0: {  	s8 =	simm.s32 $_size__tile_overlayer_lowered;
	s9 =	simm.s32 $_tile_overlayer_lowered  }
0xa1: {  	s22 =	simm.s32 $0x1BFF;
	s21 =	sshll.u32 s9, $0x1;
	s6 =	sadd.s32 s7, s19  }
0xa2: {  	s10 =	simm.s32 $0x0;
	s20 =	sshll.u32 s8, $0x1;
	s8 =	sadd.s32 s21, s6  }
0xa3: {  	[timem:s10], [sflag:s22] =	dma.local [hbm:s8], s20  }
0xa4: {  	_ =	swait.ge [sflag:s22], s20  }
0xa5: {  	s7 =	ssub.s32 $0x0, s20;
	[sflag:s22] =	ssyncset.done $0x0  }
0xa6: {  	[sflag:s22] =	ssyncadd.s32 s7;
	_ =	sdelay $0x1  }
0xa7: {  	s23 =	simm.s32 $0x1B8B  }
0xa8: {  	_ =	swait.ge [sflag:s23], $0x1  }
0xa9: {  	[sflag:s23] =	ssyncset.done $0x0  }
0xaa: {  	s25 =	simm.s32 $0x1B8E;
	s24 =	sld [smem:$0x3FFE];
	[sflag:s23] =	ssyncadd.s32 $0xFFFFFFFF  }
0xab: {  	s26 =	simm.s32 $execute0_lowered;
	[smem:$0x3FD2] =	sst s25  }
0xac: {  	s8 =	sshll.u32 s26, $0x1;
	_ =	strace $0x80000046;
	[dreg:$0x1] =	wrdreg $0xFFFFFFFF  }
0xad: {  	s28 =	simm.s32 $_size_execute0_lowered;
	s6 =	sadd.s32 s6, s8;
	[dreg:$0x0] =	wrdreg $0x0  }
0xae: {  	s8 =	sshll.u32 s28, $0x1;
	[dreg:$0x2] =	wrdreg s6  }
0xaf: {  	[dreg:$0x3] =	wrdreg s8  }
0xb0: {  	[dreg:$0x4] =	wrdreg $0xC0  }
0xb1: {  	_ =	task [dreg:s10], $0x5FFFF  }
0xb2: {  	[dreg:$0x1] =	wrdreg $0xFFFFFFFF  }
0xb3: {  	[dreg:$0x0] =	wrdreg $0x60  }
0xb4: {  	[dreg:$0x2] =	wrdreg s18  }
0xb5: {  	[dreg:$0x3] =	wrdreg s16  }
0xb6: {  	[dreg:$0x4] =	wrdreg s15  }
0xb7: {  	[dreg:$0x5] =	wrdreg s24  }
0xb8: {  	[dreg:$0x6] =	wrdreg s17  }
0xb9: {  	[dreg:$0x7] =	wrdreg $0x9  }
0xba: {  	_ =	task.clear_ibuf [dreg:s10], $0x8FFFF;
	_ =	strace $0x90000046  }
0xbb: {  	s29 =	simm.s32 $0x9;
	_ =	strace $0x80000048  }
0xbc: {  	_ =	swait.ge [sflag:s29], $0x1  }
0xbd: {  	[sflag:s29] =	ssyncadd.s32 $0xFFFFFFFF  }
0xbe: {  	_ =	strace $0x90000048  }
0xbf: {  	_ =	sfence  }
0xc0: {  	s30 =	sld [smem:$0x0];
	_ =	sdelay $0x2  }
0xc1: {  	s31 =	sshll.u32 s1, $0xD;
	s1 =	sshrl.u32 s1, $0x2  }
0xc2: {  	s3 =	sand.u32 $0x4000, s31;
	s1 =	sadd.s32 s1, s30  }
0xc3: {  	s0 =	sor.u32 s3, s0;
	s1 =	sshll.u32 s1, $0x11  }
0xc4: {  	s0 =	sor.u32 s1, s0  }
0xc5: {  	s0 =	sadd.s32 $0x8F2B, s0  }
0xc6: {  	[sflag:s0] =	ssyncadd.remote.s32 $0x1  }
0xc7: {  	_ =	sfence.sel $0xFFFF  }
0xc8: {  	[dreg:$0x0] =	wrdreg $0xFFFFFFFF;
	(pc) =	sbr.abs _section_cstart, $3  }
0xc9: {  	[dreg:$0x1] =	wrdreg $0xFFFFFFFF  }
0xca: {  	_ =	task.clear_ibuf [dreg:s10], $0x2FFFF;
	_ =	strace $0x9FFFFFFF  }
0xcb: {  	(tm) =	ssettm $0x7FFFFFFF  }
tec
execute0_lowered:
.L_overlay_start_1:
0x0: {  	(tag) =	ssettag $0x1  }
0x1: {  	s0 =	rddreg [dreg:$0x0]  }
0x2: {  	s6 =	rddreg [dreg:$0x1]  }
0x3: {  	s16 =	rddreg [dreg:$0x2]  }
0x4: {  	s1 =	rddreg [dreg:$0x3]  }
0x5: {  	s2 =	rddreg [dreg:$0x4];
	s3 =	srdreg.scid;
	s9 =	simm.s32 $0x0  }
0x6: {  	s4 =	stileid.u32;
	[smem:$0x7FF] =	sst s9;
	s20 =	sadd.s32 $0x100, s16  }
0x7: {  	s21 =	sadd.s32 $0x640, s6;
	_ =	strace $0x80000047;
	[dreg:$0x7] =	wrdreg s20  }
0x8: {  	s3 =	sand.u32 $0x1, s3;
	s22 =	sadd.s32 $0xC80, s6;
	[dreg:$0x8] =	wrdreg s21  }
0x9: {  	s4 =	sshll.u32 s4, $0x6;
	s23 =	sadd.s32 $0x12C0, s6;
	[dreg:$0x9] =	wrdreg s22  }
0xa: {  	s7 =	sadd.s32 $0x200, s16;
	s24 =	sadd.s32 $0x1900, s6;
	[dreg:$0xa] =	wrdreg s23  }
0xb: {  	s8 =	sadd.s32 $0x300, s16;
	s25 =	sadd.s32 $0x1F40, s6;
	[dreg:$0xb] =	wrdreg s24  }
0xc: {  	s26 =	sadd.s32 $0x2580, s6;
	s28 =	sadd.s32 $0x2BC0, s6;
	[dreg:$0xc] =	wrdreg s25  }
0xd: {  	s5 =	sshll.u32 s3, $0x5;
	s3 =	ssub.s32 $0x2, s3;
	[dreg:$0xd] =	wrdreg s26  }
0xe: {  	[dreg:$0xe] =	wrdreg s28;
	s20 =	simm.s32 $0x4A80;
	s4 =	sor.u32 s5, s4  }
0xf: {  	s19 =	sshrl.u32 s3, $0x1;
	s5 =	sshll.u32 s4, $0x7;
	s4 =	sshll.u32 s4, $0x4  }
0x10: {  	s3 =	ssub.s32 s3, s19;
	s19 =	simm.s32 $0x1880;
	s0 =	sadd.s32 s0, s4  }
0x11: {  	v3 =	vlaneseq.u32;
	s1 =	sadd.s32 s5, s1;
	s30 =	sadd.s32 s2, s4;
	[dreg:$0x6] =	wrdreg s0  }
0x12: {  	vm0 =	vmmov $0xffff;
	vm1 =	vmmov $0x3;
	v1 =	vshrl.u32 v3, $0x3;
	s31 =	smax.u32 s3, $0x1;
	s3 =	simm.s32 $0x4;
	[dreg:$0x10] =	wrdreg s30  }
0x13: {  	v0 =	vand.u32 $0x7, v3;
	v2 =	vor.u32 $0x8, v3;
	v4 =	vshrl.u32 v3, $0x1;
	s4 =	simm.s32 $0x5;
	s29 =	sadd.s32 $0x2600, s1;
	[dreg:$0x11] =	wrdreg s31  }
0x14: {  	v3 =	vand.u32 $0x1, v3;
	v1 =	vmul.u32 $0x8, v1;
	v4 =	vmul.u32 $0x8, v4;
	s2 =	simm.s32 $0x0;
	s1 =	simm.s32 $0x6;
	[dreg:$0xf] =	wrdreg s29  }
.LBB2_1:
0x15: {  	[dreg:$0x12] =	wrdreg s2  }
0x16: {  	s0 =	rddreg [dreg:$0x6]  }
0x17: {  	[tilespmem:s9], [sflag:$0x6] =	stream.linear.gather [hbm4b:s0+s9], $0x1000, $0x38;
	[tilespmem:$0x1D480] =	vst v63  }
0x18: {  	_ =	swait.ge [sflag:s1], $0x1000  }
0x19: {  	[sflag:s1] =	ssyncset.done $0x0  }
0x1a: {  	[sflag:s1] =	ssyncadd.s32 $0xFFFFF000  }
0x1b: {  	v5 =	vld [tilespmem:$0x0];
	_ =	sdelay $0x4  }
0x1c: {  	v6 =	vshll.u32 v5, $0x3  }
0x1d: {  	v5 =	vand.u32 $0x7, v5;
	v6 =	vand.u32 $0xFFFFFFC0, v6  }
0x1e: {  	v5 =	vor.u32 v5, v6  }
0x1f: {  	v6 =	vperm.xlane v5, v0;
	_ =	sdelay $0x1  }
0x20: {  	v6 =	vadd.s32 v1, v6;
	_ =	sdelay $0x3  }
0x21: {  	s25 =	simm.s32 $0x7C80  }
0x22: {  	[tilespmem:s25], [sflag:$0x1] =	stream.indirect_vreg.gather [hbm4b:s16+s9], $0x80, v6, vm0, $0xb8;
	[tilespmem:$0x1D480] =	vst v63  }
0x23: {  	s26 =	simm.s32 $0x8480;
	s0 =	rddreg [dreg:$0x7];
	v5 =	vperm.xlane v5, v2  }
0x24: {  	[tilespmem:s26], [sflag:$0x1] =	stream.indirect_vreg.gather [hbm4b:s0+s9], $0x80, v6, vm0, $0xb8;
	[tilespmem:$0x1D480] =	vst v63  }
0x25: {  	s28 =	simm.s32 $0x8C80;
	v5 =	vadd.s32 v1, v5  }
0x26: {  	[tilespmem:s28], [sflag:$0x1] =	stream.indirect_vreg.gather [hbm4b:s7+s9], $0x80, v6, vm0, $0xb8;
	[tilespmem:$0x1D480] =	vst v63  }
0x27: {  	s29 =	simm.s32 $0x9480  }
0x28: {  	[tilespmem:s29], [sflag:$0x1] =	stream.indirect_vreg.gather [hbm4b:s8+s9], $0x80, v6, vm0, $0xb8;
	[tilespmem:$0x1D480] =	vst v63  }
0x29: {  	s30 =	simm.s32 $0x9C80  }
0x2a: {  	[tilespmem:s30], [sflag:$0x1] =	stream.indirect_vreg.gather [hbm4b:s16+s9], $0x80, v5, vm0, $0xb8;
	[tilespmem:$0x1D480] =	vst v63  }
0x2b: {  	s31 =	simm.s32 $0xA480  }
0x2c: {  	[tilespmem:s31], [sflag:$0x1] =	stream.indirect_vreg.gather [hbm4b:s0+s9], $0x80, v5, vm0, $0xb8;
	[tilespmem:$0x1D480] =	vst v63  }
0x2d: {  	s2 =	simm.s32 $0xAC80  }
0x2e: {  	[tilespmem:s2], [sflag:$0x1] =	stream.indirect_vreg.gather [hbm4b:s7+s9], $0x80, v5, vm0, $0xb8;
	[tilespmem:$0x1D480] =	vst v63  }
0x2f: {  	s5 =	simm.s32 $0xB480  }
0x30: {  	[tilespmem:s5], [sflag:$0x1] =	stream.indirect_vreg.gather [hbm4b:s8+s9], $0x80, v5, vm0, $0xb8;
	[tilespmem:$0x1D480] =	vst v63  }
0x31: {  	v5 =	vld [tilespmem:$0x10];
	_ =	sdelay $0x4  }
0x32: {  	v6 =	vshll.u32 v5, $0x3  }
0x33: {  	v5 =	vand.u32 $0x7, v5;
	v6 =	vand.u32 $0xFFFFFFC0, v6  }
0x34: {  	v5 =	vor.u32 v5, v6  }
0x35: {  	v6 =	vperm.xlane v5, v0;
	_ =	sdelay $0x1  }
0x36: {  	v6 =	vadd.s32 v1, v6;
	_ =	sdelay $0x3  }
0x37: {  	s6 =	simm.s32 $0xBC80  }
0x38: {  	[tilespmem:s6], [sflag:$0x1] =	stream.indirect_vreg.gather [hbm4b:s16+s9], $0x80, v6, vm0, $0xb8;
	[tilespmem:$0x1D480] =	vst v63  }
0x39: {  	s10 =	simm.s32 $0xC480;
	v5 =	vperm.xlane v5, v2  }
0x3a: {  	[tilespmem:s10], [sflag:$0x1] =	stream.indirect_vreg.gather [hbm4b:s0+s9], $0x80, v6, vm0, $0xb8;
	[tilespmem:$0x1D480] =	vst v63  }
0x3b: {  	s11 =	simm.s32 $0xCC80;
	v5 =	vadd.s32 v1, v5  }
0x3c: {  	[tilespmem:s11], [sflag:$0x1] =	stream.indirect_vreg.gather [hbm4b:s7+s9], $0x80, v6, vm0, $0xb8;
	[tilespmem:$0x1D480] =	vst v63  }
0x3d: {  	s12 =	simm.s32 $0xD480  }
0x3e: {  	[tilespmem:s12], [sflag:$0x1] =	stream.indirect_vreg.gather [hbm4b:s8+s9], $0x80, v6, vm0, $0xb8;
	[tilespmem:$0x1D480] =	vst v63  }
0x3f: {  	s13 =	simm.s32 $0xDC80  }
0x40: {  	[tilespmem:s13], [sflag:$0x1] =	stream.indirect_vreg.gather [hbm4b:s16+s9], $0x80, v5, vm0, $0xb8;
	[tilespmem:$0x1D480] =	vst v63  }
0x41: {  	s14 =	simm.s32 $0xE480  }
0x42: {  	[tilespmem:s14], [sflag:$0x1] =	stream.indirect_vreg.gather [hbm4b:s0+s9], $0x80, v5, vm0, $0xb8;
	[tilespmem:$0x1D480] =	vst v63  }
0x43: {  	s15 =	simm.s32 $0xEC80  }
0x44: {  	[tilespmem:s15], [sflag:$0x1] =	stream.indirect_vreg.gather [hbm4b:s7+s9], $0x80, v5, vm0, $0xb8;
	[tilespmem:$0x1D480] =	vst v63  }
0x45: {  	s17 =	simm.s32 $0xF480  }
0x46: {  	[tilespmem:s17], [sflag:$0x1] =	stream.indirect_vreg.gather [hbm4b:s8+s9], $0x80, v5, vm0, $0xb8;
	[tilespmem:$0x1D480] =	vst v63  }
0x47: {  	v5 =	vld [tilespmem:$0x20];
	_ =	sdelay $0x4  }
0x48: {  	v6 =	vshll.u32 v5, $0x3  }
0x49: {  	v5 =	vand.u32 $0x7, v5;
	v6 =	vand.u32 $0xFFFFFFC0, v6  }
0x4a: {  	v5 =	vor.u32 v5, v6  }
0x4b: {  	v6 =	vperm.xlane v5, v0;
	_ =	sdelay $0x1  }
0x4c: {  	v6 =	vadd.s32 v1, v6;
	_ =	sdelay $0x3  }
0x4d: {  	s18 =	simm.s32 $0xFC80  }
0x4e: {  	[tilespmem:s18], [sflag:$0x2] =	stream.indirect_vreg.gather [hbm4b:s16+s9], $0x80, v6, vm0, $0xb8;
	[tilespmem:$0x1D480] =	vst v63  }
0x4f: {  	s21 =	simm.s32 $0x10480;
	v5 =	vperm.xlane v5, v2  }
0x50: {  	[tilespmem:s21], [sflag:$0x2] =	stream.indirect_vreg.gather [hbm4b:s0+s9], $0x80, v6, vm0, $0xb8;
	[tilespmem:$0x1D480] =	vst v63  }
0x51: {  	s22 =	simm.s32 $0x10C80;
	v5 =	vadd.s32 v1, v5  }
0x52: {  	[tilespmem:s22], [sflag:$0x2] =	stream.indirect_vreg.gather [hbm4b:s7+s9], $0x80, v6, vm0, $0xb8;
	[tilespmem:$0x1D480] =	vst v63  }
0x53: {  	s23 =	simm.s32 $0x11480  }
0x54: {  	[tilespmem:s23], [sflag:$0x2] =	stream.indirect_vreg.gather [hbm4b:s8+s9], $0x80, v6, vm0, $0xb8;
	[tilespmem:$0x1D480] =	vst v63  }
0x55: {  	s24 =	simm.s32 $0x11C80  }
0x56: {  	[tilespmem:s24], [sflag:$0x2] =	stream.indirect_vreg.gather [hbm4b:s16+s9], $0x80, v5, vm0, $0xb8;
	[tilespmem:$0x1D480] =	vst v63  }
0x57: {  	s25 =	simm.s32 $0x12480  }
0x58: {  	[tilespmem:s25], [sflag:$0x2] =	stream.indirect_vreg.gather [hbm4b:s0+s9], $0x80, v5, vm0, $0xb8;
	[tilespmem:$0x1D480] =	vst v63  }
0x59: {  	s26 =	simm.s32 $0x12C80  }
0x5a: {  	[tilespmem:s26], [sflag:$0x2] =	stream.indirect_vreg.gather [hbm4b:s7+s9], $0x80, v5, vm0, $0xb8;
	[tilespmem:$0x1D480] =	vst v63  }
0x5b: {  	s28 =	simm.s32 $0x13480  }
0x5c: {  	[tilespmem:s28], [sflag:$0x2] =	stream.indirect_vreg.gather [hbm4b:s8+s9], $0x80, v5, vm0, $0xb8;
	[tilespmem:$0x1D480] =	vst v63  }
0x5d: {  	v5 =	vld.msk [tilespmem:$0x30], $0x3;
	_ =	sdelay $0x4  }
0x5e: {  	v6 =	vshll.u32 v5, $0x3  }
0x5f: {  	v5 =	vand.u32 $0x7, v5;
	v6 =	vand.u32 $0xFFFFFFC0, v6  }
0x60: {  	v5 =	vor.u32 v5, v6  }
0x61: {  	v5 =	vperm.xlane v5, v3;
	_ =	sdelay $0x1  }
0x62: {  	v5 =	vadd.s32 v4, v5;
	_ =	sdelay $0x3  }
0x63: {  	s29 =	simm.s32 $0x13C80  }
0x64: {  	[tilespmem:s29], [sflag:$0x3] =	stream.indirect_vreg.gather [hbm4b:s16+s9], $0x80, v5, vm0, $0xb8;
	[tilespmem:$0x1D480] =	vst v63  }
0x65: {  	s30 =	rddreg [dreg:$0x1]  }
0x66: {  	[tilespmem:s19], [sflag:$0x4] =	stream.linear.gather [hbm4b:s30+s9], $0x3200, $0x38;
	[tilespmem:$0x1D480] =	vst v63  }
0x67: {  	s31 =	rddreg [dreg:$0x8]  }
0x68: {  	[tilespmem:s20], [sflag:$0x5] =	stream.linear.gather [hbm4b:s31+s9], $0x3200, $0x38;
	[tilespmem:$0x1D480] =	vst v63  }
0x69: {  	_ =	swait.ge [sflag:s3], $0x3200  }
0x6a: {  	[sflag:s3] =	ssyncset.done $0x0  }
0x6b: {  	s1 =	simm.s32 $0x0;
	s0 =	simm.s32 $0x1020;
	[sflag:s3] =	ssyncadd.s32 $0xFFFFCE00  }
.LBB2_2:
0x6c: {  	s2 =	sshra.s32 s1, $0x2  }
0x6d: {  	v5 =	vld [tilespmem:s2+$0x0];
	_ =	sdelay $0x4  }
0x6e: {  	vm2 =	vgt.s32 v5, $0x0  }
0x6f: {  	v6 =	vnsel vm2, $0x0, v5  }
0x70: {  	v6 =	vmin.u32 v6, $0x31FF;
	_ =	sdelay $0x4  }
0x71: {  	v6 =	vld.idx.msk [tilespmem:v6+s19+$0x0], $0xffff;
	_ =	sdelay $0x3  }
0x72: {  	vm2 =	vlt.u32 v5, $0x3200  }
0x73: {  	v5 =	vnsel vm2, $0x0, v6  }
0x74: {  	[tilespmem:s0+$0xFFFFFFE0] =	vst v5  }
0x75: {  	v5 =	vld [tilespmem:s2+$0x10];
	_ =	sdelay $0x4  }
0x76: {  	vm2 =	vgt.s32 v5, $0x0  }
0x77: {  	v6 =	vnsel vm2, $0x0, v5  }
0x78: {  	v6 =	vmin.u32 v6, $0x31FF;
	_ =	sdelay $0x4  }
0x79: {  	v6 =	vld.idx.msk [tilespmem:v6+s19+$0x0], $0xffff;
	_ =	sdelay $0x3  }
0x7a: {  	vm2 =	vlt.u32 v5, $0x3200  }
0x7b: {  	v5 =	vnsel vm2, $0x0, v6  }
0x7c: {  	[tilespmem:s0+$0xFFFFFFF0] =	vst v5  }
0x7d: {  	v5 =	vld [tilespmem:s2+$0x20];
	_ =	sdelay $0x4  }
0x7e: {  	vm2 =	vgt.s32 v5, $0x0  }
0x7f: {  	v6 =	vnsel vm2, $0x0, v5  }
0x80: {  	v6 =	vmin.u32 v6, $0x31FF;
	_ =	sdelay $0x4  }
0x81: {  	v6 =	vld.idx.msk [tilespmem:v6+s19+$0x0], $0xffff;
	_ =	sdelay $0x3  }
0x82: {  	vm2 =	vlt.u32 v5, $0x3200  }
0x83: {  	v5 =	vnsel vm2, $0x0, v6  }
0x84: {  	[tilespmem:s0+$0x0] =	vst v5  }
0x85: {  	v5 =	vld [tilespmem:s2+$0x30];
	_ =	sdelay $0x4  }
0x86: {  	vm2 =	vgt.s32 v5, $0x0  }
0x87: {  	v6 =	vnsel vm2, $0x0, v5  }
0x88: {  	v6 =	vmin.u32 v6, $0x31FF;
	_ =	sdelay $0x4  }
0x89: {  	v6 =	vld.idx.msk [tilespmem:v6+s19+$0x0], $0xffff  }
0x8a: {  	p0 =	sne.s32 s1, $0x3E00  }
.Ltmp0:
0x8b: {  	_ = 	snop;
	(pc) =	sbr.rel @p0 .LBB2_2-.Ltmp0, $4  }
0x8c: {  	_ = 	snop  }
0x8d: {  	vm2 =	vlt.u32 v5, $0x3200  }
0x8e: {  	v5 =	vnsel vm2, $0x0, v6  }
0x8f: {  	s1 =	sadd.s32 $0x200, s1;
	[tilespmem:s0+$0x10] =	vst v5;
	s0 =	sadd.s32 $0x40, s0  }
0x90: {  	s0 =	simm.s32 $0x0;
	s1 =	rddreg [dreg:$0x9]  }
0x91: {  	[tilespmem:s19], [sflag:$0x4] =	stream.linear.gather [hbm4b:s1+s0], $0x3200, $0x38;
	[tilespmem:$0x1D480] =	vst v63  }
0x92: {  	_ =	swait.ge [sflag:s4], $0x3200  }
0x93: {  	[sflag:s4] =	ssyncset.done $0x0  }
0x94: {  	s1 =	simm.s32 $0x1020;
	[sflag:s4] =	ssyncadd.s32 $0xFFFFCE00  }
.LBB2_4:
0x95: {  	s2 =	sshra.s32 s0, $0x2  }
0x96: {  	v5 =	vld [tilespmem:s2+$0x0];
	_ =	sdelay $0x4  }
0x97: {  	v5 =	vadd.s32 $0xFFFFCE00, v5  }
0x98: {  	vm2 =	vgt.s32 v5, $0x0  }
0x99: {  	v6 =	vnsel vm2, $0x0, v5  }
0x9a: {  	v6 =	vmin.u32 v6, $0x31FF;
	_ =	sdelay $0x3  }
0x9b: {  	v7 =	vld [tilespmem:s1+$0xFFFFFFE0]  }
0x9c: {  	v6 =	vld.idx.msk [tilespmem:v6+s20+$0x0], $0xffff;
	_ =	sdelay $0x3  }
0x9d: {  	vm2 =	vlt.u32 v5, $0x3200  }
0x9e: {  	v5 =	vsel vm2, v6, v7  }
0x9f: {  	[tilespmem:s1+$0xFFFFFFE0] =	vst v5  }
0xa0: {  	v5 =	vld [tilespmem:s2+$0x10];
	_ =	sdelay $0x4  }
0xa1: {  	v5 =	vadd.s32 $0xFFFFCE00, v5  }
0xa2: {  	vm2 =	vgt.s32 v5, $0x0  }
0xa3: {  	v6 =	vnsel vm2, $0x0, v5  }
0xa4: {  	v6 =	vmin.u32 v6, $0x31FF;
	_ =	sdelay $0x3  }
0xa5: {  	v7 =	vld [tilespmem:s1+$0xFFFFFFF0]  }
0xa6: {  	v6 =	vld.idx.msk [tilespmem:v6+s20+$0x0], $0xffff;
	_ =	sdelay $0x3  }
0xa7: {  	vm2 =	vlt.u32 v5, $0x3200  }
0xa8: {  	v5 =	vsel vm2, v6, v7  }
0xa9: {  	[tilespmem:s1+$0xFFFFFFF0] =	vst v5  }
0xaa: {  	v5 =	vld [tilespmem:s2+$0x20];
	_ =	sdelay $0x4  }
0xab: {  	v5 =	vadd.s32 $0xFFFFCE00, v5  }
0xac: {  	vm2 =	vgt.s32 v5, $0x0  }
0xad: {  	v6 =	vnsel vm2, $0x0, v5  }
0xae: {  	v6 =	vmin.u32 v6, $0x31FF;
	_ =	sdelay $0x3  }
0xaf: {  	v7 =	vld [tilespmem:s1+$0x0]  }
0xb0: {  	v6 =	vld.idx.msk [tilespmem:v6+s20+$0x0], $0xffff;
	_ =	sdelay $0x3  }
0xb1: {  	vm2 =	vlt.u32 v5, $0x3200  }
0xb2: {  	v5 =	vsel vm2, v6, v7  }
0xb3: {  	[tilespmem:s1+$0x0] =	vst v5  }
0xb4: {  	v5 =	vld [tilespmem:s2+$0x30];
	_ =	sdelay $0x4  }
0xb5: {  	v5 =	vadd.s32 $0xFFFFCE00, v5  }
0xb6: {  	vm2 =	vgt.s32 v5, $0x0  }
0xb7: {  	v6 =	vnsel vm2, $0x0, v5  }
0xb8: {  	v6 =	vmin.u32 v6, $0x31FF;
	_ =	sdelay $0x3  }
0xb9: {  	v7 =	vld [tilespmem:s1+$0x10]  }
0xba: {  	v6 =	vld.idx.msk [tilespmem:v6+s20+$0x0], $0xffff  }
0xbb: {  	p0 =	sne.s32 s0, $0x3E00  }
.Ltmp1:
0xbc: {  	_ = 	snop;
	(pc) =	sbr.rel @p0 .LBB2_4-.Ltmp1, $4  }
0xbd: {  	_ = 	snop  }
0xbe: {  	vm2 =	vlt.u32 v5, $0x3200  }
0xbf: {  	v5 =	vsel vm2, v6, v7  }
0xc0: {  	s0 =	sadd.s32 $0x200, s0;
	[tilespmem:s1+$0x10] =	vst v5;
	s1 =	sadd.s32 $0x40, s1  }
0xc1: {  	s0 =	simm.s32 $0x0;
	s1 =	rddreg [dreg:$0xa]  }
0xc2: {  	[tilespmem:s20], [sflag:$0x5] =	stream.linear.gather [hbm4b:s1+s0], $0x3200, $0x38;
	[tilespmem:$0x1D480] =	vst v63  }
0xc3: {  	_ =	swait.ge [sflag:s3], $0x3200  }
0xc4: {  	[sflag:s3] =	ssyncset.done $0x0  }
0xc5: {  	s1 =	simm.s32 $0x1020;
	[sflag:s3] =	ssyncadd.s32 $0xFFFFCE00  }
.LBB2_6:
0xc6: {  	s2 =	sshra.s32 s0, $0x2  }
0xc7: {  	v5 =	vld [tilespmem:s2+$0x0];
	_ =	sdelay $0x4  }
0xc8: {  	v5 =	vadd.s32 $0xFFFF9C00, v5  }
0xc9: {  	vm2 =	vgt.s32 v5, $0x0  }
0xca: {  	v6 =	vnsel vm2, $0x0, v5  }
0xcb: {  	v6 =	vmin.u32 v6, $0x31FF;
	_ =	sdelay $0x3  }
0xcc: {  	v7 =	vld [tilespmem:s1+$0xFFFFFFE0]  }
0xcd: {  	v6 =	vld.idx.msk [tilespmem:v6+s19+$0x0], $0xffff;
	_ =	sdelay $0x3  }
0xce: {  	vm2 =	vlt.u32 v5, $0x3200  }
0xcf: {  	v5 =	vsel vm2, v6, v7  }
0xd0: {  	[tilespmem:s1+$0xFFFFFFE0] =	vst v5  }
0xd1: {  	v5 =	vld [tilespmem:s2+$0x10];
	_ =	sdelay $0x4  }
0xd2: {  	v5 =	vadd.s32 $0xFFFF9C00, v5  }
0xd3: {  	vm2 =	vgt.s32 v5, $0x0  }
0xd4: {  	v6 =	vnsel vm2, $0x0, v5  }
0xd5: {  	v6 =	vmin.u32 v6, $0x31FF;
	_ =	sdelay $0x3  }
0xd6: {  	v7 =	vld [tilespmem:s1+$0xFFFFFFF0]  }
0xd7: {  	v6 =	vld.idx.msk [tilespmem:v6+s19+$0x0], $0xffff;
	_ =	sdelay $0x3  }
0xd8: {  	vm2 =	vlt.u32 v5, $0x3200  }
0xd9: {  	v5 =	vsel vm2, v6, v7  }
0xda: {  	[tilespmem:s1+$0xFFFFFFF0] =	vst v5  }
0xdb: {  	v5 =	vld [tilespmem:s2+$0x20];
	_ =	sdelay $0x4  }
0xdc: {  	v5 =	vadd.s32 $0xFFFF9C00, v5  }
0xdd: {  	vm2 =	vgt.s32 v5, $0x0  }
0xde: {  	v6 =	vnsel vm2, $0x0, v5  }
0xdf: {  	v6 =	vmin.u32 v6, $0x31FF;
	_ =	sdelay $0x3  }
0xe0: {  	v7 =	vld [tilespmem:s1+$0x0]  }
0xe1: {  	v6 =	vld.idx.msk [tilespmem:v6+s19+$0x0], $0xffff;
	_ =	sdelay $0x3  }
0xe2: {  	vm2 =	vlt.u32 v5, $0x3200  }
0xe3: {  	v5 =	vsel vm2, v6, v7  }
0xe4: {  	[tilespmem:s1+$0x0] =	vst v5  }
0xe5: {  	v5 =	vld [tilespmem:s2+$0x30];
	_ =	sdelay $0x4  }
0xe6: {  	v5 =	vadd.s32 $0xFFFF9C00, v5  }
0xe7: {  	vm2 =	vgt.s32 v5, $0x0  }
0xe8: {  	v6 =	vnsel vm2, $0x0, v5  }
0xe9: {  	v6 =	vmin.u32 v6, $0x31FF;
	_ =	sdelay $0x3  }
0xea: {  	v7 =	vld [tilespmem:s1+$0x10]  }
0xeb: {  	v6 =	vld.idx.msk [tilespmem:v6+s19+$0x0], $0xffff  }
0xec: {  	p0 =	sne.s32 s0, $0x3E00  }
.Ltmp2:
0xed: {  	_ = 	snop;
	(pc) =	sbr.rel @p0 .LBB2_6-.Ltmp2, $4  }
0xee: {  	_ = 	snop  }
0xef: {  	vm2 =	vlt.u32 v5, $0x3200  }
0xf0: {  	v5 =	vsel vm2, v6, v7  }
0xf1: {  	s0 =	sadd.s32 $0x200, s0;
	[tilespmem:s1+$0x10] =	vst v5;
	s1 =	sadd.s32 $0x40, s1  }
0xf2: {  	s0 =	simm.s32 $0x0;
	s1 =	rddreg [dreg:$0xb]  }
0xf3: {  	[tilespmem:s19], [sflag:$0x4] =	stream.linear.gather [hbm4b:s1+s0], $0x3200, $0x38;
	[tilespmem:$0x1D480] =	vst v63  }
0xf4: {  	_ =	swait.ge [sflag:s4], $0x3200  }
0xf5: {  	[sflag:s4] =	ssyncset.done $0x0  }
0xf6: {  	s1 =	simm.s32 $0x1020;
	[sflag:s4] =	ssyncadd.s32 $0xFFFFCE00  }
.LBB2_8:
0xf7: {  	s2 =	sshra.s32 s0, $0x2  }
0xf8: {  	v5 =	vld [tilespmem:s2+$0x0];
	_ =	sdelay $0x4  }
0xf9: {  	v5 =	vadd.s32 $0xFFFF6A00, v5  }
0xfa: {  	vm2 =	vgt.s32 v5, $0x0  }
0xfb: {  	v6 =	vnsel vm2, $0x0, v5  }
0xfc: {  	v6 =	vmin.u32 v6, $0x31FF;
	_ =	sdelay $0x3  }
0xfd: {  	v7 =	vld [tilespmem:s1+$0xFFFFFFE0]  }
0xfe: {  	v6 =	vld.idx.msk [tilespmem:v6+s20+$0x0], $0xffff;
	_ =	sdelay $0x3  }
0xff: {  	vm2 =	vlt.u32 v5, $0x3200  }
0x100: {  	v5 =	vsel vm2, v6, v7  }
0x101: {  	[tilespmem:s1+$0xFFFFFFE0] =	vst v5  }
0x102: {  	v5 =	vld [tilespmem:s2+$0x10];
	_ =	sdelay $0x4  }
0x103: {  	v5 =	vadd.s32 $0xFFFF6A00, v5  }
0x104: {  	vm2 =	vgt.s32 v5, $0x0  }
0x105: {  	v6 =	vnsel vm2, $0x0, v5  }
0x106: {  	v6 =	vmin.u32 v6, $0x31FF;
	_ =	sdelay $0x3  }
0x107: {  	v7 =	vld [tilespmem:s1+$0xFFFFFFF0]  }
0x108: {  	v6 =	vld.idx.msk [tilespmem:v6+s20+$0x0], $0xffff;
	_ =	sdelay $0x3  }
0x109: {  	vm2 =	vlt.u32 v5, $0x3200  }
0x10a: {  	v5 =	vsel vm2, v6, v7  }
0x10b: {  	[tilespmem:s1+$0xFFFFFFF0] =	vst v5  }
0x10c: {  	v5 =	vld [tilespmem:s2+$0x20];
	_ =	sdelay $0x4  }
0x10d: {  	v5 =	vadd.s32 $0xFFFF6A00, v5  }
0x10e: {  	vm2 =	vgt.s32 v5, $0x0  }
0x10f: {  	v6 =	vnsel vm2, $0x0, v5  }
0x110: {  	v6 =	vmin.u32 v6, $0x31FF;
	_ =	sdelay $0x3  }
0x111: {  	v7 =	vld [tilespmem:s1+$0x0]  }
0x112: {  	v6 =	vld.idx.msk [tilespmem:v6+s20+$0x0], $0xffff;
	_ =	sdelay $0x3  }
0x113: {  	vm2 =	vlt.u32 v5, $0x3200  }
0x114: {  	v5 =	vsel vm2, v6, v7  }
0x115: {  	[tilespmem:s1+$0x0] =	vst v5  }
0x116: {  	v5 =	vld [tilespmem:s2+$0x30];
	_ =	sdelay $0x4  }
0x117: {  	v5 =	vadd.s32 $0xFFFF6A00, v5  }
0x118: {  	vm2 =	vgt.s32 v5, $0x0  }
0x119: {  	v6 =	vnsel vm2, $0x0, v5  }
0x11a: {  	v6 =	vmin.u32 v6, $0x31FF;
	_ =	sdelay $0x3  }
0x11b: {  	v7 =	vld [tilespmem:s1+$0x10]  }
0x11c: {  	v6 =	vld.idx.msk [tilespmem:v6+s20+$0x0], $0xffff  }
0x11d: {  	p0 =	sne.s32 s0, $0x3E00  }
.Ltmp3:
0x11e: {  	_ = 	snop;
	(pc) =	sbr.rel @p0 .LBB2_8-.Ltmp3, $4  }
0x11f: {  	_ = 	snop  }
0x120: {  	vm2 =	vlt.u32 v5, $0x3200  }
0x121: {  	v5 =	vsel vm2, v6, v7  }
0x122: {  	s0 =	sadd.s32 $0x200, s0;
	[tilespmem:s1+$0x10] =	vst v5;
	s1 =	sadd.s32 $0x40, s1  }
0x123: {  	s0 =	simm.s32 $0x0;
	s1 =	rddreg [dreg:$0xc]  }
0x124: {  	[tilespmem:s20], [sflag:$0x5] =	stream.linear.gather [hbm4b:s1+s0], $0x3200, $0x38;
	[tilespmem:$0x1D480] =	vst v63  }
0x125: {  	_ =	swait.ge [sflag:s3], $0x3200  }
0x126: {  	[sflag:s3] =	ssyncset.done $0x0  }
0x127: {  	s1 =	simm.s32 $0x1020;
	[sflag:s3] =	ssyncadd.s32 $0xFFFFCE00  }
.LBB2_10:
0x128: {  	s2 =	sshra.s32 s0, $0x2  }
0x129: {  	v5 =	vld [tilespmem:s2+$0x0];
	_ =	sdelay $0x4  }
0x12a: {  	v5 =	vadd.s32 $0xFFFF3800, v5  }
0x12b: {  	vm2 =	vgt.s32 v5, $0x0  }
0x12c: {  	v6 =	vnsel vm2, $0x0, v5  }
0x12d: {  	v6 =	vmin.u32 v6, $0x31FF;
	_ =	sdelay $0x3  }
0x12e: {  	v7 =	vld [tilespmem:s1+$0xFFFFFFE0]  }
0x12f: {  	v6 =	vld.idx.msk [tilespmem:v6+s19+$0x0], $0xffff;
	_ =	sdelay $0x3  }
0x130: {  	vm2 =	vlt.u32 v5, $0x3200  }
0x131: {  	v5 =	vsel vm2, v6, v7  }
0x132: {  	[tilespmem:s1+$0xFFFFFFE0] =	vst v5  }
0x133: {  	v5 =	vld [tilespmem:s2+$0x10];
	_ =	sdelay $0x4  }
0x134: {  	v5 =	vadd.s32 $0xFFFF3800, v5  }
0x135: {  	vm2 =	vgt.s32 v5, $0x0  }
0x136: {  	v6 =	vnsel vm2, $0x0, v5  }
0x137: {  	v6 =	vmin.u32 v6, $0x31FF;
	_ =	sdelay $0x3  }
0x138: {  	v7 =	vld [tilespmem:s1+$0xFFFFFFF0]  }
0x139: {  	v6 =	vld.idx.msk [tilespmem:v6+s19+$0x0], $0xffff;
	_ =	sdelay $0x3  }
0x13a: {  	vm2 =	vlt.u32 v5, $0x3200  }
0x13b: {  	v5 =	vsel vm2, v6, v7  }
0x13c: {  	[tilespmem:s1+$0xFFFFFFF0] =	vst v5  }
0x13d: {  	v5 =	vld [tilespmem:s2+$0x20];
	_ =	sdelay $0x4  }
0x13e: {  	v5 =	vadd.s32 $0xFFFF3800, v5  }
0x13f: {  	vm2 =	vgt.s32 v5, $0x0  }
0x140: {  	v6 =	vnsel vm2, $0x0, v5  }
0x141: {  	v6 =	vmin.u32 v6, $0x31FF;
	_ =	sdelay $0x3  }
0x142: {  	v7 =	vld [tilespmem:s1+$0x0]  }
0x143: {  	v6 =	vld.idx.msk [tilespmem:v6+s19+$0x0], $0xffff;
	_ =	sdelay $0x3  }
0x144: {  	vm2 =	vlt.u32 v5, $0x3200  }
0x145: {  	v5 =	vsel vm2, v6, v7  }
0x146: {  	[tilespmem:s1+$0x0] =	vst v5  }
0x147: {  	v5 =	vld [tilespmem:s2+$0x30];
	_ =	sdelay $0x4  }
0x148: {  	v5 =	vadd.s32 $0xFFFF3800, v5  }
0x149: {  	vm2 =	vgt.s32 v5, $0x0  }
0x14a: {  	v6 =	vnsel vm2, $0x0, v5  }
0x14b: {  	v6 =	vmin.u32 v6, $0x31FF;
	_ =	sdelay $0x3  }
0x14c: {  	v7 =	vld [tilespmem:s1+$0x10]  }
0x14d: {  	v6 =	vld.idx.msk [tilespmem:v6+s19+$0x0], $0xffff  }
0x14e: {  	p0 =	sne.s32 s0, $0x3E00  }
.Ltmp4:
0x14f: {  	_ = 	snop;
	(pc) =	sbr.rel @p0 .LBB2_10-.Ltmp4, $4  }
0x150: {  	_ = 	snop  }
0x151: {  	vm2 =	vlt.u32 v5, $0x3200  }
0x152: {  	v5 =	vsel vm2, v6, v7  }
0x153: {  	s0 =	sadd.s32 $0x200, s0;
	[tilespmem:s1+$0x10] =	vst v5;
	s1 =	sadd.s32 $0x40, s1  }
0x154: {  	s0 =	simm.s32 $0x0;
	s1 =	rddreg [dreg:$0xd]  }
0x155: {  	[tilespmem:s19], [sflag:$0x4] =	stream.linear.gather [hbm4b:s1+s0], $0x3200, $0x38;
	[tilespmem:$0x1D480] =	vst v63  }
0x156: {  	_ =	swait.ge [sflag:s4], $0x3200  }
0x157: {  	[sflag:s4] =	ssyncset.done $0x0  }
0x158: {  	s1 =	simm.s32 $0x1020;
	[sflag:s4] =	ssyncadd.s32 $0xFFFFCE00  }
.LBB2_12:
0x159: {  	s2 =	sshra.s32 s0, $0x2  }
0x15a: {  	v5 =	vld [tilespmem:s2+$0x0];
	_ =	sdelay $0x4  }
0x15b: {  	v5 =	vadd.s32 $0xFFFF0600, v5  }
0x15c: {  	vm2 =	vgt.s32 v5, $0x0  }
0x15d: {  	v6 =	vnsel vm2, $0x0, v5  }
0x15e: {  	v6 =	vmin.u32 v6, $0x31FF;
	_ =	sdelay $0x3  }
0x15f: {  	v7 =	vld [tilespmem:s1+$0xFFFFFFE0]  }
0x160: {  	v6 =	vld.idx.msk [tilespmem:v6+s20+$0x0], $0xffff;
	_ =	sdelay $0x3  }
0x161: {  	vm2 =	vlt.u32 v5, $0x3200  }
0x162: {  	v5 =	vsel vm2, v6, v7  }
0x163: {  	[tilespmem:s1+$0xFFFFFFE0] =	vst v5  }
0x164: {  	v5 =	vld [tilespmem:s2+$0x10];
	_ =	sdelay $0x4  }
0x165: {  	v5 =	vadd.s32 $0xFFFF0600, v5  }
0x166: {  	vm2 =	vgt.s32 v5, $0x0  }
0x167: {  	v6 =	vnsel vm2, $0x0, v5  }
0x168: {  	v6 =	vmin.u32 v6, $0x31FF;
	_ =	sdelay $0x3  }
0x169: {  	v7 =	vld [tilespmem:s1+$0xFFFFFFF0]  }
0x16a: {  	v6 =	vld.idx.msk [tilespmem:v6+s20+$0x0], $0xffff;
	_ =	sdelay $0x3  }
0x16b: {  	vm2 =	vlt.u32 v5, $0x3200  }
0x16c: {  	v5 =	vsel vm2, v6, v7  }
0x16d: {  	[tilespmem:s1+$0xFFFFFFF0] =	vst v5  }
0x16e: {  	v5 =	vld [tilespmem:s2+$0x20];
	_ =	sdelay $0x4  }
0x16f: {  	v5 =	vadd.s32 $0xFFFF0600, v5  }
0x170: {  	vm2 =	vgt.s32 v5, $0x0  }
0x171: {  	v6 =	vnsel vm2, $0x0, v5  }
0x172: {  	v6 =	vmin.u32 v6, $0x31FF;
	_ =	sdelay $0x3  }
0x173: {  	v7 =	vld [tilespmem:s1+$0x0]  }
0x174: {  	v6 =	vld.idx.msk [tilespmem:v6+s20+$0x0], $0xffff;
	_ =	sdelay $0x3  }
0x175: {  	vm2 =	vlt.u32 v5, $0x3200  }
0x176: {  	v5 =	vsel vm2, v6, v7  }
0x177: {  	[tilespmem:s1+$0x0] =	vst v5  }
0x178: {  	v5 =	vld [tilespmem:s2+$0x30];
	_ =	sdelay $0x4  }
0x179: {  	v5 =	vadd.s32 $0xFFFF0600, v5  }
0x17a: {  	vm2 =	vgt.s32 v5, $0x0  }
0x17b: {  	v6 =	vnsel vm2, $0x0, v5  }
0x17c: {  	v6 =	vmin.u32 v6, $0x31FF;
	_ =	sdelay $0x3  }
0x17d: {  	v7 =	vld [tilespmem:s1+$0x10]  }
0x17e: {  	v6 =	vld.idx.msk [tilespmem:v6+s20+$0x0], $0xffff  }
0x17f: {  	p0 =	sne.s32 s0, $0x3E00  }
.Ltmp5:
0x180: {  	_ = 	snop;
	(pc) =	sbr.rel @p0 .LBB2_12-.Ltmp5, $4  }
0x181: {  	_ = 	snop  }
0x182: {  	vm2 =	vlt.u32 v5, $0x3200  }
0x183: {  	v5 =	vsel vm2, v6, v7  }
0x184: {  	s0 =	sadd.s32 $0x200, s0;
	[tilespmem:s1+$0x10] =	vst v5;
	s1 =	sadd.s32 $0x40, s1  }
0x185: {  	s0 =	simm.s32 $0x0;
	s1 =	rddreg [dreg:$0xe]  }
0x186: {  	[tilespmem:s20], [sflag:$0x5] =	stream.linear.gather [hbm4b:s1+s0], $0x3200, $0x38;
	[tilespmem:$0x1D480] =	vst v63  }
0x187: {  	_ =	swait.ge [sflag:s3], $0x3200  }
0x188: {  	[sflag:s3] =	ssyncset.done $0x0  }
0x189: {  	s1 =	simm.s32 $0x1020;
	[sflag:s3] =	ssyncadd.s32 $0xFFFFCE00  }
.LBB2_14:
0x18a: {  	s2 =	sshra.s32 s0, $0x2  }
0x18b: {  	v5 =	vld [tilespmem:s2+$0x0];
	_ =	sdelay $0x4  }
0x18c: {  	v5 =	vadd.s32 $0xFFFED400, v5  }
0x18d: {  	vm2 =	vgt.s32 v5, $0x0  }
0x18e: {  	v6 =	vnsel vm2, $0x0, v5  }
0x18f: {  	v6 =	vmin.u32 v6, $0x31FF;
	_ =	sdelay $0x3  }
0x190: {  	v7 =	vld [tilespmem:s1+$0xFFFFFFE0]  }
0x191: {  	v6 =	vld.idx.msk [tilespmem:v6+s19+$0x0], $0xffff;
	_ =	sdelay $0x3  }
0x192: {  	vm2 =	vlt.u32 v5, $0x3200  }
0x193: {  	v5 =	vsel vm2, v6, v7  }
0x194: {  	[tilespmem:s1+$0xFFFFFFE0] =	vst v5  }
0x195: {  	v5 =	vld [tilespmem:s2+$0x10];
	_ =	sdelay $0x4  }
0x196: {  	v5 =	vadd.s32 $0xFFFED400, v5  }
0x197: {  	vm2 =	vgt.s32 v5, $0x0  }
0x198: {  	v6 =	vnsel vm2, $0x0, v5  }
0x199: {  	v6 =	vmin.u32 v6, $0x31FF;
	_ =	sdelay $0x3  }
0x19a: {  	v7 =	vld [tilespmem:s1+$0xFFFFFFF0]  }
0x19b: {  	v6 =	vld.idx.msk [tilespmem:v6+s19+$0x0], $0xffff;
	_ =	sdelay $0x3  }
0x19c: {  	vm2 =	vlt.u32 v5, $0x3200  }
0x19d: {  	v5 =	vsel vm2, v6, v7  }
0x19e: {  	[tilespmem:s1+$0xFFFFFFF0] =	vst v5  }
0x19f: {  	v5 =	vld [tilespmem:s2+$0x20];
	_ =	sdelay $0x4  }
0x1a0: {  	v5 =	vadd.s32 $0xFFFED400, v5  }
0x1a1: {  	vm2 =	vgt.s32 v5, $0x0  }
0x1a2: {  	v6 =	vnsel vm2, $0x0, v5  }
0x1a3: {  	v6 =	vmin.u32 v6, $0x31FF;
	_ =	sdelay $0x3  }
0x1a4: {  	v7 =	vld [tilespmem:s1+$0x0]  }
0x1a5: {  	v6 =	vld.idx.msk [tilespmem:v6+s19+$0x0], $0xffff;
	_ =	sdelay $0x3  }
0x1a6: {  	vm2 =	vlt.u32 v5, $0x3200  }
0x1a7: {  	v5 =	vsel vm2, v6, v7  }
0x1a8: {  	[tilespmem:s1+$0x0] =	vst v5  }
0x1a9: {  	v5 =	vld [tilespmem:s2+$0x30];
	_ =	sdelay $0x4  }
0x1aa: {  	v5 =	vadd.s32 $0xFFFED400, v5  }
0x1ab: {  	vm2 =	vgt.s32 v5, $0x0  }
0x1ac: {  	v6 =	vnsel vm2, $0x0, v5  }
0x1ad: {  	v6 =	vmin.u32 v6, $0x31FF;
	_ =	sdelay $0x3  }
0x1ae: {  	v7 =	vld [tilespmem:s1+$0x10]  }
0x1af: {  	v6 =	vld.idx.msk [tilespmem:v6+s19+$0x0], $0xffff  }
0x1b0: {  	p0 =	sne.s32 s0, $0x3E00  }
.Ltmp6:
0x1b1: {  	_ = 	snop;
	(pc) =	sbr.rel @p0 .LBB2_14-.Ltmp6, $4  }
0x1b2: {  	_ = 	snop  }
0x1b3: {  	vm2 =	vlt.u32 v5, $0x3200  }
0x1b4: {  	v5 =	vsel vm2, v6, v7  }
0x1b5: {  	s0 =	sadd.s32 $0x200, s0;
	[tilespmem:s1+$0x10] =	vst v5;
	s1 =	sadd.s32 $0x40, s1  }
0x1b6: {  	_ =	swait.ge [sflag:s4], $0x3200  }
0x1b7: {  	s0 =	simm.s32 $0x0;
	s1 =	simm.s32 $0x1020;
	[sflag:s4] =	ssyncset.done $0x0  }
0x1b8: {  	s2 =	simm.s32 $0x1020;
	s3 =	simm.s32 $0x0;
	[sflag:s4] =	ssyncadd.s32 $0xFFFFCE00  }
.LBB2_16:
0x1b9: {  	s4 =	sshra.s32 s3, $0x2  }
0x1ba: {  	v5 =	vld [tilespmem:s4+$0x0];
	_ =	sdelay $0x4  }
0x1bb: {  	v5 =	vadd.s32 $0xFFFEA200, v5  }
0x1bc: {  	vm2 =	vgt.s32 v5, $0x0  }
0x1bd: {  	v6 =	vnsel vm2, $0x0, v5  }
0x1be: {  	v6 =	vmin.u32 v6, $0x31FF;
	_ =	sdelay $0x3  }
0x1bf: {  	v7 =	vld [tilespmem:s2+$0xFFFFFFE0]  }
0x1c0: {  	v6 =	vld.idx.msk [tilespmem:v6+s20+$0x0], $0xffff;
	_ =	sdelay $0x3  }
0x1c1: {  	vm2 =	vlt.u32 v5, $0x3200  }
0x1c2: {  	v5 =	vsel vm2, v6, v7  }
0x1c3: {  	[tilespmem:s2+$0xFFFFFFE0] =	vst v5  }
0x1c4: {  	v5 =	vld [tilespmem:s4+$0x10];
	_ =	sdelay $0x4  }
0x1c5: {  	v5 =	vadd.s32 $0xFFFEA200, v5  }
0x1c6: {  	vm2 =	vgt.s32 v5, $0x0  }
0x1c7: {  	v6 =	vnsel vm2, $0x0, v5  }
0x1c8: {  	v6 =	vmin.u32 v6, $0x31FF;
	_ =	sdelay $0x3  }
0x1c9: {  	v7 =	vld [tilespmem:s2+$0xFFFFFFF0]  }
0x1ca: {  	v6 =	vld.idx.msk [tilespmem:v6+s20+$0x0], $0xffff;
	_ =	sdelay $0x3  }
0x1cb: {  	vm2 =	vlt.u32 v5, $0x3200  }
0x1cc: {  	v5 =	vsel vm2, v6, v7  }
0x1cd: {  	[tilespmem:s2+$0xFFFFFFF0] =	vst v5  }
0x1ce: {  	v5 =	vld [tilespmem:s4+$0x20];
	_ =	sdelay $0x4  }
0x1cf: {  	v5 =	vadd.s32 $0xFFFEA200, v5  }
0x1d0: {  	vm2 =	vgt.s32 v5, $0x0  }
0x1d1: {  	v6 =	vnsel vm2, $0x0, v5  }
0x1d2: {  	v6 =	vmin.u32 v6, $0x31FF;
	_ =	sdelay $0x3  }
0x1d3: {  	v7 =	vld [tilespmem:s2+$0x0]  }
0x1d4: {  	v6 =	vld.idx.msk [tilespmem:v6+s20+$0x0], $0xffff;
	_ =	sdelay $0x3  }
0x1d5: {  	vm2 =	vlt.u32 v5, $0x3200  }
0x1d6: {  	v5 =	vsel vm2, v6, v7  }
0x1d7: {  	[tilespmem:s2+$0x0] =	vst v5  }
0x1d8: {  	v5 =	vld [tilespmem:s4+$0x30];
	_ =	sdelay $0x4  }
0x1d9: {  	v5 =	vadd.s32 $0xFFFEA200, v5  }
0x1da: {  	vm2 =	vgt.s32 v5, $0x0  }
0x1db: {  	v6 =	vnsel vm2, $0x0, v5  }
0x1dc: {  	v6 =	vmin.u32 v6, $0x31FF;
	_ =	sdelay $0x3  }
0x1dd: {  	v7 =	vld [tilespmem:s2+$0x10]  }
0x1de: {  	v6 =	vld.idx.msk [tilespmem:v6+s20+$0x0], $0xffff  }
0x1df: {  	p0 =	sne.s32 s3, $0x3E00  }
.Ltmp7:
0x1e0: {  	_ = 	snop;
	(pc) =	sbr.rel @p0 .LBB2_16-.Ltmp7, $4  }
0x1e1: {  	_ = 	snop  }
0x1e2: {  	vm2 =	vlt.u32 v5, $0x3200  }
0x1e3: {  	v5 =	vsel vm2, v6, v7  }
0x1e4: {  	s3 =	sadd.s32 $0x200, s3;
	[tilespmem:s2+$0x10] =	vst v5;
	s2 =	sadd.s32 $0x40, s2  }
0x1e5: {  	v5 =	vld [tilespmem:s1+$0xFFFFFFE0]  }
0x1e6: {  	v6 =	vld [tilespmem:s1+$0xFFFFFFF0];
	s2 =	simm.s32 $0x200  }
.LBB2_18:
0x1e7: {  	p0 =	sne.s32 s2, $0x3E00  }
0x1e8: {  	v7 =	vld [tilespmem:s1+$0x0]  }
0x1e9: {  	v8 =	vld [tilespmem:s1+$0x10];
	_ =	sdelay $0x1  }
0x1ea: {  	v5 =	vmax.f32 v5, $1.000000010e-01;
	v6 =	vmax.f32 v6, $1.000000010e-01  }
0x1eb: {  	[tilespmem:s1+$0xFFFFFFE0] =	vst v5;
	v5 =	vadd.f32 v6, v5  }
0x1ec: {  	v7 =	vmax.f32 v7, $1.000000010e-01  }
0x1ed: {  	[tilespmem:s1+$0x0] =	vst v7;
	v5 =	vadd.f32 v7, v5;
	v7 =	vmax.f32 v8, $1.000000010e-01  }
0x1ee: {  	v7 =	vnsel vm1, $0x0, v7  }
.Ltmp8:
0x1ef: {  	[tilespmem:s1+$0x10] =	vst v7;
	v5 =	vadd.f32 v7, v5;
	(pc) =	sbr.rel @p0 .LBB2_18-.Ltmp8, $4  }
0x1f0: {  	s3 =	sshra.s32 s0, $0x2;
	s0 =	smov.u32 s2;
	[tilespmem:s1+$0xFFFFFFF0] =	vst v6  }
0x1f1: {  	s1 =	sadd.s32 $0x40, s1;
	[tilespmem:s3+$0x1C480] =	vst v5  }
0x1f2: {  	v5 =	vld [tilespmem:s1+$0xFFFFFFE0]  }
0x1f3: {  	s2 =	sadd.s32 $0x200, s2;
	v6 =	vld [tilespmem:s1+$0xFFFFFFF0]  }
0x1f4: {  	_ = 	snop  }
0x1f5: {  	v7 =	vld [tilespmem:s1+$0x0]  }
0x1f6: {  	v8 =	vld [tilespmem:s1+$0x10];
	_ =	sdelay $0x1  }
0x1f7: {  	v5 =	vmax.f32 v5, $1.000000010e-01;
	v6 =	vmax.f32 v6, $1.000000010e-01  }
0x1f8: {  	v9 =	vadd.f32 v6, v5  }
0x1f9: {  	v7 =	vmax.f32 v7, $1.000000010e-01  }
0x1fa: {  	[tilespmem:s1+$0xFFFFFFE0] =	vst v5;
	v8 =	vmax.f32 v8, $1.000000010e-01;
	v5 =	vadd.f32 v7, v9  }
0x1fb: {  	[tilespmem:s1+$0x0] =	vst v7;
	v7 =	vnsel vm1, $0x0, v8  }
0x1fc: {  	[tilespmem:s1+$0xFFFFFFF0] =	vst v6;
	v5 =	vadd.f32 v7, v5  }
0x1fd: {  	s0 =	sshra.s32 s0, $0x2;
	[tilespmem:s1+$0x10] =	vst v7  }
0x1fe: {  	s25 =	simm.s32 $0x0;
	[tilespmem:s0+$0x1C480] =	vst v5  }
.LBB2_20:
0x1ff: {  	s1 =	simm.s32 $0x1  }
0x200: {  	_ =	swait.ge [sflag:s1], $0x8000  }
0x201: {  	s0 =	sshll.u32 s25, $0x6;
	[sflag:s1] =	ssyncset.done $0x0  }
0x202: {  	s26 =	sand.u32 $0x3FFFFFC0, s0;
	[sflag:s1] =	ssyncadd.s32 $0xFFFF8000  }
0x203: {  	v5 =	vld.msk [tilespmem:s26+$0x1000 ss:$0x0], $0xffff  }
0x204: {  	v7 =	vld.msk [tilespmem:s26+$0x1001 ss:$0x0], $0xffff  }
0x205: {  	v14 =	vld.msk [tilespmem:s26+$0x1002 ss:$0x0], $0xffff  }
0x206: {  	v16 =	vld.msk [tilespmem:s26+$0x1003 ss:$0x0], $0xffff  }
0x207: {  	v17 =	vld.msk [tilespmem:s26+$0x1004 ss:$0x0], $0xffff  }
0x208: {  	v19 =	vld.msk [tilespmem:s26+$0x1005 ss:$0x0], $0xffff  }
0x209: {  	v20 =	vld.msk [tilespmem:s26+$0x1006 ss:$0x0], $0xffff  }
0x20a: {  	v8 =	vld.msk [tilespmem:s26+$0x1007 ss:$0x0], $0xffff  }
0x20b: {  	v9 =	vld.msk [tilespmem:s26+$0x1008 ss:$0x0], $0xffff  }
0x20c: {  	v10 =	vld.msk [tilespmem:s26+$0x1009 ss:$0x0], $0xffff  }
0x20d: {  	v11 =	vld.msk [tilespmem:s26+$0x100A ss:$0x0], $0xffff  }
0x20e: {  	v12 =	vld.msk [tilespmem:s26+$0x100B ss:$0x0], $0xffff  }
0x20f: {  	s6 =	simm.s32 $0x0;
	s0 =	simm.s32 $0x0;
	v6 =	vld.msk [tilespmem:s26+$0x100C ss:$0x0], $0xffff  }
0x210: {  	s30 =	sand.u32 $0x1C00, s6;
	s29 =	sand.u32 $0x60, s0;
	v13 =	vld.msk [tilespmem:s26+$0x100D ss:$0x0], $0xffff  }
0x211: {  	s12 =	sadd.s32 $0x7C80, s30;
	s31 =	sor.u32 $0x10, s29;
	v15 =	vld.msk [tilespmem:s26+$0x100E ss:$0x0], $0xffff  }
0x212: {  	v18 =	vld.msk [tilespmem:s26+$0x100F ss:$0x0], $0xffff;
	s18 =	sor.u32 s31, s12  }
0x213: {  	v21 =	vld [tilespmem:s18+$0x0]  }
0x214: {  	v22 =	vld [tilespmem:s18+$0x80]  }
0x215: {  	v23 =	vld [tilespmem:s18+$0x100]  }
0x216: {  	v24 =	vld [tilespmem:s18+$0x180]  }
0x217: {  	s11 =	sadd.s32 $0x9C80, s30;
	v25 =	vld [tilespmem:s18+$0x200]  }
0x218: {  	s4 =	sadd.s32 $0x9D00, s30;
	s2 =	sor.u32 s31, s11;
	v26 =	vld [tilespmem:s18+$0x280]  }
0x219: {  	s10 =	sand.u32 $0x3, s6;
	s1 =	sadd.s32 $0x9D80, s30;
	s21 =	sor.u32 s31, s4;
	v27 =	vld [tilespmem:s2+$0x0]  }
0x21a: {  	s3 =	sadd.s32 $0x9E00, s30;
	s13 =	sshll.u32 s10, $0x5;
	s5 =	sor.u32 s31, s1;
	v28 =	vld [tilespmem:s21+$0x0]  }
0x21b: {  	s10 =	sadd.s32 $0x9F80, s30;
	s13 =	sadd.s32 $0x0, s13;
	s9 =	sor.u32 s31, s3;
	v29 =	vld [tilespmem:s5+$0x0]  }
0x21c: {  	s23 =	sor.u32 s31, s10;
	s15 =	sadd.s32 $0x10, s13;
	v30 =	vld [tilespmem:s9+$0x0]  }
0x21d: {  	s2 =	sadd.s32 $0x9E80, s30;
	v33 =	vld [tilespmem:s23+$0x0];
	s16 =	sor.u32 $0x300, s15  }
0x21e: {  	s5 =	sadd.s32 $0x9F00, s30;
	s22 =	sor.u32 s31, s2;
	v35 =	vld [tilespmem:s16+$0x7C80]  }
0x21f: {  	s14 =	sor.u32 s31, s5;
	v31 =	vld [tilespmem:s22+$0x0];
	v21 =	vmul.f32 v21, v5  }
0x220: {  	s9 =	sor.u32 $0xA000, s30;
	s17 =	sor.u32 $0x380, s15;
	v32 =	vld [tilespmem:s14+$0x0];
	v22 =	vmul.f32 v22, v7;
	v23 =	vmul.f32 v23, v14  }
0x221: {  	s24 =	sor.u32 s31, s9;
	v36 =	vld [tilespmem:s17+$0x7C80];
	v24 =	vmul.f32 v24, v16;
	v25 =	vmul.f32 v25, v17  }
0x222: {  	s13 =	sor.u32 $0x300, s13;
	v34 =	vld [tilespmem:s24+$0x0];
	v26 =	vmul.f32 v26, v19;
	v27 =	vmul.f32 v27, v9  }
0x223: {  	s12 =	sor.u32 s29, s12;
	v37 =	vld [tilespmem:s13+$0x7C80];
	v28 =	vmul.f32 v28, v10;
	v29 =	vmul.f32 v29, v11  }
0x224: {  	v38 =	vld [tilespmem:s12+$0x0];
	v30 =	vmul.f32 v30, v12;
	v33 =	vmul.f32 v33, v15  }
0x225: {  	v39 =	vld [tilespmem:s12+$0x80];
	v31 =	vmul.f32 v31, v6;
	v32 =	vmul.f32 v32, v13;
	v40 =	vadd.f32 v22, v21  }
0x226: {  	v41 =	vld [tilespmem:s12+$0x100];
	v23 =	vadd.f32 v24, v23;
	v24 =	vadd.f32 v26, v25;
	v22 =	vmul.f32 v35, v20  }
0x227: {  	v25 =	vld [tilespmem:s12+$0x180];
	v26 =	vmul.f32 v36, v8;
	v34 =	vmul.f32 v34, v18;
	v27 =	vadd.f32 v28, v27  }
0x228: {  	s18 =	sor.u32 s6, s0;
	v28 =	vld [tilespmem:s12+$0x200];
	v29 =	vadd.f32 v30, v29;
	v30 =	vadd.f32 v32, v31  }
0x229: {  	s11 =	sor.u32 s29, s11;
	s13 =	sor.u32 $0x380, s18;
	v59 =	vmul.f32 v38, v5;
	v31 =	vld [tilespmem:s12+$0x280];
	v26 =	vadd.f32 v26, v22;
	v33 =	vadd.f32 v34, v33  }
0x22a: {  	s4 =	sor.u32 s29, s4;
	s1 =	sor.u32 s29, s1;
	s3 =	sor.u32 s29, s3;
	v61 =	vmul.f32 v39, v7;
	v22 =	vld [tilespmem:s13+$0x7C80];
	v60 =	vadd.f32 v23, v40;
	v27 =	vadd.f32 v29, v27  }
0x22b: {  	s10 =	sor.u32 s29, s10;
	s21 =	sshll.u32 s25, $0xA;
	s22 =	sshll.u32 s25, $0x7;
	v62 =	vmul.f32 v41, v14;
	v23 =	vld [tilespmem:s11+$0x0];
	v29 =	vadd.f32 v26, v24;
	v33 =	vadd.f32 v33, v30  }
0x22c: {  	s23 =	sand.u32 $0x6000, s21;
	s16 =	sor.u32 s29, s2;
	s24 =	sand.u32 $0x380, s22;
	v21 =	vmul.f32 v37, v20;
	v63 =	vmul.f32 v25, v16;
	v25 =	vld [tilespmem:s4+$0x0]  }
0x22d: {  	s15 =	sor.u32 s29, s5;
	s14 =	sor.u32 s29, s9;
	s12 =	sor.u32 s24, s23;
	v26 =	vld [tilespmem:s1+$0x0];
	v30 =	vmul.f32 v28, v17;
	v28 =	vadd.f32 v29, v60;
	v29 =	vadd.f32 v33, v27  }
0x22e: {  	s28 =	sadd.s32 $0x14480, s12;
	v24 =	vadd.f32 v61, v59;
	s1 =	simm.s32 $0x0;
	v27 =	vld [tilespmem:s3+$0x0];
	s3 =	simm.s32 $0x0;
	v32 =	vmul.f32 v31, v19;
	v31 =	vadd.f32 v63, v62  }
.LBB2_21:
0x22f: {  	s0 =	sadd.s32 $0x20, s0;
	v22 =	vmul.f32 v22, v8;
	v33 =	vld [tilespmem:s16+$0x0];
	s2 =	sadd.s32 s30, s28;
	v28 =	vadd.f32 v29, v28;
	s3 =	sadd.s32 $0x100, s3  }
0x230: {  	s4 =	sand.u32 $0x60, s0;
	s30 =	sand.u32 $0x1C00, s3;
	v23 =	vmul.f32 v23, v9;
	v29 =	vld [tilespmem:s15+$0x0];
	v30 =	vadd.f32 v32, v30;
	v24 =	vadd.f32 v31, v24;
	s5 =	sadd.s32 s31, s2  }
0x231: {  	s12 =	sor.u32 s3, s0;
	s11 =	sadd.s32 $0x7C80, s30;
	s31 =	sor.u32 $0x10, s4;
	v25 =	vmul.f32 v25, v10;
	v31 =	vld [tilespmem:s10+$0x0];
	v21 =	vadd.f32 v22, v21;
	[tilespmem:s5+$0x0] =	vst v28  }
0x232: {  	s5 =	sor.u32 $0x380, s12;
	s9 =	sor.u32 s4, s11;
	s10 =	sor.u32 s31, s11;
	v22 =	vmul.f32 v26, v11;
	v26 =	vld [tilespmem:s14+$0x0]  }
0x233: {  	p0 =	slt.u32 s0, $0x3E0;
	s2 =	sadd.s32 s29, s2;
	s29 =	smov.u32 s4;
	v28 =	vld [tilespmem:s10+$0x0];
	v27 =	vmul.f32 v27, v12;
	v23 =	vadd.f32 v25, v23;
	v21 =	vadd.f32 v21, v30  }
0x234: {  	v25 =	vld [tilespmem:s10+$0x80];
	v30 =	vmul.f32 v33, v6  }
0x235: {  	v32 =	vld [tilespmem:s10+$0x100];
	v29 =	vmul.f32 v29, v13;
	v22 =	vadd.f32 v27, v22;
	v21 =	vadd.f32 v21, v24  }
0x236: {  	v24 =	vld [tilespmem:s10+$0x180];
	v27 =	vmul.f32 v31, v15  }
0x237: {  	s4 =	sadd.s32 $0x9C80, s30;
	v31 =	vld [tilespmem:s10+$0x200];
	v26 =	vmul.f32 v26, v18;
	v29 =	vadd.f32 v29, v30;
	v22 =	vadd.f32 v22, v23  }
0x238: {  	s13 =	sadd.s32 $0x9D00, s30;
	s11 =	sor.u32 s29, s4;
	s4 =	sor.u32 s31, s4;
	v23 =	vld [tilespmem:s10+$0x280]  }
0x239: {  	s12 =	sor.u32 s29, s13;
	s10 =	sadd.s32 $0x9D80, s30;
	v30 =	vld [tilespmem:s4+$0x0];
	s4 =	sor.u32 s31, s13;
	v26 =	vadd.f32 v26, v27  }
0x23a: {  	s14 =	sadd.s32 $0x9E00, s30;
	s13 =	sor.u32 s29, s10;
	v27 =	vld [tilespmem:s4+$0x0];
	s4 =	sor.u32 s31, s10  }
0x23b: {  	s1 =	sadd.s32 $0x1, s1;
	s10 =	sadd.s32 $0x9E80, s30;
	v33 =	vld [tilespmem:s4+$0x0];
	s4 =	sor.u32 s31, s14;
	v26 =	vadd.f32 v26, v29  }
0x23c: {  	s15 =	sand.u32 $0x3, s1;
	s17 =	sadd.s32 $0x9F00, s30;
	v29 =	vld [tilespmem:s4+$0x0];
	s4 =	sor.u32 s31, s10  }
0x23d: {  	s15 =	sshll.u32 s15, $0x5;
	s18 =	sadd.s32 $0x9F80, s30;
	v34 =	vld [tilespmem:s4+$0x0];
	s4 =	sor.u32 s31, s17;
	v22 =	vadd.f32 v26, v22  }
0x23e: {  	s21 =	sor.u32 $0xA000, s30;
	s15 =	sadd.s32 s15, s3;
	v26 =	vld [tilespmem:s4+$0x0];
	s4 =	sor.u32 s31, s18  }
0x23f: {  	s22 =	sor.u32 $0x300, s15;
	s23 =	sadd.s32 $0x10, s15;
	s15 =	sor.u32 s31, s21;
	v28 =	vmul.f32 v28, v5;
	v35 =	vld [tilespmem:s4+$0x0];
	v21 =	vadd.f32 v22, v21  }
0x240: {  	s16 =	sor.u32 s29, s10;
	s4 =	sor.u32 s29, s14;
	v22 =	vmul.f32 v25, v7;
	v25 =	vmul.f32 v32, v14;
	s14 =	sor.u32 $0x300, s23;
	v32 =	vld [tilespmem:s15+$0x0]  }
0x241: {  	v24 =	vmul.f32 v24, v16;
	s10 =	sor.u32 s29, s18;
	v31 =	vmul.f32 v31, v17;
	s15 =	sor.u32 s29, s17;
	s17 =	sor.u32 $0x380, s23;
	v36 =	vld [tilespmem:s14+$0x7C80];
	[tilespmem:s2+$0x0] =	vst v21  }
0x242: {  	v30 =	vmul.f32 v30, v9;
	s14 =	sor.u32 s29, s21;
	v21 =	vmul.f32 v23, v19;
	v23 =	vld [tilespmem:s17+$0x7C80]  }
0x243: {  	v27 =	vmul.f32 v27, v10;
	v33 =	vmul.f32 v33, v11;
	v37 =	vld [tilespmem:s22+$0x7C80]  }
0x244: {  	v29 =	vmul.f32 v29, v12;
	v34 =	vmul.f32 v34, v6;
	v38 =	vld [tilespmem:s9+$0x0]  }
0x245: {  	v28 =	vadd.f32 v22, v28;
	v26 =	vmul.f32 v26, v13;
	v35 =	vmul.f32 v35, v15;
	v39 =	vld [tilespmem:s9+$0x80]  }
0x246: {  	v24 =	vadd.f32 v24, v25;
	v25 =	vadd.f32 v21, v31;
	v22 =	vmul.f32 v32, v18;
	v40 =	vld [tilespmem:s9+$0x100]  }
0x247: {  	v27 =	vadd.f32 v27, v30;
	v32 =	vmul.f32 v36, v20;
	v31 =	vld [tilespmem:s9+$0x180];
	v23 =	vmul.f32 v23, v8  }
0x248: {  	v29 =	vadd.f32 v29, v33;
	v26 =	vadd.f32 v26, v34;
	v30 =	vld [tilespmem:s9+$0x200];
	v21 =	vmul.f32 v37, v20  }
0x249: {  	v35 =	vadd.f32 v22, v35;
	v33 =	vmul.f32 v38, v5;
	v34 =	vld [tilespmem:s9+$0x280];
	v32 =	vadd.f32 v23, v32  }
.Ltmp9:
0x24a: {  	v28 =	vadd.f32 v24, v28;
	v27 =	vadd.f32 v29, v27;
	v36 =	vmul.f32 v39, v7;
	v22 =	vld [tilespmem:s5+$0x7C80];
	(pc) =	sbr.rel @p0 .LBB2_21-.Ltmp9, $4  }
0x24b: {  	v37 =	vmul.f32 v40, v14;
	v23 =	vld [tilespmem:s11+$0x0];
	v29 =	vadd.f32 v32, v25;
	v32 =	vadd.f32 v35, v26  }
0x24c: {  	v31 =	vmul.f32 v31, v16;
	v25 =	vld [tilespmem:s12+$0x0];
	v24 =	vadd.f32 v36, v33  }
0x24d: {  	v30 =	vmul.f32 v30, v17;
	v26 =	vld [tilespmem:s13+$0x0];
	v28 =	vadd.f32 v29, v28;
	v29 =	vadd.f32 v32, v27  }
0x24e: {  	v32 =	vmul.f32 v34, v19;
	v27 =	vld [tilespmem:s4+$0x0];
	v31 =	vadd.f32 v31, v37  }
0x24f: {  	v5 =	vld [tilespmem:s16+$0x0]  }
0x250: {  	v7 =	vld [tilespmem:s15+$0x0]  }
0x251: {  	v14 =	vld [tilespmem:s10+$0x0]  }
0x252: {  	v16 =	vld [tilespmem:s14+$0x0]  }
0x253: {  	v8 =	vmul.f32 v22, v8  }
0x254: {  	v9 =	vmul.f32 v23, v9;
	v10 =	vmul.f32 v25, v10  }
0x255: {  	v11 =	vmul.f32 v26, v11;
	v12 =	vmul.f32 v27, v12  }
0x256: {  	v17 =	vadd.f32 v32, v30;
	v5 =	vmul.f32 v5, v6;
	v6 =	vmul.f32 v7, v13  }
0x257: {  	v7 =	vadd.f32 v8, v21;
	v8 =	vmul.f32 v14, v15;
	v13 =	vmul.f32 v16, v18  }
0x258: {  	v9 =	vadd.f32 v10, v9;
	v10 =	vadd.f32 v12, v11  }
0x259: {  	v5 =	vadd.f32 v6, v5;
	v6 =	vadd.f32 v13, v8  }
0x25a: {  	v8 =	vadd.f32 v31, v24;
	v7 =	vadd.f32 v7, v17  }
0x25b: {  	v9 =	vadd.f32 v10, v9;
	v5 =	vadd.f32 v6, v5;
	_ =	sdelay $0x1  }
0x25c: {  	v6 =	vadd.f32 v7, v8;
	v5 =	vadd.f32 v5, v9  }
0x25d: {  	s0 =	sadd.s32 s30, s28;
	v7 =	vadd.f32 v29, v28  }
0x25e: {  	s1 =	sadd.s32 s31, s0;
	v5 =	vadd.f32 v5, v6  }
0x25f: {  	s0 =	sadd.s32 s29, s0;
	[tilespmem:s1+$0x0] =	vst v7  }
0x260: {  	[tilespmem:s0+$0x0] =	vst v5  }
0x261: {  	v5 =	vld.msk [tilespmem:s26+$0x1010 ss:$0x0], $0xffff  }
0x262: {  	v6 =	vld.msk [tilespmem:s26+$0x1011 ss:$0x0], $0xffff  }
0x263: {  	v7 =	vld.msk [tilespmem:s26+$0x1012 ss:$0x0], $0xffff  }
0x264: {  	v8 =	vld.msk [tilespmem:s26+$0x1013 ss:$0x0], $0xffff  }
0x265: {  	v9 =	vld.msk [tilespmem:s26+$0x1014 ss:$0x0], $0xffff  }
0x266: {  	v10 =	vld.msk [tilespmem:s26+$0x1015 ss:$0x0], $0xffff  }
0x267: {  	v15 =	vld.msk [tilespmem:s26+$0x1016 ss:$0x0], $0xffff  }
0x268: {  	v16 =	vld.msk [tilespmem:s26+$0x1017 ss:$0x0], $0xffff  }
0x269: {  	v18 =	vld.msk [tilespmem:s26+$0x1018 ss:$0x0], $0xffff  }
0x26a: {  	v11 =	vld.msk [tilespmem:s26+$0x1019 ss:$0x0], $0xffff  }
0x26b: {  	v12 =	vld.msk [tilespmem:s26+$0x101A ss:$0x0], $0xffff  }
0x26c: {  	v13 =	vld.msk [tilespmem:s26+$0x101B ss:$0x0], $0xffff  }
0x26d: {  	s18 =	simm.s32 $0x0;
	s21 =	simm.s32 $0x0;
	v14 =	vld.msk [tilespmem:s26+$0x101C ss:$0x0], $0xffff  }
0x26e: {  	s1 =	sand.u32 $0x1C00, s18;
	s0 =	sand.u32 $0x60, s21;
	v17 =	vld.msk [tilespmem:s26+$0x101D ss:$0x0], $0xffff  }
0x26f: {  	s16 =	sadd.s32 $0xBC80, s1;
	v19 =	vld.msk [tilespmem:s26+$0x101E ss:$0x0], $0xffff;
	s3 =	sor.u32 $0x10, s0  }
0x270: {  	s17 =	sadd.s32 $0xBD00, s1;
	v20 =	vld.msk [tilespmem:s26+$0x101F ss:$0x0], $0xffff;
	s2 =	sor.u32 s3, s16  }
0x271: {  	s18 =	sadd.s32 $0xBD80, s1;
	s22 =	sor.u32 s3, s17;
	v21 =	vld [tilespmem:s2+$0x0]  }
0x272: {  	s21 =	sadd.s32 $0xBE00, s1;
	s23 =	sor.u32 s3, s18;
	v22 =	vld [tilespmem:s22+$0x0]  }
0x273: {  	s15 =	sadd.s32 $0xBF80, s1;
	s24 =	sor.u32 s3, s21;
	v23 =	vld [tilespmem:s23+$0x0]  }
0x274: {  	s14 =	sor.u32 $0xC000, s1;
	s6 =	sor.u32 s3, s15;
	v24 =	vld [tilespmem:s24+$0x0]  }
0x275: {  	s13 =	sadd.s32 $0xDC80, s1;
	s9 =	sor.u32 s3, s14;
	v27 =	vld [tilespmem:s6+$0x0]  }
0x276: {  	s10 =	sadd.s32 $0xDD00, s1;
	s11 =	sor.u32 s3, s13;
	v28 =	vld [tilespmem:s9+$0x0]  }
0x277: {  	s12 =	sor.u32 s3, s10;
	s22 =	sadd.s32 $0xBE80, s1;
	v29 =	vld [tilespmem:s11+$0x0]  }
0x278: {  	s23 =	sadd.s32 $0xBF00, s1;
	v30 =	vld [tilespmem:s12+$0x0];
	s4 =	sor.u32 s3, s22  }
0x279: {  	s2 =	sadd.s32 $0xDF80, s1;
	s5 =	sor.u32 s3, s23;
	v25 =	vld [tilespmem:s4+$0x0]  }
0x27a: {  	s11 =	sadd.s32 $0xDE00, s1;
	s6 =	sor.u32 s3, s2;
	v26 =	vld [tilespmem:s5+$0x0]  }
0x27b: {  	s5 =	sadd.s32 $0xDD80, s1;
	s4 =	sor.u32 s3, s11;
	v35 =	vld [tilespmem:s6+$0x0]  }
0x27c: {  	s9 =	sadd.s32 $0xDE80, s1;
	s24 =	sor.u32 s3, s5;
	v56 =	vld [tilespmem:s4+$0x0]  }
0x27d: {  	s12 =	sadd.s32 $0xDF00, s1;
	s4 =	sor.u32 s3, s9;
	v31 =	vld [tilespmem:s24+$0x0];
	v21 =	vmul.f32 v21, v5  }
0x27e: {  	v33 =	vld [tilespmem:s4+$0x0];
	s24 =	sor.u32 s3, s12;
	s4 =	sor.u32 $0xE000, s1;
	v22 =	vmul.f32 v22, v6;
	v23 =	vmul.f32 v23, v7  }
0x27f: {  	v24 =	vmul.f32 v24, v8;
	v34 =	vld [tilespmem:s24+$0x0];
	s6 =	sor.u32 s3, s4;
	v27 =	vmul.f32 v27, v15  }
0x280: {  	s16 =	sor.u32 s0, s16;
	v28 =	vmul.f32 v28, v16;
	v29 =	vmul.f32 v29, v18;
	v36 =	vld [tilespmem:s6+$0x0]  }
0x281: {  	s17 =	sor.u32 s0, s17;
	v37 =	vld [tilespmem:s16+$0x0];
	v30 =	vmul.f32 v30, v11;
	v25 =	vmul.f32 v25, v9  }
0x282: {  	s14 =	sor.u32 s0, s14;
	v38 =	vld [tilespmem:s17+$0x0];
	v26 =	vmul.f32 v26, v10;
	v35 =	vmul.f32 v35, v19  }
0x283: {  	v57 =	vld [tilespmem:s14+$0x0];
	s24 =	sor.u32 s0, s18;
	v21 =	vadd.f32 v22, v21;
	v22 =	vadd.f32 v24, v23;
	v32 =	vmul.f32 v56, v13  }
0x284: {  	s6 =	sor.u32 s0, s21;
	v39 =	vld [tilespmem:s24+$0x0];
	v31 =	vmul.f32 v31, v12;
	v33 =	vmul.f32 v33, v14;
	v25 =	vadd.f32 v26, v25  }
0x285: {  	s18 =	sor.u32 s0, s22;
	v40 =	vld [tilespmem:s6+$0x0];
	v26 =	vadd.f32 v28, v27;
	v34 =	vmul.f32 v34, v17;
	v24 =	vmul.f32 v36, v20  }
0x286: {  	s21 =	sor.u32 s0, s23;
	v23 =	vld [tilespmem:s18+$0x0];
	v28 =	vadd.f32 v30, v29;
	v29 =	vadd.f32 v32, v31  }
0x287: {  	s15 =	sor.u32 s0, s15;
	v27 =	vld [tilespmem:s21+$0x0];
	v31 =	vadd.f32 v34, v33;
	v24 =	vadd.f32 v24, v35  }
0x288: {  	s13 =	sor.u32 s0, s13;
	v30 =	vld [tilespmem:s15+$0x0];
	v21 =	vadd.f32 v22, v21;
	v22 =	vadd.f32 v26, v25  }
0x289: {  	s10 =	sor.u32 s0, s10;
	v25 =	vld [tilespmem:s13+$0x0];
	v26 =	vadd.f32 v29, v28;
	v24 =	vadd.f32 v24, v31  }
0x28a: {  	s5 =	sor.u32 s0, s5;
	v28 =	vld [tilespmem:s10+$0x0]  }
0x28b: {  	s4 =	sor.u32 s0, s4;
	v29 =	vld [tilespmem:s5+$0x0];
	v21 =	vadd.f32 v22, v21;
	v22 =	vadd.f32 v24, v26  }
0x28c: {  	s22 =	sor.u32 s0, s11;
	v31 =	vld [tilespmem:s4+$0x0]  }
0x28d: {  	s23 =	sor.u32 s0, s9;
	s9 =	sadd.s32 s1, s28;
	v24 =	vld [tilespmem:s22+$0x0];
	v21 =	vadd.f32 v22, v21  }
0x28e: {  	s30 =	simm.s32 $0x100;
	s29 =	simm.s32 $0x20;
	s1 =	sadd.s32 s3, s9;
	v26 =	vld [tilespmem:s23+$0x0]  }
0x28f: {  	s24 =	sor.u32 s0, s12;
	s5 =	sand.u32 $0x1C00, s30;
	[tilespmem:s1+$0x0] =	vst.add.f32.msk $0xffff, v21;
	s1 =	sand.u32 $0x60, s29  }
0x290: {  	s2 =	sor.u32 s0, s2;
	s23 =	sadd.s32 $0xBC80, s5;
	v22 =	vld [tilespmem:s24+$0x0];
	s3 =	sor.u32 $0x10, s1  }
0x291: {  	s22 =	sadd.s32 $0xBD00, s5;
	v21 =	vld [tilespmem:s2+$0x0];
	s6 =	sor.u32 s3, s23  }
0x292: {  	s4 =	sadd.s32 $0xBD80, s5;
	s10 =	sor.u32 s3, s22;
	v58 =	vld [tilespmem:s6+$0x0]  }
0x293: {  	v61 =	vmul.f32 v37, v5;
	v62 =	vmul.f32 v38, v6;
	s15 =	sadd.s32 $0xBE00, s5;
	s11 =	sor.u32 s3, s4;
	v59 =	vld [tilespmem:s10+$0x0]  }
0x294: {  	v25 =	vmul.f32 v25, v18;
	v28 =	vmul.f32 v28, v11;
	s2 =	sadd.s32 $0xDD80, s5;
	s12 =	sor.u32 s3, s15;
	v60 =	vld [tilespmem:s11+$0x0]  }
0x295: {  	v39 =	vmul.f32 v39, v7;
	v32 =	vmul.f32 v57, v16;
	s24 =	sor.u32 s3, s2;
	s10 =	sadd.s32 $0xBE80, s5;
	v63 =	vld [tilespmem:s12+$0x0]  }
0x296: {  	v40 =	vmul.f32 v40, v8;
	v23 =	vmul.f32 v23, v9;
	v25 =	vadd.f32 v28, v25;
	s11 =	sadd.s32 $0xBF00, s5;
	v28 =	vld [tilespmem:s24+$0x0];
	s13 =	sor.u32 s3, s10  }
0x297: {  	v27 =	vmul.f32 v27, v10;
	v30 =	vmul.f32 v30, v15;
	s12 =	sadd.s32 $0xBF80, s5;
	s14 =	sor.u32 s3, s11;
	v41 =	vld [tilespmem:s13+$0x0]  }
0x298: {  	v36 =	vadd.f32 v62, v61;
	v44 =	vadd.f32 v40, v39;
	s16 =	sor.u32 s3, s12;
	s13 =	sor.u32 $0xC000, s5;
	v42 =	vld [tilespmem:s14+$0x0]  }
0x299: {  	v23 =	vadd.f32 v27, v23;
	v30 =	vadd.f32 v32, v30;
	s14 =	sadd.s32 $0xDC80, s5;
	v45 =	vld [tilespmem:s16+$0x0];
	s17 =	sor.u32 s3, s13  }
0x29a: {  	v36 =	vadd.f32 v44, v36;
	s16 =	sadd.s32 $0xDD00, s5;
	s18 =	sor.u32 s3, s14;
	v27 =	vld [tilespmem:s17+$0x0]  }
0x29b: {  	v29 =	vmul.f32 v29, v12;
	v23 =	vadd.f32 v30, v23;
	v24 =	vmul.f32 v24, v13;
	s21 =	sor.u32 s3, s16;
	v46 =	vld [tilespmem:s18+$0x0];
	s17 =	sadd.s32 $0xDE00, s5  }
0x29c: {  	v26 =	vmul.f32 v26, v14;
	v22 =	vmul.f32 v22, v17;
	v47 =	vld [tilespmem:s21+$0x0];
	s18 =	sadd.s32 $0xDE80, s5;
	s6 =	sor.u32 s3, s17  }
0x29d: {  	v30 =	vmul.f32 v31, v20;
	v23 =	vadd.f32 v23, v36;
	v21 =	vmul.f32 v21, v19;
	s21 =	sadd.s32 $0xDF00, s5;
	s31 =	sor.u32 s3, s18;
	v31 =	vld [tilespmem:s6+$0x0]  }
0x29e: {  	v24 =	vadd.f32 v24, v29;
	s24 =	sadd.s32 $0xDF80, s5;
	v22 =	vadd.f32 v22, v26;
	v26 =	vmul.f32 v58, v5;
	v29 =	vld [tilespmem:s31+$0x0];
	s6 =	sor.u32 s3, s21  }
0x29f: {  	v21 =	vadd.f32 v30, v21;
	v30 =	vmul.f32 v59, v6;
	v48 =	vmul.f32 v60, v7;
	s31 =	sor.u32 $0xE000, s5;
	v49 =	vld [tilespmem:s6+$0x0];
	s6 =	sor.u32 s3, s24  }
0x2a0: {  	v24 =	vadd.f32 v24, v25;
	v25 =	vmul.f32 v63, v8;
	v28 =	vmul.f32 v28, v12;
	v51 =	vld [tilespmem:s6+$0x0];
	s6 =	sor.u32 s3, s31  }
0x2a1: {  	s23 =	sor.u32 s1, s23;
	v21 =	vadd.f32 v21, v22;
	v50 =	vmul.f32 v41, v9;
	v22 =	vmul.f32 v42, v10;
	v52 =	vld [tilespmem:s6+$0x0]  }
0x2a2: {  	s22 =	sor.u32 s1, s22;
	v53 =	vld [tilespmem:s23+$0x0];
	v39 =	vmul.f32 v45, v15;
	v26 =	vadd.f32 v30, v26;
	v25 =	vadd.f32 v25, v48  }
0x2a3: {  	s4 =	sor.u32 s1, s4;
	v54 =	vld [tilespmem:s22+$0x0];
	v21 =	vadd.f32 v21, v24;
	v27 =	vmul.f32 v27, v16;
	v37 =	vmul.f32 v46, v18  }
0x2a4: {  	s23 =	sor.u32 s1, s15;
	v55 =	vld [tilespmem:s4+$0x0];
	v24 =	vmul.f32 v47, v11;
	v22 =	vadd.f32 v22, v50;
	v31 =	vmul.f32 v31, v13  }
0x2a5: {  	s10 =	sor.u32 s1, s10;
	v56 =	vld [tilespmem:s23+$0x0];
	v21 =	vadd.f32 v21, v23;
	v29 =	vmul.f32 v29, v14;
	v23 =	vmul.f32 v49, v17  }
0x2a6: {  	s11 =	sor.u32 s1, s11;
	v30 =	vld [tilespmem:s10+$0x0];
	v27 =	vadd.f32 v27, v39;
	v38 =	vmul.f32 v51, v19;
	v57 =	vmul.f32 v52, v20  }
0x2a7: {  	s13 =	sor.u32 s1, s13;
	v59 =	vld [tilespmem:s11+$0x0];
	v24 =	vadd.f32 v24, v37;
	v28 =	vadd.f32 v31, v28  }
0x2a8: {  	s12 =	sor.u32 s1, s12;
	v62 =	vld [tilespmem:s13+$0x0];
	v58 =	vmul.f32 v53, v5;
	v23 =	vadd.f32 v23, v29;
	v29 =	vadd.f32 v57, v38  }
0x2a9: {  	s15 =	sor.u32 s1, s14;
	v60 =	vld [tilespmem:s12+$0x0];
	v25 =	vadd.f32 v25, v26;
	v31 =	vmul.f32 v54, v6;
	v22 =	vadd.f32 v27, v22  }
0x2aa: {  	s16 =	sor.u32 s1, s16;
	v61 =	vmul.f32 v55, v7;
	v63 =	vld [tilespmem:s15+$0x0];
	v26 =	vadd.f32 v28, v24;
	v28 =	vadd.f32 v29, v23  }
0x2ab: {  	s2 =	sor.u32 s1, s2;
	v30 =	vmul.f32 v30, v9;
	v27 =	vmul.f32 v56, v8;
	v24 =	vld [tilespmem:s16+$0x0];
	v35 =	vadd.f32 v31, v58  }
0x2ac: {  	s17 =	sor.u32 s1, s17;
	v31 =	vmul.f32 v59, v10;
	v22 =	vadd.f32 v22, v25;
	v23 =	vld [tilespmem:s2+$0x0];
	v28 =	vadd.f32 v28, v26  }
0x2ad: {  	s9 =	sadd.s32 s0, s9;
	s22 =	sor.u32 s1, s18;
	v32 =	vmul.f32 v62, v16;
	v33 =	vadd.f32 v27, v61;
	v26 =	vld [tilespmem:s17+$0x0]  }
0x2ae: {  	s23 =	sor.u32 s1, s21;
	s10 =	sor.u32 s1, s24;
	s24 =	sadd.s32 s5, s28;
	v27 =	vld [tilespmem:s22+$0x0];
	v25 =	vadd.f32 v31, v30;
	v29 =	vmul.f32 v60, v15;
	v31 =	vadd.f32 v28, v22  }
0x2af: {  	s31 =	sor.u32 s1, s31;
	s5 =	sadd.s32 s1, s24;
	s0 =	sadd.s32 s3, s24;
	v30 =	vmul.f32 v63, v18;
	v28 =	vld [tilespmem:s23+$0x0];
	v22 =	vadd.f32 v33, v35  }
.LBB2_23:
0x2b0: {  	s29 =	sadd.s32 $0x20, s29;
	v24 =	vmul.f32 v24, v11;
	v29 =	vadd.f32 v32, v29;
	[tilespmem:s0+$0x0] =	vst.add.f32.msk $0xffff, v31;
	s30 =	sadd.s32 $0x100, s30  }
0x2b1: {  	s0 =	sand.u32 $0x60, s29;
	s3 =	sand.u32 $0x1C00, s30;
	p0 =	slt.u32 s29, $0x3E0;
	v23 =	vmul.f32 v23, v12;
	v31 =	vld [tilespmem:s10+$0x0]  }
0x2b2: {  	s2 =	sadd.s32 $0xBC80, s3;
	s1 =	sor.u32 $0x10, s0;
	v26 =	vmul.f32 v26, v13;
	v32 =	vld [tilespmem:s31+$0x0];
	v24 =	vadd.f32 v24, v30;
	v25 =	vadd.f32 v29, v25  }
0x2b3: {  	s4 =	sadd.s32 $0xBD00, s3;
	s11 =	sor.u32 s0, s2;
	s2 =	sor.u32 s1, s2;
	v27 =	vmul.f32 v27, v14;
	[tilespmem:s9+$0x0] =	vst.add.f32.msk $0xffff, v21  }
0x2b4: {  	s6 =	sadd.s32 $0xBD80, s3;
	s12 =	sor.u32 s0, s4;
	v29 =	vld [tilespmem:s2+$0x0];
	s2 =	sor.u32 s1, s4;
	v21 =	vmul.f32 v28, v17;
	v23 =	vadd.f32 v26, v23;
	v22 =	vadd.f32 v25, v22  }
0x2b5: {  	s13 =	sor.u32 s0, s6;
	s4 =	sadd.s32 $0xBE00, s3;
	v25 =	vld [tilespmem:s2+$0x0];
	s2 =	sor.u32 s1, s6  }
0x2b6: {  	s14 =	sor.u32 s0, s4;
	s6 =	sadd.s32 $0xBE80, s3;
	v26 =	vld [tilespmem:s2+$0x0];
	s2 =	sor.u32 s1, s4;
	v28 =	vmul.f32 v31, v19;
	v21 =	vadd.f32 v21, v27;
	v23 =	vadd.f32 v23, v24  }
0x2b7: {  	s15 =	sor.u32 s0, s6;
	s4 =	sadd.s32 $0xBF00, s3;
	v24 =	vld [tilespmem:s2+$0x0];
	s2 =	sor.u32 s1, s6;
	v27 =	vmul.f32 v32, v20  }
0x2b8: {  	s16 =	sor.u32 s0, s4;
	s6 =	sadd.s32 $0xBF80, s3;
	v30 =	vld [tilespmem:s2+$0x0];
	s2 =	sor.u32 s1, s4  }
0x2b9: {  	s17 =	sor.u32 s0, s6;
	s4 =	sor.u32 $0xC000, s3;
	v31 =	vld [tilespmem:s2+$0x0];
	s2 =	sor.u32 s1, s6;
	v27 =	vadd.f32 v27, v28  }
0x2ba: {  	s18 =	sor.u32 s0, s4;
	s6 =	sadd.s32 $0xDC80, s3;
	v28 =	vld [tilespmem:s2+$0x0];
	s2 =	sor.u32 s1, s4  }
0x2bb: {  	s21 =	sor.u32 s0, s6;
	s4 =	sadd.s32 $0xDD00, s3;
	v32 =	vld [tilespmem:s2+$0x0];
	s2 =	sor.u32 s1, s6;
	v21 =	vadd.f32 v27, v21  }
0x2bc: {  	s22 =	sor.u32 s0, s4;
	s6 =	sadd.s32 $0xDD80, s3;
	v27 =	vld [tilespmem:s2+$0x0];
	s2 =	sor.u32 s1, s4  }
0x2bd: {  	s23 =	sor.u32 s0, s6;
	s4 =	sadd.s32 $0xDE00, s3;
	v33 =	vld [tilespmem:s2+$0x0];
	s2 =	sor.u32 s1, s6;
	v21 =	vadd.f32 v21, v23  }
0x2be: {  	s24 =	sor.u32 s0, s4;
	s6 =	sadd.s32 $0xDE80, s3;
	s4 =	sor.u32 s1, s4;
	v23 =	vld [tilespmem:s2+$0x0]  }
0x2bf: {  	s9 =	sadd.s32 $0xDF00, s3;
	s2 =	sor.u32 s0, s6;
	s6 =	sor.u32 s1, s6;
	v34 =	vld [tilespmem:s4+$0x0];
	v21 =	vadd.f32 v21, v22  }
0x2c0: {  	s31 =	sadd.s32 $0xDF80, s3;
	v25 =	vmul.f32 v25, v6;
	s4 =	sor.u32 s0, s9;
	v22 =	vmul.f32 v29, v5;
	v29 =	vld [tilespmem:s6+$0x0];
	s6 =	sor.u32 s1, s9  }
0x2c1: {  	s10 =	sor.u32 s0, s31;
	v26 =	vmul.f32 v26, v7;
	v24 =	vmul.f32 v24, v8;
	s9 =	sor.u32 $0xE000, s3;
	v35 =	vld [tilespmem:s6+$0x0];
	s6 =	sor.u32 s1, s31  }
0x2c2: {  	v30 =	vmul.f32 v30, v9;
	v31 =	vmul.f32 v31, v10;
	s31 =	sor.u32 s0, s9;
	v36 =	vld [tilespmem:s6+$0x0];
	s6 =	sor.u32 s1, s9;
	s9 =	smov.u32 s5  }
0x2c3: {  	v28 =	vmul.f32 v28, v15;
	v32 =	vmul.f32 v32, v16;
	v37 =	vld [tilespmem:s6+$0x0]  }
0x2c4: {  	v27 =	vmul.f32 v27, v18;
	v33 =	vmul.f32 v33, v11;
	v38 =	vld [tilespmem:s11+$0x0]  }
0x2c5: {  	v23 =	vmul.f32 v23, v12;
	v34 =	vmul.f32 v34, v13;
	v39 =	vld [tilespmem:s12+$0x0]  }
0x2c6: {  	v29 =	vmul.f32 v29, v14;
	v40 =	vld [tilespmem:s13+$0x0];
	v35 =	vmul.f32 v35, v17  }
0x2c7: {  	v24 =	vadd.f32 v24, v26;
	v22 =	vadd.f32 v25, v22;
	v41 =	vld [tilespmem:s14+$0x0];
	v36 =	vmul.f32 v36, v19  }
0x2c8: {  	v30 =	vadd.f32 v31, v30;
	v28 =	vadd.f32 v32, v28;
	v25 =	vld [tilespmem:s15+$0x0];
	v26 =	vmul.f32 v37, v20  }
0x2c9: {  	v27 =	vadd.f32 v33, v27;
	v23 =	vadd.f32 v34, v23;
	v31 =	vmul.f32 v38, v5;
	v32 =	vld [tilespmem:s16+$0x0]  }
0x2ca: {  	v29 =	vadd.f32 v35, v29;
	v33 =	vmul.f32 v39, v6;
	v34 =	vld [tilespmem:s17+$0x0];
	v26 =	vadd.f32 v26, v36  }
0x2cb: {  	v22 =	vadd.f32 v24, v22;
	v28 =	vadd.f32 v28, v30;
	v35 =	vmul.f32 v40, v7;
	v36 =	vld [tilespmem:s18+$0x0]  }
0x2cc: {  	v27 =	vadd.f32 v23, v27;
	v30 =	vmul.f32 v41, v8;
	v37 =	vld [tilespmem:s21+$0x0];
	v26 =	vadd.f32 v26, v29  }
.Ltmp10:
0x2cd: {  	v33 =	vadd.f32 v33, v31;
	v25 =	vmul.f32 v25, v9;
	v24 =	vld [tilespmem:s22+$0x0];
	(pc) =	sbr.rel @p0 .LBB2_23-.Ltmp10, $4  }
0x2ce: {  	v22 =	vadd.f32 v28, v22;
	v31 =	vmul.f32 v32, v10;
	v23 =	vld [tilespmem:s23+$0x0];
	v28 =	vadd.f32 v26, v27  }
0x2cf: {  	v29 =	vmul.f32 v34, v15;
	v26 =	vld [tilespmem:s24+$0x0];
	v34 =	vadd.f32 v30, v35  }
0x2d0: {  	v32 =	vmul.f32 v36, v16;
	v27 =	vld [tilespmem:s2+$0x0];
	v25 =	vadd.f32 v31, v25;
	s2 =	sadd.s32 s3, s28;
	v31 =	vadd.f32 v28, v22  }
0x2d1: {  	v30 =	vmul.f32 v37, v18;
	v28 =	vld [tilespmem:s4+$0x0];
	v22 =	vadd.f32 v34, v33;
	s5 =	sadd.s32 s0, s2;
	s0 =	sadd.s32 s1, s2  }
0x2d2: {  	v5 =	vld [tilespmem:s10+$0x0]  }
0x2d3: {  	v6 =	vld [tilespmem:s31+$0x0];
	_ =	sdelay $0x1  }
0x2d4: {  	v7 =	vmul.f32 v24, v11  }
0x2d5: {  	v8 =	vmul.f32 v23, v12;
	v9 =	vmul.f32 v26, v13  }
0x2d6: {  	v10 =	vmul.f32 v27, v14;
	v11 =	vmul.f32 v28, v17  }
0x2d7: {  	v12 =	vadd.f32 v32, v29;
	v5 =	vmul.f32 v5, v19;
	v6 =	vmul.f32 v6, v20  }
0x2d8: {  	v7 =	vadd.f32 v7, v30;
	v8 =	vadd.f32 v9, v8  }
0x2d9: {  	v9 =	vadd.f32 v11, v10;
	v5 =	vadd.f32 v6, v5  }
0x2da: {  	v7 =	vadd.f32 v8, v7  }
0x2db: {  	v6 =	vadd.f32 v12, v25;
	v5 =	vadd.f32 v5, v9;
	_ =	sdelay $0x1  }
0x2dc: {  	v6 =	vadd.f32 v6, v22;
	v5 =	vadd.f32 v5, v7;
	_ =	sdelay $0x1  }
0x2dd: {  	[tilespmem:s0+$0x0] =	vst.add.f32.msk $0xffff, v31;
	s25 =	sadd.s32 $0x1, s25;
	v5 =	vadd.f32 v5, v6  }
0x2de: {  	[tilespmem:s9+$0x0] =	vst.add.f32.msk $0xffff, v21;
	s18 =	sshll.u32 s25, $0x7  }
0x2df: {  	s29 =	sand.u32 $0x3FFFFF80, s18;
	[tilespmem:s5+$0x0] =	vst.add.f32.msk $0xffff, v5  }
0x2e0: {  	v5 =	vld [tilespmem:s29+$0x0];
	_ =	sdelay $0x4  }
0x2e1: {  	v6 =	vshll.u32 v5, $0x3  }
0x2e2: {  	v5 =	vand.u32 $0x7, v5;
	v6 =	vand.u32 $0xFFFFFFC0, v6  }
0x2e3: {  	v5 =	vor.u32 v5, v6  }
0x2e4: {  	v6 =	vperm.xlane v5, v0;
	_ =	sdelay $0x1  }
0x2e5: {  	v6 =	vadd.s32 v1, v6;
	_ =	sdelay $0x3  }
0x2e6: {  	s2 =	simm.s32 $0x0;
	s22 =	rddreg [dreg:$0x2];
	s21 =	simm.s32 $0x7C80  }
0x2e7: {  	[tilespmem:s21], [sflag:$0x1] =	stream.indirect_vreg.gather [hbm4b:s22+s2], $0x80, v6, vm0, $0xb8;
	[tilespmem:$0x1D480] =	vst v63  }
0x2e8: {  	s1 =	simm.s32 $0x8480;
	s23 =	rddreg [dreg:$0x7];
	v5 =	vperm.xlane v5, v2  }
0x2e9: {  	[tilespmem:s1], [sflag:$0x1] =	stream.indirect_vreg.gather [hbm4b:s23+s2], $0x80, v6, vm0, $0xb8;
	[tilespmem:$0x1D480] =	vst v63  }
0x2ea: {  	s24 =	simm.s32 $0x8C80;
	v5 =	vadd.s32 v1, v5  }
0x2eb: {  	[tilespmem:s24], [sflag:$0x1] =	stream.indirect_vreg.gather [hbm4b:s7+s2], $0x80, v6, vm0, $0xb8;
	[tilespmem:$0x1D480] =	vst v63  }
0x2ec: {  	s3 =	simm.s32 $0x9480  }
0x2ed: {  	[tilespmem:s3], [sflag:$0x1] =	stream.indirect_vreg.gather [hbm4b:s8+s2], $0x80, v6, vm0, $0xb8;
	[tilespmem:$0x1D480] =	vst v63  }
0x2ee: {  	s4 =	simm.s32 $0x9C80  }
0x2ef: {  	[tilespmem:s4], [sflag:$0x1] =	stream.indirect_vreg.gather [hbm4b:s22+s2], $0x80, v5, vm0, $0xb8;
	[tilespmem:$0x1D480] =	vst v63  }
0x2f0: {  	s5 =	simm.s32 $0xA480  }
0x2f1: {  	[tilespmem:s5], [sflag:$0x1] =	stream.indirect_vreg.gather [hbm4b:s23+s2], $0x80, v5, vm0, $0xb8;
	[tilespmem:$0x1D480] =	vst v63  }
0x2f2: {  	s6 =	simm.s32 $0xAC80  }
0x2f3: {  	[tilespmem:s6], [sflag:$0x1] =	stream.indirect_vreg.gather [hbm4b:s7+s2], $0x80, v5, vm0, $0xb8;
	[tilespmem:$0x1D480] =	vst v63  }
0x2f4: {  	s9 =	simm.s32 $0xB480  }
0x2f5: {  	[tilespmem:s9], [sflag:$0x1] =	stream.indirect_vreg.gather [hbm4b:s8+s2], $0x80, v5, vm0, $0xb8;
	[tilespmem:$0x1D480] =	vst v63  }
0x2f6: {  	v5 =	vld [tilespmem:s29+$0x10];
	_ =	sdelay $0x4  }
0x2f7: {  	v6 =	vshll.u32 v5, $0x3  }
0x2f8: {  	v5 =	vand.u32 $0x7, v5;
	v6 =	vand.u32 $0xFFFFFFC0, v6  }
0x2f9: {  	v5 =	vor.u32 v5, v6  }
0x2fa: {  	v6 =	vperm.xlane v5, v0;
	_ =	sdelay $0x1  }
0x2fb: {  	v6 =	vadd.s32 v1, v6;
	_ =	sdelay $0x3  }
0x2fc: {  	s10 =	simm.s32 $0xBC80  }
0x2fd: {  	[tilespmem:s10], [sflag:$0x1] =	stream.indirect_vreg.gather [hbm4b:s22+s2], $0x80, v6, vm0, $0xb8;
	[tilespmem:$0x1D480] =	vst v63  }
0x2fe: {  	s11 =	simm.s32 $0xC480;
	v5 =	vperm.xlane v5, v2  }
0x2ff: {  	[tilespmem:s11], [sflag:$0x1] =	stream.indirect_vreg.gather [hbm4b:s23+s2], $0x80, v6, vm0, $0xb8;
	[tilespmem:$0x1D480] =	vst v63  }
0x300: {  	s12 =	simm.s32 $0xCC80;
	v5 =	vadd.s32 v1, v5  }
0x301: {  	[tilespmem:s12], [sflag:$0x1] =	stream.indirect_vreg.gather [hbm4b:s7+s2], $0x80, v6, vm0, $0xb8;
	[tilespmem:$0x1D480] =	vst v63  }
0x302: {  	s13 =	simm.s32 $0xD480  }
0x303: {  	[tilespmem:s13], [sflag:$0x1] =	stream.indirect_vreg.gather [hbm4b:s8+s2], $0x80, v6, vm0, $0xb8;
	[tilespmem:$0x1D480] =	vst v63  }
0x304: {  	s14 =	simm.s32 $0xDC80  }
0x305: {  	[tilespmem:s14], [sflag:$0x1] =	stream.indirect_vreg.gather [hbm4b:s22+s2], $0x80, v5, vm0, $0xb8;
	[tilespmem:$0x1D480] =	vst v63  }
0x306: {  	s15 =	simm.s32 $0xE480  }
0x307: {  	[tilespmem:s15], [sflag:$0x1] =	stream.indirect_vreg.gather [hbm4b:s23+s2], $0x80, v5, vm0, $0xb8;
	[tilespmem:$0x1D480] =	vst v63  }
0x308: {  	s16 =	simm.s32 $0xEC80  }
0x309: {  	[tilespmem:s16], [sflag:$0x1] =	stream.indirect_vreg.gather [hbm4b:s7+s2], $0x80, v5, vm0, $0xb8;
	[tilespmem:$0x1D480] =	vst v63  }
0x30a: {  	s17 =	simm.s32 $0xF480;
	s18 =	simm.s32 $0x2  }
0x30b: {  	[tilespmem:s17], [sflag:$0x1] =	stream.indirect_vreg.gather [hbm4b:s8+s2], $0x80, v5, vm0, $0xb8;
	[tilespmem:$0x1D480] =	vst v63  }
0x30c: {  	_ =	swait.ge [sflag:s18], $0x4000  }
0x30d: {  	[sflag:s18] =	ssyncset.done $0x0  }
0x30e: {  	[sflag:s18] =	ssyncadd.s32 $0xFFFFC000  }
0x30f: {  	v5 =	vld.msk [tilespmem:s26+$0x1020 ss:$0x0], $0xffff  }
0x310: {  	v6 =	vld.msk [tilespmem:s26+$0x1021 ss:$0x0], $0xffff  }
0x311: {  	v7 =	vld.msk [tilespmem:s26+$0x1022 ss:$0x0], $0xffff  }
0x312: {  	v8 =	vld.msk [tilespmem:s26+$0x1023 ss:$0x0], $0xffff  }
0x313: {  	v9 =	vld.msk [tilespmem:s26+$0x1024 ss:$0x0], $0xffff  }
0x314: {  	v10 =	vld.msk [tilespmem:s26+$0x1025 ss:$0x0], $0xffff  }
0x315: {  	v11 =	vld.msk [tilespmem:s26+$0x1026 ss:$0x0], $0xffff  }
0x316: {  	v12 =	vld.msk [tilespmem:s26+$0x1027 ss:$0x0], $0xffff  }
0x317: {  	v17 =	vld.msk [tilespmem:s26+$0x1028 ss:$0x0], $0xffff  }
0x318: {  	v19 =	vld.msk [tilespmem:s26+$0x1029 ss:$0x0], $0xffff  }
0x319: {  	v13 =	vld.msk [tilespmem:s26+$0x102A ss:$0x0], $0xffff  }
0x31a: {  	v14 =	vld.msk [tilespmem:s26+$0x102B ss:$0x0], $0xffff  }
0x31b: {  	v15 =	vld.msk [tilespmem:s26+$0x102C ss:$0x0], $0xffff  }
0x31c: {  	s21 =	simm.s32 $0x0;
	v16 =	vld.msk [tilespmem:s26+$0x102D ss:$0x0], $0xffff  }
0x31d: {  	s0 =	sand.u32 $0x1C00, s2;
	s1 =	sor.u32 s2, s21;
	s3 =	sand.u32 $0x60, s21;
	v18 =	vld.msk [tilespmem:s26+$0x102E ss:$0x0], $0xffff  }
0x31e: {  	s4 =	sor.u32 $0x380, s1;
	s1 =	sor.u32 $0x10, s3;
	s6 =	sadd.s32 $0xFC80, s0;
	v20 =	vld.msk [tilespmem:s26+$0x102F ss:$0x0], $0xffff  }
0x31f: {  	s23 =	sor.u32 s1, s6;
	v21 =	vld [tilespmem:s4+$0xFC80]  }
0x320: {  	v22 =	vld [tilespmem:s23+$0x0]  }
0x321: {  	v23 =	vld [tilespmem:s23+$0x80]  }
0x322: {  	v24 =	vld [tilespmem:s23+$0x100]  }
0x323: {  	v25 =	vld [tilespmem:s23+$0x180]  }
0x324: {  	s12 =	sadd.s32 $0x11C80, s0;
	v26 =	vld [tilespmem:s23+$0x200]  }
0x325: {  	s24 =	sadd.s32 $0x11D00, s0;
	s14 =	sor.u32 s1, s12;
	v27 =	vld [tilespmem:s23+$0x280]  }
0x326: {  	s5 =	sadd.s32 $0x11D80, s0;
	s15 =	sor.u32 s1, s24;
	v28 =	vld [tilespmem:s14+$0x0]  }
0x327: {  	s11 =	sor.u32 s1, s5;
	s13 =	sand.u32 $0x3, s2;
	s2 =	sadd.s32 $0x11F00, s0;
	v29 =	vld [tilespmem:s15+$0x0]  }
0x328: {  	s9 =	sadd.s32 $0x11E80, s0;
	s17 =	sor.u32 s1, s2;
	v30 =	vld [tilespmem:s11+$0x0]  }
0x329: {  	s4 =	sadd.s32 $0x11E00, s0;
	s14 =	sor.u32 s1, s9;
	v33 =	vld [tilespmem:s17+$0x0]  }
0x32a: {  	s13 =	sshll.u32 s13, $0x5;
	s11 =	sadd.s32 $0x11F80, s0;
	s16 =	sor.u32 s1, s4;
	v53 =	vld [tilespmem:s14+$0x0]  }
0x32b: {  	s13 =	sadd.s32 $0x0, s13;
	s15 =	sor.u32 $0x12000, s0;
	s18 =	sor.u32 s1, s11;
	v31 =	vld [tilespmem:s16+$0x0]  }
0x32c: {  	s21 =	sor.u32 s1, s15;
	s16 =	sadd.s32 $0x10, s13;
	v34 =	vld [tilespmem:s18+$0x0];
	v22 =	vmul.f32 v22, v5  }
0x32d: {  	v35 =	vld [tilespmem:s21+$0x0];
	s17 =	sor.u32 $0x300, s16;
	v23 =	vmul.f32 v23, v6;
	v24 =	vmul.f32 v24, v7  }
0x32e: {  	s23 =	sor.u32 $0x380, s16;
	v36 =	vld [tilespmem:s17+$0xFC80];
	v25 =	vmul.f32 v25, v8;
	v26 =	vmul.f32 v26, v9  }
0x32f: {  	s6 =	sor.u32 s3, s6;
	v37 =	vld [tilespmem:s23+$0xFC80];
	v27 =	vmul.f32 v27, v10;
	v28 =	vmul.f32 v28, v17  }
0x330: {  	v39 =	vld [tilespmem:s6+$0x0];
	v29 =	vmul.f32 v29, v19;
	v30 =	vmul.f32 v30, v13  }
0x331: {  	v40 =	vld [tilespmem:s6+$0x80];
	v33 =	vmul.f32 v33, v16;
	v32 =	vmul.f32 v53, v15  }
0x332: {  	s12 =	sor.u32 s3, s12;
	v55 =	vld [tilespmem:s6+$0x280];
	v31 =	vmul.f32 v31, v14;
	v34 =	vmul.f32 v34, v18;
	v22 =	vadd.f32 v23, v22  }
0x333: {  	v57 =	vld [tilespmem:s12+$0x0];
	s13 =	sor.u32 $0x300, s13;
	v35 =	vmul.f32 v35, v20;
	v24 =	vadd.f32 v25, v24;
	v25 =	vadd.f32 v27, v26  }
0x334: {  	v38 =	vld [tilespmem:s13+$0xFC80];
	v28 =	vadd.f32 v29, v28;
	v27 =	vmul.f32 v36, v11;
	v54 =	vmul.f32 v37, v12  }
0x335: {  	v23 =	vld [tilespmem:s6+$0x100];
	v30 =	vadd.f32 v31, v30;
	v31 =	vadd.f32 v33, v32  }
0x336: {  	v26 =	vld [tilespmem:s6+$0x180];
	v56 =	vadd.f32 v35, v34;
	v27 =	vadd.f32 v54, v27  }
0x337: {  	s24 =	sor.u32 s3, s24;
	v29 =	vld [tilespmem:s6+$0x200];
	v22 =	vadd.f32 v24, v22;
	v24 =	vadd.f32 v30, v28  }
0x338: {  	s5 =	sor.u32 s3, s5;
	v28 =	vld [tilespmem:s24+$0x0];
	v25 =	vadd.f32 v27, v25;
	v27 =	vadd.f32 v56, v31  }
0x339: {  	s4 =	sor.u32 s3, s4;
	v30 =	vld [tilespmem:s5+$0x0]  }
0x33a: {  	s9 =	sor.u32 s3, s9;
	v31 =	vld [tilespmem:s4+$0x0];
	v22 =	vadd.f32 v25, v22;
	v24 =	vadd.f32 v27, v24  }
0x33b: {  	s30 =	simm.s32 $0x20;
	s2 =	sor.u32 s3, s2;
	v25 =	vld [tilespmem:s9+$0x0]  }
0x33c: {  	s31 =	simm.s32 $0x100;
	s10 =	sor.u32 s3, s11;
	s5 =	sadd.s32 s0, s28;
	v27 =	vld [tilespmem:s2+$0x0];
	v22 =	vadd.f32 v24, v22  }
0x33d: {  	s0 =	sadd.s32 s1, s5;
	s1 =	sand.u32 $0x60, s30;
	s9 =	sand.u32 $0x1C00, s31;
	v24 =	vld [tilespmem:s10+$0x0]  }
0x33e: {  	s11 =	sor.u32 s3, s15;
	s17 =	sadd.s32 $0xFC80, s9;
	s10 =	sor.u32 $0x10, s1;
	[tilespmem:s0+$0x0] =	vst.add.f32.msk $0xffff, v22  }
0x33f: {  	s13 =	sor.u32 s10, s17;
	v22 =	vld [tilespmem:s11+$0x0]  }
0x340: {  	v59 =	vld [tilespmem:s13+$0x0]  }
0x341: {  	v60 =	vld [tilespmem:s13+$0x80]  }
0x342: {  	v21 =	vmul.f32 v21, v12;
	v62 =	vld [tilespmem:s13+$0x100]  }
0x343: {  	v39 =	vmul.f32 v39, v5;
	v40 =	vmul.f32 v40, v6;
	v41 =	vld [tilespmem:s13+$0x180]  }
0x344: {  	s12 =	sor.u32 s31, s30;
	v23 =	vmul.f32 v23, v7;
	v26 =	vmul.f32 v26, v8;
	v42 =	vld [tilespmem:s13+$0x200]  }
0x345: {  	v34 =	vmul.f32 v57, v17;
	v28 =	vmul.f32 v28, v19;
	s0 =	sor.u32 $0x380, s12;
	s11 =	sadd.s32 $0x11C80, s9;
	v63 =	vld [tilespmem:s13+$0x280]  }
0x346: {  	v23 =	vadd.f32 v26, v23;
	v26 =	vmul.f32 v30, v13;
	v30 =	vmul.f32 v31, v14;
	s12 =	sadd.s32 $0x11D00, s9;
	v58 =	vld [tilespmem:s0+$0xFC80];
	s14 =	sor.u32 s10, s11  }
0x347: {  	v61 =	vmul.f32 v38, v11;
	v32 =	vmul.f32 v55, v10;
	s13 =	sadd.s32 $0x11D80, s9;
	s15 =	sor.u32 s10, s12;
	v44 =	vld [tilespmem:s14+$0x0]  }
0x348: {  	v29 =	vmul.f32 v29, v9;
	s4 =	sadd.s32 $0x11F80, s9;
	v28 =	vadd.f32 v28, v34;
	s16 =	sor.u32 s10, s13;
	v26 =	vadd.f32 v30, v26;
	v31 =	vld [tilespmem:s15+$0x0]  }
0x349: {  	v39 =	vadd.f32 v40, v39;
	s24 =	sor.u32 s10, s4;
	v25 =	vmul.f32 v25, v15;
	v27 =	vmul.f32 v27, v16;
	s0 =	simm.s32 $0x1;
	s14 =	sadd.s32 $0x11E00, s9;
	v45 =	vld [tilespmem:s16+$0x0]  }
0x34a: {  	s15 =	sadd.s32 $0x11E80, s9;
	s21 =	sand.u32 $0x3, s0;
	s18 =	sor.u32 s10, s14;
	v24 =	vmul.f32 v24, v18;
	v26 =	vadd.f32 v26, v28;
	v28 =	vld [tilespmem:s24+$0x0];
	v22 =	vmul.f32 v22, v20  }
0x34b: {  	v21 =	vadd.f32 v21, v61;
	v29 =	vadd.f32 v32, v29;
	s16 =	sor.u32 $0x12000, s9;
	s23 =	sor.u32 s10, s15;
	s6 =	sshll.u32 s21, $0x5;
	v46 =	vld [tilespmem:s18+$0x0]  }
0x34c: {  	s2 =	sadd.s32 $0x11F00, s9;
	v25 =	vadd.f32 v27, v25;
	v30 =	vld [tilespmem:s23+$0x0];
	s6 =	sadd.s32 $0x100, s6;
	s23 =	sor.u32 s10, s16;
	v22 =	vadd.f32 v22, v24  }
0x34d: {  	v23 =	vadd.f32 v23, v39;
	v21 =	vadd.f32 v21, v29;
	s18 =	sor.u32 s10, s2;
	s21 =	sadd.s32 $0x10, s6;
	v47 =	vld [tilespmem:s23+$0x0]  }
0x34e: {  	v27 =	vmul.f32 v59, v5;
	v29 =	vmul.f32 v62, v7;
	s24 =	sor.u32 $0x300, s21;
	v24 =	vld [tilespmem:s18+$0x0];
	v22 =	vadd.f32 v22, v25  }
0x34f: {  	v21 =	vadd.f32 v21, v23;
	v23 =	vmul.f32 v41, v8;
	v49 =	vmul.f32 v42, v9;
	s23 =	sor.u32 $0x380, s21;
	v48 =	vld [tilespmem:s24+$0xFC80]  }
0x350: {  	v50 =	vld [tilespmem:s23+$0xFC80];
	v37 =	vmul.f32 v44, v17;
	s24 =	sor.u32 s1, s17;
	v31 =	vmul.f32 v31, v19;
	v22 =	vadd.f32 v22, v26  }
0x351: {  	v32 =	vmul.f32 v45, v13;
	v23 =	vadd.f32 v23, v29;
	v52 =	vld [tilespmem:s24+$0x80];
	v28 =	vmul.f32 v28, v18  }
0x352: {  	v25 =	vmul.f32 v60, v6;
	v39 =	vmul.f32 v46, v14;
	v21 =	vadd.f32 v22, v21;
	v22 =	vld [tilespmem:s24+$0x0]  }
0x353: {  	v29 =	vld [tilespmem:s24+$0x180];
	v30 =	vmul.f32 v30, v15;
	v31 =	vadd.f32 v31, v37;
	v34 =	vmul.f32 v47, v20  }
0x354: {  	v54 =	vld [tilespmem:s24+$0x200];
	v26 =	vmul.f32 v63, v10;
	v25 =	vadd.f32 v25, v27;
	v24 =	vmul.f32 v24, v16  }
0x355: {  	v27 =	vld [tilespmem:s24+$0x100];
	v32 =	vadd.f32 v39, v32;
	v35 =	vmul.f32 v48, v11;
	v53 =	vmul.f32 v50, v12  }
0x356: {  	s6 =	sor.u32 $0x300, s6;
	v58 =	vmul.f32 v58, v12;
	v28 =	vadd.f32 v34, v28;
	v24 =	vadd.f32 v24, v30;
	v30 =	vld [tilespmem:s24+$0x280]  }
0x357: {  	s12 =	sor.u32 s1, s12;
	v51 =	vld [tilespmem:s6+$0xFC80];
	v26 =	vadd.f32 v26, v49;
	v55 =	vmul.f32 v22, v5;
	v22 =	vadd.f32 v53, v35  }
0x358: {  	s11 =	sor.u32 s1, s11;
	v57 =	vmul.f32 v52, v6;
	v23 =	vadd.f32 v23, v25;
	v25 =	vadd.f32 v32, v31;
	v31 =	vld [tilespmem:s12+$0x0]  }
0x359: {  	v56 =	vld [tilespmem:s11+$0x0];
	s17 =	sor.u32 s1, s13;
	v29 =	vmul.f32 v29, v8;
	v28 =	vadd.f32 v28, v24;
	v26 =	vadd.f32 v22, v26  }
0x35a: {  	s18 =	sor.u32 s1, s14;
	v37 =	vmul.f32 v54, v9;
	v27 =	vmul.f32 v27, v7;
	v22 =	vld [tilespmem:s17+$0x0]  }
0x35b: {  	s21 =	sor.u32 s1, s15;
	v24 =	vld [tilespmem:s18+$0x0];
	v28 =	vadd.f32 v28, v25;
	v62 =	vmul.f32 v30, v10;
	v61 =	vadd.f32 v26, v23  }
0x35c: {  	s2 =	sor.u32 s1, s2;
	v60 =	vmul.f32 v51, v11;
	v25 =	vld [tilespmem:s21+$0x0];
	v63 =	vadd.f32 v29, v27;
	v59 =	vadd.f32 v57, v55  }
0x35d: {  	s3 =	sadd.s32 s3, s5;
	s23 =	sor.u32 s1, s4;
	s24 =	sadd.s32 s9, s28;
	v32 =	vmul.f32 v31, v19;
	v31 =	vadd.f32 v62, v37;
	v26 =	vld [tilespmem:s2+$0x0];
	v30 =	vadd.f32 v28, v61  }
0x35e: {  	s14 =	sor.u32 s1, s16;
	v29 =	vmul.f32 v56, v17;
	v27 =	vld [tilespmem:s23+$0x0];
	v23 =	vadd.f32 v58, v60;
	s2 =	sadd.s32 s1, s24;
	s1 =	sadd.s32 s10, s24;
	v28 =	vadd.f32 v63, v59  }
.LBB2_25:
0x35f: {  	s30 =	sadd.s32 $0x20, s30;
	v22 =	vmul.f32 v22, v13;
	[tilespmem:s1+$0x0] =	vst.add.f32.msk $0xffff, v30;
	s31 =	sadd.s32 $0x100, s31  }
0x360: {  	s1 =	sand.u32 $0x60, s30;
	s5 =	sand.u32 $0x1C00, s31;
	s4 =	sor.u32 s31, s30;
	v24 =	vmul.f32 v24, v14;
	v30 =	vld [tilespmem:s14+$0x0];
	v29 =	vadd.f32 v32, v29;
	v23 =	vadd.f32 v23, v31  }
0x361: {  	s6 =	sadd.s32 $0xFC80, s5;
	s4 =	sor.u32 $0x380, s4;
	s9 =	sor.u32 $0x10, s1;
	v25 =	vmul.f32 v25, v15;
	[tilespmem:s3+$0x0] =	vst.add.f32.msk $0xffff, v21  }
0x362: {  	p0 =	slt.u32 s30, $0x3E0;
	s10 =	sor.u32 s1, s6;
	v21 =	vld [tilespmem:s4+$0xFC80];
	s4 =	sor.u32 s9, s6;
	v26 =	vmul.f32 v26, v16;
	v22 =	vadd.f32 v24, v22;
	v23 =	vadd.f32 v23, v28  }
0x363: {  	s3 =	smov.u32 s2;
	v24 =	vld [tilespmem:s4+$0x0];
	v27 =	vmul.f32 v27, v18  }
0x364: {  	v28 =	vld [tilespmem:s4+$0x80];
	v25 =	vadd.f32 v26, v25;
	v22 =	vadd.f32 v22, v29  }
0x365: {  	v26 =	vld [tilespmem:s4+$0x100];
	v29 =	vmul.f32 v30, v20  }
0x366: {  	v30 =	vld [tilespmem:s4+$0x180]  }
0x367: {  	s2 =	sadd.s32 $0x11C80, s5;
	v31 =	vmul.f32 v21, v12;
	v32 =	vld [tilespmem:s4+$0x200];
	v21 =	vadd.f32 v29, v27  }
0x368: {  	s11 =	sor.u32 s1, s2;
	s6 =	sadd.s32 $0x11D00, s5;
	s2 =	sor.u32 s9, s2;
	v27 =	vld [tilespmem:s4+$0x280]  }
0x369: {  	s12 =	sor.u32 s1, s6;
	s4 =	sadd.s32 $0x11D80, s5;
	v29 =	vld [tilespmem:s2+$0x0];
	s2 =	sor.u32 s9, s6;
	v21 =	vadd.f32 v21, v25  }
0x36a: {  	s13 =	sor.u32 s1, s4;
	s6 =	sadd.s32 $0x11E00, s5;
	v25 =	vld [tilespmem:s2+$0x0];
	s2 =	sor.u32 s9, s4  }
0x36b: {  	s0 =	sadd.s32 $0x1, s0;
	s4 =	sadd.s32 $0x11E80, s5;
	v33 =	vld [tilespmem:s2+$0x0];
	s2 =	sor.u32 s9, s6;
	v21 =	vadd.f32 v21, v22  }
0x36c: {  	s14 =	sand.u32 $0x3, s0;
	s15 =	sadd.s32 $0x11F00, s5;
	v22 =	vld [tilespmem:s2+$0x0];
	s2 =	sor.u32 s9, s4  }
0x36d: {  	s14 =	sshll.u32 s14, $0x5;
	s17 =	sadd.s32 $0x11F80, s5;
	v34 =	vld [tilespmem:s2+$0x0];
	s2 =	sor.u32 s9, s15;
	v21 =	vadd.f32 v21, v23  }
0x36e: {  	s18 =	sor.u32 $0x12000, s5;
	s14 =	sadd.s32 s14, s31;
	v23 =	vld [tilespmem:s2+$0x0];
	s2 =	sor.u32 s9, s17  }
0x36f: {  	s21 =	sor.u32 $0x300, s14;
	s14 =	sadd.s32 $0x10, s14;
	v24 =	vmul.f32 v24, v5;
	v35 =	vld [tilespmem:s2+$0x0];
	s2 =	sor.u32 s9, s18  }
0x370: {  	v28 =	vmul.f32 v28, v6;
	s16 =	sor.u32 s1, s6;
	v26 =	vmul.f32 v26, v7;
	s6 =	sor.u32 $0x300, s14;
	s4 =	sor.u32 s1, s4;
	v36 =	vld [tilespmem:s2+$0x0]  }
0x371: {  	v30 =	vmul.f32 v30, v8;
	v32 =	vmul.f32 v32, v9;
	s15 =	sor.u32 s1, s15;
	s2 =	sor.u32 s1, s17;
	v37 =	vld [tilespmem:s6+$0xFC80];
	s6 =	sor.u32 $0x380, s14  }
0x372: {  	v27 =	vmul.f32 v27, v10;
	v29 =	vmul.f32 v29, v17;
	s14 =	sor.u32 s1, s18;
	v38 =	vld [tilespmem:s6+$0xFC80]  }
0x373: {  	v25 =	vmul.f32 v25, v19;
	v33 =	vmul.f32 v33, v13;
	v39 =	vld [tilespmem:s21+$0xFC80]  }
0x374: {  	v22 =	vmul.f32 v22, v14;
	v34 =	vmul.f32 v34, v15;
	v40 =	vld [tilespmem:s10+$0x0]  }
0x375: {  	v24 =	vadd.f32 v28, v24;
	v23 =	vmul.f32 v23, v16;
	v35 =	vmul.f32 v35, v18;
	v41 =	vld [tilespmem:s10+$0x80]  }
0x376: {  	v26 =	vadd.f32 v30, v26;
	v27 =	vadd.f32 v27, v32;
	v36 =	vmul.f32 v36, v20;
	v28 =	vld [tilespmem:s10+$0x100]  }
0x377: {  	v25 =	vadd.f32 v25, v29;
	v32 =	vmul.f32 v37, v11;
	v30 =	vld [tilespmem:s10+$0x180];
	v37 =	vmul.f32 v38, v12  }
0x378: {  	v22 =	vadd.f32 v22, v33;
	v23 =	vadd.f32 v23, v34;
	v29 =	vld [tilespmem:s10+$0x200];
	v38 =	vmul.f32 v39, v11  }
0x379: {  	v35 =	vadd.f32 v36, v35;
	v33 =	vmul.f32 v40, v5;
	v34 =	vld [tilespmem:s10+$0x280];
	v32 =	vadd.f32 v37, v32  }
0x37a: {  	v26 =	vadd.f32 v26, v24;
	v25 =	vadd.f32 v22, v25;
	v36 =	vmul.f32 v41, v6;
	v37 =	vld [tilespmem:s11+$0x0]  }
0x37b: {  	v28 =	vmul.f32 v28, v7;
	v39 =	vld [tilespmem:s12+$0x0];
	v27 =	vadd.f32 v32, v27;
	v32 =	vadd.f32 v35, v23  }
.Ltmp11:
0x37c: {  	v23 =	vadd.f32 v31, v38;
	v30 =	vmul.f32 v30, v8;
	v22 =	vld [tilespmem:s13+$0x0];
	v33 =	vadd.f32 v36, v33;
	(pc) =	sbr.rel @p0 .LBB2_25-.Ltmp11, $4  }
0x37d: {  	v31 =	vmul.f32 v29, v9;
	v24 =	vld [tilespmem:s16+$0x0];
	v27 =	vadd.f32 v27, v26;
	v32 =	vadd.f32 v32, v25  }
0x37e: {  	v34 =	vmul.f32 v34, v10;
	v25 =	vld [tilespmem:s4+$0x0];
	v28 =	vadd.f32 v30, v28  }
0x37f: {  	s4 =	sadd.s32 s5, s28;
	v29 =	vmul.f32 v37, v17;
	v26 =	vld [tilespmem:s15+$0x0];
	v30 =	vadd.f32 v32, v27  }
0x380: {  	v32 =	vmul.f32 v39, v19;
	v27 =	vld [tilespmem:s2+$0x0];
	v31 =	vadd.f32 v34, v31;
	v28 =	vadd.f32 v28, v33;
	s2 =	sadd.s32 s1, s4;
	s1 =	sadd.s32 s9, s4  }
0x381: {  	v5 =	vld [tilespmem:s14+$0x0];
	_ =	sdelay $0x2  }
0x382: {  	v6 =	vmul.f32 v22, v13;
	v7 =	vmul.f32 v24, v14  }
0x383: {  	v8 =	vmul.f32 v25, v15;
	v9 =	vmul.f32 v26, v16  }
0x384: {  	v10 =	vmul.f32 v27, v18;
	v5 =	vmul.f32 v5, v20  }
0x385: {  	v11 =	vadd.f32 v32, v29;
	v6 =	vadd.f32 v7, v6  }
0x386: {  	v7 =	vadd.f32 v9, v8;
	v5 =	vadd.f32 v5, v10  }
0x387: {  	v8 =	vadd.f32 v23, v31  }
0x388: {  	v6 =	vadd.f32 v6, v11;
	v5 =	vadd.f32 v5, v7;
	_ =	sdelay $0x1  }
0x389: {  	v7 =	vadd.f32 v8, v28;
	v5 =	vadd.f32 v5, v6;
	_ =	sdelay $0x1  }
0x38a: {  	[tilespmem:s1+$0x0] =	vst.add.f32.msk $0xffff, v30;
	v5 =	vadd.f32 v5, v7  }
0x38b: {  	[tilespmem:s3+$0x0] =	vst.add.f32.msk $0xffff, v21  }
0x38c: {  	[tilespmem:s2+$0x0] =	vst.add.f32.msk $0xffff, v5  }
0x38d: {  	v5 =	vld [tilespmem:s29+$0x20];
	_ =	sdelay $0x4  }
0x38e: {  	v6 =	vshll.u32 v5, $0x3  }
0x38f: {  	v5 =	vand.u32 $0x7, v5;
	v6 =	vand.u32 $0xFFFFFFC0, v6  }
0x390: {  	v5 =	vor.u32 v5, v6  }
0x391: {  	v6 =	vperm.xlane v5, v0;
	_ =	sdelay $0x1  }
0x392: {  	v6 =	vadd.s32 v1, v6;
	_ =	sdelay $0x3  }
0x393: {  	s16 =	simm.s32 $0x0;
	s0 =	simm.s32 $0xFC80  }
0x394: {  	[tilespmem:s0], [sflag:$0x2] =	stream.indirect_vreg.gather [hbm4b:s22+s16], $0x80, v6, vm0, $0xb8;
	[tilespmem:$0x1D480] =	vst v63  }
0x395: {  	s4 =	simm.s32 $0x10480;
	s3 =	rddreg [dreg:$0x7];
	v5 =	vperm.xlane v5, v2  }
0x396: {  	[tilespmem:s4], [sflag:$0x2] =	stream.indirect_vreg.gather [hbm4b:s3+s16], $0x80, v6, vm0, $0xb8;
	[tilespmem:$0x1D480] =	vst v63  }
0x397: {  	s5 =	simm.s32 $0x10C80;
	v5 =	vadd.s32 v1, v5  }
0x398: {  	[tilespmem:s5], [sflag:$0x2] =	stream.indirect_vreg.gather [hbm4b:s7+s16], $0x80, v6, vm0, $0xb8;
	[tilespmem:$0x1D480] =	vst v63  }
0x399: {  	s6 =	simm.s32 $0x11480  }
0x39a: {  	[tilespmem:s6], [sflag:$0x2] =	stream.indirect_vreg.gather [hbm4b:s8+s16], $0x80, v6, vm0, $0xb8;
	[tilespmem:$0x1D480] =	vst v63  }
0x39b: {  	s9 =	simm.s32 $0x11C80  }
0x39c: {  	[tilespmem:s9], [sflag:$0x2] =	stream.indirect_vreg.gather [hbm4b:s22+s16], $0x80, v5, vm0, $0xb8;
	[tilespmem:$0x1D480] =	vst v63  }
0x39d: {  	s10 =	simm.s32 $0x12480  }
0x39e: {  	[tilespmem:s10], [sflag:$0x2] =	stream.indirect_vreg.gather [hbm4b:s3+s16], $0x80, v5, vm0, $0xb8;
	[tilespmem:$0x1D480] =	vst v63  }
0x39f: {  	s11 =	simm.s32 $0x12C80  }
0x3a0: {  	[tilespmem:s11], [sflag:$0x2] =	stream.indirect_vreg.gather [hbm4b:s7+s16], $0x80, v5, vm0, $0xb8;
	[tilespmem:$0x1D480] =	vst v63  }
0x3a1: {  	s12 =	simm.s32 $0x13480;
	s13 =	simm.s32 $0x3  }
0x3a2: {  	[tilespmem:s12], [sflag:$0x2] =	stream.indirect_vreg.gather [hbm4b:s8+s16], $0x80, v5, vm0, $0xb8;
	[tilespmem:$0x1D480] =	vst v63  }
0x3a3: {  	_ =	swait.ge [sflag:s13], $0x800  }
0x3a4: {  	s14 =	simm.s32 $0x0;
	s15 =	simm.s32 $0x0;
	[sflag:s13] =	ssyncset.done $0x0  }
0x3a5: {  	s17 =	sand.u32 $0xFFFFFF00, s15;
	s6 =	sand.u32 $0x60, s14;
	[sflag:s13] =	ssyncadd.s32 $0xFFFFF800  }
0x3a6: {  	s0 =	sadd.s32 $0x13C80, s17;
	s5 =	sor.u32 $0x10, s6;
	v5 =	vld.msk [tilespmem:s26+$0x1030 ss:$0x0], $0xffff  }
0x3a7: {  	s18 =	sor.u32 s5, s0;
	v6 =	vld.msk [tilespmem:s26+$0x1031 ss:$0x0], $0xffff  }
0x3a8: {  	v8 =	vld [tilespmem:s18+$0x0]  }
0x3a9: {  	s21 =	sor.u32 s6, s0;
	v9 =	vld [tilespmem:s18+$0x80]  }
0x3aa: {  	s23 =	simm.s32 $0x20;
	s24 =	simm.s32 $0x40;
	v10 =	vld [tilespmem:s21+$0x0]  }
0x3ab: {  	s1 =	sand.u32 $0xFFFFFF00, s24;
	s0 =	sand.u32 $0x60, s23;
	v11 =	vld [tilespmem:s21+$0x80]  }
0x3ac: {  	s26 =	sadd.s32 $0x13C80, s1;
	s1 =	sor.u32 $0x10, s0  }
0x3ad: {  	s4 =	simm.s32 $0x0;
	s9 =	sor.u32 s1, s26  }
0x3ae: {  	s31 =	simm.s32 $0x80;
	s2 =	simm.s32 $0x100;
	s30 =	sand.u32 $0x3FFFFC00, s4;
	v7 =	vld [tilespmem:s9+$0x0];
	v12 =	vmul.f32 v8, v5;
	v62 =	vmul.f32 v9, v6  }
0x3af: {  	s4 =	simm.s32 $0x40;
	s11 =	sadd.s32 s30, s28;
	s10 =	sor.u32 s0, s26;
	v9 =	vld [tilespmem:s9+$0x80]  }
0x3b0: {  	s3 =	sand.u32 $0x60, s4;
	s12 =	sadd.s32 s5, s11;
	v63 =	vmul.f32 v10, v5;
	v8 =	vld [tilespmem:s10+$0x0];
	v11 =	vmul.f32 v11, v6;
	s9 =	sand.u32 $0xFFFFFF00, s31;
	v12 =	vadd.f32 v62, v12  }
0x3b1: {  	s5 =	sor.u32 $0x10, s3;
	v10 =	vld [tilespmem:s10+$0x80];
	s10 =	simm.s32 $0x200;
	s13 =	sadd.s32 $0x13C80, s9  }
0x3b2: {  	s9 =	sadd.s32 s6, s11;
	v11 =	vadd.f32 v11, v63;
	s11 =	sor.u32 s3, s13;
	[tilespmem:s12+$0x0] =	vst.add.f32.msk $0xffff, v12;
	s12 =	sor.u32 s5, s13  }
.LBB2_27:
0x3b3: {  	s4 =	sadd.s32 $0x20, s4  }
0x3b4: {  	s6 =	smov.u32 s0;
	s0 =	smov.u32 s3;
	s13 =	smov.u32 s1  }
0x3b5: {  	v12 =	vmul.f32 v7, v5;
	v7 =	vld [tilespmem:s12+$0x0];
	v13 =	vmul.f32 v9, v6;
	v14 =	vmov v11;
	s1 =	smov.u32 s5;
	s14 =	smov.u32 s9;
	p0 =	slt.u32 s4, $0x3E0  }
.Ltmp12:
0x3b6: {  	s2 =	sand.u32 $0x3FFFFC00, s2;
	s15 =	sshll.u32 s4, $0x3;
	v9 =	vld [tilespmem:s12+$0x80];
	v11 =	vmul.f32 v8, v5;
	(pc) =	sbr.rel @p0 .LBB2_27-.Ltmp12, $4  }
0x3b7: {  	s9 =	sadd.s32 s2, s28;
	s2 =	smov.u32 s10;
	s5 =	sshra.s32 s15, $0x2;
	v8 =	vld [tilespmem:s11+$0x0];
	v15 =	vmul.f32 v10, v6;
	v12 =	vadd.f32 v13, v12  }
0x3b8: {  	s3 =	sand.u32 $0x60, s4;
	s10 =	sadd.s32 s13, s9;
	s5 =	sand.u32 $0xFFFFFF00, s5;
	v10 =	vld [tilespmem:s11+$0x80]  }
0x3b9: {  	s9 =	sadd.s32 s6, s9;
	s12 =	sadd.s32 $0x13C80, s5;
	s5 =	sor.u32 $0x10, s3;
	v11 =	vadd.f32 v15, v11;
	[tilespmem:s10+$0x0] =	vst.add.f32.msk $0xffff, v12  }
0x3ba: {  	s10 =	smov.u32 s15;
	s11 =	sor.u32 s3, s12;
	s12 =	sor.u32 s5, s12;
	[tilespmem:s14+$0x0] =	vst.add.f32.msk $0xffff, v14  }
0x3bb: {  	v12 =	vld [tilespmem:s12+$0x0]  }
0x3bc: {  	v13 =	vld [tilespmem:s12+$0x80]  }
0x3bd: {  	v14 =	vld [tilespmem:s11+$0x0]  }
0x3be: {  	v15 =	vld [tilespmem:s11+$0x80];
	_ =	sdelay $0x1  }
0x3bf: {  	v7 =	vmul.f32 v7, v5;
	v9 =	vmul.f32 v9, v6  }
0x3c0: {  	s2 =	sand.u32 $0x3FFFFC00, s2;
	v8 =	vmul.f32 v8, v5;
	v10 =	vmul.f32 v10, v6  }
0x3c1: {  	s2 =	sadd.s32 s2, s28;
	v7 =	vadd.f32 v9, v7;
	v62 =	vmul.f32 v12, v5;
	v63 =	vmul.f32 v13, v6  }
0x3c2: {  	s4 =	sand.u32 $0x3FFFFC00, s10;
	[tilespmem:s9+$0x0] =	vst.add.f32.msk $0xffff, v11;
	s1 =	sadd.s32 s1, s2;
	v8 =	vadd.f32 v10, v8;
	v5 =	vmul.f32 v14, v5;
	v6 =	vmul.f32 v15, v6  }
0x3c3: {  	s30 =	sadd.s32 s4, s28;
	s0 =	sadd.s32 s0, s2;
	[tilespmem:s1+$0x0] =	vst.add.f32.msk $0xffff, v7;
	v7 =	vadd.f32 v63, v62  }
0x3c4: {  	s4 =	sadd.s32 s5, s30;
	[tilespmem:s0+$0x0] =	vst.add.f32.msk $0xffff, v8;
	v5 =	vadd.f32 v6, v5  }
0x3c5: {  	s1 =	sadd.s32 s3, s30;
	[tilespmem:s4+$0x0] =	vst.add.f32.msk $0xffff, v7  }
0x3c6: {  	[tilespmem:s1+$0x0] =	vst.add.f32.msk $0xffff, v5  }
0x3c7: {  	v5 =	vld.msk [tilespmem:s29+$0x30], $0x3;
	_ =	sdelay $0x4  }
0x3c8: {  	v6 =	vshll.u32 v5, $0x3  }
0x3c9: {  	v5 =	vand.u32 $0x7, v5;
	v6 =	vand.u32 $0xFFFFFFC0, v6  }
0x3ca: {  	v5 =	vor.u32 v5, v6  }
0x3cb: {  	v5 =	vperm.xlane v5, v3;
	_ =	sdelay $0x1  }
0x3cc: {  	p0 =	sne.s32 s25, $0x1F;
	v5 =	vadd.s32 v4, v5  }
.Ltmp13:
0x3cd: {  	_ = 	snop;
	(pc) =	sbr.rel @p0 .LBB2_20-.Ltmp13, $3  }
0x3ce: {  	_ =	sdelay $0x1  }
0x3cf: {  	s31 =	simm.s32 $0x13C80  }
0x3d0: {  	[tilespmem:s31], [sflag:$0x3] =	stream.indirect_vreg.gather [hbm4b:s22+s16], $0x80, v5, vm0, $0xb8;
	[tilespmem:$0x1D480] =	vst v63  }
0x3d1: {  	s0 =	simm.s32 $0x1  }
0x3d2: {  	_ =	swait.ge [sflag:s0], $0x8000  }
0x3d3: {  	[sflag:s0] =	ssyncset.done $0x0  }
0x3d4: {  	[sflag:s0] =	ssyncadd.s32 $0xFFFF8000  }
0x3d5: {  	v5 =	vld.msk [tilespmem:$0x17C0 ss:$0x0], $0xffff  }
0x3d6: {  	v7 =	vld.msk [tilespmem:$0x17C1 ss:$0x0], $0xffff  }
0x3d7: {  	v13 =	vld.msk [tilespmem:$0x17C2 ss:$0x0], $0xffff  }
0x3d8: {  	v15 =	vld.msk [tilespmem:$0x17C3 ss:$0x0], $0xffff  }
0x3d9: {  	v17 =	vld.msk [tilespmem:$0x17C4 ss:$0x0], $0xffff  }
0x3da: {  	v18 =	vld.msk [tilespmem:$0x17C5 ss:$0x0], $0xffff  }
0x3db: {  	v20 =	vld.msk [tilespmem:$0x17C6 ss:$0x0], $0xffff  }
0x3dc: {  	v8 =	vld.msk [tilespmem:$0x17C7 ss:$0x0], $0xffff  }
0x3dd: {  	v9 =	vld.msk [tilespmem:$0x17C8 ss:$0x0], $0xffff  }
0x3de: {  	v10 =	vld.msk [tilespmem:$0x17C9 ss:$0x0], $0xffff  }
0x3df: {  	v11 =	vld.msk [tilespmem:$0x17CA ss:$0x0], $0xffff  }
0x3e0: {  	v12 =	vld.msk [tilespmem:$0x17CB ss:$0x0], $0xffff  }
0x3e1: {  	s28 =	simm.s32 $0x0;
	s0 =	simm.s32 $0x0;
	v6 =	vld.msk [tilespmem:$0x17CC ss:$0x0], $0xffff  }
0x3e2: {  	s24 =	sand.u32 $0x60, s28;
	v14 =	vld.msk [tilespmem:$0x17CD ss:$0x0], $0xffff;
	s25 =	sand.u32 $0x1C00, s0  }
0x3e3: {  	s26 =	sor.u32 $0x10, s24;
	v16 =	vld.msk [tilespmem:$0x17CE ss:$0x0], $0xffff;
	s6 =	sadd.s32 $0x7C80, s25  }
0x3e4: {  	v19 =	vld.msk [tilespmem:$0x17CF ss:$0x0], $0xffff;
	s1 =	sor.u32 s26, s6  }
0x3e5: {  	v21 =	vld [tilespmem:s1+$0x0]  }
0x3e6: {  	v22 =	vld [tilespmem:s1+$0x80]  }
0x3e7: {  	v23 =	vld [tilespmem:s1+$0x100]  }
0x3e8: {  	v24 =	vld [tilespmem:s1+$0x180]  }
0x3e9: {  	s10 =	sadd.s32 $0x9C80, s25;
	v25 =	vld [tilespmem:s1+$0x200]  }
0x3ea: {  	s4 =	sadd.s32 $0x9D00, s25;
	s15 =	sor.u32 s26, s10;
	v26 =	vld [tilespmem:s1+$0x280]  }
0x3eb: {  	s2 =	sadd.s32 $0x9D80, s25;
	s3 =	sor.u32 s26, s4;
	v27 =	vld [tilespmem:s15+$0x0]  }
0x3ec: {  	s9 =	sadd.s32 $0x9F00, s25;
	s5 =	sor.u32 s26, s2;
	v28 =	vld [tilespmem:s3+$0x0]  }
0x3ed: {  	s17 =	sadd.s32 $0x9F80, s25;
	s18 =	sor.u32 s26, s9;
	v29 =	vld [tilespmem:s5+$0x0]  }
0x3ee: {  	s11 =	sand.u32 $0x3, s0;
	s21 =	sor.u32 $0xA000, s25;
	s22 =	sor.u32 s26, s17;
	v32 =	vld [tilespmem:s18+$0x0]  }
0x3ef: {  	s11 =	sshll.u32 s11, $0x5;
	s23 =	sor.u32 s26, s21;
	s1 =	sadd.s32 $0x9E00, s25;
	v33 =	vld [tilespmem:s22+$0x0]  }
0x3f0: {  	s13 =	sadd.s32 $0x0, s11;
	s3 =	sadd.s32 $0x9E80, s25;
	v34 =	vld [tilespmem:s23+$0x0];
	s16 =	sor.u32 s26, s1  }
0x3f1: {  	s14 =	sadd.s32 $0x10, s13;
	s12 =	sor.u32 s26, s3;
	v30 =	vld [tilespmem:s16+$0x0];
	v21 =	vmul.f32 v21, v5  }
0x3f2: {  	s15 =	sor.u32 $0x300, s14;
	v31 =	vld [tilespmem:s12+$0x0];
	v22 =	vmul.f32 v22, v7;
	v23 =	vmul.f32 v23, v13  }
0x3f3: {  	s29 =	sor.u32 $0x380, s14;
	v35 =	vld [tilespmem:s15+$0x7C80];
	v24 =	vmul.f32 v24, v15;
	v25 =	vmul.f32 v25, v17  }
0x3f4: {  	s6 =	sor.u32 s24, s6;
	v36 =	vld [tilespmem:s29+$0x7C80];
	v26 =	vmul.f32 v26, v18;
	v27 =	vmul.f32 v27, v9  }
0x3f5: {  	v38 =	vld [tilespmem:s6+$0x0];
	v28 =	vmul.f32 v28, v10;
	v29 =	vmul.f32 v29, v11  }
0x3f6: {  	v39 =	vld [tilespmem:s6+$0x80];
	v32 =	vmul.f32 v32, v14;
	v33 =	vmul.f32 v33, v16  }
0x3f7: {  	s13 =	sor.u32 $0x300, s13;
	v41 =	vld [tilespmem:s6+$0x100];
	v34 =	vmul.f32 v34, v19;
	v30 =	vmul.f32 v30, v12;
	v40 =	vadd.f32 v22, v21  }
0x3f8: {  	v37 =	vld [tilespmem:s13+$0x7C80];
	v31 =	vmul.f32 v31, v6;
	v23 =	vadd.f32 v24, v23;
	v25 =	vadd.f32 v26, v25  }
0x3f9: {  	v26 =	vld [tilespmem:s6+$0x180];
	v22 =	vmul.f32 v35, v20;
	v24 =	vmul.f32 v36, v8;
	v27 =	vadd.f32 v28, v27  }
0x3fa: {  	s30 =	sor.u32 s0, s28;
	v28 =	vld [tilespmem:s6+$0x200];
	v33 =	vadd.f32 v34, v33;
	v29 =	vadd.f32 v30, v29  }
0x3fb: {  	s12 =	sor.u32 $0x380, s30;
	v59 =	vmul.f32 v38, v5;
	v30 =	vadd.f32 v32, v31;
	v31 =	vld [tilespmem:s6+$0x280];
	v58 =	vadd.f32 v24, v22  }
0x3fc: {  	s31 =	sor.u32 s24, s10;
	v22 =	vld [tilespmem:s12+$0x7C80];
	v60 =	vadd.f32 v23, v40;
	v23 =	vmul.f32 v39, v7;
	v29 =	vadd.f32 v29, v27  }
0x3fd: {  	s4 =	sor.u32 s24, s4;
	v24 =	vld [tilespmem:s31+$0x0];
	v27 =	vadd.f32 v58, v25;
	v62 =	vadd.f32 v33, v30  }
0x3fe: {  	s2 =	sor.u32 s24, s2;
	v61 =	vmul.f32 v41, v13;
	v25 =	vld [tilespmem:s4+$0x0];
	v23 =	vadd.f32 v23, v59;
	v63 =	vmul.f32 v26, v15  }
0x3ff: {  	s1 =	sor.u32 s24, s1;
	s14 =	sor.u32 s24, s9;
	s13 =	sor.u32 s24, s17;
	v21 =	vmul.f32 v37, v20;
	v26 =	vld [tilespmem:s2+$0x0];
	v27 =	vadd.f32 v27, v60;
	v29 =	vadd.f32 v62, v29  }
0x400: {  	s15 =	sor.u32 s24, s3;
	s12 =	sor.u32 s24, s21;
	v30 =	vmul.f32 v28, v17;
	v28 =	vld [tilespmem:s1+$0x0];
	s1 =	simm.s32 $0x0;
	v32 =	vmul.f32 v31, v18;
	v31 =	vadd.f32 v63, v61  }
.LBB2_30:
0x401: {  	s28 =	sadd.s32 $0x20, s28;
	v22 =	vmul.f32 v22, v8;
	v33 =	vld [tilespmem:s15+$0x0];
	s2 =	sadd.s32 $0x1A800, s25;
	v27 =	vadd.f32 v29, v27;
	s0 =	sadd.s32 $0x100, s0  }
0x402: {  	s4 =	sand.u32 $0x60, s28;
	s25 =	sand.u32 $0x1C00, s0;
	v24 =	vmul.f32 v24, v9;
	v29 =	vld [tilespmem:s14+$0x0];
	v30 =	vadd.f32 v32, v30;
	v23 =	vadd.f32 v31, v23;
	s3 =	sor.u32 s26, s2  }
0x403: {  	s9 =	sor.u32 s0, s28;
	s6 =	sadd.s32 $0x7C80, s25;
	s26 =	sor.u32 $0x10, s4;
	v25 =	vmul.f32 v25, v10;
	v31 =	vld [tilespmem:s13+$0x0];
	v21 =	vadd.f32 v22, v21;
	[tilespmem:s3+$0x0] =	vst v27  }
0x404: {  	s3 =	sor.u32 $0x380, s9;
	s5 =	sor.u32 s4, s6;
	s6 =	sor.u32 s26, s6;
	v22 =	vmul.f32 v26, v11;
	v26 =	vld [tilespmem:s12+$0x0]  }
0x405: {  	p0 =	slt.u32 s28, $0x3E0;
	s2 =	sor.u32 s24, s2;
	s24 =	smov.u32 s4;
	v27 =	vld [tilespmem:s6+$0x0];
	v28 =	vmul.f32 v28, v12;
	v24 =	vadd.f32 v25, v24;
	v21 =	vadd.f32 v21, v30  }
0x406: {  	v25 =	vld [tilespmem:s6+$0x80];
	v30 =	vmul.f32 v33, v6  }
0x407: {  	v32 =	vld [tilespmem:s6+$0x100];
	v29 =	vmul.f32 v29, v14;
	v22 =	vadd.f32 v28, v22;
	v21 =	vadd.f32 v21, v23  }
0x408: {  	v23 =	vld [tilespmem:s6+$0x180];
	v28 =	vmul.f32 v31, v16  }
0x409: {  	s4 =	sadd.s32 $0x9C80, s25;
	v31 =	vld [tilespmem:s6+$0x200];
	v26 =	vmul.f32 v26, v19;
	v29 =	vadd.f32 v29, v30;
	v22 =	vadd.f32 v22, v24  }
0x40a: {  	s11 =	sadd.s32 $0x9D00, s25;
	s9 =	sor.u32 s24, s4;
	s4 =	sor.u32 s26, s4;
	v24 =	vld [tilespmem:s6+$0x280]  }
0x40b: {  	s10 =	sor.u32 s24, s11;
	s6 =	sadd.s32 $0x9D80, s25;
	v30 =	vld [tilespmem:s4+$0x0];
	s4 =	sor.u32 s26, s11;
	v26 =	vadd.f32 v26, v28  }
0x40c: {  	s12 =	sadd.s32 $0x9E00, s25;
	s11 =	sor.u32 s24, s6;
	v28 =	vld [tilespmem:s4+$0x0];
	s4 =	sor.u32 s26, s6  }
0x40d: {  	s1 =	sadd.s32 $0x1, s1;
	s6 =	sadd.s32 $0x9E80, s25;
	v33 =	vld [tilespmem:s4+$0x0];
	s4 =	sor.u32 s26, s12;
	v26 =	vadd.f32 v26, v29  }
0x40e: {  	s13 =	sand.u32 $0x3, s1;
	s14 =	sadd.s32 $0x9F00, s25;
	v29 =	vld [tilespmem:s4+$0x0];
	s4 =	sor.u32 s26, s6  }
0x40f: {  	s16 =	sadd.s32 $0x9F80, s25;
	s13 =	sshll.u32 s13, $0x5;
	v34 =	vld [tilespmem:s4+$0x0];
	s4 =	sor.u32 s26, s14;
	v22 =	vadd.f32 v26, v22  }
0x410: {  	s17 =	sor.u32 $0xA000, s25;
	s13 =	sadd.s32 s13, s0;
	v26 =	vld [tilespmem:s4+$0x0];
	s4 =	sor.u32 s26, s16  }
0x411: {  	s18 =	sor.u32 $0x300, s13;
	s21 =	sadd.s32 $0x10, s13;
	s13 =	sor.u32 s26, s17;
	v27 =	vmul.f32 v27, v5;
	v35 =	vld [tilespmem:s4+$0x0];
	v21 =	vadd.f32 v22, v21  }
0x412: {  	s15 =	sor.u32 s24, s6;
	s6 =	sor.u32 $0x300, s21;
	s4 =	sor.u32 s24, s12;
	v22 =	vmul.f32 v25, v7;
	v25 =	vmul.f32 v32, v13;
	v32 =	vld [tilespmem:s13+$0x0]  }
0x413: {  	v23 =	vmul.f32 v23, v15;
	v31 =	vmul.f32 v31, v17;
	s14 =	sor.u32 s24, s14;
	s13 =	sor.u32 s24, s16;
	v36 =	vld [tilespmem:s6+$0x7C80];
	s6 =	sor.u32 $0x380, s21;
	[tilespmem:s2+$0x0] =	vst v21  }
0x414: {  	v30 =	vmul.f32 v30, v9;
	s12 =	sor.u32 s24, s17;
	v21 =	vmul.f32 v24, v18;
	v24 =	vld [tilespmem:s6+$0x7C80]  }
0x415: {  	v28 =	vmul.f32 v28, v10;
	v33 =	vmul.f32 v33, v11;
	v37 =	vld [tilespmem:s18+$0x7C80]  }
0x416: {  	v29 =	vmul.f32 v29, v12;
	v34 =	vmul.f32 v34, v6;
	v38 =	vld [tilespmem:s5+$0x0]  }
0x417: {  	v27 =	vadd.f32 v22, v27;
	v26 =	vmul.f32 v26, v14;
	v35 =	vmul.f32 v35, v16;
	v39 =	vld [tilespmem:s5+$0x80]  }
0x418: {  	v23 =	vadd.f32 v23, v25;
	v25 =	vadd.f32 v21, v31;
	v22 =	vmul.f32 v32, v19;
	v40 =	vld [tilespmem:s5+$0x100]  }
0x419: {  	v28 =	vadd.f32 v28, v30;
	v32 =	vmul.f32 v36, v20;
	v31 =	vld [tilespmem:s5+$0x180];
	v24 =	vmul.f32 v24, v8  }
0x41a: {  	v29 =	vadd.f32 v29, v33;
	v26 =	vadd.f32 v26, v34;
	v30 =	vld [tilespmem:s5+$0x200];
	v21 =	vmul.f32 v37, v20  }
0x41b: {  	v35 =	vadd.f32 v22, v35;
	v33 =	vmul.f32 v38, v5;
	v34 =	vld [tilespmem:s5+$0x280];
	v32 =	vadd.f32 v24, v32  }
.Ltmp14:
0x41c: {  	v27 =	vadd.f32 v23, v27;
	v28 =	vadd.f32 v29, v28;
	v36 =	vmul.f32 v39, v7;
	v22 =	vld [tilespmem:s3+$0x7C80];
	(pc) =	sbr.rel @p0 .LBB2_30-.Ltmp14, $4  }
0x41d: {  	v37 =	vmul.f32 v40, v13;
	v24 =	vld [tilespmem:s9+$0x0];
	v29 =	vadd.f32 v32, v25;
	v32 =	vadd.f32 v35, v26  }
0x41e: {  	v31 =	vmul.f32 v31, v15;
	v25 =	vld [tilespmem:s10+$0x0];
	v23 =	vadd.f32 v36, v33  }
0x41f: {  	v30 =	vmul.f32 v30, v17;
	v26 =	vld [tilespmem:s11+$0x0];
	v27 =	vadd.f32 v29, v27;
	v29 =	vadd.f32 v32, v28  }
0x420: {  	v32 =	vmul.f32 v34, v18;
	v28 =	vld [tilespmem:s4+$0x0];
	v31 =	vadd.f32 v31, v37  }
0x421: {  	v5 =	vld [tilespmem:s15+$0x0]  }
0x422: {  	v7 =	vld [tilespmem:s14+$0x0]  }
0x423: {  	v13 =	vld [tilespmem:s13+$0x0]  }
0x424: {  	v15 =	vld [tilespmem:s12+$0x0]  }
0x425: {  	v8 =	vmul.f32 v22, v8  }
0x426: {  	v9 =	vmul.f32 v24, v9;
	v10 =	vmul.f32 v25, v10  }
0x427: {  	v11 =	vmul.f32 v26, v11;
	v12 =	vmul.f32 v28, v12  }
0x428: {  	v17 =	vadd.f32 v32, v30;
	v5 =	vmul.f32 v5, v6;
	v6 =	vmul.f32 v7, v14  }
0x429: {  	v7 =	vadd.f32 v8, v21;
	v8 =	vmul.f32 v13, v16;
	v13 =	vmul.f32 v15, v19  }
0x42a: {  	v9 =	vadd.f32 v10, v9;
	v10 =	vadd.f32 v12, v11  }
0x42b: {  	v5 =	vadd.f32 v6, v5;
	v6 =	vadd.f32 v13, v8  }
0x42c: {  	v8 =	vadd.f32 v31, v23;
	v7 =	vadd.f32 v7, v17  }
0x42d: {  	v9 =	vadd.f32 v10, v9;
	v5 =	vadd.f32 v6, v5;
	_ =	sdelay $0x1  }
0x42e: {  	v6 =	vadd.f32 v7, v8;
	v5 =	vadd.f32 v5, v9  }
0x42f: {  	s0 =	sadd.s32 $0x1A800, s25;
	v7 =	vadd.f32 v29, v27  }
0x430: {  	s1 =	sor.u32 s26, s0;
	v5 =	vadd.f32 v5, v6  }
0x431: {  	s0 =	sor.u32 s24, s0;
	[tilespmem:s1+$0x0] =	vst v7  }
0x432: {  	[tilespmem:s0+$0x0] =	vst v5  }
0x433: {  	v5 =	vld.msk [tilespmem:$0x17D0 ss:$0x0], $0xffff  }
0x434: {  	v6 =	vld.msk [tilespmem:$0x17D1 ss:$0x0], $0xffff  }
0x435: {  	v7 =	vld.msk [tilespmem:$0x17D2 ss:$0x0], $0xffff  }
0x436: {  	v8 =	vld.msk [tilespmem:$0x17D3 ss:$0x0], $0xffff  }
0x437: {  	v9 =	vld.msk [tilespmem:$0x17D4 ss:$0x0], $0xffff  }
0x438: {  	v10 =	vld.msk [tilespmem:$0x17D5 ss:$0x0], $0xffff  }
0x439: {  	v12 =	vld.msk [tilespmem:$0x17D6 ss:$0x0], $0xffff  }
0x43a: {  	v17 =	vld.msk [tilespmem:$0x17D7 ss:$0x0], $0xffff  }
0x43b: {  	v19 =	vld.msk [tilespmem:$0x17D8 ss:$0x0], $0xffff  }
0x43c: {  	v13 =	vld.msk [tilespmem:$0x17D9 ss:$0x0], $0xffff  }
0x43d: {  	v14 =	vld.msk [tilespmem:$0x17DA ss:$0x0], $0xffff  }
0x43e: {  	v15 =	vld.msk [tilespmem:$0x17DB ss:$0x0], $0xffff  }
0x43f: {  	s6 =	simm.s32 $0x0;
	s9 =	simm.s32 $0x0;
	v16 =	vld.msk [tilespmem:$0x17DC ss:$0x0], $0xffff  }
0x440: {  	s11 =	sand.u32 $0x1C00, s6;
	s1 =	sor.u32 s6, s9;
	s6 =	sand.u32 $0x3, s6;
	v11 =	vld.msk [tilespmem:$0x17DD ss:$0x0], $0xffff  }
0x441: {  	s6 =	sshll.u32 s6, $0x5;
	v18 =	vld.msk [tilespmem:$0x17DE ss:$0x0], $0xffff  }
0x442: {  	s24 =	sor.u32 $0x6380, s1;
	s6 =	sadd.s32 $0x10, s6;
	s0 =	sand.u32 $0x60, s9;
	v20 =	vld.msk [tilespmem:$0x17DF ss:$0x0], $0xffff  }
0x443: {  	s14 =	sadd.s32 $0xBC80, s11;
	s6 =	sor.u32 $0x6380, s6;
	s15 =	sor.u32 $0x10, s0;
	v21 =	vld [tilespmem:s24+$0x7C80]  }
0x444: {  	s16 =	sadd.s32 $0xBD00, s11;
	v37 =	vld [tilespmem:s6+$0x7C80];
	s10 =	sor.u32 s15, s14  }
0x445: {  	s17 =	sadd.s32 $0xBD80, s11;
	s12 =	sor.u32 s15, s16;
	v22 =	vld [tilespmem:s10+$0x0]  }
0x446: {  	s18 =	sadd.s32 $0xBE00, s11;
	s13 =	sor.u32 s15, s17;
	v23 =	vld [tilespmem:s12+$0x0]  }
0x447: {  	s21 =	sadd.s32 $0xBE80, s11;
	s22 =	sor.u32 s15, s18;
	v24 =	vld [tilespmem:s13+$0x0]  }
0x448: {  	s5 =	sadd.s32 $0xDC80, s11;
	s23 =	sor.u32 s15, s21;
	v25 =	vld [tilespmem:s22+$0x0]  }
0x449: {  	s3 =	sadd.s32 $0xDD00, s11;
	s2 =	sor.u32 s15, s5;
	v26 =	vld [tilespmem:s23+$0x0]  }
0x44a: {  	s1 =	sadd.s32 $0xDD80, s11;
	s30 =	sor.u32 s15, s3;
	v30 =	vld [tilespmem:s2+$0x0]  }
0x44b: {  	s4 =	sadd.s32 $0xDE00, s11;
	s9 =	sor.u32 s15, s1;
	v31 =	vld [tilespmem:s30+$0x0]  }
0x44c: {  	s13 =	sadd.s32 $0xBF00, s11;
	v49 =	vld [tilespmem:s9+$0x0];
	s22 =	sor.u32 s15, s4  }
0x44d: {  	s12 =	sadd.s32 $0xBF80, s11;
	s25 =	sor.u32 s15, s13;
	v33 =	vld [tilespmem:s22+$0x0]  }
0x44e: {  	s10 =	sor.u32 $0xC000, s11;
	s26 =	sor.u32 s15, s12;
	v27 =	vld [tilespmem:s25+$0x0]  }
0x44f: {  	s2 =	sadd.s32 $0xDE80, s11;
	s29 =	sor.u32 s15, s10;
	v28 =	vld [tilespmem:s26+$0x0]  }
0x450: {  	s9 =	sadd.s32 $0xDF00, s11;
	s31 =	sor.u32 s15, s2;
	v29 =	vld [tilespmem:s29+$0x0]  }
0x451: {  	s11 =	sadd.s32 $0xDF80, s11;
	s23 =	sor.u32 s15, s9;
	v34 =	vld [tilespmem:s31+$0x0];
	v22 =	vmul.f32 v22, v5;
	v23 =	vmul.f32 v23, v6  }
0x452: {  	s15 =	sor.u32 s15, s11;
	v35 =	vld [tilespmem:s23+$0x0];
	v24 =	vmul.f32 v24, v7;
	v25 =	vmul.f32 v25, v8  }
0x453: {  	s14 =	sor.u32 s0, s14;
	v36 =	vld [tilespmem:s15+$0x0];
	v26 =	vmul.f32 v26, v9;
	v30 =	vmul.f32 v30, v19  }
0x454: {  	v38 =	vld [tilespmem:s14+$0x0];
	s10 =	sor.u32 s0, s10;
	v31 =	vmul.f32 v31, v13;
	v32 =	vmul.f32 v49, v14  }
0x455: {  	s25 =	sor.u32 s0, s16;
	v51 =	vld [tilespmem:s10+$0x0];
	v33 =	vmul.f32 v33, v15;
	v27 =	vmul.f32 v27, v10  }
0x456: {  	s26 =	sor.u32 s0, s17;
	v39 =	vld [tilespmem:s25+$0x0];
	v28 =	vmul.f32 v28, v12;
	v29 =	vmul.f32 v29, v17  }
0x457: {  	s29 =	sor.u32 s0, s18;
	v40 =	vld [tilespmem:s26+$0x0];
	v34 =	vmul.f32 v34, v16;
	v35 =	vmul.f32 v35, v11  }
0x458: {  	s30 =	sor.u32 s0, s21;
	v41 =	vld [tilespmem:s29+$0x0];
	v36 =	vmul.f32 v36, v18;
	v22 =	vadd.f32 v23, v22;
	v23 =	vadd.f32 v25, v24  }
0x459: {  	s13 =	sor.u32 s0, s13;
	v24 =	vld [tilespmem:s30+$0x0];
	v25 =	vmul.f32 v37, v20;
	v26 =	vadd.f32 v27, v26;
	v27 =	vadd.f32 v29, v28  }
0x45a: {  	s12 =	sor.u32 s0, s12;
	v28 =	vld [tilespmem:s13+$0x0];
	v29 =	vadd.f32 v31, v30;
	v30 =	vadd.f32 v33, v32  }
0x45b: {  	s5 =	sor.u32 s0, s5;
	v31 =	vld [tilespmem:s12+$0x0];
	v50 =	vadd.f32 v35, v34;
	v25 =	vadd.f32 v25, v36  }
0x45c: {  	s3 =	sor.u32 s0, s3;
	v22 =	vadd.f32 v23, v22;
	v23 =	vadd.f32 v27, v26;
	v26 =	vld [tilespmem:s5+$0x0]  }
0x45d: {  	s28 =	simm.s32 $0x100;
	s1 =	sor.u32 s0, s1;
	v27 =	vadd.f32 v30, v29;
	v29 =	vld [tilespmem:s3+$0x0]  }
0x45e: {  	s22 =	sand.u32 $0x1C00, s28;
	s26 =	simm.s32 $0x20;
	v25 =	vadd.f32 v25, v50;
	v30 =	vld [tilespmem:s1+$0x0];
	s5 =	sor.u32 s0, s9  }
0x45f: {  	s31 =	sor.u32 s0, s4;
	s4 =	sor.u32 s0, s2;
	v52 =	vld [tilespmem:s5+$0x0];
	s5 =	sand.u32 $0x60, s26  }
0x460: {  	v22 =	vadd.f32 v23, v22;
	v23 =	vadd.f32 v25, v27;
	v27 =	vld [tilespmem:s4+$0x0];
	s4 =	sadd.s32 $0xBC80, s22;
	s1 =	sor.u32 $0x10, s5  }
0x461: {  	s2 =	sadd.s32 $0xBD00, s22;
	v25 =	vld [tilespmem:s31+$0x0];
	s10 =	sor.u32 s1, s4  }
0x462: {  	s16 =	sadd.s32 $0xBD80, s22;
	s0 =	sor.u32 s0, s11;
	s11 =	sor.u32 s1, s2;
	v53 =	vld [tilespmem:s10+$0x0]  }
0x463: {  	s13 =	sadd.s32 $0xBE00, s22;
	s12 =	sor.u32 s1, s16;
	v54 =	vld [tilespmem:s11+$0x0]  }
0x464: {  	s9 =	sor.u32 s28, s26;
	s3 =	sadd.s32 $0xBE80, s22;
	s14 =	sor.u32 s1, s13;
	v55 =	vld [tilespmem:s12+$0x0]  }
0x465: {  	s25 =	sor.u32 $0x6380, s9;
	s9 =	sadd.s32 $0xBF00, s22;
	s15 =	sor.u32 s1, s3;
	v58 =	vld [tilespmem:s14+$0x0]  }
0x466: {  	s17 =	sor.u32 s1, s9;
	v22 =	vadd.f32 v23, v22;
	v42 =	vld [tilespmem:s15+$0x0]  }
0x467: {  	v43 =	vld [tilespmem:s17+$0x0]  }
0x468: {  	v56 =	vmul.f32 v38, v5;
	v57 =	vmul.f32 v39, v6;
	s10 =	sadd.s32 $0xBF80, s22;
	[tilespmem:s6+$0x14480] =	vst.add.f32.msk $0xffff, v22  }
0x469: {  	v24 =	vmul.f32 v24, v9;
	v28 =	vmul.f32 v28, v10;
	s11 =	sor.u32 $0xC000, s22;
	s18 =	sor.u32 s1, s10;
	v22 =	vld [tilespmem:s0+$0x0]  }
0x46a: {  	v40 =	vmul.f32 v40, v7;
	v41 =	vmul.f32 v41, v8;
	s12 =	sadd.s32 $0xDC80, s22;
	s21 =	sor.u32 s1, s11;
	v60 =	vld [tilespmem:s18+$0x0]  }
0x46b: {  	v33 =	vmul.f32 v51, v17;
	v31 =	vmul.f32 v31, v12;
	s14 =	sadd.s32 $0xDD00, s22;
	v24 =	vadd.f32 v28, v24;
	s23 =	sor.u32 s1, s12;
	v28 =	vld [tilespmem:s21+$0x0]  }
0x46c: {  	v37 =	vadd.f32 v57, v56;
	s15 =	sadd.s32 $0xDD80, s22;
	v26 =	vmul.f32 v26, v19;
	v29 =	vmul.f32 v29, v13;
	s29 =	sor.u32 s1, s14;
	v61 =	vld [tilespmem:s23+$0x0]  }
0x46d: {  	v21 =	vmul.f32 v21, v20;
	v59 =	vadd.f32 v41, v40;
	s17 =	sadd.s32 $0xDE00, s22;
	v31 =	vadd.f32 v33, v31;
	s30 =	sor.u32 s1, s15;
	v62 =	vld [tilespmem:s29+$0x0]  }
0x46e: {  	s31 =	sor.u32 s1, s17;
	s18 =	sadd.s32 $0xDE80, s22;
	v63 =	vld [tilespmem:s30+$0x0];
	s0 =	simm.s32 $0x1;
	v26 =	vadd.f32 v29, v26;
	v27 =	vmul.f32 v27, v16;
	v29 =	vmul.f32 v52, v11  }
0x46f: {  	v30 =	vmul.f32 v30, v14;
	s21 =	sadd.s32 $0xDF00, s22;
	s22 =	sadd.s32 $0xDF80, s22;
	v25 =	vmul.f32 v25, v15;
	v24 =	vadd.f32 v31, v24;
	s23 =	sand.u32 $0x3, s0;
	v31 =	vld [tilespmem:s31+$0x0]  }
0x470: {  	v23 =	vld [tilespmem:s25+$0x7C80];
	s29 =	sor.u32 s1, s18;
	s30 =	sor.u32 s1, s21;
	s1 =	sor.u32 s1, s22;
	v27 =	vadd.f32 v29, v27;
	v29 =	vmul.f32 v53, v5;
	v45 =	vmul.f32 v54, v6  }
0x471: {  	v37 =	vadd.f32 v59, v37;
	s23 =	sshll.u32 s23, $0x5;
	v48 =	vld [tilespmem:s1+$0x0];
	v46 =	vmul.f32 v55, v7;
	v22 =	vmul.f32 v22, v18  }
0x472: {  	v25 =	vadd.f32 v25, v30;
	v30 =	vld [tilespmem:s29+$0x0];
	s23 =	sadd.s32 $0x110, s23;
	v40 =	vmul.f32 v60, v12;
	v28 =	vmul.f32 v28, v17  }
0x473: {  	v47 =	vld [tilespmem:s30+$0x0];
	s1 =	sor.u32 $0x6380, s23;
	v38 =	vmul.f32 v61, v19;
	v33 =	vmul.f32 v62, v13;
	v21 =	vadd.f32 v21, v22  }
0x474: {  	s4 =	sor.u32 s5, s4;
	v24 =	vadd.f32 v24, v37;
	v49 =	vld [tilespmem:s1+$0x7C80];
	v32 =	vmul.f32 v63, v14;
	v31 =	vmul.f32 v31, v15  }
0x475: {  	s2 =	sor.u32 s5, s2;
	v50 =	vld [tilespmem:s4+$0x0];
	v22 =	vadd.f32 v25, v26;
	v25 =	vmul.f32 v58, v8;
	v21 =	vadd.f32 v21, v27  }
0x476: {  	v51 =	vld [tilespmem:s2+$0x0];
	s31 =	sor.u32 s5, s16;
	v29 =	vadd.f32 v45, v29;
	v26 =	vmul.f32 v42, v9;
	v53 =	vmul.f32 v48, v18  }
0x477: {  	s3 =	sor.u32 s5, s3;
	v52 =	vld [tilespmem:s31+$0x0];
	v33 =	vadd.f32 v33, v38;
	v30 =	vmul.f32 v30, v16;
	v21 =	vadd.f32 v21, v22  }
0x478: {  	s6 =	sor.u32 s5, s13;
	v54 =	vld [tilespmem:s3+$0x0];
	v31 =	vadd.f32 v31, v32;
	v27 =	vmul.f32 v43, v10;
	v25 =	vadd.f32 v25, v46  }
0x479: {  	s9 =	sor.u32 s5, s9;
	v55 =	vmul.f32 v49, v20;
	v22 =	vadd.f32 v21, v24;
	v21 =	vmul.f32 v47, v11;
	v24 =	vld [tilespmem:s6+$0x0]  }
0x47a: {  	v56 =	vld [tilespmem:s9+$0x0];
	s11 =	sor.u32 s5, s11;
	v26 =	vadd.f32 v27, v26;
	v27 =	vadd.f32 v28, v40  }
0x47b: {  	s10 =	sor.u32 s5, s10;
	v57 =	vmul.f32 v51, v6;
	v60 =	vld [tilespmem:s11+$0x0];
	v21 =	vadd.f32 v21, v30;
	v30 =	vadd.f32 v55, v53  }
0x47c: {  	s13 =	sor.u32 s5, s12;
	v58 =	vld [tilespmem:s10+$0x0];
	v59 =	vmul.f32 v52, v7;
	v29 =	vadd.f32 v25, v29;
	v26 =	vadd.f32 v27, v26  }
0x47d: {  	s16 =	sor.u32 s5, s14;
	v62 =	vld [tilespmem:s13+$0x0];
	v34 =	vmul.f32 v54, v9;
	v27 =	vadd.f32 v31, v33;
	v30 =	vadd.f32 v30, v21  }
0x47e: {  	s23 =	sor.u32 s5, s15;
	v28 =	vmul.f32 v50, v5;
	v25 =	vld [tilespmem:s16+$0x0];
	v61 =	vmul.f32 v24, v8  }
0x47f: {  	s29 =	sor.u32 s5, s17;
	v29 =	vadd.f32 v26, v29;
	v21 =	vmul.f32 v23, v20;
	v24 =	vld [tilespmem:s23+$0x0];
	v23 =	vadd.f32 v30, v27  }
0x480: {  	s30 =	sor.u32 s5, s18;
	v63 =	vadd.f32 v57, v28;
	v28 =	vmul.f32 v56, v10;
	v27 =	vld [tilespmem:s29+$0x0];
	v35 =	vadd.f32 v61, v59  }
0x481: {  	s31 =	sor.u32 s5, s21;
	v31 =	vmul.f32 v58, v12;
	v33 =	vmul.f32 v60, v17;
	v26 =	vld [tilespmem:s30+$0x0];
	v32 =	vadd.f32 v23, v29  }
0x482: {  	s18 =	sor.u32 s5, s22;
	s3 =	simm.s32 $0x110;
	v28 =	vadd.f32 v28, v34;
	v30 =	vmul.f32 v62, v19;
	v29 =	vld [tilespmem:s31+$0x0];
	v23 =	vadd.f32 v35, v63  }
.LBB2_32:
0x483: {  	s26 =	sadd.s32 $0x20, s26;
	v25 =	vmul.f32 v25, v13;
	v31 =	vadd.f32 v33, v31;
	[tilespmem:s1+$0x14480] =	vst.add.f32.msk $0xffff, v32;
	s28 =	sadd.s32 $0x100, s28  }
0x484: {  	s9 =	sand.u32 $0x60, s26;
	s17 =	sand.u32 $0x1C00, s28;
	s1 =	sor.u32 s28, s26;
	v24 =	vmul.f32 v24, v14;
	v32 =	vld [tilespmem:s18+$0x0]  }
0x485: {  	s2 =	sadd.s32 $0xBC80, s17;
	s5 =	sor.u32 $0x6380, s1;
	s1 =	sor.u32 $0x10, s9;
	v27 =	vmul.f32 v27, v15;
	v25 =	vadd.f32 v25, v30;
	v28 =	vadd.f32 v31, v28;
	[tilespmem:s24+$0x14480] =	vst.add.f32.msk $0xffff, v22  }
0x486: {  	s4 =	sadd.s32 $0xBD00, s17;
	s10 =	sor.u32 s9, s2;
	v22 =	vld [tilespmem:s5+$0x7C80];
	s2 =	sor.u32 s1, s2;
	v26 =	vmul.f32 v26, v16  }
0x487: {  	s6 =	sadd.s32 $0xBD80, s17;
	s29 =	sor.u32 s9, s4;
	v30 =	vld [tilespmem:s2+$0x0];
	s2 =	sor.u32 s1, s4;
	v29 =	vmul.f32 v29, v11;
	v24 =	vadd.f32 v27, v24;
	v23 =	vadd.f32 v28, v23  }
0x488: {  	s11 =	sor.u32 s9, s6;
	s4 =	sadd.s32 $0xBE00, s17;
	v27 =	vld [tilespmem:s2+$0x0];
	s2 =	sor.u32 s1, s6  }
0x489: {  	s12 =	sor.u32 s9, s4;
	s6 =	sadd.s32 $0xBE80, s17;
	v28 =	vld [tilespmem:s2+$0x0];
	s2 =	sor.u32 s1, s4;
	v31 =	vmul.f32 v32, v18;
	v26 =	vadd.f32 v29, v26;
	v24 =	vadd.f32 v24, v25  }
0x48a: {  	s14 =	sor.u32 s9, s6;
	s4 =	sadd.s32 $0xBF00, s17;
	v25 =	vld [tilespmem:s2+$0x0];
	s2 =	sor.u32 s1, s6  }
0x48b: {  	s13 =	sor.u32 s9, s4;
	s6 =	sadd.s32 $0xBF80, s17;
	v29 =	vld [tilespmem:s2+$0x0];
	s2 =	sor.u32 s1, s4;
	v31 =	vadd.f32 v21, v31;
	v21 =	vmul.f32 v22, v20  }
0x48c: {  	s15 =	sor.u32 s9, s6;
	s4 =	sor.u32 $0xC000, s17;
	v32 =	vld [tilespmem:s2+$0x0];
	s2 =	sor.u32 s1, s6  }
0x48d: {  	s30 =	sor.u32 s9, s4;
	s6 =	sadd.s32 $0xDC80, s17;
	v33 =	vld [tilespmem:s2+$0x0];
	s2 =	sor.u32 s1, s4;
	v22 =	vadd.f32 v31, v26  }
0x48e: {  	s31 =	sor.u32 s9, s6;
	s4 =	sadd.s32 $0xDD00, s17;
	v26 =	vld [tilespmem:s2+$0x0];
	s2 =	sor.u32 s1, s6  }
0x48f: {  	s16 =	sor.u32 s9, s4;
	s6 =	sadd.s32 $0xDD80, s17;
	v31 =	vld [tilespmem:s2+$0x0];
	s2 =	sor.u32 s1, s4;
	v22 =	vadd.f32 v22, v24  }
0x490: {  	s3 =	sadd.s32 $0x100, s3;
	s4 =	sadd.s32 $0xDE00, s17;
	v24 =	vld [tilespmem:s2+$0x0];
	s2 =	sor.u32 s1, s6  }
0x491: {  	s0 =	sadd.s32 $0x1, s0;
	s18 =	sadd.s32 $0xDE80, s17;
	v34 =	vld [tilespmem:s2+$0x0];
	s2 =	sor.u32 s1, s4;
	v22 =	vadd.f32 v22, v23  }
0x492: {  	s21 =	sand.u32 $0x3, s0;
	s22 =	sadd.s32 $0xDF00, s17;
	v23 =	vld [tilespmem:s2+$0x0];
	s2 =	sor.u32 s1, s18  }
0x493: {  	s21 =	sshll.u32 s21, $0x5;
	s23 =	sadd.s32 $0xDF80, s17;
	v30 =	vmul.f32 v30, v5;
	v27 =	vmul.f32 v27, v6;
	v35 =	vld [tilespmem:s2+$0x0];
	s2 =	sor.u32 s1, s22  }
0x494: {  	s24 =	sadd.s32 s21, s3;
	v28 =	vmul.f32 v28, v7;
	s17 =	sor.u32 s9, s6;
	v25 =	vmul.f32 v25, v8;
	s1 =	sor.u32 s1, s23;
	v36 =	vld [tilespmem:s2+$0x0]  }
0x495: {  	s21 =	sor.u32 s9, s4;
	v29 =	vmul.f32 v29, v9;
	v32 =	vmul.f32 v32, v10;
	s2 =	sor.u32 s9, s18;
	v37 =	vld [tilespmem:s1+$0x0];
	s1 =	sor.u32 $0x6380, s24  }
0x496: {  	p0 =	slt.u32 s26, $0x3E0;
	s4 =	sor.u32 s9, s22;
	v33 =	vmul.f32 v33, v12;
	v26 =	vmul.f32 v26, v17;
	s18 =	sor.u32 s9, s23;
	v38 =	vld [tilespmem:s1+$0x7C80]  }
0x497: {  	v31 =	vmul.f32 v31, v19;
	v24 =	vmul.f32 v24, v13;
	s24 =	smov.u32 s25;
	s25 =	smov.u32 s5;
	v39 =	vld [tilespmem:s10+$0x0]  }
0x498: {  	v34 =	vmul.f32 v34, v14;
	v23 =	vmul.f32 v23, v15;
	v40 =	vld [tilespmem:s29+$0x0]  }
0x499: {  	v35 =	vmul.f32 v35, v16;
	v41 =	vld [tilespmem:s11+$0x0];
	v36 =	vmul.f32 v36, v11  }
0x49a: {  	v27 =	vadd.f32 v27, v30;
	v25 =	vadd.f32 v25, v28;
	v42 =	vld [tilespmem:s12+$0x0];
	v37 =	vmul.f32 v37, v18  }
0x49b: {  	v29 =	vadd.f32 v32, v29;
	v26 =	vadd.f32 v26, v33;
	v28 =	vld [tilespmem:s14+$0x0];
	v30 =	vmul.f32 v38, v20  }
0x49c: {  	v24 =	vadd.f32 v24, v31;
	v23 =	vadd.f32 v23, v34;
	v32 =	vmul.f32 v39, v5;
	v33 =	vld [tilespmem:s13+$0x0]  }
0x49d: {  	v35 =	vadd.f32 v36, v35;
	v31 =	vmul.f32 v40, v6;
	v34 =	vld [tilespmem:s15+$0x0];
	v30 =	vadd.f32 v30, v37  }
0x49e: {  	v27 =	vadd.f32 v25, v27;
	v26 =	vadd.f32 v26, v29;
	v36 =	vmul.f32 v41, v7;
	v37 =	vld [tilespmem:s30+$0x0]  }
0x49f: {  	v23 =	vadd.f32 v23, v24;
	v29 =	vmul.f32 v42, v8;
	v38 =	vld [tilespmem:s31+$0x0];
	v30 =	vadd.f32 v30, v35  }
.Ltmp15:
0x4a0: {  	v35 =	vadd.f32 v31, v32;
	v28 =	vmul.f32 v28, v9;
	v25 =	vld [tilespmem:s16+$0x0];
	(pc) =	sbr.rel @p0 .LBB2_32-.Ltmp15, $4  }
0x4a1: {  	v39 =	vadd.f32 v26, v27;
	v32 =	vmul.f32 v33, v10;
	v24 =	vld [tilespmem:s17+$0x0];
	v23 =	vadd.f32 v30, v23  }
0x4a2: {  	v31 =	vmul.f32 v34, v12;
	v27 =	vld [tilespmem:s21+$0x0];
	v34 =	vadd.f32 v29, v36  }
0x4a3: {  	v33 =	vmul.f32 v37, v17;
	v26 =	vld [tilespmem:s2+$0x0];
	v28 =	vadd.f32 v32, v28;
	v32 =	vadd.f32 v23, v39  }
0x4a4: {  	v30 =	vmul.f32 v38, v19;
	v29 =	vld [tilespmem:s4+$0x0];
	v23 =	vadd.f32 v34, v35  }
0x4a5: {  	v5 =	vld [tilespmem:s18+$0x0];
	_ =	sdelay $0x2  }
0x4a6: {  	v6 =	vmul.f32 v25, v13;
	v7 =	vmul.f32 v24, v14  }
0x4a7: {  	v8 =	vmul.f32 v27, v15;
	v9 =	vmul.f32 v26, v16  }
0x4a8: {  	v10 =	vadd.f32 v33, v31;
	v11 =	vmul.f32 v29, v11;
	v5 =	vmul.f32 v5, v18  }
0x4a9: {  	v6 =	vadd.f32 v6, v30;
	v7 =	vadd.f32 v8, v7  }
0x4aa: {  	v8 =	vadd.f32 v11, v9;
	v5 =	vadd.f32 v21, v5  }
0x4ab: {  	v9 =	vadd.f32 v10, v28  }
0x4ac: {  	v6 =	vadd.f32 v7, v6;
	v5 =	vadd.f32 v5, v8;
	_ =	sdelay $0x1  }
0x4ad: {  	v7 =	vadd.f32 v9, v23;
	v5 =	vadd.f32 v5, v6;
	_ =	sdelay $0x1  }
0x4ae: {  	[tilespmem:s1+$0x14480] =	vst.add.f32.msk $0xffff, v32;
	v5 =	vadd.f32 v5, v7  }
0x4af: {  	[tilespmem:s24+$0x14480] =	vst.add.f32.msk $0xffff, v22  }
0x4b0: {  	s0 =	simm.s32 $0x2;
	[tilespmem:s25+$0x14480] =	vst.add.f32.msk $0xffff, v5  }
0x4b1: {  	_ =	swait.ge [sflag:s0], $0x4000  }
0x4b2: {  	[sflag:s0] =	ssyncset.done $0x0  }
0x4b3: {  	[sflag:s0] =	ssyncadd.s32 $0xFFFFC000  }
0x4b4: {  	v5 =	vld.msk [tilespmem:$0x17E0 ss:$0x0], $0xffff  }
0x4b5: {  	v6 =	vld.msk [tilespmem:$0x17E1 ss:$0x0], $0xffff  }
0x4b6: {  	v7 =	vld.msk [tilespmem:$0x17E2 ss:$0x0], $0xffff  }
0x4b7: {  	v8 =	vld.msk [tilespmem:$0x17E3 ss:$0x0], $0xffff  }
0x4b8: {  	v9 =	vld.msk [tilespmem:$0x17E4 ss:$0x0], $0xffff  }
0x4b9: {  	v10 =	vld.msk [tilespmem:$0x17E5 ss:$0x0], $0xffff  }
0x4ba: {  	v11 =	vld.msk [tilespmem:$0x17E6 ss:$0x0], $0xffff  }
0x4bb: {  	v12 =	vld.msk [tilespmem:$0x17E7 ss:$0x0], $0xffff  }
0x4bc: {  	v17 =	vld.msk [tilespmem:$0x17E8 ss:$0x0], $0xffff  }
0x4bd: {  	v18 =	vld.msk [tilespmem:$0x17E9 ss:$0x0], $0xffff  }
0x4be: {  	v13 =	vld.msk [tilespmem:$0x17EA ss:$0x0], $0xffff  }
0x4bf: {  	v14 =	vld.msk [tilespmem:$0x17EB ss:$0x0], $0xffff  }
0x4c0: {  	v15 =	vld.msk [tilespmem:$0x17EC ss:$0x0], $0xffff  }
0x4c1: {  	s6 =	simm.s32 $0x0;
	s17 =	simm.s32 $0x0;
	v16 =	vld.msk [tilespmem:$0x17ED ss:$0x0], $0xffff  }
0x4c2: {  	s3 =	sand.u32 $0x60, s17;
	s1 =	sor.u32 s6, s17;
	s0 =	sand.u32 $0x1C00, s6;
	v19 =	vld.msk [tilespmem:$0x17EE ss:$0x0], $0xffff  }
0x4c3: {  	s2 =	sor.u32 $0x380, s1;
	s1 =	sor.u32 $0x10, s3;
	v20 =	vld.msk [tilespmem:$0x17EF ss:$0x0], $0xffff;
	s13 =	sadd.s32 $0xFC80, s0  }
0x4c4: {  	v21 =	vld [tilespmem:s2+$0xFC80];
	s18 =	sor.u32 s1, s13  }
0x4c5: {  	v22 =	vld [tilespmem:s18+$0x0]  }
0x4c6: {  	v23 =	vld [tilespmem:s18+$0x80]  }
0x4c7: {  	v24 =	vld [tilespmem:s18+$0x100]  }
0x4c8: {  	v25 =	vld [tilespmem:s18+$0x180]  }
0x4c9: {  	s12 =	sadd.s32 $0x11C80, s0;
	v26 =	vld [tilespmem:s18+$0x200]  }
0x4ca: {  	s10 =	sadd.s32 $0x11D00, s0;
	s21 =	sor.u32 s1, s12;
	v27 =	vld [tilespmem:s18+$0x280]  }
0x4cb: {  	s4 =	sadd.s32 $0x11D80, s0;
	s5 =	sor.u32 s1, s10;
	v28 =	vld [tilespmem:s21+$0x0]  }
0x4cc: {  	s22 =	sadd.s32 $0x11E00, s0;
	s9 =	sor.u32 s1, s4;
	v29 =	vld [tilespmem:s5+$0x0]  }
0x4cd: {  	s23 =	sadd.s32 $0x11E80, s0;
	s11 =	sor.u32 s1, s22;
	v30 =	vld [tilespmem:s9+$0x0]  }
0x4ce: {  	s6 =	sand.u32 $0x3, s6;
	s24 =	sadd.s32 $0x11F00, s0;
	s14 =	sor.u32 s1, s23;
	v31 =	vld [tilespmem:s11+$0x0]  }
0x4cf: {  	s6 =	sshll.u32 s6, $0x5;
	s25 =	sadd.s32 $0x11F80, s0;
	s26 =	sor.u32 s1, s24;
	v55 =	vld [tilespmem:s14+$0x0]  }
0x4d0: {  	s15 =	sor.u32 $0x12000, s0;
	s6 =	sadd.s32 $0x0, s6;
	s28 =	sor.u32 s1, s25;
	v56 =	vld [tilespmem:s26+$0x0]  }
0x4d1: {  	s29 =	sor.u32 s1, s15;
	s16 =	sadd.s32 $0x10, s6;
	v34 =	vld [tilespmem:s28+$0x0];
	v22 =	vmul.f32 v22, v5  }
0x4d2: {  	v35 =	vld [tilespmem:s29+$0x0];
	s17 =	sor.u32 $0x300, s16;
	v23 =	vmul.f32 v23, v6;
	v24 =	vmul.f32 v24, v7  }
0x4d3: {  	s30 =	sor.u32 $0x380, s16;
	v36 =	vld [tilespmem:s17+$0xFC80];
	v25 =	vmul.f32 v25, v8;
	v26 =	vmul.f32 v26, v9  }
0x4d4: {  	s13 =	sor.u32 s3, s13;
	v37 =	vld [tilespmem:s30+$0xFC80];
	v27 =	vmul.f32 v27, v10;
	v28 =	vmul.f32 v28, v17  }
0x4d5: {  	v39 =	vld [tilespmem:s13+$0x0];
	v29 =	vmul.f32 v29, v18;
	v30 =	vmul.f32 v30, v13  }
0x4d6: {  	v40 =	vld [tilespmem:s13+$0x80];
	v31 =	vmul.f32 v31, v14;
	v32 =	vmul.f32 v55, v15  }
0x4d7: {  	s31 =	sor.u32 s3, s12;
	v58 =	vld [tilespmem:s13+$0x280];
	v33 =	vmul.f32 v56, v16;
	v34 =	vmul.f32 v34, v19;
	v22 =	vadd.f32 v23, v22  }
0x4d8: {  	s6 =	sor.u32 $0x300, s6;
	v60 =	vld [tilespmem:s31+$0x0];
	v35 =	vmul.f32 v35, v20;
	v24 =	vadd.f32 v25, v24;
	v25 =	vadd.f32 v27, v26  }
0x4d9: {  	v38 =	vld [tilespmem:s6+$0xFC80];
	v27 =	vmul.f32 v36, v11;
	v57 =	vmul.f32 v37, v12;
	v28 =	vadd.f32 v29, v28  }
0x4da: {  	v23 =	vld [tilespmem:s13+$0x100];
	v30 =	vadd.f32 v31, v30;
	v31 =	vadd.f32 v33, v32  }
0x4db: {  	v26 =	vld [tilespmem:s13+$0x180];
	v59 =	vadd.f32 v35, v34;
	v27 =	vadd.f32 v57, v27  }
0x4dc: {  	s10 =	sor.u32 s3, s10;
	v29 =	vld [tilespmem:s13+$0x200];
	v22 =	vadd.f32 v24, v22;
	v24 =	vadd.f32 v30, v28  }
0x4dd: {  	s4 =	sor.u32 s3, s4;
	v28 =	vld [tilespmem:s10+$0x0];
	v25 =	vadd.f32 v27, v25;
	v27 =	vadd.f32 v59, v31  }
0x4de: {  	s2 =	sor.u32 s3, s22;
	v30 =	vld [tilespmem:s4+$0x0]  }
0x4df: {  	s6 =	sor.u32 s3, s23;
	v31 =	vld [tilespmem:s2+$0x0];
	v22 =	vadd.f32 v25, v22;
	v24 =	vadd.f32 v27, v24  }
0x4e0: {  	s9 =	sor.u32 s3, s24;
	v25 =	vld [tilespmem:s6+$0x0]  }
0x4e1: {  	s11 =	sor.u32 s3, s15;
	s5 =	sadd.s32 $0x1A800, s0;
	s10 =	sor.u32 s3, s25;
	v27 =	vld [tilespmem:s9+$0x0];
	v22 =	vadd.f32 v24, v22  }
0x4e2: {  	s24 =	simm.s32 $0x20;
	s0 =	sor.u32 s1, s5;
	s25 =	simm.s32 $0x100;
	v24 =	vld [tilespmem:s10+$0x0]  }
0x4e3: {  	s1 =	sand.u32 $0x60, s24;
	s12 =	sor.u32 s25, s24;
	s10 =	sand.u32 $0x1C00, s25;
	[tilespmem:s0+$0x0] =	vst.add.f32.msk $0xffff, v22  }
0x4e4: {  	s9 =	sor.u32 $0x10, s1;
	s17 =	sadd.s32 $0xFC80, s10;
	v22 =	vld [tilespmem:s11+$0x0];
	s0 =	sor.u32 $0x380, s12  }
0x4e5: {  	s13 =	sor.u32 s9, s17;
	v33 =	vld [tilespmem:s0+$0xFC80]  }
0x4e6: {  	v61 =	vld [tilespmem:s13+$0x0]  }
0x4e7: {  	v62 =	vld [tilespmem:s13+$0x80]  }
0x4e8: {  	v23 =	vmul.f32 v23, v7;
	v26 =	vmul.f32 v26, v8;
	v45 =	vld [tilespmem:s13+$0x100]  }
0x4e9: {  	v39 =	vmul.f32 v39, v5;
	v40 =	vmul.f32 v40, v6;
	v41 =	vld [tilespmem:s13+$0x180]  }
0x4ea: {  	v23 =	vadd.f32 v26, v23;
	v26 =	vmul.f32 v30, v13;
	v30 =	vmul.f32 v31, v14;
	s2 =	sadd.s32 $0x11E80, s10;
	v42 =	vld [tilespmem:s13+$0x200]  }
0x4eb: {  	v21 =	vmul.f32 v21, v12;
	v63 =	vmul.f32 v38, v11;
	v39 =	vadd.f32 v40, v39;
	s11 =	sadd.s32 $0x11C80, s10;
	s22 =	sor.u32 s9, s2;
	v46 =	vld [tilespmem:s13+$0x280]  }
0x4ec: {  	v32 =	vmul.f32 v58, v10;
	v29 =	vmul.f32 v29, v9;
	s12 =	sadd.s32 $0x11D00, s10;
	s14 =	sor.u32 s9, s11;
	v26 =	vadd.f32 v30, v26;
	v30 =	vld [tilespmem:s22+$0x0]  }
0x4ed: {  	v34 =	vmul.f32 v60, v17;
	v21 =	vadd.f32 v21, v63;
	v28 =	vmul.f32 v28, v18;
	s13 =	sadd.s32 $0x11D80, s10;
	s15 =	sor.u32 s9, s12;
	s0 =	simm.s32 $0x1;
	v47 =	vld [tilespmem:s14+$0x0]  }
0x4ee: {  	v29 =	vadd.f32 v32, v29;
	v23 =	vadd.f32 v23, v39;
	s14 =	sadd.s32 $0x11E00, s10;
	v31 =	vld [tilespmem:s15+$0x0];
	s16 =	sor.u32 s9, s13;
	s21 =	sand.u32 $0x3, s0  }
0x4ef: {  	v28 =	vadd.f32 v28, v34;
	v25 =	vmul.f32 v25, v15;
	v27 =	vmul.f32 v27, v16;
	s15 =	sadd.s32 $0x11F80, s10;
	v48 =	vld [tilespmem:s16+$0x0];
	s18 =	sor.u32 s9, s14;
	s23 =	sshll.u32 s21, $0x5  }
0x4f0: {  	s4 =	sadd.s32 $0x11F00, s10;
	v21 =	vadd.f32 v21, v29;
	v24 =	vmul.f32 v24, v19;
	s29 =	sor.u32 s9, s15;
	v49 =	vld [tilespmem:s18+$0x0];
	s28 =	sadd.s32 $0x100, s23;
	v22 =	vmul.f32 v22, v20  }
0x4f1: {  	s26 =	sor.u32 s9, s4;
	v25 =	vadd.f32 v27, v25;
	v26 =	vadd.f32 v26, v28;
	v28 =	vld [tilespmem:s29+$0x0];
	s21 =	sadd.s32 $0x10, s28  }
0x4f2: {  	v27 =	vmul.f32 v61, v5;
	v29 =	vmul.f32 v45, v7;
	s31 =	sor.u32 $0x300, s21;
	v22 =	vadd.f32 v22, v24;
	v24 =	vld [tilespmem:s26+$0x0]  }
0x4f3: {  	v21 =	vadd.f32 v21, v23;
	s16 =	sor.u32 $0x12000, s10;
	v23 =	vmul.f32 v41, v8;
	v51 =	vmul.f32 v42, v9;
	s22 =	sor.u32 $0x380, s21;
	v52 =	vld [tilespmem:s31+$0xFC80]  }
0x4f4: {  	s30 =	sor.u32 s9, s16;
	v30 =	vmul.f32 v30, v15;
	v53 =	vld [tilespmem:s22+$0xFC80];
	v37 =	vmul.f32 v47, v17  }
0x4f5: {  	s23 =	sor.u32 s1, s17;
	v50 =	vld [tilespmem:s30+$0x0];
	v31 =	vmul.f32 v31, v18;
	v32 =	vmul.f32 v48, v13  }
0x4f6: {  	v55 =	vld [tilespmem:s23+$0x80];
	v23 =	vadd.f32 v23, v29;
	v22 =	vadd.f32 v22, v25;
	v25 =	vmul.f32 v62, v6  }
0x4f7: {  	v58 =	vld [tilespmem:s23+$0x200];
	v39 =	vmul.f32 v49, v14;
	v28 =	vmul.f32 v28, v19;
	v31 =	vadd.f32 v31, v37  }
0x4f8: {  	v29 =	vld [tilespmem:s23+$0x180];
	v22 =	vadd.f32 v22, v26;
	v26 =	vmul.f32 v46, v10;
	v24 =	vmul.f32 v24, v16  }
0x4f9: {  	v25 =	vadd.f32 v25, v27;
	v27 =	vld [tilespmem:s23+$0x100];
	v56 =	vmul.f32 v52, v11;
	v57 =	vmul.f32 v53, v12  }
0x4fa: {  	v34 =	vmul.f32 v50, v20;
	v21 =	vadd.f32 v22, v21;
	v22 =	vld [tilespmem:s23+$0x0];
	v26 =	vadd.f32 v26, v51  }
0x4fb: {  	s18 =	sor.u32 $0x300, s28;
	v24 =	vadd.f32 v24, v30;
	v30 =	vld [tilespmem:s23+$0x280];
	v35 =	vadd.f32 v57, v56  }
0x4fc: {  	v54 =	vld [tilespmem:s18+$0xFC80];
	v61 =	vmul.f32 v33, v12;
	s26 =	sor.u32 s1, s12;
	v32 =	vadd.f32 v39, v32;
	v28 =	vadd.f32 v34, v28  }
0x4fd: {  	s11 =	sor.u32 s1, s11;
	v62 =	vld [tilespmem:s26+$0x0];
	v59 =	vmul.f32 v55, v6;
	v25 =	vadd.f32 v23, v25;
	v26 =	vadd.f32 v35, v26  }
0x4fe: {  	v60 =	vld [tilespmem:s11+$0x0];
	s28 =	sor.u32 s1, s13;
	v31 =	vadd.f32 v32, v31;
	v29 =	vmul.f32 v29, v8;
	v28 =	vadd.f32 v28, v24  }
0x4ff: {  	s29 =	sor.u32 s1, s14;
	v23 =	vld [tilespmem:s28+$0x0];
	v27 =	vmul.f32 v27, v7;
	v22 =	vmul.f32 v22, v5;
	v35 =	vadd.f32 v26, v25  }
0x500: {  	s2 =	sor.u32 s1, s2;
	v24 =	vld [tilespmem:s29+$0x0];
	v28 =	vadd.f32 v28, v31;
	v31 =	vmul.f32 v58, v9;
	v63 =	vmul.f32 v30, v10  }
0x501: {  	s4 =	sor.u32 s1, s4;
	v25 =	vld [tilespmem:s2+$0x0];
	v27 =	vadd.f32 v29, v27;
	v34 =	vadd.f32 v59, v22;
	v22 =	vmul.f32 v54, v11  }
0x502: {  	s3 =	sor.u32 s3, s5;
	s30 =	sor.u32 s1, s15;
	s31 =	sadd.s32 $0x1A800, s10;
	v32 =	vmul.f32 v62, v18;
	v26 =	vld [tilespmem:s4+$0x0];
	v30 =	vadd.f32 v28, v35;
	v31 =	vadd.f32 v63, v31  }
0x503: {  	s14 =	sor.u32 s1, s16;
	v29 =	vmul.f32 v60, v17;
	s2 =	sor.u32 s1, s31;
	s1 =	sor.u32 s9, s31;
	v28 =	vld [tilespmem:s30+$0x0];
	v22 =	vadd.f32 v61, v22;
	v27 =	vadd.f32 v27, v34  }
.LBB2_34:
0x504: {  	s24 =	sadd.s32 $0x20, s24;
	v23 =	vmul.f32 v23, v13;
	[tilespmem:s1+$0x0] =	vst.add.f32.msk $0xffff, v30;
	s25 =	sadd.s32 $0x100, s25  }
0x505: {  	s1 =	sand.u32 $0x60, s24;
	s5 =	sand.u32 $0x1C00, s25;
	s4 =	sor.u32 s25, s24;
	v24 =	vmul.f32 v24, v14;
	v30 =	vld [tilespmem:s14+$0x0];
	v29 =	vadd.f32 v32, v29;
	v22 =	vadd.f32 v22, v31  }
0x506: {  	s6 =	sadd.s32 $0xFC80, s5;
	s4 =	sor.u32 $0x380, s4;
	s9 =	sor.u32 $0x10, s1;
	v25 =	vmul.f32 v25, v15;
	[tilespmem:s3+$0x0] =	vst.add.f32.msk $0xffff, v21  }
0x507: {  	p0 =	slt.u32 s24, $0x3E0;
	s10 =	sor.u32 s1, s6;
	v21 =	vld [tilespmem:s4+$0xFC80];
	s4 =	sor.u32 s9, s6;
	v26 =	vmul.f32 v26, v16;
	v23 =	vadd.f32 v24, v23;
	v22 =	vadd.f32 v22, v27  }
0x508: {  	s3 =	smov.u32 s2;
	v24 =	vld [tilespmem:s4+$0x0];
	v27 =	vmul.f32 v28, v19  }
0x509: {  	v28 =	vld [tilespmem:s4+$0x80];
	v25 =	vadd.f32 v26, v25;
	v23 =	vadd.f32 v23, v29  }
0x50a: {  	v26 =	vld [tilespmem:s4+$0x100];
	v29 =	vmul.f32 v30, v20  }
0x50b: {  	v30 =	vld [tilespmem:s4+$0x180]  }
0x50c: {  	s2 =	sadd.s32 $0x11C80, s5;
	v31 =	vmul.f32 v21, v12;
	v32 =	vld [tilespmem:s4+$0x200];
	v21 =	vadd.f32 v29, v27  }
0x50d: {  	s11 =	sor.u32 s1, s2;
	s6 =	sadd.s32 $0x11D00, s5;
	s2 =	sor.u32 s9, s2;
	v27 =	vld [tilespmem:s4+$0x280]  }
0x50e: {  	s12 =	sor.u32 s1, s6;
	s4 =	sadd.s32 $0x11D80, s5;
	v29 =	vld [tilespmem:s2+$0x0];
	s2 =	sor.u32 s9, s6;
	v21 =	vadd.f32 v21, v25  }
0x50f: {  	s13 =	sor.u32 s1, s4;
	s6 =	sadd.s32 $0x11E00, s5;
	v25 =	vld [tilespmem:s2+$0x0];
	s2 =	sor.u32 s9, s4  }
0x510: {  	s0 =	sadd.s32 $0x1, s0;
	s4 =	sadd.s32 $0x11E80, s5;
	v33 =	vld [tilespmem:s2+$0x0];
	s2 =	sor.u32 s9, s6;
	v21 =	vadd.f32 v21, v23  }
0x511: {  	s14 =	sand.u32 $0x3, s0;
	s15 =	sadd.s32 $0x11F00, s5;
	v23 =	vld [tilespmem:s2+$0x0];
	s2 =	sor.u32 s9, s4  }
0x512: {  	s14 =	sshll.u32 s14, $0x5;
	s17 =	sadd.s32 $0x11F80, s5;
	v34 =	vld [tilespmem:s2+$0x0];
	s2 =	sor.u32 s9, s15;
	v21 =	vadd.f32 v21, v22  }
0x513: {  	s18 =	sor.u32 $0x12000, s5;
	s14 =	sadd.s32 s14, s25;
	v22 =	vld [tilespmem:s2+$0x0];
	s2 =	sor.u32 s9, s17  }
0x514: {  	s21 =	sor.u32 $0x300, s14;
	s14 =	sadd.s32 $0x10, s14;
	v24 =	vmul.f32 v24, v5;
	v35 =	vld [tilespmem:s2+$0x0];
	s2 =	sor.u32 s9, s18  }
0x515: {  	v28 =	vmul.f32 v28, v6;
	s16 =	sor.u32 s1, s6;
	v26 =	vmul.f32 v26, v7;
	s6 =	sor.u32 $0x300, s14;
	s4 =	sor.u32 s1, s4;
	v36 =	vld [tilespmem:s2+$0x0]  }
0x516: {  	v30 =	vmul.f32 v30, v8;
	v32 =	vmul.f32 v32, v9;
	s15 =	sor.u32 s1, s15;
	s2 =	sor.u32 s1, s17;
	v37 =	vld [tilespmem:s6+$0xFC80];
	s6 =	sor.u32 $0x380, s14  }
0x517: {  	v27 =	vmul.f32 v27, v10;
	v29 =	vmul.f32 v29, v17;
	s14 =	sor.u32 s1, s18;
	v38 =	vld [tilespmem:s6+$0xFC80]  }
0x518: {  	v25 =	vmul.f32 v25, v18;
	v33 =	vmul.f32 v33, v13;
	v39 =	vld [tilespmem:s21+$0xFC80]  }
0x519: {  	v23 =	vmul.f32 v23, v14;
	v34 =	vmul.f32 v34, v15;
	v40 =	vld [tilespmem:s10+$0x0]  }
0x51a: {  	v24 =	vadd.f32 v28, v24;
	v22 =	vmul.f32 v22, v16;
	v35 =	vmul.f32 v35, v19;
	v41 =	vld [tilespmem:s10+$0x80]  }
0x51b: {  	v26 =	vadd.f32 v30, v26;
	v27 =	vadd.f32 v27, v32;
	v36 =	vmul.f32 v36, v20;
	v28 =	vld [tilespmem:s10+$0x100]  }
0x51c: {  	v25 =	vadd.f32 v25, v29;
	v32 =	vmul.f32 v37, v11;
	v30 =	vld [tilespmem:s10+$0x180];
	v37 =	vmul.f32 v38, v12  }
0x51d: {  	v23 =	vadd.f32 v23, v33;
	v22 =	vadd.f32 v22, v34;
	v29 =	vld [tilespmem:s10+$0x200];
	v38 =	vmul.f32 v39, v11  }
0x51e: {  	v35 =	vadd.f32 v36, v35;
	v33 =	vmul.f32 v40, v5;
	v34 =	vld [tilespmem:s10+$0x280];
	v32 =	vadd.f32 v37, v32  }
0x51f: {  	v26 =	vadd.f32 v26, v24;
	v25 =	vadd.f32 v23, v25;
	v36 =	vmul.f32 v41, v6;
	v37 =	vld [tilespmem:s11+$0x0]  }
0x520: {  	v28 =	vmul.f32 v28, v7;
	v39 =	vld [tilespmem:s12+$0x0];
	v27 =	vadd.f32 v32, v27;
	v32 =	vadd.f32 v35, v22  }
.Ltmp16:
0x521: {  	v22 =	vadd.f32 v31, v38;
	v30 =	vmul.f32 v30, v8;
	v23 =	vld [tilespmem:s13+$0x0];
	v33 =	vadd.f32 v36, v33;
	(pc) =	sbr.rel @p0 .LBB2_34-.Ltmp16, $4  }
0x522: {  	v31 =	vmul.f32 v29, v9;
	v24 =	vld [tilespmem:s16+$0x0];
	v27 =	vadd.f32 v27, v26;
	v32 =	vadd.f32 v32, v25  }
0x523: {  	v34 =	vmul.f32 v34, v10;
	v25 =	vld [tilespmem:s4+$0x0];
	v35 =	vadd.f32 v30, v28  }
0x524: {  	s4 =	sadd.s32 $0x1A800, s5;
	v29 =	vmul.f32 v37, v17;
	v26 =	vld [tilespmem:s15+$0x0];
	v30 =	vadd.f32 v32, v27  }
0x525: {  	v32 =	vmul.f32 v39, v18;
	v28 =	vld [tilespmem:s2+$0x0];
	v31 =	vadd.f32 v34, v31;
	v27 =	vadd.f32 v35, v33;
	s2 =	sor.u32 s1, s4;
	s1 =	sor.u32 s9, s4  }
0x526: {  	v5 =	vld [tilespmem:s14+$0x0];
	_ =	sdelay $0x2  }
0x527: {  	v6 =	vmul.f32 v23, v13;
	v7 =	vmul.f32 v24, v14  }
0x528: {  	v8 =	vmul.f32 v25, v15;
	v9 =	vmul.f32 v26, v16  }
0x529: {  	v10 =	vmul.f32 v28, v19;
	v5 =	vmul.f32 v5, v20  }
0x52a: {  	v11 =	vadd.f32 v32, v29;
	v6 =	vadd.f32 v7, v6  }
0x52b: {  	v7 =	vadd.f32 v9, v8;
	v5 =	vadd.f32 v5, v10  }
0x52c: {  	v8 =	vadd.f32 v22, v31  }
0x52d: {  	v6 =	vadd.f32 v6, v11;
	v5 =	vadd.f32 v5, v7;
	_ =	sdelay $0x1  }
0x52e: {  	v7 =	vadd.f32 v8, v27;
	v5 =	vadd.f32 v5, v6;
	_ =	sdelay $0x1  }
0x52f: {  	[tilespmem:s1+$0x0] =	vst.add.f32.msk $0xffff, v30;
	v5 =	vadd.f32 v5, v7  }
0x530: {  	[tilespmem:s3+$0x0] =	vst.add.f32.msk $0xffff, v21  }
0x531: {  	s21 =	simm.s32 $0x3;
	[tilespmem:s2+$0x0] =	vst.add.f32.msk $0xffff, v5  }
0x532: {  	_ =	swait.ge [sflag:s21], $0x800  }
0x533: {  	s0 =	simm.s32 $0x0;
	s22 =	simm.s32 $0x0;
	[sflag:s21] =	ssyncset.done $0x0  }
0x534: {  	s6 =	sand.u32 $0x60, s0;
	s23 =	sand.u32 $0xFFFFFF00, s22;
	[sflag:s21] =	ssyncadd.s32 $0xFFFFF800  }
0x535: {  	s0 =	sadd.s32 $0x13C80, s23;
	s9 =	sor.u32 $0x10, s6;
	v5 =	vld.msk [tilespmem:$0x17F0 ss:$0x0], $0xffff  }
0x536: {  	s24 =	sor.u32 s9, s0;
	v6 =	vld.msk [tilespmem:$0x17F1 ss:$0x0], $0xffff  }
0x537: {  	v8 =	vld [tilespmem:s24+$0x0]  }
0x538: {  	s25 =	sor.u32 s6, s0;
	v9 =	vld [tilespmem:s24+$0x80]  }
0x539: {  	s26 =	simm.s32 $0x20;
	s28 =	simm.s32 $0x40;
	v10 =	vld [tilespmem:s25+$0x0]  }
0x53a: {  	s1 =	sand.u32 $0xFFFFFF00, s28;
	s0 =	sand.u32 $0x60, s26;
	v11 =	vld [tilespmem:s25+$0x80]  }
0x53b: {  	s29 =	sadd.s32 $0x13C80, s1;
	s1 =	sor.u32 $0x10, s0  }
0x53c: {  	s4 =	simm.s32 $0x0;
	s3 =	simm.s32 $0x40;
	s10 =	sor.u32 s1, s29  }
0x53d: {  	s5 =	simm.s32 $0x200;
	s30 =	simm.s32 $0x80;
	s4 =	sand.u32 $0x3FFFFC00, s4;
	v7 =	vld [tilespmem:s10+$0x0];
	v12 =	vmul.f32 v8, v5;
	v62 =	vmul.f32 v9, v6  }
0x53e: {  	s12 =	sadd.s32 $0x1A800, s4;
	s4 =	sand.u32 $0x60, s3;
	s11 =	sor.u32 s0, s29;
	v9 =	vld [tilespmem:s10+$0x80]  }
0x53f: {  	s31 =	sor.u32 s9, s12;
	s9 =	sor.u32 $0x10, s4;
	v63 =	vmul.f32 v10, v5;
	v8 =	vld [tilespmem:s11+$0x0];
	v11 =	vmul.f32 v11, v6;
	s10 =	sand.u32 $0xFFFFFF00, s30;
	v12 =	vadd.f32 v62, v12  }
0x540: {  	s2 =	simm.s32 $0x100;
	s16 =	rddreg [dreg:$0x2];
	v10 =	vld [tilespmem:s11+$0x80];
	s13 =	sadd.s32 $0x13C80, s10  }
0x541: {  	s10 =	sor.u32 s6, s12;
	v11 =	vadd.f32 v11, v63;
	s11 =	sor.u32 s4, s13;
	s12 =	sor.u32 s9, s13;
	[tilespmem:s31+$0x0] =	vst.add.f32.msk $0xffff, v12  }
.LBB2_36:
0x542: {  	s3 =	sadd.s32 $0x20, s3  }
0x543: {  	s6 =	smov.u32 s0;
	s0 =	smov.u32 s4;
	s13 =	smov.u32 s1  }
0x544: {  	v12 =	vmul.f32 v7, v5;
	v7 =	vld [tilespmem:s12+$0x0];
	v13 =	vmul.f32 v9, v6;
	v14 =	vmov v11;
	s1 =	smov.u32 s9;
	s14 =	smov.u32 s10;
	p0 =	slt.u32 s3, $0x3E0  }
.Ltmp17:
0x545: {  	s2 =	sand.u32 $0x3FFFFC00, s2;
	s15 =	sshll.u32 s3, $0x3;
	v9 =	vld [tilespmem:s12+$0x80];
	v11 =	vmul.f32 v8, v5;
	(pc) =	sbr.rel @p0 .LBB2_36-.Ltmp17, $4  }
0x546: {  	s10 =	sadd.s32 $0x1A800, s2;
	s2 =	smov.u32 s5;
	s9 =	sshra.s32 s15, $0x2;
	v8 =	vld [tilespmem:s11+$0x0];
	v15 =	vmul.f32 v10, v6;
	v12 =	vadd.f32 v13, v12  }
0x547: {  	s4 =	sand.u32 $0x60, s3;
	s5 =	sand.u32 $0xFFFFFF00, s9;
	v10 =	vld [tilespmem:s11+$0x80];
	s11 =	sor.u32 s13, s10  }
0x548: {  	s9 =	sor.u32 $0x10, s4;
	s10 =	sor.u32 s6, s10;
	s5 =	sadd.s32 $0x13C80, s5;
	v11 =	vadd.f32 v15, v11;
	[tilespmem:s11+$0x0] =	vst.add.f32.msk $0xffff, v12  }
0x549: {  	s11 =	sor.u32 s4, s5;
	s12 =	sor.u32 s9, s5;
	[tilespmem:s14+$0x0] =	vst.add.f32.msk $0xffff, v14;
	s5 =	smov.u32 s15  }
0x54a: {  	v12 =	vld [tilespmem:s12+$0x0]  }
0x54b: {  	v13 =	vld [tilespmem:s12+$0x80]  }
0x54c: {  	v14 =	vld [tilespmem:s11+$0x0]  }
0x54d: {  	v15 =	vld [tilespmem:s11+$0x80];
	_ =	sdelay $0x1  }
0x54e: {  	v7 =	vmul.f32 v7, v5;
	v9 =	vmul.f32 v9, v6  }
0x54f: {  	s2 =	sand.u32 $0x3FFFFC00, s2;
	v8 =	vmul.f32 v8, v5;
	v10 =	vmul.f32 v10, v6  }
0x550: {  	s2 =	sadd.s32 $0x1A800, s2;
	v7 =	vadd.f32 v9, v7;
	v62 =	vmul.f32 v12, v5;
	v63 =	vmul.f32 v13, v6  }
0x551: {  	s3 =	sand.u32 $0x3FFFFC00, s5;
	[tilespmem:s10+$0x0] =	vst.add.f32.msk $0xffff, v11;
	s1 =	sor.u32 s1, s2;
	v8 =	vadd.f32 v10, v8;
	v5 =	vmul.f32 v14, v5;
	v6 =	vmul.f32 v15, v6  }
0x552: {  	s25 =	sadd.s32 $0x1A800, s3;
	s0 =	sor.u32 s0, s2;
	[tilespmem:s1+$0x0] =	vst.add.f32.msk $0xffff, v7;
	v7 =	vadd.f32 v63, v62  }
0x553: {  	s3 =	sor.u32 s9, s25;
	[tilespmem:s0+$0x0] =	vst.add.f32.msk $0xffff, v8;
	v5 =	vadd.f32 v6, v5  }
0x554: {  	s1 =	sor.u32 s4, s25;
	[tilespmem:s3+$0x0] =	vst.add.f32.msk $0xffff, v7  }
0x555: {  	s26 =	simm.s32 $0x14480;
	[tilespmem:s1+$0x0] =	vst.add.f32.msk $0xffff, v5  }
0x556: {  	s9 =	simm.s32 $0x0;
	s1 =	simm.s32 $0x6;
	s0 =	rddreg [dreg:$0xf]  }
0x557: {  	[hbm4b:s0+s9] =	stream.linear.scatter [tilespmem:s26], [sflag:$0x6], $0x8000, $0x38;
	[tilespmem:$0x1D480] =	vst v63  }
0x558: {  	_ =	swait.ge [sflag:s1], $0x8000  }
0x559: {  	[sflag:s1] =	ssyncset.done $0x0  }
0x55a: {  	s29 =	simm.s32 $0x1C480;
	s28 =	rddreg [dreg:$0x10];
	[sflag:s1] =	ssyncadd.s32 $0xFFFF8000  }
0x55b: {  	[hbm4b:s28+s9] =	stream.linear.scatter [tilespmem:s29], [sflag:$0x6], $0x1000, $0x38;
	[tilespmem:$0x1D480] =	vst v63  }
0x55c: {  	_ =	swait.ge [sflag:s1], $0x1000  }
0x55d: {  	s30 =	rddreg [dreg:$0x12]  }
0x55e: {  	s31 =	rddreg [dreg:$0x11];
	s2 =	sadd.s32 $0x1, s30  }
0x55f: {  	p0 =	sne.s32 s2, s31  }
.Ltmp18:
0x560: {  	_ = 	snop;
	(pc) =	sbr.rel @p0 .LBB2_1-.Ltmp18, $3  }
0x561: {  	_ =	sdelay $0x1  }
0x562: {  	[sflag:s1] =	ssyncset.done $0x0  }
0x563: {  	s4 =	simm.s32 $0x5;
	s3 =	simm.s32 $0x4;
	[sflag:s1] =	ssyncadd.s32 $0xFFFFF000  }
0x564: {  	_ =	sfence.sel $0x180000  }
0x565: {  	[bflag:$0x0] =	sbarrier.arrive $0xFFFF  }
0x566: {  	_ =	strace $0x90000047  }
0x567: {  	s0 =	stileid.u32;
	[bflag:$0x2] =	sbarrier.arrive $0xFFFF  }
0x568: {  	p0 =	sne.s32 s0, $0x0;
	s0 =	rddreg [dreg:$0x5]  }
0x569: {  	s0 =	sadd.s32 @!p0 $0x100000, s0  }
0x56a: {  	[sflag:s0] =	ssyncadd.tile.s32 @!p0 $0x1;
	_ =	shalt  }
.Lfunc_end2:
_tile_overlayer_lowered:
.L_overlay_start_2:
0x56b: {  	(tag) =	ssettag $0x2  }
0x56c: {  	s0 =	rddreg [dreg:$0x0];
	s2 =	stileid.u32  }
0x56d: {  	s1 =	rddreg [dreg:$0x1];
	p0 =	sne.s32 s2, $0x0  }
0x56e: {  	s3 =	rddreg [dreg:$0x2];
	[bflag:$0x3] =	sbarrier.arrive $0xFFFF;
	s2 =	simm.s32 @!p0 $0x1C06  }
0x56f: {  	[timem:s3], [sflag:s2] =	dma.local @!p0 [hbm:s0], s1  }
0x570: {  	s0 =	simm.s32 @!p0 $0x6  }
0x571: {  	_ =	swait.ge @!p0 [sflag:s0], s1  }
0x572: {  	s1 =	ssub.s32 @!p0 $0x0, s1;
	[sflag:s0] =	ssyncset.done @!p0 $0x0  }
0x573: {  	[sflag:s0] =	ssyncadd.s32 @!p0 s1  }
0x574: {  	[bflag:$0x3] =	sbarrier.arrive $0xFFFF  }
0x575: {  	_ =	shalt  }

</sc_bundles>
